<compile_context>
chip_gen: v7x
topology: tpu7x:2x2x1
jax: 0.10.2.dev20260603
libtpu: 0.0.44.dev20260713+nightly
codegen_flags: <defaults>
</compile_context>

<pallas_src>
import functools

import jax
import jax.numpy as jnp
from jax import lax
from jax.experimental import pallas as pl
from jax.experimental.pallas import tpu as pltpu
from jax.experimental.pallas import tpu_sc as plsc

_NC = 2
_NS = 16
_NW = _NC * _NS

VOCAB = 100000
DIM = 300
BATCH = 1024
SEQ = 50
HEAD = 256
TAIL = DIM - HEAD
SHIFT = DIM - 128
B_PER_W = BATCH // _NW
_NBUF = 4

mesh = plsc.VectorSubcoreMesh(core_axis_name="c", subcore_axis_name="s")


@functools.partial(
    pl.kernel,
    mesh=mesh,
    out_type=(
        jax.ShapeDtypeStruct((BATCH, SEQ, DIM), jnp.float32),
        jax.ShapeDtypeStruct((BATCH, SEQ, 128), jnp.float32),
    ),
    scratch_types=[
        pltpu.VMEM((B_PER_W, SEQ), jnp.int32),
        pltpu.VMEM((_NBUF, SEQ, 128), jnp.float32),
        pltpu.VMEM((_NBUF, SEQ, 128), jnp.float32),
        pltpu.VMEM((_NBUF, SEQ, 128), jnp.float32),
        pltpu.SemaphoreType.DMA((_NBUF,)),
    ],
)
def _gather_sc(idx_hbm, table_hbm, tailsrc_hbm, out_hbm, tail_hbm,
               idx_v, buf_a, buf_b, buf_t, sems):
    wid = lax.axis_index("s") * _NC + lax.axis_index("c")
    b0 = wid * B_PER_W
    pltpu.sync_copy(idx_hbm.at[pl.ds(b0, B_PER_W)], idx_v)

    def start(c, buf):
        pltpu.async_copy(
            table_hbm.at[idx_v.at[c], pl.ds(0, 128)], buf_a.at[buf],
            sems.at[buf],
        )
        pltpu.async_copy(
            table_hbm.at[idx_v.at[c], pl.ds(128, 128)], buf_b.at[buf],
            sems.at[buf],
        )
        pltpu.async_copy(
            tailsrc_hbm.at[idx_v.at[c]], buf_t.at[buf], sems.at[buf],
        )

    def wait(c, buf):
        pltpu.make_async_copy(
            table_hbm.at[idx_v.at[c], pl.ds(0, 128)], buf_a.at[buf],
            sems.at[buf],
        ).wait()
        pltpu.make_async_copy(
            table_hbm.at[idx_v.at[c], pl.ds(128, 128)], buf_b.at[buf],
            sems.at[buf],
        ).wait()
        pltpu.make_async_copy(
            tailsrc_hbm.at[idx_v.at[c]], buf_t.at[buf], sems.at[buf],
        ).wait()

    for b in range(_NBUF):
        start(b, b)

    @pl.loop(0, B_PER_W, step=_NBUF)
    def _chunks(g):
        for b in range(_NBUF):
            c = g + b
            wait(c, b)
            pltpu.sync_copy(buf_a.at[b], out_hbm.at[b0 + c, :, pl.ds(0, 128)])
            pltpu.sync_copy(buf_b.at[b], out_hbm.at[b0 + c, :, pl.ds(128, 128)])
            pltpu.sync_copy(buf_t.at[b], tail_hbm.at[b0 + c])

            @pl.when(c + _NBUF < B_PER_W)
            def _():
                start(c + _NBUF, b)


@jax.jit
def kernel(vocab_id_list, table):
    tailsrc = lax.slice(table, (0, SHIFT), (VOCAB, DIM))
    out, tail = _gather_sc(vocab_id_list, table, tailsrc)
    tail44 = lax.slice(tail, (0, 0, 128 - TAIL), (BATCH, SEQ, 128))
    return lax.dynamic_update_slice(out, tail44, (0, 0, HEAD))

# --- scband reference (transcript-rebuilt; emitter-appended) ---
"""Pipeline reference for scband-embedding-layer-4028679323685 (READ-ONLY COPY).

The authoritative reference and input builder live on the scoring server;
editing this copy changes nothing except your own understanding.
"""

import jax, jax.numpy as jnp
import numpy as np

VOCAB = 100000
DIM = 300
BATCH = 1024
SEQ = 50


def setup_inputs(seed: int = 0) -> dict:
    key = jax.random.key(seed)
    k1, k2 = jax.random.split(key)
    # Mimics uniform_(torch.empty(vocab_s, 300), a=-0.25, b=0.25) init;
    # the GloVe file loading only changes values, not shapes/math.
    table = jax.random.uniform(k1, (VOCAB, DIM), minval=-0.25, maxval=0.25, dtype=jnp.float32)
    # padding row (index 0) zeroed, as in self.lookup_table[0] = 0.0
    table = table.at[0].set(0.0)
    vocab_id_list = jax.random.randint(k2, (BATCH, SEQ), 0, VOCAB, dtype=jnp.int32)
    return {"vocab_id_list": vocab_id_list, "table": table}


def reference(vocab_id_list, table):
    # embedding lookup (gather rows)
    embedding = jnp.take(table, vocab_id_list, axis=0)
    # nn.Dropout(0.2) is identity at inference time
    return embedding

if __name__ == "__main__":
    import jax
    _d = setup_inputs()
    print(jax.jit(kernel)(*tuple(_d.values())))

</pallas_src>

<mosaic_0001>
#map = affine_map<(d0, d1) -> (0, 0)>
#map1 = affine_map<(d0, d1) -> (0, 0, 0)>
module attributes {stable_mosaic.version = 14 : i64} {
  func.func @_gather_sc(%arg0: i32, %arg1: i32, %arg2: memref<1024x50xi32, #tpu.memory_space<hbm>>, %arg3: memref<100000x300xf32, #tpu.memory_space<hbm>>, %arg4: memref<100000x128xf32, #tpu.memory_space<hbm>>, %arg5: memref<1024x50x300xf32, #tpu.memory_space<hbm>>, %arg6: memref<1024x50x128xf32, #tpu.memory_space<hbm>>, %arg7: memref<32x50xi32, #tpu.memory_space<vmem>>, %arg8: memref<4x50x128xf32, #tpu.memory_space<vmem>>, %arg9: memref<4x50x128xf32, #tpu.memory_space<vmem>>, %arg10: memref<4x50x128xf32, #tpu.memory_space<vmem>>, %arg11: memref<4x!tpu.dma_semaphore, #tpu.memory_space<semaphore_mem>>) attributes {dimension_semantics = [#tpu.dimension_semantics<core_parallel>, #tpu.dimension_semantics<subcore_parallel>], iteration_bounds = array<i64: 2, 16>, scalar_prefetch = 0 : i64, scratch_operands = 5 : i64, tpu.core_type = #tpu.core_type<sc_vector_subcore>, window_params = [{transform_indices = #map}, {transform_indices = #map}, {transform_indices = #map}, {transform_indices = #map1}, {transform_indices = #map1}]} {
    %mul3A = arith.constant 2 : i32
    %mul3A_0 = arith.muli %arg1, %mul3A : i32
    %add3A = arith.addi %mul3A_0, %arg0 : i32
    %mul3A_1 = arith.constant 32 : i32
    %mul3A_2 = arith.muli %add3A, %mul3A_1 : i32
    "tpu.region"() ({
      %run_scoped3A = tpu.sem_alloc : memref<!tpu.dma_semaphore, #tpu.memory_space<semaphore_mem>>
      %dma_start3A_186 = arith.constant 0 : i32
      %dma_start3A_187 = tpu.memref_slice %arg2[%mul3A_2, %dma_start3A_186] : memref<1024x50xi32, #tpu.memory_space<hbm>> -> memref<32x50xi32, #tpu.memory_space<hbm>>
      %dma_start3A_188 = arith.constant 0 : i32
      %dma_start3A_189 = tpu.memref_slice %arg2[%mul3A_2, %dma_start3A_188] : memref<1024x50xi32, #tpu.memory_space<hbm>> -> memref<32x50xi32, #tpu.memory_space<hbm>>
      tpu.enqueue_dma source(%dma_start3A_189 : memref<32x50xi32, #tpu.memory_space<hbm>>) target(%arg7 : memref<32x50xi32, #tpu.memory_space<vmem>>) target_semaphore(%run_scoped3A : memref<!tpu.dma_semaphore, #tpu.memory_space<semaphore_mem>>)
      %dma_wait3A = arith.constant 0 : i32
      %dma_wait3A_190 = tpu.memref_slice %arg2[%mul3A_2, %dma_wait3A] : memref<1024x50xi32, #tpu.memory_space<hbm>> -> memref<32x50xi32, #tpu.memory_space<hbm>>
      %dma_wait3A_191 = arith.constant 0 : i32
      %dma_wait3A_192 = tpu.memref_slice %arg2[%mul3A_2, %dma_wait3A_191] : memref<1024x50xi32, #tpu.memory_space<hbm>> -> memref<32x50xi32, #tpu.memory_space<hbm>>
      tpu.wait_dma2 semaphore(%run_scoped3A : memref<!tpu.dma_semaphore, #tpu.memory_space<semaphore_mem>>) src(%dma_wait3A_192 : memref<32x50xi32, #tpu.memory_space<hbm>>) dst(%arg7 : memref<32x50xi32, #tpu.memory_space<vmem>>)
      tpu.yield
    }) : () -> ()
    %dma_start3A = arith.constant 0 : i32
    %dma_start3A_3 = arith.constant 0 : i32
    %dma_start3A_4 = arith.constant 0 : i32
    %dma_start3A_5 = arith.constant 0 : i32
    %dma_start3A_6 = arith.constant 0 : i32
    %dma_start3A_7 = tpu.memref_slice %arg8[%dma_start3A_3, %dma_start3A_5, %dma_start3A_6] : memref<4x50x128xf32, #tpu.memory_space<vmem>> -> memref<1x50x128xf32, #tpu.memory_space<vmem>>
    %dma_start3A_8 = tpu.memref_squeeze %dma_start3A_7 : memref<1x50x128xf32, #tpu.memory_space<vmem>> -> memref<50x128xf32, #tpu.memory_space<vmem>>
    %dma_start3A_9 = arith.constant 0 : i32
    %dma_start3A_10 = tpu.memref_slice %arg7[%dma_start3A, %dma_start3A_9] : memref<32x50xi32, #tpu.memory_space<vmem>> -> memref<1x50xi32, #tpu.memory_space<vmem>>
    %dma_start3A_11 = tpu.memref_squeeze %dma_start3A_10 : memref<1x50xi32, #tpu.memory_space<vmem>> -> memref<50xi32, #tpu.memory_space<vmem>>
    %dma_start3A_12 = arith.constant 0 : i32
    %dma_start3A_13 = arith.constant 0 : i32
    %dma_start3A_14 = tpu.memref_slice %arg3[%dma_start3A_12, %dma_start3A_13] : memref<100000x300xf32, #tpu.memory_space<hbm>> -> memref<100000x128xf32, #tpu.memory_space<hbm>>
    %dma_start3A_15 = tpu.memref_slice %arg11[%dma_start3A_4] : memref<4x!tpu.dma_semaphore, #tpu.memory_space<semaphore_mem>> -> memref<1x!tpu.dma_semaphore, #tpu.memory_space<semaphore_mem>>
    %dma_start3A_16 = tpu.memref_squeeze %dma_start3A_15 : memref<1x!tpu.dma_semaphore, #tpu.memory_space<semaphore_mem>> -> memref<!tpu.dma_semaphore, #tpu.memory_space<semaphore_mem>>
    tpu.enqueue_indirect_dma source(%dma_start3A_14 : memref<100000x128xf32, #tpu.memory_space<hbm>>) target(%dma_start3A_8 : memref<50x128xf32, #tpu.memory_space<vmem>>) offsets(%dma_start3A_11 : memref<50xi32, #tpu.memory_space<vmem>>) semaphore(%dma_start3A_16 : memref<!tpu.dma_semaphore, #tpu.memory_space<semaphore_mem>>)
    %dma_start3A_17 = arith.constant 0 : i32
    %dma_start3A_18 = arith.constant 0 : i32
    %dma_start3A_19 = arith.constant 0 : i32
    %dma_start3A_20 = arith.constant 0 : i32
    %dma_start3A_21 = arith.constant 0 : i32
    %dma_start3A_22 = tpu.memref_slice %arg9[%dma_start3A_18, %dma_start3A_20, %dma_start3A_21] : memref<4x50x128xf32, #tpu.memory_space<vmem>> -> memref<1x50x128xf32, #tpu.memory_space<vmem>>
    %dma_start3A_23 = tpu.memref_squeeze %dma_start3A_22 : memref<1x50x128xf32, #tpu.memory_space<vmem>> -> memref<50x128xf32, #tpu.memory_space<vmem>>
    %dma_start3A_24 = arith.constant 0 : i32
    %dma_start3A_25 = tpu.memref_slice %arg7[%dma_start3A_17, %dma_start3A_24] : memref<32x50xi32, #tpu.memory_space<vmem>> -> memref<1x50xi32, #tpu.memory_space<vmem>>
    %dma_start3A_26 = tpu.memref_squeeze %dma_start3A_25 : memref<1x50xi32, #tpu.memory_space<vmem>> -> memref<50xi32, #tpu.memory_space<vmem>>
    %dma_start3A_27 = arith.constant 0 : i32
    %dma_start3A_28 = arith.constant 128 : i32
    %dma_start3A_29 = tpu.memref_slice %arg3[%dma_start3A_27, %dma_start3A_28] : memref<100000x300xf32, #tpu.memory_space<hbm>> -> memref<100000x128xf32, #tpu.memory_space<hbm>>
    %dma_start3A_30 = tpu.memref_slice %arg11[%dma_start3A_19] : memref<4x!tpu.dma_semaphore, #tpu.memory_space<semaphore_mem>> -> memref<1x!tpu.dma_semaphore, #tpu.memory_space<semaphore_mem>>
    %dma_start3A_31 = tpu.memref_squeeze %dma_start3A_30 : memref<1x!tpu.dma_semaphore, #tpu.memory_space<semaphore_mem>> -> memref<!tpu.dma_semaphore, #tpu.memory_space<semaphore_mem>>
    tpu.enqueue_indirect_dma source(%dma_start3A_29 : memref<100000x128xf32, #tpu.memory_space<hbm>>) target(%dma_start3A_23 : memref<50x128xf32, #tpu.memory_space<vmem>>) offsets(%dma_start3A_26 : memref<50xi32, #tpu.memory_space<vmem>>) semaphore(%dma_start3A_31 : memref<!tpu.dma_semaphore, #tpu.memory_space<semaphore_mem>>)
    %dma_start3A_32 = arith.constant 0 : i32
    %dma_start3A_33 = arith.constant 0 : i32
    %dma_start3A_34 = arith.constant 0 : i32
    %dma_start3A_35 = arith.constant 0 : i32
    %dma_start3A_36 = arith.constant 0 : i32
    %dma_start3A_37 = tpu.memref_slice %arg10[%dma_start3A_33, %dma_start3A_35, %dma_start3A_36] : memref<4x50x128xf32, #tpu.memory_space<vmem>> -> memref<1x50x128xf32, #tpu.memory_space<vmem>>
    %dma_start3A_38 = tpu.memref_squeeze %dma_start3A_37 : memref<1x50x128xf32, #tpu.memory_space<vmem>> -> memref<50x128xf32, #tpu.memory_space<vmem>>
    %dma_start3A_39 = arith.constant 0 : i32
    %dma_start3A_40 = tpu.memref_slice %arg7[%dma_start3A_32, %dma_start3A_39] : memref<32x50xi32, #tpu.memory_space<vmem>> -> memref<1x50xi32, #tpu.memory_space<vmem>>
    %dma_start3A_41 = tpu.memref_squeeze %dma_start3A_40 : memref<1x50xi32, #tpu.memory_space<vmem>> -> memref<50xi32, #tpu.memory_space<vmem>>
    %dma_start3A_42 = arith.constant 0 : i32
    %dma_start3A_43 = arith.constant 0 : i32
    %dma_start3A_44 = tpu.memref_slice %arg4[%dma_start3A_42, %dma_start3A_43] : memref<100000x128xf32, #tpu.memory_space<hbm>> -> memref<100000x128xf32, #tpu.memory_space<hbm>>
    %dma_start3A_45 = tpu.memref_slice %arg11[%dma_start3A_34] : memref<4x!tpu.dma_semaphore, #tpu.memory_space<semaphore_mem>> -> memref<1x!tpu.dma_semaphore, #tpu.memory_space<semaphore_mem>>
    %dma_start3A_46 = tpu.memref_squeeze %dma_start3A_45 : memref<1x!tpu.dma_semaphore, #tpu.memory_space<semaphore_mem>> -> memref<!tpu.dma_semaphore, #tpu.memory_space<semaphore_mem>>
    tpu.enqueue_indirect_dma source(%dma_start3A_44 : memref<100000x128xf32, #tpu.memory_space<hbm>>) target(%dma_start3A_38 : memref<50x128xf32, #tpu.memory_space<vmem>>) offsets(%dma_start3A_41 : memref<50xi32, #tpu.memory_space<vmem>>) semaphore(%dma_start3A_46 : memref<!tpu.dma_semaphore, #tpu.memory_space<semaphore_mem>>)
    %dma_start3A_47 = arith.constant 1 : i32
    %dma_start3A_48 = arith.constant 1 : i32
    %dma_start3A_49 = arith.constant 1 : i32
    %dma_start3A_50 = arith.constant 0 : i32
    %dma_start3A_51 = arith.constant 0 : i32
    %dma_start3A_52 = tpu.memref_slice %arg8[%dma_start3A_48, %dma_start3A_50, %dma_start3A_51] : memref<4x50x128xf32, #tpu.memory_space<vmem>> -> memref<1x50x128xf32, #tpu.memory_space<vmem>>
    %dma_start3A_53 = tpu.memref_squeeze %dma_start3A_52 : memref<1x50x128xf32, #tpu.memory_space<vmem>> -> memref<50x128xf32, #tpu.memory_space<vmem>>
    %dma_start3A_54 = arith.constant 0 : i32
    %dma_start3A_55 = tpu.memref_slice %arg7[%dma_start3A_47, %dma_start3A_54] : memref<32x50xi32, #tpu.memory_space<vmem>> -> memref<1x50xi32, #tpu.memory_space<vmem>>
    %dma_start3A_56 = tpu.memref_squeeze %dma_start3A_55 : memref<1x50xi32, #tpu.memory_space<vmem>> -> memref<50xi32, #tpu.memory_space<vmem>>
    %dma_start3A_57 = arith.constant 0 : i32
    %dma_start3A_58 = arith.constant 0 : i32
    %dma_start3A_59 = tpu.memref_slice %arg3[%dma_start3A_57, %dma_start3A_58] : memref<100000x300xf32, #tpu.memory_space<hbm>> -> memref<100000x128xf32, #tpu.memory_space<hbm>>
    %dma_start3A_60 = tpu.memref_slice %arg11[%dma_start3A_49] : memref<4x!tpu.dma_semaphore, #tpu.memory_space<semaphore_mem>> -> memref<1x!tpu.dma_semaphore, #tpu.memory_space<semaphore_mem>>
    %dma_start3A_61 = tpu.memref_squeeze %dma_start3A_60 : memref<1x!tpu.dma_semaphore, #tpu.memory_space<semaphore_mem>> -> memref<!tpu.dma_semaphore, #tpu.memory_space<semaphore_mem>>
    tpu.enqueue_indirect_dma source(%dma_start3A_59 : memref<100000x128xf32, #tpu.memory_space<hbm>>) target(%dma_start3A_53 : memref<50x128xf32, #tpu.memory_space<vmem>>) offsets(%dma_start3A_56 : memref<50xi32, #tpu.memory_space<vmem>>) semaphore(%dma_start3A_61 : memref<!tpu.dma_semaphore, #tpu.memory_space<semaphore_mem>>)
    %dma_start3A_62 = arith.constant 1 : i32
    %dma_start3A_63 = arith.constant 1 : i32
    %dma_start3A_64 = arith.constant 1 : i32
    %dma_start3A_65 = arith.constant 0 : i32
    %dma_start3A_66 = arith.constant 0 : i32
    %dma_start3A_67 = tpu.memref_slice %arg9[%dma_start3A_63, %dma_start3A_65, %dma_start3A_66] : memref<4x50x128xf32, #tpu.memory_space<vmem>> -> memref<1x50x128xf32, #tpu.memory_space<vmem>>
    %dma_start3A_68 = tpu.memref_squeeze %dma_start3A_67 : memref<1x50x128xf32, #tpu.memory_space<vmem>> -> memref<50x128xf32, #tpu.memory_space<vmem>>
    %dma_start3A_69 = arith.constant 0 : i32
    %dma_start3A_70 = tpu.memref_slice %arg7[%dma_start3A_62, %dma_start3A_69] : memref<32x50xi32, #tpu.memory_space<vmem>> -> memref<1x50xi32, #tpu.memory_space<vmem>>
    %dma_start3A_71 = tpu.memref_squeeze %dma_start3A_70 : memref<1x50xi32, #tpu.memory_space<vmem>> -> memref<50xi32, #tpu.memory_space<vmem>>
    %dma_start3A_72 = arith.constant 0 : i32
    %dma_start3A_73 = arith.constant 128 : i32
    %dma_start3A_74 = tpu.memref_slice %arg3[%dma_start3A_72, %dma_start3A_73] : memref<100000x300xf32, #tpu.memory_space<hbm>> -> memref<100000x128xf32, #tpu.memory_space<hbm>>
    %dma_start3A_75 = tpu.memref_slice %arg11[%dma_start3A_64] : memref<4x!tpu.dma_semaphore, #tpu.memory_space<semaphore_mem>> -> memref<1x!tpu.dma_semaphore, #tpu.memory_space<semaphore_mem>>
    %dma_start3A_76 = tpu.memref_squeeze %dma_start3A_75 : memref<1x!tpu.dma_semaphore, #tpu.memory_space<semaphore_mem>> -> memref<!tpu.dma_semaphore, #tpu.memory_space<semaphore_mem>>
    tpu.enqueue_indirect_dma source(%dma_start3A_74 : memref<100000x128xf32, #tpu.memory_space<hbm>>) target(%dma_start3A_68 : memref<50x128xf32, #tpu.memory_space<vmem>>) offsets(%dma_start3A_71 : memref<50xi32, #tpu.memory_space<vmem>>) semaphore(%dma_start3A_76 : memref<!tpu.dma_semaphore, #tpu.memory_space<semaphore_mem>>)
    %dma_start3A_77 = arith.constant 1 : i32
    %dma_start3A_78 = arith.constant 1 : i32
    %dma_start3A_79 = arith.constant 1 : i32
    %dma_start3A_80 = arith.constant 0 : i32
    %dma_start3A_81 = arith.constant 0 : i32
    %dma_start3A_82 = tpu.memref_slice %arg10[%dma_start3A_78, %dma_start3A_80, %dma_start3A_81] : memref<4x50x128xf32, #tpu.memory_space<vmem>> -> memref<1x50x128xf32, #tpu.memory_space<vmem>>
    %dma_start3A_83 = tpu.memref_squeeze %dma_start3A_82 : memref<1x50x128xf32, #tpu.memory_space<vmem>> -> memref<50x128xf32, #tpu.memory_space<vmem>>
    %dma_start3A_84 = arith.constant 0 : i32
    %dma_start3A_85 = tpu.memref_slice %arg7[%dma_start3A_77, %dma_start3A_84] : memref<32x50xi32, #tpu.memory_space<vmem>> -> memref<1x50xi32, #tpu.memory_space<vmem>>
    %dma_start3A_86 = tpu.memref_squeeze %dma_start3A_85 : memref<1x50xi32, #tpu.memory_space<vmem>> -> memref<50xi32, #tpu.memory_space<vmem>>
    %dma_start3A_87 = arith.constant 0 : i32
    %dma_start3A_88 = arith.constant 0 : i32
    %dma_start3A_89 = tpu.memref_slice %arg4[%dma_start3A_87, %dma_start3A_88] : memref<100000x128xf32, #tpu.memory_space<hbm>> -> memref<100000x128xf32, #tpu.memory_space<hbm>>
    %dma_start3A_90 = tpu.memref_slice %arg11[%dma_start3A_79] : memref<4x!tpu.dma_semaphore, #tpu.memory_space<semaphore_mem>> -> memref<1x!tpu.dma_semaphore, #tpu.memory_space<semaphore_mem>>
    %dma_start3A_91 = tpu.memref_squeeze %dma_start3A_90 : memref<1x!tpu.dma_semaphore, #tpu.memory_space<semaphore_mem>> -> memref<!tpu.dma_semaphore, #tpu.memory_space<semaphore_mem>>
    tpu.enqueue_indirect_dma source(%dma_start3A_89 : memref<100000x128xf32, #tpu.memory_space<hbm>>) target(%dma_start3A_83 : memref<50x128xf32, #tpu.memory_space<vmem>>) offsets(%dma_start3A_86 : memref<50xi32, #tpu.memory_space<vmem>>) semaphore(%dma_start3A_91 : memref<!tpu.dma_semaphore, #tpu.memory_space<semaphore_mem>>)
    %dma_start3A_92 = arith.constant 2 : i32
    %dma_start3A_93 = arith.constant 2 : i32
    %dma_start3A_94 = arith.constant 2 : i32
    %dma_start3A_95 = arith.constant 0 : i32
    %dma_start3A_96 = arith.constant 0 : i32
    %dma_start3A_97 = tpu.memref_slice %arg8[%dma_start3A_93, %dma_start3A_95, %dma_start3A_96] : memref<4x50x128xf32, #tpu.memory_space<vmem>> -> memref<1x50x128xf32, #tpu.memory_space<vmem>>
    %dma_start3A_98 = tpu.memref_squeeze %dma_start3A_97 : memref<1x50x128xf32, #tpu.memory_space<vmem>> -> memref<50x128xf32, #tpu.memory_space<vmem>>
    %dma_start3A_99 = arith.constant 0 : i32
    %dma_start3A_100 = tpu.memref_slice %arg7[%dma_start3A_92, %dma_start3A_99] : memref<32x50xi32, #tpu.memory_space<vmem>> -> memref<1x50xi32, #tpu.memory_space<vmem>>
    %dma_start3A_101 = tpu.memref_squeeze %dma_start3A_100 : memref<1x50xi32, #tpu.memory_space<vmem>> -> memref<50xi32, #tpu.memory_space<vmem>>
    %dma_start3A_102 = arith.constant 0 : i32
    %dma_start3A_103 = arith.constant 0 : i32
    %dma_start3A_104 = tpu.memref_slice %arg3[%dma_start3A_102, %dma_start3A_103] : memref<100000x300xf32, #tpu.memory_space<hbm>> -> memref<100000x128xf32, #tpu.memory_space<hbm>>
    %dma_start3A_105 = tpu.memref_slice %arg11[%dma_start3A_94] : memref<4x!tpu.dma_semaphore, #tpu.memory_space<semaphore_mem>> -> memref<1x!tpu.dma_semaphore, #tpu.memory_space<semaphore_mem>>
    %dma_start3A_106 = tpu.memref_squeeze %dma_start3A_105 : memref<1x!tpu.dma_semaphore, #tpu.memory_space<semaphore_mem>> -> memref<!tpu.dma_semaphore, #tpu.memory_space<semaphore_mem>>
    tpu.enqueue_indirect_dma source(%dma_start3A_104 : memref<100000x128xf32, #tpu.memory_space<hbm>>) target(%dma_start3A_98 : memref<50x128xf32, #tpu.memory_space<vmem>>) offsets(%dma_start3A_101 : memref<50xi32, #tpu.memory_space<vmem>>) semaphore(%dma_start3A_106 : memref<!tpu.dma_semaphore, #tpu.memory_space<semaphore_mem>>)
    %dma_start3A_107 = arith.constant 2 : i32
    %dma_start3A_108 = arith.constant 2 : i32
    %dma_start3A_109 = arith.constant 2 : i32
    %dma_start3A_110 = arith.constant 0 : i32
    %dma_start3A_111 = arith.constant 0 : i32
    %dma_start3A_112 = tpu.memref_slice %arg9[%dma_start3A_108, %dma_start3A_110, %dma_start3A_111] : memref<4x50x128xf32, #tpu.memory_space<vmem>> -> memref<1x50x128xf32, #tpu.memory_space<vmem>>
    %dma_start3A_113 = tpu.memref_squeeze %dma_start3A_112 : memref<1x50x128xf32, #tpu.memory_space<vmem>> -> memref<50x128xf32, #tpu.memory_space<vmem>>
    %dma_start3A_114 = arith.constant 0 : i32
    %dma_start3A_115 = tpu.memref_slice %arg7[%dma_start3A_107, %dma_start3A_114] : memref<32x50xi32, #tpu.memory_space<vmem>> -> memref<1x50xi32, #tpu.memory_space<vmem>>
    %dma_start3A_116 = tpu.memref_squeeze %dma_start3A_115 : memref<1x50xi32, #tpu.memory_space<vmem>> -> memref<50xi32, #tpu.memory_space<vmem>>
    %dma_start3A_117 = arith.constant 0 : i32
    %dma_start3A_118 = arith.constant 128 : i32
    %dma_start3A_119 = tpu.memref_slice %arg3[%dma_start3A_117, %dma_start3A_118] : memref<100000x300xf32, #tpu.memory_space<hbm>> -> memref<100000x128xf32, #tpu.memory_space<hbm>>
    %dma_start3A_120 = tpu.memref_slice %arg11[%dma_start3A_109] : memref<4x!tpu.dma_semaphore, #tpu.memory_space<semaphore_mem>> -> memref<1x!tpu.dma_semaphore, #tpu.memory_space<semaphore_mem>>
    %dma_start3A_121 = tpu.memref_squeeze %dma_start3A_120 : memref<1x!tpu.dma_semaphore, #tpu.memory_space<semaphore_mem>> -> memref<!tpu.dma_semaphore, #tpu.memory_space<semaphore_mem>>
    tpu.enqueue_indirect_dma source(%dma_start3A_119 : memref<100000x128xf32, #tpu.memory_space<hbm>>) target(%dma_start3A_113 : memref<50x128xf32, #tpu.memory_space<vmem>>) offsets(%dma_start3A_116 : memref<50xi32, #tpu.memory_space<vmem>>) semaphore(%dma_start3A_121 : memref<!tpu.dma_semaphore, #tpu.memory_space<semaphore_mem>>)
    %dma_start3A_122 = arith.constant 2 : i32
    %dma_start3A_123 = arith.constant 2 : i32
    %dma_start3A_124 = arith.constant 2 : i32
    %dma_start3A_125 = arith.constant 0 : i32
    %dma_start3A_126 = arith.constant 0 : i32
    %dma_start3A_127 = tpu.memref_slice %arg10[%dma_start3A_123, %dma_start3A_125, %dma_start3A_126] : memref<4x50x128xf32, #tpu.memory_space<vmem>> -> memref<1x50x128xf32, #tpu.memory_space<vmem>>
    %dma_start3A_128 = tpu.memref_squeeze %dma_start3A_127 : memref<1x50x128xf32, #tpu.memory_space<vmem>> -> memref<50x128xf32, #tpu.memory_space<vmem>>
    %dma_start3A_129 = arith.constant 0 : i32
    %dma_start3A_130 = tpu.memref_slice %arg7[%dma_start3A_122, %dma_start3A_129] : memref<32x50xi32, #tpu.memory_space<vmem>> -> memref<1x50xi32, #tpu.memory_space<vmem>>
    %dma_start3A_131 = tpu.memref_squeeze %dma_start3A_130 : memref<1x50xi32, #tpu.memory_space<vmem>> -> memref<50xi32, #tpu.memory_space<vmem>>
    %dma_start3A_132 = arith.constant 0 : i32
    %dma_start3A_133 = arith.constant 0 : i32
    %dma_start3A_134 = tpu.memref_slice %arg4[%dma_start3A_132, %dma_start3A_133] : memref<100000x128xf32, #tpu.memory_space<hbm>> -> memref<100000x128xf32, #tpu.memory_space<hbm>>
    %dma_start3A_135 = tpu.memref_slice %arg11[%dma_start3A_124] : memref<4x!tpu.dma_semaphore, #tpu.memory_space<semaphore_mem>> -> memref<1x!tpu.dma_semaphore, #tpu.memory_space<semaphore_mem>>
    %dma_start3A_136 = tpu.memref_squeeze %dma_start3A_135 : memref<1x!tpu.dma_semaphore, #tpu.memory_space<semaphore_mem>> -> memref<!tpu.dma_semaphore, #tpu.memory_space<semaphore_mem>>
    tpu.enqueue_indirect_dma source(%dma_start3A_134 : memref<100000x128xf32, #tpu.memory_space<hbm>>) target(%dma_start3A_128 : memref<50x128xf32, #tpu.memory_space<vmem>>) offsets(%dma_start3A_131 : memref<50xi32, #tpu.memory_space<vmem>>) semaphore(%dma_start3A_136 : memref<!tpu.dma_semaphore, #tpu.memory_space<semaphore_mem>>)
    %dma_start3A_137 = arith.constant 3 : i32
    %dma_start3A_138 = arith.constant 3 : i32
    %dma_start3A_139 = arith.constant 3 : i32
    %dma_start3A_140 = arith.constant 0 : i32
    %dma_start3A_141 = arith.constant 0 : i32
    %dma_start3A_142 = tpu.memref_slice %arg8[%dma_start3A_138, %dma_start3A_140, %dma_start3A_141] : memref<4x50x128xf32, #tpu.memory_space<vmem>> -> memref<1x50x128xf32, #tpu.memory_space<vmem>>
    %dma_start3A_143 = tpu.memref_squeeze %dma_start3A_142 : memref<1x50x128xf32, #tpu.memory_space<vmem>> -> memref<50x128xf32, #tpu.memory_space<vmem>>
    %dma_start3A_144 = arith.constant 0 : i32
    %dma_start3A_145 = tpu.memref_slice %arg7[%dma_start3A_137, %dma_start3A_144] : memref<32x50xi32, #tpu.memory_space<vmem>> -> memref<1x50xi32, #tpu.memory_space<vmem>>
    %dma_start3A_146 = tpu.memref_squeeze %dma_start3A_145 : memref<1x50xi32, #tpu.memory_space<vmem>> -> memref<50xi32, #tpu.memory_space<vmem>>
    %dma_start3A_147 = arith.constant 0 : i32
    %dma_start3A_148 = arith.constant 0 : i32
    %dma_start3A_149 = tpu.memref_slice %arg3[%dma_start3A_147, %dma_start3A_148] : memref<100000x300xf32, #tpu.memory_space<hbm>> -> memref<100000x128xf32, #tpu.memory_space<hbm>>
    %dma_start3A_150 = tpu.memref_slice %arg11[%dma_start3A_139] : memref<4x!tpu.dma_semaphore, #tpu.memory_space<semaphore_mem>> -> memref<1x!tpu.dma_semaphore, #tpu.memory_space<semaphore_mem>>
    %dma_start3A_151 = tpu.memref_squeeze %dma_start3A_150 : memref<1x!tpu.dma_semaphore, #tpu.memory_space<semaphore_mem>> -> memref<!tpu.dma_semaphore, #tpu.memory_space<semaphore_mem>>
    tpu.enqueue_indirect_dma source(%dma_start3A_149 : memref<100000x128xf32, #tpu.memory_space<hbm>>) target(%dma_start3A_143 : memref<50x128xf32, #tpu.memory_space<vmem>>) offsets(%dma_start3A_146 : memref<50xi32, #tpu.memory_space<vmem>>) semaphore(%dma_start3A_151 : memref<!tpu.dma_semaphore, #tpu.memory_space<semaphore_mem>>)
    %dma_start3A_152 = arith.constant 3 : i32
    %dma_start3A_153 = arith.constant 3 : i32
    %dma_start3A_154 = arith.constant 3 : i32
    %dma_start3A_155 = arith.constant 0 : i32
    %dma_start3A_156 = arith.constant 0 : i32
    %dma_start3A_157 = tpu.memref_slice %arg9[%dma_start3A_153, %dma_start3A_155, %dma_start3A_156] : memref<4x50x128xf32, #tpu.memory_space<vmem>> -> memref<1x50x128xf32, #tpu.memory_space<vmem>>
    %dma_start3A_158 = tpu.memref_squeeze %dma_start3A_157 : memref<1x50x128xf32, #tpu.memory_space<vmem>> -> memref<50x128xf32, #tpu.memory_space<vmem>>
    %dma_start3A_159 = arith.constant 0 : i32
    %dma_start3A_160 = tpu.memref_slice %arg7[%dma_start3A_152, %dma_start3A_159] : memref<32x50xi32, #tpu.memory_space<vmem>> -> memref<1x50xi32, #tpu.memory_space<vmem>>
    %dma_start3A_161 = tpu.memref_squeeze %dma_start3A_160 : memref<1x50xi32, #tpu.memory_space<vmem>> -> memref<50xi32, #tpu.memory_space<vmem>>
    %dma_start3A_162 = arith.constant 0 : i32
    %dma_start3A_163 = arith.constant 128 : i32
    %dma_start3A_164 = tpu.memref_slice %arg3[%dma_start3A_162, %dma_start3A_163] : memref<100000x300xf32, #tpu.memory_space<hbm>> -> memref<100000x128xf32, #tpu.memory_space<hbm>>
    %dma_start3A_165 = tpu.memref_slice %arg11[%dma_start3A_154] : memref<4x!tpu.dma_semaphore, #tpu.memory_space<semaphore_mem>> -> memref<1x!tpu.dma_semaphore, #tpu.memory_space<semaphore_mem>>
    %dma_start3A_166 = tpu.memref_squeeze %dma_start3A_165 : memref<1x!tpu.dma_semaphore, #tpu.memory_space<semaphore_mem>> -> memref<!tpu.dma_semaphore, #tpu.memory_space<semaphore_mem>>
    tpu.enqueue_indirect_dma source(%dma_start3A_164 : memref<100000x128xf32, #tpu.memory_space<hbm>>) target(%dma_start3A_158 : memref<50x128xf32, #tpu.memory_space<vmem>>) offsets(%dma_start3A_161 : memref<50xi32, #tpu.memory_space<vmem>>) semaphore(%dma_start3A_166 : memref<!tpu.dma_semaphore, #tpu.memory_space<semaphore_mem>>)
    %dma_start3A_167 = arith.constant 3 : i32
    %dma_start3A_168 = arith.constant 3 : i32
    %dma_start3A_169 = arith.constant 3 : i32
    %dma_start3A_170 = arith.constant 0 : i32
    %dma_start3A_171 = arith.constant 0 : i32
    %dma_start3A_172 = tpu.memref_slice %arg10[%dma_start3A_168, %dma_start3A_170, %dma_start3A_171] : memref<4x50x128xf32, #tpu.memory_space<vmem>> -> memref<1x50x128xf32, #tpu.memory_space<vmem>>
    %dma_start3A_173 = tpu.memref_squeeze %dma_start3A_172 : memref<1x50x128xf32, #tpu.memory_space<vmem>> -> memref<50x128xf32, #tpu.memory_space<vmem>>
    %dma_start3A_174 = arith.constant 0 : i32
    %dma_start3A_175 = tpu.memref_slice %arg7[%dma_start3A_167, %dma_start3A_174] : memref<32x50xi32, #tpu.memory_space<vmem>> -> memref<1x50xi32, #tpu.memory_space<vmem>>
    %dma_start3A_176 = tpu.memref_squeeze %dma_start3A_175 : memref<1x50xi32, #tpu.memory_space<vmem>> -> memref<50xi32, #tpu.memory_space<vmem>>
    %dma_start3A_177 = arith.constant 0 : i32
    %dma_start3A_178 = arith.constant 0 : i32
    %dma_start3A_179 = tpu.memref_slice %arg4[%dma_start3A_177, %dma_start3A_178] : memref<100000x128xf32, #tpu.memory_space<hbm>> -> memref<100000x128xf32, #tpu.memory_space<hbm>>
    %dma_start3A_180 = tpu.memref_slice %arg11[%dma_start3A_169] : memref<4x!tpu.dma_semaphore, #tpu.memory_space<semaphore_mem>> -> memref<1x!tpu.dma_semaphore, #tpu.memory_space<semaphore_mem>>
    %dma_start3A_181 = tpu.memref_squeeze %dma_start3A_180 : memref<1x!tpu.dma_semaphore, #tpu.memory_space<semaphore_mem>> -> memref<!tpu.dma_semaphore, #tpu.memory_space<semaphore_mem>>
    tpu.enqueue_indirect_dma source(%dma_start3A_179 : memref<100000x128xf32, #tpu.memory_space<hbm>>) target(%dma_start3A_173 : memref<50x128xf32, #tpu.memory_space<vmem>>) offsets(%dma_start3A_176 : memref<50xi32, #tpu.memory_space<vmem>>) semaphore(%dma_start3A_181 : memref<!tpu.dma_semaphore, #tpu.memory_space<semaphore_mem>>)
    %scan3A = arith.constant 0 : i32
    %scan3A_182 = arith.constant 8 : i32
    %scan3A_183 = arith.addi %scan3A, %scan3A_182 : i32
    %scan3A_184 = arith.constant 1 : i32
    scf.for %scan3A_186 = %scan3A to %scan3A_183 step %scan3A_184  : i32 {
      %mul3A_187 = arith.constant 4 : i32
      %mul3A_188 = arith.muli %scan3A_186, %mul3A_187 : i32
      %add3A_189 = arith.constant 0 : i32
      %add3A_190 = arith.addi %add3A_189, %mul3A_188 : i32
      %add3A_191 = arith.constant 0 : i32
      %add3A_192 = arith.addi %add3A_190, %add3A_191 : i32
      %dma_wait3A = arith.constant 0 : i32
      %dma_wait3A_193 = arith.constant 0 : i32
      %dma_wait3A_194 = arith.constant 0 : i32
      %dma_wait3A_195 = arith.constant 0 : i32
      %dma_wait3A_196 = tpu.memref_slice %arg8[%dma_wait3A, %dma_wait3A_194, %dma_wait3A_195] : memref<4x50x128xf32, #tpu.memory_space<vmem>> -> memref<1x50x128xf32, #tpu.memory_space<vmem>>
      %dma_wait3A_197 = tpu.memref_squeeze %dma_wait3A_196 : memref<1x50x128xf32, #tpu.memory_space<vmem>> -> memref<50x128xf32, #tpu.memory_space<vmem>>
      %dma_wait3A_198 = arith.constant 0 : i32
      %dma_wait3A_199 = tpu.memref_slice %arg7[%add3A_192, %dma_wait3A_198] : memref<32x50xi32, #tpu.memory_space<vmem>> -> memref<1x50xi32, #tpu.memory_space<vmem>>
      %dma_wait3A_200 = tpu.memref_squeeze %dma_wait3A_199 : memref<1x50xi32, #tpu.memory_space<vmem>> -> memref<50xi32, #tpu.memory_space<vmem>>
      %dma_wait3A_201 = arith.constant 0 : i32
      %dma_wait3A_202 = arith.constant 0 : i32
      %dma_wait3A_203 = tpu.memref_slice %arg3[%dma_wait3A_201, %dma_wait3A_202] : memref<100000x300xf32, #tpu.memory_space<hbm>> -> memref<100000x128xf32, #tpu.memory_space<hbm>>
      %dma_wait3A_204 = tpu.memref_slice %arg11[%dma_wait3A_193] : memref<4x!tpu.dma_semaphore, #tpu.memory_space<semaphore_mem>> -> memref<1x!tpu.dma_semaphore, #tpu.memory_space<semaphore_mem>>
      %dma_wait3A_205 = tpu.memref_squeeze %dma_wait3A_204 : memref<1x!tpu.dma_semaphore, #tpu.memory_space<semaphore_mem>> -> memref<!tpu.dma_semaphore, #tpu.memory_space<semaphore_mem>>
      tpu.wait_indirect_dma semaphore(%dma_wait3A_205 : memref<!tpu.dma_semaphore, #tpu.memory_space<semaphore_mem>>) src(%dma_wait3A_203 : memref<100000x128xf32, #tpu.memory_space<hbm>>) dst(%dma_wait3A_197 : memref<50x128xf32, #tpu.memory_space<vmem>>)
      %dma_wait3A_206 = arith.constant 0 : i32
      %dma_wait3A_207 = arith.constant 0 : i32
      %dma_wait3A_208 = arith.constant 0 : i32
      %dma_wait3A_209 = arith.constant 0 : i32
      %dma_wait3A_210 = tpu.memref_slice %arg9[%dma_wait3A_206, %dma_wait3A_208, %dma_wait3A_209] : memref<4x50x128xf32, #tpu.memory_space<vmem>> -> memref<1x50x128xf32, #tpu.memory_space<vmem>>
      %dma_wait3A_211 = tpu.memref_squeeze %dma_wait3A_210 : memref<1x50x128xf32, #tpu.memory_space<vmem>> -> memref<50x128xf32, #tpu.memory_space<vmem>>
      %dma_wait3A_212 = arith.constant 0 : i32
      %dma_wait3A_213 = tpu.memref_slice %arg7[%add3A_192, %dma_wait3A_212] : memref<32x50xi32, #tpu.memory_space<vmem>> -> memref<1x50xi32, #tpu.memory_space<vmem>>
      %dma_wait3A_214 = tpu.memref_squeeze %dma_wait3A_213 : memref<1x50xi32, #tpu.memory_space<vmem>> -> memref<50xi32, #tpu.memory_space<vmem>>
      %dma_wait3A_215 = arith.constant 0 : i32
      %dma_wait3A_216 = arith.constant 128 : i32
      %dma_wait3A_217 = tpu.memref_slice %arg3[%dma_wait3A_215, %dma_wait3A_216] : memref<100000x300xf32, #tpu.memory_space<hbm>> -> memref<100000x128xf32, #tpu.memory_space<hbm>>
      %dma_wait3A_218 = tpu.memref_slice %arg11[%dma_wait3A_207] : memref<4x!tpu.dma_semaphore, #tpu.memory_space<semaphore_mem>> -> memref<1x!tpu.dma_semaphore, #tpu.memory_space<semaphore_mem>>
      %dma_wait3A_219 = tpu.memref_squeeze %dma_wait3A_218 : memref<1x!tpu.dma_semaphore, #tpu.memory_space<semaphore_mem>> -> memref<!tpu.dma_semaphore, #tpu.memory_space<semaphore_mem>>
      tpu.wait_indirect_dma semaphore(%dma_wait3A_219 : memref<!tpu.dma_semaphore, #tpu.memory_space<semaphore_mem>>) src(%dma_wait3A_217 : memref<100000x128xf32, #tpu.memory_space<hbm>>) dst(%dma_wait3A_211 : memref<50x128xf32, #tpu.memory_space<vmem>>)
      %dma_wait3A_220 = arith.constant 0 : i32
      %dma_wait3A_221 = arith.constant 0 : i32
      %dma_wait3A_222 = arith.constant 0 : i32
      %dma_wait3A_223 = arith.constant 0 : i32
      %dma_wait3A_224 = tpu.memref_slice %arg10[%dma_wait3A_220, %dma_wait3A_222, %dma_wait3A_223] : memref<4x50x128xf32, #tpu.memory_space<vmem>> -> memref<1x50x128xf32, #tpu.memory_space<vmem>>
      %dma_wait3A_225 = tpu.memref_squeeze %dma_wait3A_224 : memref<1x50x128xf32, #tpu.memory_space<vmem>> -> memref<50x128xf32, #tpu.memory_space<vmem>>
      %dma_wait3A_226 = arith.constant 0 : i32
      %dma_wait3A_227 = tpu.memref_slice %arg7[%add3A_192, %dma_wait3A_226] : memref<32x50xi32, #tpu.memory_space<vmem>> -> memref<1x50xi32, #tpu.memory_space<vmem>>
      %dma_wait3A_228 = tpu.memref_squeeze %dma_wait3A_227 : memref<1x50xi32, #tpu.memory_space<vmem>> -> memref<50xi32, #tpu.memory_space<vmem>>
      %dma_wait3A_229 = arith.constant 0 : i32
      %dma_wait3A_230 = arith.constant 0 : i32
      %dma_wait3A_231 = tpu.memref_slice %arg4[%dma_wait3A_229, %dma_wait3A_230] : memref<100000x128xf32, #tpu.memory_space<hbm>> -> memref<100000x128xf32, #tpu.memory_space<hbm>>
      %dma_wait3A_232 = tpu.memref_slice %arg11[%dma_wait3A_221] : memref<4x!tpu.dma_semaphore, #tpu.memory_space<semaphore_mem>> -> memref<1x!tpu.dma_semaphore, #tpu.memory_space<semaphore_mem>>
      %dma_wait3A_233 = tpu.memref_squeeze %dma_wait3A_232 : memref<1x!tpu.dma_semaphore, #tpu.memory_space<semaphore_mem>> -> memref<!tpu.dma_semaphore, #tpu.memory_space<semaphore_mem>>
      tpu.wait_indirect_dma semaphore(%dma_wait3A_233 : memref<!tpu.dma_semaphore, #tpu.memory_space<semaphore_mem>>) src(%dma_wait3A_231 : memref<100000x128xf32, #tpu.memory_space<hbm>>) dst(%dma_wait3A_225 : memref<50x128xf32, #tpu.memory_space<vmem>>)
      %add3A_234 = arith.addi %mul3A_2, %add3A_192 : i32
      %run_scoped3A = arith.constant 0 : i32
      "tpu.region"() ({
        %run_scoped3A_414 = tpu.sem_alloc : memref<!tpu.dma_semaphore, #tpu.memory_space<semaphore_mem>>
        %dma_start3A_415 = arith.constant 0 : i32
        %dma_start3A_416 = arith.constant 0 : i32
        %dma_start3A_417 = tpu.memref_slice %arg8[%run_scoped3A, %dma_start3A_415, %dma_start3A_416] : memref<4x50x128xf32, #tpu.memory_space<vmem>> -> memref<1x50x128xf32, #tpu.memory_space<vmem>>
        %dma_start3A_418 = tpu.memref_squeeze %dma_start3A_417 : memref<1x50x128xf32, #tpu.memory_space<vmem>> -> memref<50x128xf32, #tpu.memory_space<vmem>>
        %dma_start3A_419 = arith.constant 0 : i32
        %dma_start3A_420 = arith.constant 0 : i32
        %dma_start3A_421 = tpu.memref_slice %arg5[%add3A_234, %dma_start3A_419, %dma_start3A_420] : memref<1024x50x300xf32, #tpu.memory_space<hbm>> -> memref<1x50x128xf32, #tpu.memory_space<hbm>>
        %dma_start3A_422 = tpu.memref_squeeze %dma_start3A_421 : memref<1x50x128xf32, #tpu.memory_space<hbm>> -> memref<50x128xf32, #tpu.memory_space<hbm>>
        %dma_start3A_423 = arith.constant 0 : i32
        %dma_start3A_424 = arith.constant 0 : i32
        %dma_start3A_425 = tpu.memref_slice %arg5[%add3A_234, %dma_start3A_423, %dma_start3A_424] : memref<1024x50x300xf32, #tpu.memory_space<hbm>> -> memref<1x50x128xf32, #tpu.memory_space<hbm>>
        %dma_start3A_426 = tpu.memref_squeeze %dma_start3A_425 : memref<1x50x128xf32, #tpu.memory_space<hbm>> -> memref<50x128xf32, #tpu.memory_space<hbm>>
        %dma_start3A_427 = arith.constant 0 : i32
        %dma_start3A_428 = arith.constant 0 : i32
        %dma_start3A_429 = tpu.memref_slice %arg8[%run_scoped3A, %dma_start3A_427, %dma_start3A_428] : memref<4x50x128xf32, #tpu.memory_space<vmem>> -> memref<1x50x128xf32, #tpu.memory_space<vmem>>
        %dma_start3A_430 = tpu.memref_squeeze %dma_start3A_429 : memref<1x50x128xf32, #tpu.memory_space<vmem>> -> memref<50x128xf32, #tpu.memory_space<vmem>>
        tpu.enqueue_dma source(%dma_start3A_430 : memref<50x128xf32, #tpu.memory_space<vmem>>) target(%dma_start3A_426 : memref<50x128xf32, #tpu.memory_space<hbm>>) target_semaphore(%run_scoped3A_414 : memref<!tpu.dma_semaphore, #tpu.memory_space<semaphore_mem>>)
        %dma_wait3A_431 = arith.constant 0 : i32
        %dma_wait3A_432 = arith.constant 0 : i32
        %dma_wait3A_433 = tpu.memref_slice %arg8[%run_scoped3A, %dma_wait3A_431, %dma_wait3A_432] : memref<4x50x128xf32, #tpu.memory_space<vmem>> -> memref<1x50x128xf32, #tpu.memory_space<vmem>>
        %dma_wait3A_434 = tpu.memref_squeeze %dma_wait3A_433 : memref<1x50x128xf32, #tpu.memory_space<vmem>> -> memref<50x128xf32, #tpu.memory_space<vmem>>
        %dma_wait3A_435 = arith.constant 0 : i32
        %dma_wait3A_436 = arith.constant 0 : i32
        %dma_wait3A_437 = tpu.memref_slice %arg5[%add3A_234, %dma_wait3A_435, %dma_wait3A_436] : memref<1024x50x300xf32, #tpu.memory_space<hbm>> -> memref<1x50x128xf32, #tpu.memory_space<hbm>>
        %dma_wait3A_438 = tpu.memref_squeeze %dma_wait3A_437 : memref<1x50x128xf32, #tpu.memory_space<hbm>> -> memref<50x128xf32, #tpu.memory_space<hbm>>
        %dma_wait3A_439 = arith.constant 0 : i32
        %dma_wait3A_440 = arith.constant 0 : i32
        %dma_wait3A_441 = tpu.memref_slice %arg5[%add3A_234, %dma_wait3A_439, %dma_wait3A_440] : memref<1024x50x300xf32, #tpu.memory_space<hbm>> -> memref<1x50x128xf32, #tpu.memory_space<hbm>>
        %dma_wait3A_442 = tpu.memref_squeeze %dma_wait3A_441 : memref<1x50x128xf32, #tpu.memory_space<hbm>> -> memref<50x128xf32, #tpu.memory_space<hbm>>
        %dma_wait3A_443 = arith.constant 0 : i32
        %dma_wait3A_444 = arith.constant 0 : i32
        %dma_wait3A_445 = tpu.memref_slice %arg8[%run_scoped3A, %dma_wait3A_443, %dma_wait3A_444] : memref<4x50x128xf32, #tpu.memory_space<vmem>> -> memref<1x50x128xf32, #tpu.memory_space<vmem>>
        %dma_wait3A_446 = tpu.memref_squeeze %dma_wait3A_445 : memref<1x50x128xf32, #tpu.memory_space<vmem>> -> memref<50x128xf32, #tpu.memory_space<vmem>>
        tpu.wait_dma2 semaphore(%run_scoped3A_414 : memref<!tpu.dma_semaphore, #tpu.memory_space<semaphore_mem>>) src(%dma_wait3A_446 : memref<50x128xf32, #tpu.memory_space<vmem>>) dst(%dma_wait3A_442 : memref<50x128xf32, #tpu.memory_space<hbm>>)
        tpu.yield
      }) : () -> ()
      %add3A_235 = arith.addi %mul3A_2, %add3A_192 : i32
      %run_scoped3A_236 = arith.constant 0 : i32
      "tpu.region"() ({
        %run_scoped3A_414 = tpu.sem_alloc : memref<!tpu.dma_semaphore, #tpu.memory_space<semaphore_mem>>
        %dma_start3A_415 = arith.constant 0 : i32
        %dma_start3A_416 = arith.constant 0 : i32
        %dma_start3A_417 = tpu.memref_slice %arg9[%run_scoped3A_236, %dma_start3A_415, %dma_start3A_416] : memref<4x50x128xf32, #tpu.memory_space<vmem>> -> memref<1x50x128xf32, #tpu.memory_space<vmem>>
        %dma_start3A_418 = tpu.memref_squeeze %dma_start3A_417 : memref<1x50x128xf32, #tpu.memory_space<vmem>> -> memref<50x128xf32, #tpu.memory_space<vmem>>
        %dma_start3A_419 = arith.constant 0 : i32
        %dma_start3A_420 = arith.constant 128 : i32
        %dma_start3A_421 = tpu.memref_slice %arg5[%add3A_235, %dma_start3A_419, %dma_start3A_420] : memref<1024x50x300xf32, #tpu.memory_space<hbm>> -> memref<1x50x128xf32, #tpu.memory_space<hbm>>
        %dma_start3A_422 = tpu.memref_squeeze %dma_start3A_421 : memref<1x50x128xf32, #tpu.memory_space<hbm>> -> memref<50x128xf32, #tpu.memory_space<hbm>>
        %dma_start3A_423 = arith.constant 0 : i32
        %dma_start3A_424 = arith.constant 128 : i32
        %dma_start3A_425 = tpu.memref_slice %arg5[%add3A_235, %dma_start3A_423, %dma_start3A_424] : memref<1024x50x300xf32, #tpu.memory_space<hbm>> -> memref<1x50x128xf32, #tpu.memory_space<hbm>>
        %dma_start3A_426 = tpu.memref_squeeze %dma_start3A_425 : memref<1x50x128xf32, #tpu.memory_space<hbm>> -> memref<50x128xf32, #tpu.memory_space<hbm>>
        %dma_start3A_427 = arith.constant 0 : i32
        %dma_start3A_428 = arith.constant 0 : i32
        %dma_start3A_429 = tpu.memref_slice %arg9[%run_scoped3A_236, %dma_start3A_427, %dma_start3A_428] : memref<4x50x128xf32, #tpu.memory_space<vmem>> -> memref<1x50x128xf32, #tpu.memory_space<vmem>>
        %dma_start3A_430 = tpu.memref_squeeze %dma_start3A_429 : memref<1x50x128xf32, #tpu.memory_space<vmem>> -> memref<50x128xf32, #tpu.memory_space<vmem>>
        tpu.enqueue_dma source(%dma_start3A_430 : memref<50x128xf32, #tpu.memory_space<vmem>>) target(%dma_start3A_426 : memref<50x128xf32, #tpu.memory_space<hbm>>) target_semaphore(%run_scoped3A_414 : memref<!tpu.dma_semaphore, #tpu.memory_space<semaphore_mem>>)
        %dma_wait3A_431 = arith.constant 0 : i32
        %dma_wait3A_432 = arith.constant 0 : i32
        %dma_wait3A_433 = tpu.memref_slice %arg9[%run_scoped3A_236, %dma_wait3A_431, %dma_wait3A_432] : memref<4x50x128xf32, #tpu.memory_space<vmem>> -> memref<1x50x128xf32, #tpu.memory_space<vmem>>
        %dma_wait3A_434 = tpu.memref_squeeze %dma_wait3A_433 : memref<1x50x128xf32, #tpu.memory_space<vmem>> -> memref<50x128xf32, #tpu.memory_space<vmem>>
        %dma_wait3A_435 = arith.constant 0 : i32
        %dma_wait3A_436 = arith.constant 128 : i32
        %dma_wait3A_437 = tpu.memref_slice %arg5[%add3A_235, %dma_wait3A_435, %dma_wait3A_436] : memref<1024x50x300xf32, #tpu.memory_space<hbm>> -> memref<1x50x128xf32, #tpu.memory_space<hbm>>
        %dma_wait3A_438 = tpu.memref_squeeze %dma_wait3A_437 : memref<1x50x128xf32, #tpu.memory_space<hbm>> -> memref<50x128xf32, #tpu.memory_space<hbm>>
        %dma_wait3A_439 = arith.constant 0 : i32
        %dma_wait3A_440 = arith.constant 128 : i32
        %dma_wait3A_441 = tpu.memref_slice %arg5[%add3A_235, %dma_wait3A_439, %dma_wait3A_440] : memref<1024x50x300xf32, #tpu.memory_space<hbm>> -> memref<1x50x128xf32, #tpu.memory_space<hbm>>
        %dma_wait3A_442 = tpu.memref_squeeze %dma_wait3A_441 : memref<1x50x128xf32, #tpu.memory_space<hbm>> -> memref<50x128xf32, #tpu.memory_space<hbm>>
        %dma_wait3A_443 = arith.constant 0 : i32
        %dma_wait3A_444 = arith.constant 0 : i32
        %dma_wait3A_445 = tpu.memref_slice %arg9[%run_scoped3A_236, %dma_wait3A_443, %dma_wait3A_444] : memref<4x50x128xf32, #tpu.memory_space<vmem>> -> memref<1x50x128xf32, #tpu.memory_space<vmem>>
        %dma_wait3A_446 = tpu.memref_squeeze %dma_wait3A_445 : memref<1x50x128xf32, #tpu.memory_space<vmem>> -> memref<50x128xf32, #tpu.memory_space<vmem>>
        tpu.wait_dma2 semaphore(%run_scoped3A_414 : memref<!tpu.dma_semaphore, #tpu.memory_space<semaphore_mem>>) src(%dma_wait3A_446 : memref<50x128xf32, #tpu.memory_space<vmem>>) dst(%dma_wait3A_442 : memref<50x128xf32, #tpu.memory_space<hbm>>)
        tpu.yield
      }) : () -> ()
      %add3A_237 = arith.addi %mul3A_2, %add3A_192 : i32
      %run_scoped3A_238 = arith.constant 0 : i32
      "tpu.region"() ({
        %run_scoped3A_414 = tpu.sem_alloc : memref<!tpu.dma_semaphore, #tpu.memory_space<semaphore_mem>>
        %dma_start3A_415 = arith.constant 0 : i32
        %dma_start3A_416 = arith.constant 0 : i32
        %dma_start3A_417 = tpu.memref_slice %arg10[%run_scoped3A_238, %dma_start3A_415, %dma_start3A_416] : memref<4x50x128xf32, #tpu.memory_space<vmem>> -> memref<1x50x128xf32, #tpu.memory_space<vmem>>
        %dma_start3A_418 = tpu.memref_squeeze %dma_start3A_417 : memref<1x50x128xf32, #tpu.memory_space<vmem>> -> memref<50x128xf32, #tpu.memory_space<vmem>>
        %dma_start3A_419 = arith.constant 0 : i32
        %dma_start3A_420 = arith.constant 0 : i32
        %dma_start3A_421 = tpu.memref_slice %arg6[%add3A_237, %dma_start3A_419, %dma_start3A_420] : memref<1024x50x128xf32, #tpu.memory_space<hbm>> -> memref<1x50x128xf32, #tpu.memory_space<hbm>>
        %dma_start3A_422 = tpu.memref_squeeze %dma_start3A_421 : memref<1x50x128xf32, #tpu.memory_space<hbm>> -> memref<50x128xf32, #tpu.memory_space<hbm>>
        %dma_start3A_423 = arith.constant 0 : i32
        %dma_start3A_424 = arith.constant 0 : i32
        %dma_start3A_425 = tpu.memref_slice %arg6[%add3A_237, %dma_start3A_423, %dma_start3A_424] : memref<1024x50x128xf32, #tpu.memory_space<hbm>> -> memref<1x50x128xf32, #tpu.memory_space<hbm>>
        %dma_start3A_426 = tpu.memref_squeeze %dma_start3A_425 : memref<1x50x128xf32, #tpu.memory_space<hbm>> -> memref<50x128xf32, #tpu.memory_space<hbm>>
        %dma_start3A_427 = arith.constant 0 : i32
        %dma_start3A_428 = arith.constant 0 : i32
        %dma_start3A_429 = tpu.memref_slice %arg10[%run_scoped3A_238, %dma_start3A_427, %dma_start3A_428] : memref<4x50x128xf32, #tpu.memory_space<vmem>> -> memref<1x50x128xf32, #tpu.memory_space<vmem>>
        %dma_start3A_430 = tpu.memref_squeeze %dma_start3A_429 : memref<1x50x128xf32, #tpu.memory_space<vmem>> -> memref<50x128xf32, #tpu.memory_space<vmem>>
        tpu.enqueue_dma source(%dma_start3A_430 : memref<50x128xf32, #tpu.memory_space<vmem>>) target(%dma_start3A_426 : memref<50x128xf32, #tpu.memory_space<hbm>>) target_semaphore(%run_scoped3A_414 : memref<!tpu.dma_semaphore, #tpu.memory_space<semaphore_mem>>)
        %dma_wait3A_431 = arith.constant 0 : i32
        %dma_wait3A_432 = arith.constant 0 : i32
        %dma_wait3A_433 = tpu.memref_slice %arg10[%run_scoped3A_238, %dma_wait3A_431, %dma_wait3A_432] : memref<4x50x128xf32, #tpu.memory_space<vmem>> -> memref<1x50x128xf32, #tpu.memory_space<vmem>>
        %dma_wait3A_434 = tpu.memref_squeeze %dma_wait3A_433 : memref<1x50x128xf32, #tpu.memory_space<vmem>> -> memref<50x128xf32, #tpu.memory_space<vmem>>
        %dma_wait3A_435 = arith.constant 0 : i32
        %dma_wait3A_436 = arith.constant 0 : i32
        %dma_wait3A_437 = tpu.memref_slice %arg6[%add3A_237, %dma_wait3A_435, %dma_wait3A_436] : memref<1024x50x128xf32, #tpu.memory_space<hbm>> -> memref<1x50x128xf32, #tpu.memory_space<hbm>>
        %dma_wait3A_438 = tpu.memref_squeeze %dma_wait3A_437 : memref<1x50x128xf32, #tpu.memory_space<hbm>> -> memref<50x128xf32, #tpu.memory_space<hbm>>
        %dma_wait3A_439 = arith.constant 0 : i32
        %dma_wait3A_440 = arith.constant 0 : i32
        %dma_wait3A_441 = tpu.memref_slice %arg6[%add3A_237, %dma_wait3A_439, %dma_wait3A_440] : memref<1024x50x128xf32, #tpu.memory_space<hbm>> -> memref<1x50x128xf32, #tpu.memory_space<hbm>>
        %dma_wait3A_442 = tpu.memref_squeeze %dma_wait3A_441 : memref<1x50x128xf32, #tpu.memory_space<hbm>> -> memref<50x128xf32, #tpu.memory_space<hbm>>
        %dma_wait3A_443 = arith.constant 0 : i32
        %dma_wait3A_444 = arith.constant 0 : i32
        %dma_wait3A_445 = tpu.memref_slice %arg10[%run_scoped3A_238, %dma_wait3A_443, %dma_wait3A_444] : memref<4x50x128xf32, #tpu.memory_space<vmem>> -> memref<1x50x128xf32, #tpu.memory_space<vmem>>
        %dma_wait3A_446 = tpu.memref_squeeze %dma_wait3A_445 : memref<1x50x128xf32, #tpu.memory_space<vmem>> -> memref<50x128xf32, #tpu.memory_space<vmem>>
        tpu.wait_dma2 semaphore(%run_scoped3A_414 : memref<!tpu.dma_semaphore, #tpu.memory_space<semaphore_mem>>) src(%dma_wait3A_446 : memref<50x128xf32, #tpu.memory_space<vmem>>) dst(%dma_wait3A_442 : memref<50x128xf32, #tpu.memory_space<hbm>>)
        tpu.yield
      }) : () -> ()
      %add3A_239 = arith.constant 4 : i32
      %add3A_240 = arith.addi %add3A_192, %add3A_239 : i32
      %lt3A = arith.constant 32 : i32
      %lt3A_241 = arith.cmpi slt, %add3A_240, %lt3A : i32
      %convert_element_type3A = arith.extui %lt3A_241 : i1 to i32
      %cond3A = arith.constant 0 : i32
      %cond3A_242 = arith.cmpi ne, %convert_element_type3A, %cond3A : i32
      scf.if %cond3A_242 {
        %add3A_414 = arith.constant 4 : i32
        %add3A_415 = arith.addi %add3A_192, %add3A_414 : i32
        %dma_start3A_416 = arith.constant 0 : i32
        %dma_start3A_417 = arith.constant 0 : i32
        %dma_start3A_418 = arith.constant 0 : i32
        %dma_start3A_419 = arith.constant 0 : i32
        %dma_start3A_420 = tpu.memref_slice %arg8[%dma_start3A_416, %dma_start3A_418, %dma_start3A_419] : memref<4x50x128xf32, #tpu.memory_space<vmem>> -> memref<1x50x128xf32, #tpu.memory_space<vmem>>
        %dma_start3A_421 = tpu.memref_squeeze %dma_start3A_420 : memref<1x50x128xf32, #tpu.memory_space<vmem>> -> memref<50x128xf32, #tpu.memory_space<vmem>>
        %dma_start3A_422 = arith.constant 0 : i32
        %dma_start3A_423 = tpu.memref_slice %arg7[%add3A_415, %dma_start3A_422] : memref<32x50xi32, #tpu.memory_space<vmem>> -> memref<1x50xi32, #tpu.memory_space<vmem>>
        %dma_start3A_424 = tpu.memref_squeeze %dma_start3A_423 : memref<1x50xi32, #tpu.memory_space<vmem>> -> memref<50xi32, #tpu.memory_space<vmem>>
        %dma_start3A_425 = arith.constant 0 : i32
        %dma_start3A_426 = arith.constant 0 : i32
        %dma_start3A_427 = tpu.memref_slice %arg3[%dma_start3A_425, %dma_start3A_426] : memref<100000x300xf32, #tpu.memory_space<hbm>> -> memref<100000x128xf32, #tpu.memory_space<hbm>>
        %dma_start3A_428 = tpu.memref_slice %arg11[%dma_start3A_417] : memref<4x!tpu.dma_semaphore, #tpu.memory_space<semaphore_mem>> -> memref<1x!tpu.dma_semaphore, #tpu.memory_space<semaphore_mem>>
        %dma_start3A_429 = tpu.memref_squeeze %dma_start3A_428 : memref<1x!tpu.dma_semaphore, #tpu.memory_space<semaphore_mem>> -> memref<!tpu.dma_semaphore, #tpu.memory_space<semaphore_mem>>
        tpu.enqueue_indirect_dma source(%dma_start3A_427 : memref<100000x128xf32, #tpu.memory_space<hbm>>) target(%dma_start3A_421 : memref<50x128xf32, #tpu.memory_space<vmem>>) offsets(%dma_start3A_424 : memref<50xi32, #tpu.memory_space<vmem>>) semaphore(%dma_start3A_429 : memref<!tpu.dma_semaphore, #tpu.memory_space<semaphore_mem>>)
        %dma_start3A_430 = arith.constant 0 : i32
        %dma_start3A_431 = arith.constant 0 : i32
        %dma_start3A_432 = arith.constant 0 : i32
        %dma_start3A_433 = arith.constant 0 : i32
        %dma_start3A_434 = tpu.memref_slice %arg9[%dma_start3A_430, %dma_start3A_432, %dma_start3A_433] : memref<4x50x128xf32, #tpu.memory_space<vmem>> -> memref<1x50x128xf32, #tpu.memory_space<vmem>>
        %dma_start3A_435 = tpu.memref_squeeze %dma_start3A_434 : memref<1x50x128xf32, #tpu.memory_space<vmem>> -> memref<50x128xf32, #tpu.memory_space<vmem>>
        %dma_start3A_436 = arith.constant 0 : i32
        %dma_start3A_437 = tpu.memref_slice %arg7[%add3A_415, %dma_start3A_436] : memref<32x50xi32, #tpu.memory_space<vmem>> -> memref<1x50xi32, #tpu.memory_space<vmem>>
        %dma_start3A_438 = tpu.memref_squeeze %dma_start3A_437 : memref<1x50xi32, #tpu.memory_space<vmem>> -> memref<50xi32, #tpu.memory_space<vmem>>
        %dma_start3A_439 = arith.constant 0 : i32
        %dma_start3A_440 = arith.constant 128 : i32
        %dma_start3A_441 = tpu.memref_slice %arg3[%dma_start3A_439, %dma_start3A_440] : memref<100000x300xf32, #tpu.memory_space<hbm>> -> memref<100000x128xf32, #tpu.memory_space<hbm>>
        %dma_start3A_442 = tpu.memref_slice %arg11[%dma_start3A_431] : memref<4x!tpu.dma_semaphore, #tpu.memory_space<semaphore_mem>> -> memref<1x!tpu.dma_semaphore, #tpu.memory_space<semaphore_mem>>
        %dma_start3A_443 = tpu.memref_squeeze %dma_start3A_442 : memref<1x!tpu.dma_semaphore, #tpu.memory_space<semaphore_mem>> -> memref<!tpu.dma_semaphore, #tpu.memory_space<semaphore_mem>>
        tpu.enqueue_indirect_dma source(%dma_start3A_441 : memref<100000x128xf32, #tpu.memory_space<hbm>>) target(%dma_start3A_435 : memref<50x128xf32, #tpu.memory_space<vmem>>) offsets(%dma_start3A_438 : memref<50xi32, #tpu.memory_space<vmem>>) semaphore(%dma_start3A_443 : memref<!tpu.dma_semaphore, #tpu.memory_space<semaphore_mem>>)
        %dma_start3A_444 = arith.constant 0 : i32
        %dma_start3A_445 = arith.constant 0 : i32
        %dma_start3A_446 = arith.constant 0 : i32
        %dma_start3A_447 = arith.constant 0 : i32
        %dma_start3A_448 = tpu.memref_slice %arg10[%dma_start3A_444, %dma_start3A_446, %dma_start3A_447] : memref<4x50x128xf32, #tpu.memory_space<vmem>> -> memref<1x50x128xf32, #tpu.memory_space<vmem>>
        %dma_start3A_449 = tpu.memref_squeeze %dma_start3A_448 : memref<1x50x128xf32, #tpu.memory_space<vmem>> -> memref<50x128xf32, #tpu.memory_space<vmem>>
        %dma_start3A_450 = arith.constant 0 : i32
        %dma_start3A_451 = tpu.memref_slice %arg7[%add3A_415, %dma_start3A_450] : memref<32x50xi32, #tpu.memory_space<vmem>> -> memref<1x50xi32, #tpu.memory_space<vmem>>
        %dma_start3A_452 = tpu.memref_squeeze %dma_start3A_451 : memref<1x50xi32, #tpu.memory_space<vmem>> -> memref<50xi32, #tpu.memory_space<vmem>>
        %dma_start3A_453 = arith.constant 0 : i32
        %dma_start3A_454 = arith.constant 0 : i32
        %dma_start3A_455 = tpu.memref_slice %arg4[%dma_start3A_453, %dma_start3A_454] : memref<100000x128xf32, #tpu.memory_space<hbm>> -> memref<100000x128xf32, #tpu.memory_space<hbm>>
        %dma_start3A_456 = tpu.memref_slice %arg11[%dma_start3A_445] : memref<4x!tpu.dma_semaphore, #tpu.memory_space<semaphore_mem>> -> memref<1x!tpu.dma_semaphore, #tpu.memory_space<semaphore_mem>>
        %dma_start3A_457 = tpu.memref_squeeze %dma_start3A_456 : memref<1x!tpu.dma_semaphore, #tpu.memory_space<semaphore_mem>> -> memref<!tpu.dma_semaphore, #tpu.memory_space<semaphore_mem>>
        tpu.enqueue_indirect_dma source(%dma_start3A_455 : memref<100000x128xf32, #tpu.memory_space<hbm>>) target(%dma_start3A_449 : memref<50x128xf32, #tpu.memory_space<vmem>>) offsets(%dma_start3A_452 : memref<50xi32, #tpu.memory_space<vmem>>) semaphore(%dma_start3A_457 : memref<!tpu.dma_semaphore, #tpu.memory_space<semaphore_mem>>)
      } else {
      }
      %add3A_243 = arith.constant 1 : i32
      %add3A_244 = arith.addi %add3A_190, %add3A_243 : i32
      %dma_wait3A_245 = arith.constant 1 : i32
      %dma_wait3A_246 = arith.constant 1 : i32
      %dma_wait3A_247 = arith.constant 0 : i32
      %dma_wait3A_248 = arith.constant 0 : i32
      %dma_wait3A_249 = tpu.memref_slice %arg8[%dma_wait3A_245, %dma_wait3A_247, %dma_wait3A_248] : memref<4x50x128xf32, #tpu.memory_space<vmem>> -> memref<1x50x128xf32, #tpu.memory_space<vmem>>
      %dma_wait3A_250 = tpu.memref_squeeze %dma_wait3A_249 : memref<1x50x128xf32, #tpu.memory_space<vmem>> -> memref<50x128xf32, #tpu.memory_space<vmem>>
      %dma_wait3A_251 = arith.constant 0 : i32
      %dma_wait3A_252 = tpu.memref_slice %arg7[%add3A_244, %dma_wait3A_251] : memref<32x50xi32, #tpu.memory_space<vmem>> -> memref<1x50xi32, #tpu.memory_space<vmem>>
      %dma_wait3A_253 = tpu.memref_squeeze %dma_wait3A_252 : memref<1x50xi32, #tpu.memory_space<vmem>> -> memref<50xi32, #tpu.memory_space<vmem>>
      %dma_wait3A_254 = arith.constant 0 : i32
      %dma_wait3A_255 = arith.constant 0 : i32
      %dma_wait3A_256 = tpu.memref_slice %arg3[%dma_wait3A_254, %dma_wait3A_255] : memref<100000x300xf32, #tpu.memory_space<hbm>> -> memref<100000x128xf32, #tpu.memory_space<hbm>>
      %dma_wait3A_257 = tpu.memref_slice %arg11[%dma_wait3A_246] : memref<4x!tpu.dma_semaphore, #tpu.memory_space<semaphore_mem>> -> memref<1x!tpu.dma_semaphore, #tpu.memory_space<semaphore_mem>>
      %dma_wait3A_258 = tpu.memref_squeeze %dma_wait3A_257 : memref<1x!tpu.dma_semaphore, #tpu.memory_space<semaphore_mem>> -> memref<!tpu.dma_semaphore, #tpu.memory_space<semaphore_mem>>
      tpu.wait_indirect_dma semaphore(%dma_wait3A_258 : memref<!tpu.dma_semaphore, #tpu.memory_space<semaphore_mem>>) src(%dma_wait3A_256 : memref<100000x128xf32, #tpu.memory_space<hbm>>) dst(%dma_wait3A_250 : memref<50x128xf32, #tpu.memory_space<vmem>>)
      %dma_wait3A_259 = arith.constant 1 : i32
      %dma_wait3A_260 = arith.constant 1 : i32
      %dma_wait3A_261 = arith.constant 0 : i32
      %dma_wait3A_262 = arith.constant 0 : i32
      %dma_wait3A_263 = tpu.memref_slice %arg9[%dma_wait3A_259, %dma_wait3A_261, %dma_wait3A_262] : memref<4x50x128xf32, #tpu.memory_space<vmem>> -> memref<1x50x128xf32, #tpu.memory_space<vmem>>
      %dma_wait3A_264 = tpu.memref_squeeze %dma_wait3A_263 : memref<1x50x128xf32, #tpu.memory_space<vmem>> -> memref<50x128xf32, #tpu.memory_space<vmem>>
      %dma_wait3A_265 = arith.constant 0 : i32
      %dma_wait3A_266 = tpu.memref_slice %arg7[%add3A_244, %dma_wait3A_265] : memref<32x50xi32, #tpu.memory_space<vmem>> -> memref<1x50xi32, #tpu.memory_space<vmem>>
      %dma_wait3A_267 = tpu.memref_squeeze %dma_wait3A_266 : memref<1x50xi32, #tpu.memory_space<vmem>> -> memref<50xi32, #tpu.memory_space<vmem>>
      %dma_wait3A_268 = arith.constant 0 : i32
      %dma_wait3A_269 = arith.constant 128 : i32
      %dma_wait3A_270 = tpu.memref_slice %arg3[%dma_wait3A_268, %dma_wait3A_269] : memref<100000x300xf32, #tpu.memory_space<hbm>> -> memref<100000x128xf32, #tpu.memory_space<hbm>>
      %dma_wait3A_271 = tpu.memref_slice %arg11[%dma_wait3A_260] : memref<4x!tpu.dma_semaphore, #tpu.memory_space<semaphore_mem>> -> memref<1x!tpu.dma_semaphore, #tpu.memory_space<semaphore_mem>>
      %dma_wait3A_272 = tpu.memref_squeeze %dma_wait3A_271 : memref<1x!tpu.dma_semaphore, #tpu.memory_space<semaphore_mem>> -> memref<!tpu.dma_semaphore, #tpu.memory_space<semaphore_mem>>
      tpu.wait_indirect_dma semaphore(%dma_wait3A_272 : memref<!tpu.dma_semaphore, #tpu.memory_space<semaphore_mem>>) src(%dma_wait3A_270 : memref<100000x128xf32, #tpu.memory_space<hbm>>) dst(%dma_wait3A_264 : memref<50x128xf32, #tpu.memory_space<vmem>>)
      %dma_wait3A_273 = arith.constant 1 : i32
      %dma_wait3A_274 = arith.constant 1 : i32
      %dma_wait3A_275 = arith.constant 0 : i32
      %dma_wait3A_276 = arith.constant 0 : i32
      %dma_wait3A_277 = tpu.memref_slice %arg10[%dma_wait3A_273, %dma_wait3A_275, %dma_wait3A_276] : memref<4x50x128xf32, #tpu.memory_space<vmem>> -> memref<1x50x128xf32, #tpu.memory_space<vmem>>
      %dma_wait3A_278 = tpu.memref_squeeze %dma_wait3A_277 : memref<1x50x128xf32, #tpu.memory_space<vmem>> -> memref<50x128xf32, #tpu.memory_space<vmem>>
      %dma_wait3A_279 = arith.constant 0 : i32
      %dma_wait3A_280 = tpu.memref_slice %arg7[%add3A_244, %dma_wait3A_279] : memref<32x50xi32, #tpu.memory_space<vmem>> -> memref<1x50xi32, #tpu.memory_space<vmem>>
      %dma_wait3A_281 = tpu.memref_squeeze %dma_wait3A_280 : memref<1x50xi32, #tpu.memory_space<vmem>> -> memref<50xi32, #tpu.memory_space<vmem>>
      %dma_wait3A_282 = arith.constant 0 : i32
      %dma_wait3A_283 = arith.constant 0 : i32
      %dma_wait3A_284 = tpu.memref_slice %arg4[%dma_wait3A_282, %dma_wait3A_283] : memref<100000x128xf32, #tpu.memory_space<hbm>> -> memref<100000x128xf32, #tpu.memory_space<hbm>>
      %dma_wait3A_285 = tpu.memref_slice %arg11[%dma_wait3A_274] : memref<4x!tpu.dma_semaphore, #tpu.memory_space<semaphore_mem>> -> memref<1x!tpu.dma_semaphore, #tpu.memory_space<semaphore_mem>>
      %dma_wait3A_286 = tpu.memref_squeeze %dma_wait3A_285 : memref<1x!tpu.dma_semaphore, #tpu.memory_space<semaphore_mem>> -> memref<!tpu.dma_semaphore, #tpu.memory_space<semaphore_mem>>
      tpu.wait_indirect_dma semaphore(%dma_wait3A_286 : memref<!tpu.dma_semaphore, #tpu.memory_space<semaphore_mem>>) src(%dma_wait3A_284 : memref<100000x128xf32, #tpu.memory_space<hbm>>) dst(%dma_wait3A_278 : memref<50x128xf32, #tpu.memory_space<vmem>>)
      %add3A_287 = arith.addi %mul3A_2, %add3A_244 : i32
      %run_scoped3A_288 = arith.constant 1 : i32
      "tpu.region"() ({
        %run_scoped3A_414 = tpu.sem_alloc : memref<!tpu.dma_semaphore, #tpu.memory_space<semaphore_mem>>
        %dma_start3A_415 = arith.constant 0 : i32
        %dma_start3A_416 = arith.constant 0 : i32
        %dma_start3A_417 = tpu.memref_slice %arg8[%run_scoped3A_288, %dma_start3A_415, %dma_start3A_416] : memref<4x50x128xf32, #tpu.memory_space<vmem>> -> memref<1x50x128xf32, #tpu.memory_space<vmem>>
        %dma_start3A_418 = tpu.memref_squeeze %dma_start3A_417 : memref<1x50x128xf32, #tpu.memory_space<vmem>> -> memref<50x128xf32, #tpu.memory_space<vmem>>
        %dma_start3A_419 = arith.constant 0 : i32
        %dma_start3A_420 = arith.constant 0 : i32
        %dma_start3A_421 = tpu.memref_slice %arg5[%add3A_287, %dma_start3A_419, %dma_start3A_420] : memref<1024x50x300xf32, #tpu.memory_space<hbm>> -> memref<1x50x128xf32, #tpu.memory_space<hbm>>
        %dma_start3A_422 = tpu.memref_squeeze %dma_start3A_421 : memref<1x50x128xf32, #tpu.memory_space<hbm>> -> memref<50x128xf32, #tpu.memory_space<hbm>>
        %dma_start3A_423 = arith.constant 0 : i32
        %dma_start3A_424 = arith.constant 0 : i32
        %dma_start3A_425 = tpu.memref_slice %arg5[%add3A_287, %dma_start3A_423, %dma_start3A_424] : memref<1024x50x300xf32, #tpu.memory_space<hbm>> -> memref<1x50x128xf32, #tpu.memory_space<hbm>>
        %dma_start3A_426 = tpu.memref_squeeze %dma_start3A_425 : memref<1x50x128xf32, #tpu.memory_space<hbm>> -> memref<50x128xf32, #tpu.memory_space<hbm>>
        %dma_start3A_427 = arith.constant 0 : i32
        %dma_start3A_428 = arith.constant 0 : i32
        %dma_start3A_429 = tpu.memref_slice %arg8[%run_scoped3A_288, %dma_start3A_427, %dma_start3A_428] : memref<4x50x128xf32, #tpu.memory_space<vmem>> -> memref<1x50x128xf32, #tpu.memory_space<vmem>>
        %dma_start3A_430 = tpu.memref_squeeze %dma_start3A_429 : memref<1x50x128xf32, #tpu.memory_space<vmem>> -> memref<50x128xf32, #tpu.memory_space<vmem>>
        tpu.enqueue_dma source(%dma_start3A_430 : memref<50x128xf32, #tpu.memory_space<vmem>>) target(%dma_start3A_426 : memref<50x128xf32, #tpu.memory_space<hbm>>) target_semaphore(%run_scoped3A_414 : memref<!tpu.dma_semaphore, #tpu.memory_space<semaphore_mem>>)
        %dma_wait3A_431 = arith.constant 0 : i32
        %dma_wait3A_432 = arith.constant 0 : i32
        %dma_wait3A_433 = tpu.memref_slice %arg8[%run_scoped3A_288, %dma_wait3A_431, %dma_wait3A_432] : memref<4x50x128xf32, #tpu.memory_space<vmem>> -> memref<1x50x128xf32, #tpu.memory_space<vmem>>
        %dma_wait3A_434 = tpu.memref_squeeze %dma_wait3A_433 : memref<1x50x128xf32, #tpu.memory_space<vmem>> -> memref<50x128xf32, #tpu.memory_space<vmem>>
        %dma_wait3A_435 = arith.constant 0 : i32
        %dma_wait3A_436 = arith.constant 0 : i32
        %dma_wait3A_437 = tpu.memref_slice %arg5[%add3A_287, %dma_wait3A_435, %dma_wait3A_436] : memref<1024x50x300xf32, #tpu.memory_space<hbm>> -> memref<1x50x128xf32, #tpu.memory_space<hbm>>
        %dma_wait3A_438 = tpu.memref_squeeze %dma_wait3A_437 : memref<1x50x128xf32, #tpu.memory_space<hbm>> -> memref<50x128xf32, #tpu.memory_space<hbm>>
        %dma_wait3A_439 = arith.constant 0 : i32
        %dma_wait3A_440 = arith.constant 0 : i32
        %dma_wait3A_441 = tpu.memref_slice %arg5[%add3A_287, %dma_wait3A_439, %dma_wait3A_440] : memref<1024x50x300xf32, #tpu.memory_space<hbm>> -> memref<1x50x128xf32, #tpu.memory_space<hbm>>
        %dma_wait3A_442 = tpu.memref_squeeze %dma_wait3A_441 : memref<1x50x128xf32, #tpu.memory_space<hbm>> -> memref<50x128xf32, #tpu.memory_space<hbm>>
        %dma_wait3A_443 = arith.constant 0 : i32
        %dma_wait3A_444 = arith.constant 0 : i32
        %dma_wait3A_445 = tpu.memref_slice %arg8[%run_scoped3A_288, %dma_wait3A_443, %dma_wait3A_444] : memref<4x50x128xf32, #tpu.memory_space<vmem>> -> memref<1x50x128xf32, #tpu.memory_space<vmem>>
        %dma_wait3A_446 = tpu.memref_squeeze %dma_wait3A_445 : memref<1x50x128xf32, #tpu.memory_space<vmem>> -> memref<50x128xf32, #tpu.memory_space<vmem>>
        tpu.wait_dma2 semaphore(%run_scoped3A_414 : memref<!tpu.dma_semaphore, #tpu.memory_space<semaphore_mem>>) src(%dma_wait3A_446 : memref<50x128xf32, #tpu.memory_space<vmem>>) dst(%dma_wait3A_442 : memref<50x128xf32, #tpu.memory_space<hbm>>)
        tpu.yield
      }) : () -> ()
      %add3A_289 = arith.addi %mul3A_2, %add3A_244 : i32
      %run_scoped3A_290 = arith.constant 1 : i32
      "tpu.region"() ({
        %run_scoped3A_414 = tpu.sem_alloc : memref<!tpu.dma_semaphore, #tpu.memory_space<semaphore_mem>>
        %dma_start3A_415 = arith.constant 0 : i32
        %dma_start3A_416 = arith.constant 0 : i32
        %dma_start3A_417 = tpu.memref_slice %arg9[%run_scoped3A_290, %dma_start3A_415, %dma_start3A_416] : memref<4x50x128xf32, #tpu.memory_space<vmem>> -> memref<1x50x128xf32, #tpu.memory_space<vmem>>
        %dma_start3A_418 = tpu.memref_squeeze %dma_start3A_417 : memref<1x50x128xf32, #tpu.memory_space<vmem>> -> memref<50x128xf32, #tpu.memory_space<vmem>>
        %dma_start3A_419 = arith.constant 0 : i32
        %dma_start3A_420 = arith.constant 128 : i32
        %dma_start3A_421 = tpu.memref_slice %arg5[%add3A_289, %dma_start3A_419, %dma_start3A_420] : memref<1024x50x300xf32, #tpu.memory_space<hbm>> -> memref<1x50x128xf32, #tpu.memory_space<hbm>>
        %dma_start3A_422 = tpu.memref_squeeze %dma_start3A_421 : memref<1x50x128xf32, #tpu.memory_space<hbm>> -> memref<50x128xf32, #tpu.memory_space<hbm>>
        %dma_start3A_423 = arith.constant 0 : i32
        %dma_start3A_424 = arith.constant 128 : i32
        %dma_start3A_425 = tpu.memref_slice %arg5[%add3A_289, %dma_start3A_423, %dma_start3A_424] : memref<1024x50x300xf32, #tpu.memory_space<hbm>> -> memref<1x50x128xf32, #tpu.memory_space<hbm>>
        %dma_start3A_426 = tpu.memref_squeeze %dma_start3A_425 : memref<1x50x128xf32, #tpu.memory_space<hbm>> -> memref<50x128xf32, #tpu.memory_space<hbm>>
        %dma_start3A_427 = arith.constant 0 : i32
        %dma_start3A_428 = arith.constant 0 : i32
        %dma_start3A_429 = tpu.memref_slice %arg9[%run_scoped3A_290, %dma_start3A_427, %dma_start3A_428] : memref<4x50x128xf32, #tpu.memory_space<vmem>> -> memref<1x50x128xf32, #tpu.memory_space<vmem>>
        %dma_start3A_430 = tpu.memref_squeeze %dma_start3A_429 : memref<1x50x128xf32, #tpu.memory_space<vmem>> -> memref<50x128xf32, #tpu.memory_space<vmem>>
        tpu.enqueue_dma source(%dma_start3A_430 : memref<50x128xf32, #tpu.memory_space<vmem>>) target(%dma_start3A_426 : memref<50x128xf32, #tpu.memory_space<hbm>>) target_semaphore(%run_scoped3A_414 : memref<!tpu.dma_semaphore, #tpu.memory_space<semaphore_mem>>)
        %dma_wait3A_431 = arith.constant 0 : i32
        %dma_wait3A_432 = arith.constant 0 : i32
        %dma_wait3A_433 = tpu.memref_slice %arg9[%run_scoped3A_290, %dma_wait3A_431, %dma_wait3A_432] : memref<4x50x128xf32, #tpu.memory_space<vmem>> -> memref<1x50x128xf32, #tpu.memory_space<vmem>>
        %dma_wait3A_434 = tpu.memref_squeeze %dma_wait3A_433 : memref<1x50x128xf32, #tpu.memory_space<vmem>> -> memref<50x128xf32, #tpu.memory_space<vmem>>
        %dma_wait3A_435 = arith.constant 0 : i32
        %dma_wait3A_436 = arith.constant 128 : i32
        %dma_wait3A_437 = tpu.memref_slice %arg5[%add3A_289, %dma_wait3A_435, %dma_wait3A_436] : memref<1024x50x300xf32, #tpu.memory_space<hbm>> -> memref<1x50x128xf32, #tpu.memory_space<hbm>>
        %dma_wait3A_438 = tpu.memref_squeeze %dma_wait3A_437 : memref<1x50x128xf32, #tpu.memory_space<hbm>> -> memref<50x128xf32, #tpu.memory_space<hbm>>
        %dma_wait3A_439 = arith.constant 0 : i32
        %dma_wait3A_440 = arith.constant 128 : i32
        %dma_wait3A_441 = tpu.memref_slice %arg5[%add3A_289, %dma_wait3A_439, %dma_wait3A_440] : memref<1024x50x300xf32, #tpu.memory_space<hbm>> -> memref<1x50x128xf32, #tpu.memory_space<hbm>>
        %dma_wait3A_442 = tpu.memref_squeeze %dma_wait3A_441 : memref<1x50x128xf32, #tpu.memory_space<hbm>> -> memref<50x128xf32, #tpu.memory_space<hbm>>
        %dma_wait3A_443 = arith.constant 0 : i32
        %dma_wait3A_444 = arith.constant 0 : i32
        %dma_wait3A_445 = tpu.memref_slice %arg9[%run_scoped3A_290, %dma_wait3A_443, %dma_wait3A_444] : memref<4x50x128xf32, #tpu.memory_space<vmem>> -> memref<1x50x128xf32, #tpu.memory_space<vmem>>
        %dma_wait3A_446 = tpu.memref_squeeze %dma_wait3A_445 : memref<1x50x128xf32, #tpu.memory_space<vmem>> -> memref<50x128xf32, #tpu.memory_space<vmem>>
        tpu.wait_dma2 semaphore(%run_scoped3A_414 : memref<!tpu.dma_semaphore, #tpu.memory_space<semaphore_mem>>) src(%dma_wait3A_446 : memref<50x128xf32, #tpu.memory_space<vmem>>) dst(%dma_wait3A_442 : memref<50x128xf32, #tpu.memory_space<hbm>>)
        tpu.yield
      }) : () -> ()
      %add3A_291 = arith.addi %mul3A_2, %add3A_244 : i32
      %run_scoped3A_292 = arith.constant 1 : i32
      "tpu.region"() ({
        %run_scoped3A_414 = tpu.sem_alloc : memref<!tpu.dma_semaphore, #tpu.memory_space<semaphore_mem>>
        %dma_start3A_415 = arith.constant 0 : i32
        %dma_start3A_416 = arith.constant 0 : i32
        %dma_start3A_417 = tpu.memref_slice %arg10[%run_scoped3A_292, %dma_start3A_415, %dma_start3A_416] : memref<4x50x128xf32, #tpu.memory_space<vmem>> -> memref<1x50x128xf32, #tpu.memory_space<vmem>>
        %dma_start3A_418 = tpu.memref_squeeze %dma_start3A_417 : memref<1x50x128xf32, #tpu.memory_space<vmem>> -> memref<50x128xf32, #tpu.memory_space<vmem>>
        %dma_start3A_419 = arith.constant 0 : i32
        %dma_start3A_420 = arith.constant 0 : i32
        %dma_start3A_421 = tpu.memref_slice %arg6[%add3A_291, %dma_start3A_419, %dma_start3A_420] : memref<1024x50x128xf32, #tpu.memory_space<hbm>> -> memref<1x50x128xf32, #tpu.memory_space<hbm>>
        %dma_start3A_422 = tpu.memref_squeeze %dma_start3A_421 : memref<1x50x128xf32, #tpu.memory_space<hbm>> -> memref<50x128xf32, #tpu.memory_space<hbm>>
        %dma_start3A_423 = arith.constant 0 : i32
        %dma_start3A_424 = arith.constant 0 : i32
        %dma_start3A_425 = tpu.memref_slice %arg6[%add3A_291, %dma_start3A_423, %dma_start3A_424] : memref<1024x50x128xf32, #tpu.memory_space<hbm>> -> memref<1x50x128xf32, #tpu.memory_space<hbm>>
        %dma_start3A_426 = tpu.memref_squeeze %dma_start3A_425 : memref<1x50x128xf32, #tpu.memory_space<hbm>> -> memref<50x128xf32, #tpu.memory_space<hbm>>
        %dma_start3A_427 = arith.constant 0 : i32
        %dma_start3A_428 = arith.constant 0 : i32
        %dma_start3A_429 = tpu.memref_slice %arg10[%run_scoped3A_292, %dma_start3A_427, %dma_start3A_428] : memref<4x50x128xf32, #tpu.memory_space<vmem>> -> memref<1x50x128xf32, #tpu.memory_space<vmem>>
        %dma_start3A_430 = tpu.memref_squeeze %dma_start3A_429 : memref<1x50x128xf32, #tpu.memory_space<vmem>> -> memref<50x128xf32, #tpu.memory_space<vmem>>
        tpu.enqueue_dma source(%dma_start3A_430 : memref<50x128xf32, #tpu.memory_space<vmem>>) target(%dma_start3A_426 : memref<50x128xf32, #tpu.memory_space<hbm>>) target_semaphore(%run_scoped3A_414 : memref<!tpu.dma_semaphore, #tpu.memory_space<semaphore_mem>>)
        %dma_wait3A_431 = arith.constant 0 : i32
        %dma_wait3A_432 = arith.constant 0 : i32
        %dma_wait3A_433 = tpu.memref_slice %arg10[%run_scoped3A_292, %dma_wait3A_431, %dma_wait3A_432] : memref<4x50x128xf32, #tpu.memory_space<vmem>> -> memref<1x50x128xf32, #tpu.memory_space<vmem>>
        %dma_wait3A_434 = tpu.memref_squeeze %dma_wait3A_433 : memref<1x50x128xf32, #tpu.memory_space<vmem>> -> memref<50x128xf32, #tpu.memory_space<vmem>>
        %dma_wait3A_435 = arith.constant 0 : i32
        %dma_wait3A_436 = arith.constant 0 : i32
        %dma_wait3A_437 = tpu.memref_slice %arg6[%add3A_291, %dma_wait3A_435, %dma_wait3A_436] : memref<1024x50x128xf32, #tpu.memory_space<hbm>> -> memref<1x50x128xf32, #tpu.memory_space<hbm>>
        %dma_wait3A_438 = tpu.memref_squeeze %dma_wait3A_437 : memref<1x50x128xf32, #tpu.memory_space<hbm>> -> memref<50x128xf32, #tpu.memory_space<hbm>>
        %dma_wait3A_439 = arith.constant 0 : i32
        %dma_wait3A_440 = arith.constant 0 : i32
        %dma_wait3A_441 = tpu.memref_slice %arg6[%add3A_291, %dma_wait3A_439, %dma_wait3A_440] : memref<1024x50x128xf32, #tpu.memory_space<hbm>> -> memref<1x50x128xf32, #tpu.memory_space<hbm>>
        %dma_wait3A_442 = tpu.memref_squeeze %dma_wait3A_441 : memref<1x50x128xf32, #tpu.memory_space<hbm>> -> memref<50x128xf32, #tpu.memory_space<hbm>>
        %dma_wait3A_443 = arith.constant 0 : i32
        %dma_wait3A_444 = arith.constant 0 : i32
        %dma_wait3A_445 = tpu.memref_slice %arg10[%run_scoped3A_292, %dma_wait3A_443, %dma_wait3A_444] : memref<4x50x128xf32, #tpu.memory_space<vmem>> -> memref<1x50x128xf32, #tpu.memory_space<vmem>>
        %dma_wait3A_446 = tpu.memref_squeeze %dma_wait3A_445 : memref<1x50x128xf32, #tpu.memory_space<vmem>> -> memref<50x128xf32, #tpu.memory_space<vmem>>
        tpu.wait_dma2 semaphore(%run_scoped3A_414 : memref<!tpu.dma_semaphore, #tpu.memory_space<semaphore_mem>>) src(%dma_wait3A_446 : memref<50x128xf32, #tpu.memory_space<vmem>>) dst(%dma_wait3A_442 : memref<50x128xf32, #tpu.memory_space<hbm>>)
        tpu.yield
      }) : () -> ()
      %add3A_293 = arith.constant 4 : i32
      %add3A_294 = arith.addi %add3A_244, %add3A_293 : i32
      %lt3A_295 = arith.constant 32 : i32
      %lt3A_296 = arith.cmpi slt, %add3A_294, %lt3A_295 : i32
      %convert_element_type3A_297 = arith.extui %lt3A_296 : i1 to i32
      %cond3A_298 = arith.constant 0 : i32
      %cond3A_299 = arith.cmpi ne, %convert_element_type3A_297, %cond3A_298 : i32
      scf.if %cond3A_299 {
        %add3A_414 = arith.constant 4 : i32
        %add3A_415 = arith.addi %add3A_244, %add3A_414 : i32
        %dma_start3A_416 = arith.constant 1 : i32
        %dma_start3A_417 = arith.constant 1 : i32
        %dma_start3A_418 = arith.constant 0 : i32
        %dma_start3A_419 = arith.constant 0 : i32
        %dma_start3A_420 = tpu.memref_slice %arg8[%dma_start3A_416, %dma_start3A_418, %dma_start3A_419] : memref<4x50x128xf32, #tpu.memory_space<vmem>> -> memref<1x50x128xf32, #tpu.memory_space<vmem>>
        %dma_start3A_421 = tpu.memref_squeeze %dma_start3A_420 : memref<1x50x128xf32, #tpu.memory_space<vmem>> -> memref<50x128xf32, #tpu.memory_space<vmem>>
        %dma_start3A_422 = arith.constant 0 : i32
        %dma_start3A_423 = tpu.memref_slice %arg7[%add3A_415, %dma_start3A_422] : memref<32x50xi32, #tpu.memory_space<vmem>> -> memref<1x50xi32, #tpu.memory_space<vmem>>
        %dma_start3A_424 = tpu.memref_squeeze %dma_start3A_423 : memref<1x50xi32, #tpu.memory_space<vmem>> -> memref<50xi32, #tpu.memory_space<vmem>>
        %dma_start3A_425 = arith.constant 0 : i32
        %dma_start3A_426 = arith.constant 0 : i32
        %dma_start3A_427 = tpu.memref_slice %arg3[%dma_start3A_425, %dma_start3A_426] : memref<100000x300xf32, #tpu.memory_space<hbm>> -> memref<100000x128xf32, #tpu.memory_space<hbm>>
        %dma_start3A_428 = tpu.memref_slice %arg11[%dma_start3A_417] : memref<4x!tpu.dma_semaphore, #tpu.memory_space<semaphore_mem>> -> memref<1x!tpu.dma_semaphore, #tpu.memory_space<semaphore_mem>>
        %dma_start3A_429 = tpu.memref_squeeze %dma_start3A_428 : memref<1x!tpu.dma_semaphore, #tpu.memory_space<semaphore_mem>> -> memref<!tpu.dma_semaphore, #tpu.memory_space<semaphore_mem>>
        tpu.enqueue_indirect_dma source(%dma_start3A_427 : memref<100000x128xf32, #tpu.memory_space<hbm>>) target(%dma_start3A_421 : memref<50x128xf32, #tpu.memory_space<vmem>>) offsets(%dma_start3A_424 : memref<50xi32, #tpu.memory_space<vmem>>) semaphore(%dma_start3A_429 : memref<!tpu.dma_semaphore, #tpu.memory_space<semaphore_mem>>)
        %dma_start3A_430 = arith.constant 1 : i32
        %dma_start3A_431 = arith.constant 1 : i32
        %dma_start3A_432 = arith.constant 0 : i32
        %dma_start3A_433 = arith.constant 0 : i32
        %dma_start3A_434 = tpu.memref_slice %arg9[%dma_start3A_430, %dma_start3A_432, %dma_start3A_433] : memref<4x50x128xf32, #tpu.memory_space<vmem>> -> memref<1x50x128xf32, #tpu.memory_space<vmem>>
        %dma_start3A_435 = tpu.memref_squeeze %dma_start3A_434 : memref<1x50x128xf32, #tpu.memory_space<vmem>> -> memref<50x128xf32, #tpu.memory_space<vmem>>
        %dma_start3A_436 = arith.constant 0 : i32
        %dma_start3A_437 = tpu.memref_slice %arg7[%add3A_415, %dma_start3A_436] : memref<32x50xi32, #tpu.memory_space<vmem>> -> memref<1x50xi32, #tpu.memory_space<vmem>>
        %dma_start3A_438 = tpu.memref_squeeze %dma_start3A_437 : memref<1x50xi32, #tpu.memory_space<vmem>> -> memref<50xi32, #tpu.memory_space<vmem>>
        %dma_start3A_439 = arith.constant 0 : i32
        %dma_start3A_440 = arith.constant 128 : i32
        %dma_start3A_441 = tpu.memref_slice %arg3[%dma_start3A_439, %dma_start3A_440] : memref<100000x300xf32, #tpu.memory_space<hbm>> -> memref<100000x128xf32, #tpu.memory_space<hbm>>
        %dma_start3A_442 = tpu.memref_slice %arg11[%dma_start3A_431] : memref<4x!tpu.dma_semaphore, #tpu.memory_space<semaphore_mem>> -> memref<1x!tpu.dma_semaphore, #tpu.memory_space<semaphore_mem>>
        %dma_start3A_443 = tpu.memref_squeeze %dma_start3A_442 : memref<1x!tpu.dma_semaphore, #tpu.memory_space<semaphore_mem>> -> memref<!tpu.dma_semaphore, #tpu.memory_space<semaphore_mem>>
        tpu.enqueue_indirect_dma source(%dma_start3A_441 : memref<100000x128xf32, #tpu.memory_space<hbm>>) target(%dma_start3A_435 : memref<50x128xf32, #tpu.memory_space<vmem>>) offsets(%dma_start3A_438 : memref<50xi32, #tpu.memory_space<vmem>>) semaphore(%dma_start3A_443 : memref<!tpu.dma_semaphore, #tpu.memory_space<semaphore_mem>>)
        %dma_start3A_444 = arith.constant 1 : i32
        %dma_start3A_445 = arith.constant 1 : i32
        %dma_start3A_446 = arith.constant 0 : i32
        %dma_start3A_447 = arith.constant 0 : i32
        %dma_start3A_448 = tpu.memref_slice %arg10[%dma_start3A_444, %dma_start3A_446, %dma_start3A_447] : memref<4x50x128xf32, #tpu.memory_space<vmem>> -> memref<1x50x128xf32, #tpu.memory_space<vmem>>
        %dma_start3A_449 = tpu.memref_squeeze %dma_start3A_448 : memref<1x50x128xf32, #tpu.memory_space<vmem>> -> memref<50x128xf32, #tpu.memory_space<vmem>>
        %dma_start3A_450 = arith.constant 0 : i32
        %dma_start3A_451 = tpu.memref_slice %arg7[%add3A_415, %dma_start3A_450] : memref<32x50xi32, #tpu.memory_space<vmem>> -> memref<1x50xi32, #tpu.memory_space<vmem>>
        %dma_start3A_452 = tpu.memref_squeeze %dma_start3A_451 : memref<1x50xi32, #tpu.memory_space<vmem>> -> memref<50xi32, #tpu.memory_space<vmem>>
        %dma_start3A_453 = arith.constant 0 : i32
        %dma_start3A_454 = arith.constant 0 : i32
        %dma_start3A_455 = tpu.memref_slice %arg4[%dma_start3A_453, %dma_start3A_454] : memref<100000x128xf32, #tpu.memory_space<hbm>> -> memref<100000x128xf32, #tpu.memory_space<hbm>>
        %dma_start3A_456 = tpu.memref_slice %arg11[%dma_start3A_445] : memref<4x!tpu.dma_semaphore, #tpu.memory_space<semaphore_mem>> -> memref<1x!tpu.dma_semaphore, #tpu.memory_space<semaphore_mem>>
        %dma_start3A_457 = tpu.memref_squeeze %dma_start3A_456 : memref<1x!tpu.dma_semaphore, #tpu.memory_space<semaphore_mem>> -> memref<!tpu.dma_semaphore, #tpu.memory_space<semaphore_mem>>
        tpu.enqueue_indirect_dma source(%dma_start3A_455 : memref<100000x128xf32, #tpu.memory_space<hbm>>) target(%dma_start3A_449 : memref<50x128xf32, #tpu.memory_space<vmem>>) offsets(%dma_start3A_452 : memref<50xi32, #tpu.memory_space<vmem>>) semaphore(%dma_start3A_457 : memref<!tpu.dma_semaphore, #tpu.memory_space<semaphore_mem>>)
      } else {
      }
      %add3A_300 = arith.constant 2 : i32
      %add3A_301 = arith.addi %add3A_190, %add3A_300 : i32
      %dma_wait3A_302 = arith.constant 2 : i32
      %dma_wait3A_303 = arith.constant 2 : i32
      %dma_wait3A_304 = arith.constant 0 : i32
      %dma_wait3A_305 = arith.constant 0 : i32
      %dma_wait3A_306 = tpu.memref_slice %arg8[%dma_wait3A_302, %dma_wait3A_304, %dma_wait3A_305] : memref<4x50x128xf32, #tpu.memory_space<vmem>> -> memref<1x50x128xf32, #tpu.memory_space<vmem>>
      %dma_wait3A_307 = tpu.memref_squeeze %dma_wait3A_306 : memref<1x50x128xf32, #tpu.memory_space<vmem>> -> memref<50x128xf32, #tpu.memory_space<vmem>>
      %dma_wait3A_308 = arith.constant 0 : i32
      %dma_wait3A_309 = tpu.memref_slice %arg7[%add3A_301, %dma_wait3A_308] : memref<32x50xi32, #tpu.memory_space<vmem>> -> memref<1x50xi32, #tpu.memory_space<vmem>>
      %dma_wait3A_310 = tpu.memref_squeeze %dma_wait3A_309 : memref<1x50xi32, #tpu.memory_space<vmem>> -> memref<50xi32, #tpu.memory_space<vmem>>
      %dma_wait3A_311 = arith.constant 0 : i32
      %dma_wait3A_312 = arith.constant 0 : i32
      %dma_wait3A_313 = tpu.memref_slice %arg3[%dma_wait3A_311, %dma_wait3A_312] : memref<100000x300xf32, #tpu.memory_space<hbm>> -> memref<100000x128xf32, #tpu.memory_space<hbm>>
      %dma_wait3A_314 = tpu.memref_slice %arg11[%dma_wait3A_303] : memref<4x!tpu.dma_semaphore, #tpu.memory_space<semaphore_mem>> -> memref<1x!tpu.dma_semaphore, #tpu.memory_space<semaphore_mem>>
      %dma_wait3A_315 = tpu.memref_squeeze %dma_wait3A_314 : memref<1x!tpu.dma_semaphore, #tpu.memory_space<semaphore_mem>> -> memref<!tpu.dma_semaphore, #tpu.memory_space<semaphore_mem>>
      tpu.wait_indirect_dma semaphore(%dma_wait3A_315 : memref<!tpu.dma_semaphore, #tpu.memory_space<semaphore_mem>>) src(%dma_wait3A_313 : memref<100000x128xf32, #tpu.memory_space<hbm>>) dst(%dma_wait3A_307 : memref<50x128xf32, #tpu.memory_space<vmem>>)
      %dma_wait3A_316 = arith.constant 2 : i32
      %dma_wait3A_317 = arith.constant 2 : i32
      %dma_wait3A_318 = arith.constant 0 : i32
      %dma_wait3A_319 = arith.constant 0 : i32
      %dma_wait3A_320 = tpu.memref_slice %arg9[%dma_wait3A_316, %dma_wait3A_318, %dma_wait3A_319] : memref<4x50x128xf32, #tpu.memory_space<vmem>> -> memref<1x50x128xf32, #tpu.memory_space<vmem>>
      %dma_wait3A_321 = tpu.memref_squeeze %dma_wait3A_320 : memref<1x50x128xf32, #tpu.memory_space<vmem>> -> memref<50x128xf32, #tpu.memory_space<vmem>>
      %dma_wait3A_322 = arith.constant 0 : i32
      %dma_wait3A_323 = tpu.memref_slice %arg7[%add3A_301, %dma_wait3A_322] : memref<32x50xi32, #tpu.memory_space<vmem>> -> memref<1x50xi32, #tpu.memory_space<vmem>>
      %dma_wait3A_324 = tpu.memref_squeeze %dma_wait3A_323 : memref<1x50xi32, #tpu.memory_space<vmem>> -> memref<50xi32, #tpu.memory_space<vmem>>
      %dma_wait3A_325 = arith.constant 0 : i32
      %dma_wait3A_326 = arith.constant 128 : i32
      %dma_wait3A_327 = tpu.memref_slice %arg3[%dma_wait3A_325, %dma_wait3A_326] : memref<100000x300xf32, #tpu.memory_space<hbm>> -> memref<100000x128xf32, #tpu.memory_space<hbm>>
      %dma_wait3A_328 = tpu.memref_slice %arg11[%dma_wait3A_317] : memref<4x!tpu.dma_semaphore, #tpu.memory_space<semaphore_mem>> -> memref<1x!tpu.dma_semaphore, #tpu.memory_space<semaphore_mem>>
      %dma_wait3A_329 = tpu.memref_squeeze %dma_wait3A_328 : memref<1x!tpu.dma_semaphore, #tpu.memory_space<semaphore_mem>> -> memref<!tpu.dma_semaphore, #tpu.memory_space<semaphore_mem>>
      tpu.wait_indirect_dma semaphore(%dma_wait3A_329 : memref<!tpu.dma_semaphore, #tpu.memory_space<semaphore_mem>>) src(%dma_wait3A_327 : memref<100000x128xf32, #tpu.memory_space<hbm>>) dst(%dma_wait3A_321 : memref<50x128xf32, #tpu.memory_space<vmem>>)
      %dma_wait3A_330 = arith.constant 2 : i32
      %dma_wait3A_331 = arith.constant 2 : i32
      %dma_wait3A_332 = arith.constant 0 : i32
      %dma_wait3A_333 = arith.constant 0 : i32
      %dma_wait3A_334 = tpu.memref_slice %arg10[%dma_wait3A_330, %dma_wait3A_332, %dma_wait3A_333] : memref<4x50x128xf32, #tpu.memory_space<vmem>> -> memref<1x50x128xf32, #tpu.memory_space<vmem>>
      %dma_wait3A_335 = tpu.memref_squeeze %dma_wait3A_334 : memref<1x50x128xf32, #tpu.memory_space<vmem>> -> memref<50x128xf32, #tpu.memory_space<vmem>>
      %dma_wait3A_336 = arith.constant 0 : i32
      %dma_wait3A_337 = tpu.memref_slice %arg7[%add3A_301, %dma_wait3A_336] : memref<32x50xi32, #tpu.memory_space<vmem>> -> memref<1x50xi32, #tpu.memory_space<vmem>>
      %dma_wait3A_338 = tpu.memref_squeeze %dma_wait3A_337 : memref<1x50xi32, #tpu.memory_space<vmem>> -> memref<50xi32, #tpu.memory_space<vmem>>
      %dma_wait3A_339 = arith.constant 0 : i32
      %dma_wait3A_340 = arith.constant 0 : i32
      %dma_wait3A_341 = tpu.memref_slice %arg4[%dma_wait3A_339, %dma_wait3A_340] : memref<100000x128xf32, #tpu.memory_space<hbm>> -> memref<100000x128xf32, #tpu.memory_space<hbm>>
      %dma_wait3A_342 = tpu.memref_slice %arg11[%dma_wait3A_331] : memref<4x!tpu.dma_semaphore, #tpu.memory_space<semaphore_mem>> -> memref<1x!tpu.dma_semaphore, #tpu.memory_space<semaphore_mem>>
      %dma_wait3A_343 = tpu.memref_squeeze %dma_wait3A_342 : memref<1x!tpu.dma_semaphore, #tpu.memory_space<semaphore_mem>> -> memref<!tpu.dma_semaphore, #tpu.memory_space<semaphore_mem>>
      tpu.wait_indirect_dma semaphore(%dma_wait3A_343 : memref<!tpu.dma_semaphore, #tpu.memory_space<semaphore_mem>>) src(%dma_wait3A_341 : memref<100000x128xf32, #tpu.memory_space<hbm>>) dst(%dma_wait3A_335 : memref<50x128xf32, #tpu.memory_space<vmem>>)
      %add3A_344 = arith.addi %mul3A_2, %add3A_301 : i32
      %run_scoped3A_345 = arith.constant 2 : i32
      "tpu.region"() ({
        %run_scoped3A_414 = tpu.sem_alloc : memref<!tpu.dma_semaphore, #tpu.memory_space<semaphore_mem>>
        %dma_start3A_415 = arith.constant 0 : i32
        %dma_start3A_416 = arith.constant 0 : i32
        %dma_start3A_417 = tpu.memref_slice %arg8[%run_scoped3A_345, %dma_start3A_415, %dma_start3A_416] : memref<4x50x128xf32, #tpu.memory_space<vmem>> -> memref<1x50x128xf32, #tpu.memory_space<vmem>>
        %dma_start3A_418 = tpu.memref_squeeze %dma_start3A_417 : memref<1x50x128xf32, #tpu.memory_space<vmem>> -> memref<50x128xf32, #tpu.memory_space<vmem>>
        %dma_start3A_419 = arith.constant 0 : i32
        %dma_start3A_420 = arith.constant 0 : i32
        %dma_start3A_421 = tpu.memref_slice %arg5[%add3A_344, %dma_start3A_419, %dma_start3A_420] : memref<1024x50x300xf32, #tpu.memory_space<hbm>> -> memref<1x50x128xf32, #tpu.memory_space<hbm>>
        %dma_start3A_422 = tpu.memref_squeeze %dma_start3A_421 : memref<1x50x128xf32, #tpu.memory_space<hbm>> -> memref<50x128xf32, #tpu.memory_space<hbm>>
        %dma_start3A_423 = arith.constant 0 : i32
        %dma_start3A_424 = arith.constant 0 : i32
        %dma_start3A_425 = tpu.memref_slice %arg5[%add3A_344, %dma_start3A_423, %dma_start3A_424] : memref<1024x50x300xf32, #tpu.memory_space<hbm>> -> memref<1x50x128xf32, #tpu.memory_space<hbm>>
        %dma_start3A_426 = tpu.memref_squeeze %dma_start3A_425 : memref<1x50x128xf32, #tpu.memory_space<hbm>> -> memref<50x128xf32, #tpu.memory_space<hbm>>
        %dma_start3A_427 = arith.constant 0 : i32
        %dma_start3A_428 = arith.constant 0 : i32
        %dma_start3A_429 = tpu.memref_slice %arg8[%run_scoped3A_345, %dma_start3A_427, %dma_start3A_428] : memref<4x50x128xf32, #tpu.memory_space<vmem>> -> memref<1x50x128xf32, #tpu.memory_space<vmem>>
        %dma_start3A_430 = tpu.memref_squeeze %dma_start3A_429 : memref<1x50x128xf32, #tpu.memory_space<vmem>> -> memref<50x128xf32, #tpu.memory_space<vmem>>
        tpu.enqueue_dma source(%dma_start3A_430 : memref<50x128xf32, #tpu.memory_space<vmem>>) target(%dma_start3A_426 : memref<50x128xf32, #tpu.memory_space<hbm>>) target_semaphore(%run_scoped3A_414 : memref<!tpu.dma_semaphore, #tpu.memory_space<semaphore_mem>>)
        %dma_wait3A_431 = arith.constant 0 : i32
        %dma_wait3A_432 = arith.constant 0 : i32
        %dma_wait3A_433 = tpu.memref_slice %arg8[%run_scoped3A_345, %dma_wait3A_431, %dma_wait3A_432] : memref<4x50x128xf32, #tpu.memory_space<vmem>> -> memref<1x50x128xf32, #tpu.memory_space<vmem>>
        %dma_wait3A_434 = tpu.memref_squeeze %dma_wait3A_433 : memref<1x50x128xf32, #tpu.memory_space<vmem>> -> memref<50x128xf32, #tpu.memory_space<vmem>>
        %dma_wait3A_435 = arith.constant 0 : i32
        %dma_wait3A_436 = arith.constant 0 : i32
        %dma_wait3A_437 = tpu.memref_slice %arg5[%add3A_344, %dma_wait3A_435, %dma_wait3A_436] : memref<1024x50x300xf32, #tpu.memory_space<hbm>> -> memref<1x50x128xf32, #tpu.memory_space<hbm>>
        %dma_wait3A_438 = tpu.memref_squeeze %dma_wait3A_437 : memref<1x50x128xf32, #tpu.memory_space<hbm>> -> memref<50x128xf32, #tpu.memory_space<hbm>>
        %dma_wait3A_439 = arith.constant 0 : i32
        %dma_wait3A_440 = arith.constant 0 : i32
        %dma_wait3A_441 = tpu.memref_slice %arg5[%add3A_344, %dma_wait3A_439, %dma_wait3A_440] : memref<1024x50x300xf32, #tpu.memory_space<hbm>> -> memref<1x50x128xf32, #tpu.memory_space<hbm>>
        %dma_wait3A_442 = tpu.memref_squeeze %dma_wait3A_441 : memref<1x50x128xf32, #tpu.memory_space<hbm>> -> memref<50x128xf32, #tpu.memory_space<hbm>>
        %dma_wait3A_443 = arith.constant 0 : i32
        %dma_wait3A_444 = arith.constant 0 : i32
        %dma_wait3A_445 = tpu.memref_slice %arg8[%run_scoped3A_345, %dma_wait3A_443, %dma_wait3A_444] : memref<4x50x128xf32, #tpu.memory_space<vmem>> -> memref<1x50x128xf32, #tpu.memory_space<vmem>>
        %dma_wait3A_446 = tpu.memref_squeeze %dma_wait3A_445 : memref<1x50x128xf32, #tpu.memory_space<vmem>> -> memref<50x128xf32, #tpu.memory_space<vmem>>
        tpu.wait_dma2 semaphore(%run_scoped3A_414 : memref<!tpu.dma_semaphore, #tpu.memory_space<semaphore_mem>>) src(%dma_wait3A_446 : memref<50x128xf32, #tpu.memory_space<vmem>>) dst(%dma_wait3A_442 : memref<50x128xf32, #tpu.memory_space<hbm>>)
        tpu.yield
      }) : () -> ()
      %add3A_346 = arith.addi %mul3A_2, %add3A_301 : i32
      %run_scoped3A_347 = arith.constant 2 : i32
      "tpu.region"() ({
        %run_scoped3A_414 = tpu.sem_alloc : memref<!tpu.dma_semaphore, #tpu.memory_space<semaphore_mem>>
        %dma_start3A_415 = arith.constant 0 : i32
        %dma_start3A_416 = arith.constant 0 : i32
        %dma_start3A_417 = tpu.memref_slice %arg9[%run_scoped3A_347, %dma_start3A_415, %dma_start3A_416] : memref<4x50x128xf32, #tpu.memory_space<vmem>> -> memref<1x50x128xf32, #tpu.memory_space<vmem>>
        %dma_start3A_418 = tpu.memref_squeeze %dma_start3A_417 : memref<1x50x128xf32, #tpu.memory_space<vmem>> -> memref<50x128xf32, #tpu.memory_space<vmem>>
        %dma_start3A_419 = arith.constant 0 : i32
        %dma_start3A_420 = arith.constant 128 : i32
        %dma_start3A_421 = tpu.memref_slice %arg5[%add3A_346, %dma_start3A_419, %dma_start3A_420] : memref<1024x50x300xf32, #tpu.memory_space<hbm>> -> memref<1x50x128xf32, #tpu.memory_space<hbm>>
        %dma_start3A_422 = tpu.memref_squeeze %dma_start3A_421 : memref<1x50x128xf32, #tpu.memory_space<hbm>> -> memref<50x128xf32, #tpu.memory_space<hbm>>
        %dma_start3A_423 = arith.constant 0 : i32
        %dma_start3A_424 = arith.constant 128 : i32
        %dma_start3A_425 = tpu.memref_slice %arg5[%add3A_346, %dma_start3A_423, %dma_start3A_424] : memref<1024x50x300xf32, #tpu.memory_space<hbm>> -> memref<1x50x128xf32, #tpu.memory_space<hbm>>
        %dma_start3A_426 = tpu.memref_squeeze %dma_start3A_425 : memref<1x50x128xf32, #tpu.memory_space<hbm>> -> memref<50x128xf32, #tpu.memory_space<hbm>>
        %dma_start3A_427 = arith.constant 0 : i32
        %dma_start3A_428 = arith.constant 0 : i32
        %dma_start3A_429 = tpu.memref_slice %arg9[%run_scoped3A_347, %dma_start3A_427, %dma_start3A_428] : memref<4x50x128xf32, #tpu.memory_space<vmem>> -> memref<1x50x128xf32, #tpu.memory_space<vmem>>
        %dma_start3A_430 = tpu.memref_squeeze %dma_start3A_429 : memref<1x50x128xf32, #tpu.memory_space<vmem>> -> memref<50x128xf32, #tpu.memory_space<vmem>>
        tpu.enqueue_dma source(%dma_start3A_430 : memref<50x128xf32, #tpu.memory_space<vmem>>) target(%dma_start3A_426 : memref<50x128xf32, #tpu.memory_space<hbm>>) target_semaphore(%run_scoped3A_414 : memref<!tpu.dma_semaphore, #tpu.memory_space<semaphore_mem>>)
        %dma_wait3A_431 = arith.constant 0 : i32
        %dma_wait3A_432 = arith.constant 0 : i32
        %dma_wait3A_433 = tpu.memref_slice %arg9[%run_scoped3A_347, %dma_wait3A_431, %dma_wait3A_432] : memref<4x50x128xf32, #tpu.memory_space<vmem>> -> memref<1x50x128xf32, #tpu.memory_space<vmem>>
        %dma_wait3A_434 = tpu.memref_squeeze %dma_wait3A_433 : memref<1x50x128xf32, #tpu.memory_space<vmem>> -> memref<50x128xf32, #tpu.memory_space<vmem>>
        %dma_wait3A_435 = arith.constant 0 : i32
        %dma_wait3A_436 = arith.constant 128 : i32
        %dma_wait3A_437 = tpu.memref_slice %arg5[%add3A_346, %dma_wait3A_435, %dma_wait3A_436] : memref<1024x50x300xf32, #tpu.memory_space<hbm>> -> memref<1x50x128xf32, #tpu.memory_space<hbm>>
        %dma_wait3A_438 = tpu.memref_squeeze %dma_wait3A_437 : memref<1x50x128xf32, #tpu.memory_space<hbm>> -> memref<50x128xf32, #tpu.memory_space<hbm>>
        %dma_wait3A_439 = arith.constant 0 : i32
        %dma_wait3A_440 = arith.constant 128 : i32
        %dma_wait3A_441 = tpu.memref_slice %arg5[%add3A_346, %dma_wait3A_439, %dma_wait3A_440] : memref<1024x50x300xf32, #tpu.memory_space<hbm>> -> memref<1x50x128xf32, #tpu.memory_space<hbm>>
        %dma_wait3A_442 = tpu.memref_squeeze %dma_wait3A_441 : memref<1x50x128xf32, #tpu.memory_space<hbm>> -> memref<50x128xf32, #tpu.memory_space<hbm>>
        %dma_wait3A_443 = arith.constant 0 : i32
        %dma_wait3A_444 = arith.constant 0 : i32
        %dma_wait3A_445 = tpu.memref_slice %arg9[%run_scoped3A_347, %dma_wait3A_443, %dma_wait3A_444] : memref<4x50x128xf32, #tpu.memory_space<vmem>> -> memref<1x50x128xf32, #tpu.memory_space<vmem>>
        %dma_wait3A_446 = tpu.memref_squeeze %dma_wait3A_445 : memref<1x50x128xf32, #tpu.memory_space<vmem>> -> memref<50x128xf32, #tpu.memory_space<vmem>>
        tpu.wait_dma2 semaphore(%run_scoped3A_414 : memref<!tpu.dma_semaphore, #tpu.memory_space<semaphore_mem>>) src(%dma_wait3A_446 : memref<50x128xf32, #tpu.memory_space<vmem>>) dst(%dma_wait3A_442 : memref<50x128xf32, #tpu.memory_space<hbm>>)
        tpu.yield
      }) : () -> ()
      %add3A_348 = arith.addi %mul3A_2, %add3A_301 : i32
      %run_scoped3A_349 = arith.constant 2 : i32
      "tpu.region"() ({
        %run_scoped3A_414 = tpu.sem_alloc : memref<!tpu.dma_semaphore, #tpu.memory_space<semaphore_mem>>
        %dma_start3A_415 = arith.constant 0 : i32
        %dma_start3A_416 = arith.constant 0 : i32
        %dma_start3A_417 = tpu.memref_slice %arg10[%run_scoped3A_349, %dma_start3A_415, %dma_start3A_416] : memref<4x50x128xf32, #tpu.memory_space<vmem>> -> memref<1x50x128xf32, #tpu.memory_space<vmem>>
        %dma_start3A_418 = tpu.memref_squeeze %dma_start3A_417 : memref<1x50x128xf32, #tpu.memory_space<vmem>> -> memref<50x128xf32, #tpu.memory_space<vmem>>
        %dma_start3A_419 = arith.constant 0 : i32
        %dma_start3A_420 = arith.constant 0 : i32
        %dma_start3A_421 = tpu.memref_slice %arg6[%add3A_348, %dma_start3A_419, %dma_start3A_420] : memref<1024x50x128xf32, #tpu.memory_space<hbm>> -> memref<1x50x128xf32, #tpu.memory_space<hbm>>
        %dma_start3A_422 = tpu.memref_squeeze %dma_start3A_421 : memref<1x50x128xf32, #tpu.memory_space<hbm>> -> memref<50x128xf32, #tpu.memory_space<hbm>>
        %dma_start3A_423 = arith.constant 0 : i32
        %dma_start3A_424 = arith.constant 0 : i32
        %dma_start3A_425 = tpu.memref_slice %arg6[%add3A_348, %dma_start3A_423, %dma_start3A_424] : memref<1024x50x128xf32, #tpu.memory_space<hbm>> -> memref<1x50x128xf32, #tpu.memory_space<hbm>>
        %dma_start3A_426 = tpu.memref_squeeze %dma_start3A_425 : memref<1x50x128xf32, #tpu.memory_space<hbm>> -> memref<50x128xf32, #tpu.memory_space<hbm>>
        %dma_start3A_427 = arith.constant 0 : i32
        %dma_start3A_428 = arith.constant 0 : i32
        %dma_start3A_429 = tpu.memref_slice %arg10[%run_scoped3A_349, %dma_start3A_427, %dma_start3A_428] : memref<4x50x128xf32, #tpu.memory_space<vmem>> -> memref<1x50x128xf32, #tpu.memory_space<vmem>>
        %dma_start3A_430 = tpu.memref_squeeze %dma_start3A_429 : memref<1x50x128xf32, #tpu.memory_space<vmem>> -> memref<50x128xf32, #tpu.memory_space<vmem>>
        tpu.enqueue_dma source(%dma_start3A_430 : memref<50x128xf32, #tpu.memory_space<vmem>>) target(%dma_start3A_426 : memref<50x128xf32, #tpu.memory_space<hbm>>) target_semaphore(%run_scoped3A_414 : memref<!tpu.dma_semaphore, #tpu.memory_space<semaphore_mem>>)
        %dma_wait3A_431 = arith.constant 0 : i32
        %dma_wait3A_432 = arith.constant 0 : i32
        %dma_wait3A_433 = tpu.memref_slice %arg10[%run_scoped3A_349, %dma_wait3A_431, %dma_wait3A_432] : memref<4x50x128xf32, #tpu.memory_space<vmem>> -> memref<1x50x128xf32, #tpu.memory_space<vmem>>
        %dma_wait3A_434 = tpu.memref_squeeze %dma_wait3A_433 : memref<1x50x128xf32, #tpu.memory_space<vmem>> -> memref<50x128xf32, #tpu.memory_space<vmem>>
        %dma_wait3A_435 = arith.constant 0 : i32
        %dma_wait3A_436 = arith.constant 0 : i32
        %dma_wait3A_437 = tpu.memref_slice %arg6[%add3A_348, %dma_wait3A_435, %dma_wait3A_436] : memref<1024x50x128xf32, #tpu.memory_space<hbm>> -> memref<1x50x128xf32, #tpu.memory_space<hbm>>
        %dma_wait3A_438 = tpu.memref_squeeze %dma_wait3A_437 : memref<1x50x128xf32, #tpu.memory_space<hbm>> -> memref<50x128xf32, #tpu.memory_space<hbm>>
        %dma_wait3A_439 = arith.constant 0 : i32
        %dma_wait3A_440 = arith.constant 0 : i32
        %dma_wait3A_441 = tpu.memref_slice %arg6[%add3A_348, %dma_wait3A_439, %dma_wait3A_440] : memref<1024x50x128xf32, #tpu.memory_space<hbm>> -> memref<1x50x128xf32, #tpu.memory_space<hbm>>
        %dma_wait3A_442 = tpu.memref_squeeze %dma_wait3A_441 : memref<1x50x128xf32, #tpu.memory_space<hbm>> -> memref<50x128xf32, #tpu.memory_space<hbm>>
        %dma_wait3A_443 = arith.constant 0 : i32
        %dma_wait3A_444 = arith.constant 0 : i32
        %dma_wait3A_445 = tpu.memref_slice %arg10[%run_scoped3A_349, %dma_wait3A_443, %dma_wait3A_444] : memref<4x50x128xf32, #tpu.memory_space<vmem>> -> memref<1x50x128xf32, #tpu.memory_space<vmem>>
        %dma_wait3A_446 = tpu.memref_squeeze %dma_wait3A_445 : memref<1x50x128xf32, #tpu.memory_space<vmem>> -> memref<50x128xf32, #tpu.memory_space<vmem>>
        tpu.wait_dma2 semaphore(%run_scoped3A_414 : memref<!tpu.dma_semaphore, #tpu.memory_space<semaphore_mem>>) src(%dma_wait3A_446 : memref<50x128xf32, #tpu.memory_space<vmem>>) dst(%dma_wait3A_442 : memref<50x128xf32, #tpu.memory_space<hbm>>)
        tpu.yield
      }) : () -> ()
      %add3A_350 = arith.constant 4 : i32
      %add3A_351 = arith.addi %add3A_301, %add3A_350 : i32
      %lt3A_352 = arith.constant 32 : i32
      %lt3A_353 = arith.cmpi slt, %add3A_351, %lt3A_352 : i32
      %convert_element_type3A_354 = arith.extui %lt3A_353 : i1 to i32
      %cond3A_355 = arith.constant 0 : i32
      %cond3A_356 = arith.cmpi ne, %convert_element_type3A_354, %cond3A_355 : i32
      scf.if %cond3A_356 {
        %add3A_414 = arith.constant 4 : i32
        %add3A_415 = arith.addi %add3A_301, %add3A_414 : i32
        %dma_start3A_416 = arith.constant 2 : i32
        %dma_start3A_417 = arith.constant 2 : i32
        %dma_start3A_418 = arith.constant 0 : i32
        %dma_start3A_419 = arith.constant 0 : i32
        %dma_start3A_420 = tpu.memref_slice %arg8[%dma_start3A_416, %dma_start3A_418, %dma_start3A_419] : memref<4x50x128xf32, #tpu.memory_space<vmem>> -> memref<1x50x128xf32, #tpu.memory_space<vmem>>
        %dma_start3A_421 = tpu.memref_squeeze %dma_start3A_420 : memref<1x50x128xf32, #tpu.memory_space<vmem>> -> memref<50x128xf32, #tpu.memory_space<vmem>>
        %dma_start3A_422 = arith.constant 0 : i32
        %dma_start3A_423 = tpu.memref_slice %arg7[%add3A_415, %dma_start3A_422] : memref<32x50xi32, #tpu.memory_space<vmem>> -> memref<1x50xi32, #tpu.memory_space<vmem>>
        %dma_start3A_424 = tpu.memref_squeeze %dma_start3A_423 : memref<1x50xi32, #tpu.memory_space<vmem>> -> memref<50xi32, #tpu.memory_space<vmem>>
        %dma_start3A_425 = arith.constant 0 : i32
        %dma_start3A_426 = arith.constant 0 : i32
        %dma_start3A_427 = tpu.memref_slice %arg3[%dma_start3A_425, %dma_start3A_426] : memref<100000x300xf32, #tpu.memory_space<hbm>> -> memref<100000x128xf32, #tpu.memory_space<hbm>>
        %dma_start3A_428 = tpu.memref_slice %arg11[%dma_start3A_417] : memref<4x!tpu.dma_semaphore, #tpu.memory_space<semaphore_mem>> -> memref<1x!tpu.dma_semaphore, #tpu.memory_space<semaphore_mem>>
        %dma_start3A_429 = tpu.memref_squeeze %dma_start3A_428 : memref<1x!tpu.dma_semaphore, #tpu.memory_space<semaphore_mem>> -> memref<!tpu.dma_semaphore, #tpu.memory_space<semaphore_mem>>
        tpu.enqueue_indirect_dma source(%dma_start3A_427 : memref<100000x128xf32, #tpu.memory_space<hbm>>) target(%dma_start3A_421 : memref<50x128xf32, #tpu.memory_space<vmem>>) offsets(%dma_start3A_424 : memref<50xi32, #tpu.memory_space<vmem>>) semaphore(%dma_start3A_429 : memref<!tpu.dma_semaphore, #tpu.memory_space<semaphore_mem>>)
        %dma_start3A_430 = arith.constant 2 : i32
        %dma_start3A_431 = arith.constant 2 : i32
        %dma_start3A_432 = arith.constant 0 : i32
        %dma_start3A_433 = arith.constant 0 : i32
        %dma_start3A_434 = tpu.memref_slice %arg9[%dma_start3A_430, %dma_start3A_432, %dma_start3A_433] : memref<4x50x128xf32, #tpu.memory_space<vmem>> -> memref<1x50x128xf32, #tpu.memory_space<vmem>>
        %dma_start3A_435 = tpu.memref_squeeze %dma_start3A_434 : memref<1x50x128xf32, #tpu.memory_space<vmem>> -> memref<50x128xf32, #tpu.memory_space<vmem>>
        %dma_start3A_436 = arith.constant 0 : i32
        %dma_start3A_437 = tpu.memref_slice %arg7[%add3A_415, %dma_start3A_436] : memref<32x50xi32, #tpu.memory_space<vmem>> -> memref<1x50xi32, #tpu.memory_space<vmem>>
        %dma_start3A_438 = tpu.memref_squeeze %dma_start3A_437 : memref<1x50xi32, #tpu.memory_space<vmem>> -> memref<50xi32, #tpu.memory_space<vmem>>
        %dma_start3A_439 = arith.constant 0 : i32
        %dma_start3A_440 = arith.constant 128 : i32
        %dma_start3A_441 = tpu.memref_slice %arg3[%dma_start3A_439, %dma_start3A_440] : memref<100000x300xf32, #tpu.memory_space<hbm>> -> memref<100000x128xf32, #tpu.memory_space<hbm>>
        %dma_start3A_442 = tpu.memref_slice %arg11[%dma_start3A_431] : memref<4x!tpu.dma_semaphore, #tpu.memory_space<semaphore_mem>> -> memref<1x!tpu.dma_semaphore, #tpu.memory_space<semaphore_mem>>
        %dma_start3A_443 = tpu.memref_squeeze %dma_start3A_442 : memref<1x!tpu.dma_semaphore, #tpu.memory_space<semaphore_mem>> -> memref<!tpu.dma_semaphore, #tpu.memory_space<semaphore_mem>>
        tpu.enqueue_indirect_dma source(%dma_start3A_441 : memref<100000x128xf32, #tpu.memory_space<hbm>>) target(%dma_start3A_435 : memref<50x128xf32, #tpu.memory_space<vmem>>) offsets(%dma_start3A_438 : memref<50xi32, #tpu.memory_space<vmem>>) semaphore(%dma_start3A_443 : memref<!tpu.dma_semaphore, #tpu.memory_space<semaphore_mem>>)
        %dma_start3A_444 = arith.constant 2 : i32
        %dma_start3A_445 = arith.constant 2 : i32
        %dma_start3A_446 = arith.constant 0 : i32
        %dma_start3A_447 = arith.constant 0 : i32
        %dma_start3A_448 = tpu.memref_slice %arg10[%dma_start3A_444, %dma_start3A_446, %dma_start3A_447] : memref<4x50x128xf32, #tpu.memory_space<vmem>> -> memref<1x50x128xf32, #tpu.memory_space<vmem>>
        %dma_start3A_449 = tpu.memref_squeeze %dma_start3A_448 : memref<1x50x128xf32, #tpu.memory_space<vmem>> -> memref<50x128xf32, #tpu.memory_space<vmem>>
        %dma_start3A_450 = arith.constant 0 : i32
        %dma_start3A_451 = tpu.memref_slice %arg7[%add3A_415, %dma_start3A_450] : memref<32x50xi32, #tpu.memory_space<vmem>> -> memref<1x50xi32, #tpu.memory_space<vmem>>
        %dma_start3A_452 = tpu.memref_squeeze %dma_start3A_451 : memref<1x50xi32, #tpu.memory_space<vmem>> -> memref<50xi32, #tpu.memory_space<vmem>>
        %dma_start3A_453 = arith.constant 0 : i32
        %dma_start3A_454 = arith.constant 0 : i32
        %dma_start3A_455 = tpu.memref_slice %arg4[%dma_start3A_453, %dma_start3A_454] : memref<100000x128xf32, #tpu.memory_space<hbm>> -> memref<100000x128xf32, #tpu.memory_space<hbm>>
        %dma_start3A_456 = tpu.memref_slice %arg11[%dma_start3A_445] : memref<4x!tpu.dma_semaphore, #tpu.memory_space<semaphore_mem>> -> memref<1x!tpu.dma_semaphore, #tpu.memory_space<semaphore_mem>>
        %dma_start3A_457 = tpu.memref_squeeze %dma_start3A_456 : memref<1x!tpu.dma_semaphore, #tpu.memory_space<semaphore_mem>> -> memref<!tpu.dma_semaphore, #tpu.memory_space<semaphore_mem>>
        tpu.enqueue_indirect_dma source(%dma_start3A_455 : memref<100000x128xf32, #tpu.memory_space<hbm>>) target(%dma_start3A_449 : memref<50x128xf32, #tpu.memory_space<vmem>>) offsets(%dma_start3A_452 : memref<50xi32, #tpu.memory_space<vmem>>) semaphore(%dma_start3A_457 : memref<!tpu.dma_semaphore, #tpu.memory_space<semaphore_mem>>)
      } else {
      }
      %add3A_357 = arith.constant 3 : i32
      %add3A_358 = arith.addi %add3A_190, %add3A_357 : i32
      %dma_wait3A_359 = arith.constant 3 : i32
      %dma_wait3A_360 = arith.constant 3 : i32
      %dma_wait3A_361 = arith.constant 0 : i32
      %dma_wait3A_362 = arith.constant 0 : i32
      %dma_wait3A_363 = tpu.memref_slice %arg8[%dma_wait3A_359, %dma_wait3A_361, %dma_wait3A_362] : memref<4x50x128xf32, #tpu.memory_space<vmem>> -> memref<1x50x128xf32, #tpu.memory_space<vmem>>
      %dma_wait3A_364 = tpu.memref_squeeze %dma_wait3A_363 : memref<1x50x128xf32, #tpu.memory_space<vmem>> -> memref<50x128xf32, #tpu.memory_space<vmem>>
      %dma_wait3A_365 = arith.constant 0 : i32
      %dma_wait3A_366 = tpu.memref_slice %arg7[%add3A_358, %dma_wait3A_365] : memref<32x50xi32, #tpu.memory_space<vmem>> -> memref<1x50xi32, #tpu.memory_space<vmem>>
      %dma_wait3A_367 = tpu.memref_squeeze %dma_wait3A_366 : memref<1x50xi32, #tpu.memory_space<vmem>> -> memref<50xi32, #tpu.memory_space<vmem>>
      %dma_wait3A_368 = arith.constant 0 : i32
      %dma_wait3A_369 = arith.constant 0 : i32
      %dma_wait3A_370 = tpu.memref_slice %arg3[%dma_wait3A_368, %dma_wait3A_369] : memref<100000x300xf32, #tpu.memory_space<hbm>> -> memref<100000x128xf32, #tpu.memory_space<hbm>>
      %dma_wait3A_371 = tpu.memref_slice %arg11[%dma_wait3A_360] : memref<4x!tpu.dma_semaphore, #tpu.memory_space<semaphore_mem>> -> memref<1x!tpu.dma_semaphore, #tpu.memory_space<semaphore_mem>>
      %dma_wait3A_372 = tpu.memref_squeeze %dma_wait3A_371 : memref<1x!tpu.dma_semaphore, #tpu.memory_space<semaphore_mem>> -> memref<!tpu.dma_semaphore, #tpu.memory_space<semaphore_mem>>
      tpu.wait_indirect_dma semaphore(%dma_wait3A_372 : memref<!tpu.dma_semaphore, #tpu.memory_space<semaphore_mem>>) src(%dma_wait3A_370 : memref<100000x128xf32, #tpu.memory_space<hbm>>) dst(%dma_wait3A_364 : memref<50x128xf32, #tpu.memory_space<vmem>>)
      %dma_wait3A_373 = arith.constant 3 : i32
      %dma_wait3A_374 = arith.constant 3 : i32
      %dma_wait3A_375 = arith.constant 0 : i32
      %dma_wait3A_376 = arith.constant 0 : i32
      %dma_wait3A_377 = tpu.memref_slice %arg9[%dma_wait3A_373, %dma_wait3A_375, %dma_wait3A_376] : memref<4x50x128xf32, #tpu.memory_space<vmem>> -> memref<1x50x128xf32, #tpu.memory_space<vmem>>
      %dma_wait3A_378 = tpu.memref_squeeze %dma_wait3A_377 : memref<1x50x128xf32, #tpu.memory_space<vmem>> -> memref<50x128xf32, #tpu.memory_space<vmem>>
      %dma_wait3A_379 = arith.constant 0 : i32
      %dma_wait3A_380 = tpu.memref_slice %arg7[%add3A_358, %dma_wait3A_379] : memref<32x50xi32, #tpu.memory_space<vmem>> -> memref<1x50xi32, #tpu.memory_space<vmem>>
      %dma_wait3A_381 = tpu.memref_squeeze %dma_wait3A_380 : memref<1x50xi32, #tpu.memory_space<vmem>> -> memref<50xi32, #tpu.memory_space<vmem>>
      %dma_wait3A_382 = arith.constant 0 : i32
      %dma_wait3A_383 = arith.constant 128 : i32
      %dma_wait3A_384 = tpu.memref_slice %arg3[%dma_wait3A_382, %dma_wait3A_383] : memref<100000x300xf32, #tpu.memory_space<hbm>> -> memref<100000x128xf32, #tpu.memory_space<hbm>>
      %dma_wait3A_385 = tpu.memref_slice %arg11[%dma_wait3A_374] : memref<4x!tpu.dma_semaphore, #tpu.memory_space<semaphore_mem>> -> memref<1x!tpu.dma_semaphore, #tpu.memory_space<semaphore_mem>>
      %dma_wait3A_386 = tpu.memref_squeeze %dma_wait3A_385 : memref<1x!tpu.dma_semaphore, #tpu.memory_space<semaphore_mem>> -> memref<!tpu.dma_semaphore, #tpu.memory_space<semaphore_mem>>
      tpu.wait_indirect_dma semaphore(%dma_wait3A_386 : memref<!tpu.dma_semaphore, #tpu.memory_space<semaphore_mem>>) src(%dma_wait3A_384 : memref<100000x128xf32, #tpu.memory_space<hbm>>) dst(%dma_wait3A_378 : memref<50x128xf32, #tpu.memory_space<vmem>>)
      %dma_wait3A_387 = arith.constant 3 : i32
      %dma_wait3A_388 = arith.constant 3 : i32
      %dma_wait3A_389 = arith.constant 0 : i32
      %dma_wait3A_390 = arith.constant 0 : i32
      %dma_wait3A_391 = tpu.memref_slice %arg10[%dma_wait3A_387, %dma_wait3A_389, %dma_wait3A_390] : memref<4x50x128xf32, #tpu.memory_space<vmem>> -> memref<1x50x128xf32, #tpu.memory_space<vmem>>
      %dma_wait3A_392 = tpu.memref_squeeze %dma_wait3A_391 : memref<1x50x128xf32, #tpu.memory_space<vmem>> -> memref<50x128xf32, #tpu.memory_space<vmem>>
      %dma_wait3A_393 = arith.constant 0 : i32
      %dma_wait3A_394 = tpu.memref_slice %arg7[%add3A_358, %dma_wait3A_393] : memref<32x50xi32, #tpu.memory_space<vmem>> -> memref<1x50xi32, #tpu.memory_space<vmem>>
      %dma_wait3A_395 = tpu.memref_squeeze %dma_wait3A_394 : memref<1x50xi32, #tpu.memory_space<vmem>> -> memref<50xi32, #tpu.memory_space<vmem>>
      %dma_wait3A_396 = arith.constant 0 : i32
      %dma_wait3A_397 = arith.constant 0 : i32
      %dma_wait3A_398 = tpu.memref_slice %arg4[%dma_wait3A_396, %dma_wait3A_397] : memref<100000x128xf32, #tpu.memory_space<hbm>> -> memref<100000x128xf32, #tpu.memory_space<hbm>>
      %dma_wait3A_399 = tpu.memref_slice %arg11[%dma_wait3A_388] : memref<4x!tpu.dma_semaphore, #tpu.memory_space<semaphore_mem>> -> memref<1x!tpu.dma_semaphore, #tpu.memory_space<semaphore_mem>>
      %dma_wait3A_400 = tpu.memref_squeeze %dma_wait3A_399 : memref<1x!tpu.dma_semaphore, #tpu.memory_space<semaphore_mem>> -> memref<!tpu.dma_semaphore, #tpu.memory_space<semaphore_mem>>
      tpu.wait_indirect_dma semaphore(%dma_wait3A_400 : memref<!tpu.dma_semaphore, #tpu.memory_space<semaphore_mem>>) src(%dma_wait3A_398 : memref<100000x128xf32, #tpu.memory_space<hbm>>) dst(%dma_wait3A_392 : memref<50x128xf32, #tpu.memory_space<vmem>>)
      %add3A_401 = arith.addi %mul3A_2, %add3A_358 : i32
      %run_scoped3A_402 = arith.constant 3 : i32
      "tpu.region"() ({
        %run_scoped3A_414 = tpu.sem_alloc : memref<!tpu.dma_semaphore, #tpu.memory_space<semaphore_mem>>
        %dma_start3A_415 = arith.constant 0 : i32
        %dma_start3A_416 = arith.constant 0 : i32
        %dma_start3A_417 = tpu.memref_slice %arg8[%run_scoped3A_402, %dma_start3A_415, %dma_start3A_416] : memref<4x50x128xf32, #tpu.memory_space<vmem>> -> memref<1x50x128xf32, #tpu.memory_space<vmem>>
        %dma_start3A_418 = tpu.memref_squeeze %dma_start3A_417 : memref<1x50x128xf32, #tpu.memory_space<vmem>> -> memref<50x128xf32, #tpu.memory_space<vmem>>
        %dma_start3A_419 = arith.constant 0 : i32
        %dma_start3A_420 = arith.constant 0 : i32
        %dma_start3A_421 = tpu.memref_slice %arg5[%add3A_401, %dma_start3A_419, %dma_start3A_420] : memref<1024x50x300xf32, #tpu.memory_space<hbm>> -> memref<1x50x128xf32, #tpu.memory_space<hbm>>
        %dma_start3A_422 = tpu.memref_squeeze %dma_start3A_421 : memref<1x50x128xf32, #tpu.memory_space<hbm>> -> memref<50x128xf32, #tpu.memory_space<hbm>>
        %dma_start3A_423 = arith.constant 0 : i32
        %dma_start3A_424 = arith.constant 0 : i32
        %dma_start3A_425 = tpu.memref_slice %arg5[%add3A_401, %dma_start3A_423, %dma_start3A_424] : memref<1024x50x300xf32, #tpu.memory_space<hbm>> -> memref<1x50x128xf32, #tpu.memory_space<hbm>>
        %dma_start3A_426 = tpu.memref_squeeze %dma_start3A_425 : memref<1x50x128xf32, #tpu.memory_space<hbm>> -> memref<50x128xf32, #tpu.memory_space<hbm>>
        %dma_start3A_427 = arith.constant 0 : i32
        %dma_start3A_428 = arith.constant 0 : i32
        %dma_start3A_429 = tpu.memref_slice %arg8[%run_scoped3A_402, %dma_start3A_427, %dma_start3A_428] : memref<4x50x128xf32, #tpu.memory_space<vmem>> -> memref<1x50x128xf32, #tpu.memory_space<vmem>>
        %dma_start3A_430 = tpu.memref_squeeze %dma_start3A_429 : memref<1x50x128xf32, #tpu.memory_space<vmem>> -> memref<50x128xf32, #tpu.memory_space<vmem>>
        tpu.enqueue_dma source(%dma_start3A_430 : memref<50x128xf32, #tpu.memory_space<vmem>>) target(%dma_start3A_426 : memref<50x128xf32, #tpu.memory_space<hbm>>) target_semaphore(%run_scoped3A_414 : memref<!tpu.dma_semaphore, #tpu.memory_space<semaphore_mem>>)
        %dma_wait3A_431 = arith.constant 0 : i32
        %dma_wait3A_432 = arith.constant 0 : i32
        %dma_wait3A_433 = tpu.memref_slice %arg8[%run_scoped3A_402, %dma_wait3A_431, %dma_wait3A_432] : memref<4x50x128xf32, #tpu.memory_space<vmem>> -> memref<1x50x128xf32, #tpu.memory_space<vmem>>
        %dma_wait3A_434 = tpu.memref_squeeze %dma_wait3A_433 : memref<1x50x128xf32, #tpu.memory_space<vmem>> -> memref<50x128xf32, #tpu.memory_space<vmem>>
        %dma_wait3A_435 = arith.constant 0 : i32
        %dma_wait3A_436 = arith.constant 0 : i32
        %dma_wait3A_437 = tpu.memref_slice %arg5[%add3A_401, %dma_wait3A_435, %dma_wait3A_436] : memref<1024x50x300xf32, #tpu.memory_space<hbm>> -> memref<1x50x128xf32, #tpu.memory_space<hbm>>
        %dma_wait3A_438 = tpu.memref_squeeze %dma_wait3A_437 : memref<1x50x128xf32, #tpu.memory_space<hbm>> -> memref<50x128xf32, #tpu.memory_space<hbm>>
        %dma_wait3A_439 = arith.constant 0 : i32
        %dma_wait3A_440 = arith.constant 0 : i32
        %dma_wait3A_441 = tpu.memref_slice %arg5[%add3A_401, %dma_wait3A_439, %dma_wait3A_440] : memref<1024x50x300xf32, #tpu.memory_space<hbm>> -> memref<1x50x128xf32, #tpu.memory_space<hbm>>
        %dma_wait3A_442 = tpu.memref_squeeze %dma_wait3A_441 : memref<1x50x128xf32, #tpu.memory_space<hbm>> -> memref<50x128xf32, #tpu.memory_space<hbm>>
        %dma_wait3A_443 = arith.constant 0 : i32
        %dma_wait3A_444 = arith.constant 0 : i32
        %dma_wait3A_445 = tpu.memref_slice %arg8[%run_scoped3A_402, %dma_wait3A_443, %dma_wait3A_444] : memref<4x50x128xf32, #tpu.memory_space<vmem>> -> memref<1x50x128xf32, #tpu.memory_space<vmem>>
        %dma_wait3A_446 = tpu.memref_squeeze %dma_wait3A_445 : memref<1x50x128xf32, #tpu.memory_space<vmem>> -> memref<50x128xf32, #tpu.memory_space<vmem>>
        tpu.wait_dma2 semaphore(%run_scoped3A_414 : memref<!tpu.dma_semaphore, #tpu.memory_space<semaphore_mem>>) src(%dma_wait3A_446 : memref<50x128xf32, #tpu.memory_space<vmem>>) dst(%dma_wait3A_442 : memref<50x128xf32, #tpu.memory_space<hbm>>)
        tpu.yield
      }) : () -> ()
      %add3A_403 = arith.addi %mul3A_2, %add3A_358 : i32
      %run_scoped3A_404 = arith.constant 3 : i32
      "tpu.region"() ({
        %run_scoped3A_414 = tpu.sem_alloc : memref<!tpu.dma_semaphore, #tpu.memory_space<semaphore_mem>>
        %dma_start3A_415 = arith.constant 0 : i32
        %dma_start3A_416 = arith.constant 0 : i32
        %dma_start3A_417 = tpu.memref_slice %arg9[%run_scoped3A_404, %dma_start3A_415, %dma_start3A_416] : memref<4x50x128xf32, #tpu.memory_space<vmem>> -> memref<1x50x128xf32, #tpu.memory_space<vmem>>
        %dma_start3A_418 = tpu.memref_squeeze %dma_start3A_417 : memref<1x50x128xf32, #tpu.memory_space<vmem>> -> memref<50x128xf32, #tpu.memory_space<vmem>>
        %dma_start3A_419 = arith.constant 0 : i32
        %dma_start3A_420 = arith.constant 128 : i32
        %dma_start3A_421 = tpu.memref_slice %arg5[%add3A_403, %dma_start3A_419, %dma_start3A_420] : memref<1024x50x300xf32, #tpu.memory_space<hbm>> -> memref<1x50x128xf32, #tpu.memory_space<hbm>>
        %dma_start3A_422 = tpu.memref_squeeze %dma_start3A_421 : memref<1x50x128xf32, #tpu.memory_space<hbm>> -> memref<50x128xf32, #tpu.memory_space<hbm>>
        %dma_start3A_423 = arith.constant 0 : i32
        %dma_start3A_424 = arith.constant 128 : i32
        %dma_start3A_425 = tpu.memref_slice %arg5[%add3A_403, %dma_start3A_423, %dma_start3A_424] : memref<1024x50x300xf32, #tpu.memory_space<hbm>> -> memref<1x50x128xf32, #tpu.memory_space<hbm>>
        %dma_start3A_426 = tpu.memref_squeeze %dma_start3A_425 : memref<1x50x128xf32, #tpu.memory_space<hbm>> -> memref<50x128xf32, #tpu.memory_space<hbm>>
        %dma_start3A_427 = arith.constant 0 : i32
        %dma_start3A_428 = arith.constant 0 : i32
        %dma_start3A_429 = tpu.memref_slice %arg9[%run_scoped3A_404, %dma_start3A_427, %dma_start3A_428] : memref<4x50x128xf32, #tpu.memory_space<vmem>> -> memref<1x50x128xf32, #tpu.memory_space<vmem>>
        %dma_start3A_430 = tpu.memref_squeeze %dma_start3A_429 : memref<1x50x128xf32, #tpu.memory_space<vmem>> -> memref<50x128xf32, #tpu.memory_space<vmem>>
        tpu.enqueue_dma source(%dma_start3A_430 : memref<50x128xf32, #tpu.memory_space<vmem>>) target(%dma_start3A_426 : memref<50x128xf32, #tpu.memory_space<hbm>>) target_semaphore(%run_scoped3A_414 : memref<!tpu.dma_semaphore, #tpu.memory_space<semaphore_mem>>)
        %dma_wait3A_431 = arith.constant 0 : i32
        %dma_wait3A_432 = arith.constant 0 : i32
        %dma_wait3A_433 = tpu.memref_slice %arg9[%run_scoped3A_404, %dma_wait3A_431, %dma_wait3A_432] : memref<4x50x128xf32, #tpu.memory_space<vmem>> -> memref<1x50x128xf32, #tpu.memory_space<vmem>>
        %dma_wait3A_434 = tpu.memref_squeeze %dma_wait3A_433 : memref<1x50x128xf32, #tpu.memory_space<vmem>> -> memref<50x128xf32, #tpu.memory_space<vmem>>
        %dma_wait3A_435 = arith.constant 0 : i32
        %dma_wait3A_436 = arith.constant 128 : i32
        %dma_wait3A_437 = tpu.memref_slice %arg5[%add3A_403, %dma_wait3A_435, %dma_wait3A_436] : memref<1024x50x300xf32, #tpu.memory_space<hbm>> -> memref<1x50x128xf32, #tpu.memory_space<hbm>>
        %dma_wait3A_438 = tpu.memref_squeeze %dma_wait3A_437 : memref<1x50x128xf32, #tpu.memory_space<hbm>> -> memref<50x128xf32, #tpu.memory_space<hbm>>
        %dma_wait3A_439 = arith.constant 0 : i32
        %dma_wait3A_440 = arith.constant 128 : i32
        %dma_wait3A_441 = tpu.memref_slice %arg5[%add3A_403, %dma_wait3A_439, %dma_wait3A_440] : memref<1024x50x300xf32, #tpu.memory_space<hbm>> -> memref<1x50x128xf32, #tpu.memory_space<hbm>>
        %dma_wait3A_442 = tpu.memref_squeeze %dma_wait3A_441 : memref<1x50x128xf32, #tpu.memory_space<hbm>> -> memref<50x128xf32, #tpu.memory_space<hbm>>
        %dma_wait3A_443 = arith.constant 0 : i32
        %dma_wait3A_444 = arith.constant 0 : i32
        %dma_wait3A_445 = tpu.memref_slice %arg9[%run_scoped3A_404, %dma_wait3A_443, %dma_wait3A_444] : memref<4x50x128xf32, #tpu.memory_space<vmem>> -> memref<1x50x128xf32, #tpu.memory_space<vmem>>
        %dma_wait3A_446 = tpu.memref_squeeze %dma_wait3A_445 : memref<1x50x128xf32, #tpu.memory_space<vmem>> -> memref<50x128xf32, #tpu.memory_space<vmem>>
        tpu.wait_dma2 semaphore(%run_scoped3A_414 : memref<!tpu.dma_semaphore, #tpu.memory_space<semaphore_mem>>) src(%dma_wait3A_446 : memref<50x128xf32, #tpu.memory_space<vmem>>) dst(%dma_wait3A_442 : memref<50x128xf32, #tpu.memory_space<hbm>>)
        tpu.yield
      }) : () -> ()
      %add3A_405 = arith.addi %mul3A_2, %add3A_358 : i32
      %run_scoped3A_406 = arith.constant 3 : i32
      "tpu.region"() ({
        %run_scoped3A_414 = tpu.sem_alloc : memref<!tpu.dma_semaphore, #tpu.memory_space<semaphore_mem>>
        %dma_start3A_415 = arith.constant 0 : i32
        %dma_start3A_416 = arith.constant 0 : i32
        %dma_start3A_417 = tpu.memref_slice %arg10[%run_scoped3A_406, %dma_start3A_415, %dma_start3A_416] : memref<4x50x128xf32, #tpu.memory_space<vmem>> -> memref<1x50x128xf32, #tpu.memory_space<vmem>>
        %dma_start3A_418 = tpu.memref_squeeze %dma_start3A_417 : memref<1x50x128xf32, #tpu.memory_space<vmem>> -> memref<50x128xf32, #tpu.memory_space<vmem>>
        %dma_start3A_419 = arith.constant 0 : i32
        %dma_start3A_420 = arith.constant 0 : i32
        %dma_start3A_421 = tpu.memref_slice %arg6[%add3A_405, %dma_start3A_419, %dma_start3A_420] : memref<1024x50x128xf32, #tpu.memory_space<hbm>> -> memref<1x50x128xf32, #tpu.memory_space<hbm>>
        %dma_start3A_422 = tpu.memref_squeeze %dma_start3A_421 : memref<1x50x128xf32, #tpu.memory_space<hbm>> -> memref<50x128xf32, #tpu.memory_space<hbm>>
        %dma_start3A_423 = arith.constant 0 : i32
        %dma_start3A_424 = arith.constant 0 : i32
        %dma_start3A_425 = tpu.memref_slice %arg6[%add3A_405, %dma_start3A_423, %dma_start3A_424] : memref<1024x50x128xf32, #tpu.memory_space<hbm>> -> memref<1x50x128xf32, #tpu.memory_space<hbm>>
        %dma_start3A_426 = tpu.memref_squeeze %dma_start3A_425 : memref<1x50x128xf32, #tpu.memory_space<hbm>> -> memref<50x128xf32, #tpu.memory_space<hbm>>
        %dma_start3A_427 = arith.constant 0 : i32
        %dma_start3A_428 = arith.constant 0 : i32
        %dma_start3A_429 = tpu.memref_slice %arg10[%run_scoped3A_406, %dma_start3A_427, %dma_start3A_428] : memref<4x50x128xf32, #tpu.memory_space<vmem>> -> memref<1x50x128xf32, #tpu.memory_space<vmem>>
        %dma_start3A_430 = tpu.memref_squeeze %dma_start3A_429 : memref<1x50x128xf32, #tpu.memory_space<vmem>> -> memref<50x128xf32, #tpu.memory_space<vmem>>
        tpu.enqueue_dma source(%dma_start3A_430 : memref<50x128xf32, #tpu.memory_space<vmem>>) target(%dma_start3A_426 : memref<50x128xf32, #tpu.memory_space<hbm>>) target_semaphore(%run_scoped3A_414 : memref<!tpu.dma_semaphore, #tpu.memory_space<semaphore_mem>>)
        %dma_wait3A_431 = arith.constant 0 : i32
        %dma_wait3A_432 = arith.constant 0 : i32
        %dma_wait3A_433 = tpu.memref_slice %arg10[%run_scoped3A_406, %dma_wait3A_431, %dma_wait3A_432] : memref<4x50x128xf32, #tpu.memory_space<vmem>> -> memref<1x50x128xf32, #tpu.memory_space<vmem>>
        %dma_wait3A_434 = tpu.memref_squeeze %dma_wait3A_433 : memref<1x50x128xf32, #tpu.memory_space<vmem>> -> memref<50x128xf32, #tpu.memory_space<vmem>>
        %dma_wait3A_435 = arith.constant 0 : i32
        %dma_wait3A_436 = arith.constant 0 : i32
        %dma_wait3A_437 = tpu.memref_slice %arg6[%add3A_405, %dma_wait3A_435, %dma_wait3A_436] : memref<1024x50x128xf32, #tpu.memory_space<hbm>> -> memref<1x50x128xf32, #tpu.memory_space<hbm>>
        %dma_wait3A_438 = tpu.memref_squeeze %dma_wait3A_437 : memref<1x50x128xf32, #tpu.memory_space<hbm>> -> memref<50x128xf32, #tpu.memory_space<hbm>>
        %dma_wait3A_439 = arith.constant 0 : i32
        %dma_wait3A_440 = arith.constant 0 : i32
        %dma_wait3A_441 = tpu.memref_slice %arg6[%add3A_405, %dma_wait3A_439, %dma_wait3A_440] : memref<1024x50x128xf32, #tpu.memory_space<hbm>> -> memref<1x50x128xf32, #tpu.memory_space<hbm>>
        %dma_wait3A_442 = tpu.memref_squeeze %dma_wait3A_441 : memref<1x50x128xf32, #tpu.memory_space<hbm>> -> memref<50x128xf32, #tpu.memory_space<hbm>>
        %dma_wait3A_443 = arith.constant 0 : i32
        %dma_wait3A_444 = arith.constant 0 : i32
        %dma_wait3A_445 = tpu.memref_slice %arg10[%run_scoped3A_406, %dma_wait3A_443, %dma_wait3A_444] : memref<4x50x128xf32, #tpu.memory_space<vmem>> -> memref<1x50x128xf32, #tpu.memory_space<vmem>>
        %dma_wait3A_446 = tpu.memref_squeeze %dma_wait3A_445 : memref<1x50x128xf32, #tpu.memory_space<vmem>> -> memref<50x128xf32, #tpu.memory_space<vmem>>
        tpu.wait_dma2 semaphore(%run_scoped3A_414 : memref<!tpu.dma_semaphore, #tpu.memory_space<semaphore_mem>>) src(%dma_wait3A_446 : memref<50x128xf32, #tpu.memory_space<vmem>>) dst(%dma_wait3A_442 : memref<50x128xf32, #tpu.memory_space<hbm>>)
        tpu.yield
      }) : () -> ()
      %add3A_407 = arith.constant 4 : i32
      %add3A_408 = arith.addi %add3A_358, %add3A_407 : i32
      %lt3A_409 = arith.constant 32 : i32
      %lt3A_410 = arith.cmpi slt, %add3A_408, %lt3A_409 : i32
      %convert_element_type3A_411 = arith.extui %lt3A_410 : i1 to i32
      %cond3A_412 = arith.constant 0 : i32
      %cond3A_413 = arith.cmpi ne, %convert_element_type3A_411, %cond3A_412 : i32
      scf.if %cond3A_413 {
        %add3A_414 = arith.constant 4 : i32
        %add3A_415 = arith.addi %add3A_358, %add3A_414 : i32
        %dma_start3A_416 = arith.constant 3 : i32
        %dma_start3A_417 = arith.constant 3 : i32
        %dma_start3A_418 = arith.constant 0 : i32
        %dma_start3A_419 = arith.constant 0 : i32
        %dma_start3A_420 = tpu.memref_slice %arg8[%dma_start3A_416, %dma_start3A_418, %dma_start3A_419] : memref<4x50x128xf32, #tpu.memory_space<vmem>> -> memref<1x50x128xf32, #tpu.memory_space<vmem>>
        %dma_start3A_421 = tpu.memref_squeeze %dma_start3A_420 : memref<1x50x128xf32, #tpu.memory_space<vmem>> -> memref<50x128xf32, #tpu.memory_space<vmem>>
        %dma_start3A_422 = arith.constant 0 : i32
        %dma_start3A_423 = tpu.memref_slice %arg7[%add3A_415, %dma_start3A_422] : memref<32x50xi32, #tpu.memory_space<vmem>> -> memref<1x50xi32, #tpu.memory_space<vmem>>
        %dma_start3A_424 = tpu.memref_squeeze %dma_start3A_423 : memref<1x50xi32, #tpu.memory_space<vmem>> -> memref<50xi32, #tpu.memory_space<vmem>>
        %dma_start3A_425 = arith.constant 0 : i32
        %dma_start3A_426 = arith.constant 0 : i32
        %dma_start3A_427 = tpu.memref_slice %arg3[%dma_start3A_425, %dma_start3A_426] : memref<100000x300xf32, #tpu.memory_space<hbm>> -> memref<100000x128xf32, #tpu.memory_space<hbm>>
        %dma_start3A_428 = tpu.memref_slice %arg11[%dma_start3A_417] : memref<4x!tpu.dma_semaphore, #tpu.memory_space<semaphore_mem>> -> memref<1x!tpu.dma_semaphore, #tpu.memory_space<semaphore_mem>>
        %dma_start3A_429 = tpu.memref_squeeze %dma_start3A_428 : memref<1x!tpu.dma_semaphore, #tpu.memory_space<semaphore_mem>> -> memref<!tpu.dma_semaphore, #tpu.memory_space<semaphore_mem>>
        tpu.enqueue_indirect_dma source(%dma_start3A_427 : memref<100000x128xf32, #tpu.memory_space<hbm>>) target(%dma_start3A_421 : memref<50x128xf32, #tpu.memory_space<vmem>>) offsets(%dma_start3A_424 : memref<50xi32, #tpu.memory_space<vmem>>) semaphore(%dma_start3A_429 : memref<!tpu.dma_semaphore, #tpu.memory_space<semaphore_mem>>)
        %dma_start3A_430 = arith.constant 3 : i32
        %dma_start3A_431 = arith.constant 3 : i32
        %dma_start3A_432 = arith.constant 0 : i32
        %dma_start3A_433 = arith.constant 0 : i32
        %dma_start3A_434 = tpu.memref_slice %arg9[%dma_start3A_430, %dma_start3A_432, %dma_start3A_433] : memref<4x50x128xf32, #tpu.memory_space<vmem>> -> memref<1x50x128xf32, #tpu.memory_space<vmem>>
        %dma_start3A_435 = tpu.memref_squeeze %dma_start3A_434 : memref<1x50x128xf32, #tpu.memory_space<vmem>> -> memref<50x128xf32, #tpu.memory_space<vmem>>
        %dma_start3A_436 = arith.constant 0 : i32
        %dma_start3A_437 = tpu.memref_slice %arg7[%add3A_415, %dma_start3A_436] : memref<32x50xi32, #tpu.memory_space<vmem>> -> memref<1x50xi32, #tpu.memory_space<vmem>>
        %dma_start3A_438 = tpu.memref_squeeze %dma_start3A_437 : memref<1x50xi32, #tpu.memory_space<vmem>> -> memref<50xi32, #tpu.memory_space<vmem>>
        %dma_start3A_439 = arith.constant 0 : i32
        %dma_start3A_440 = arith.constant 128 : i32
        %dma_start3A_441 = tpu.memref_slice %arg3[%dma_start3A_439, %dma_start3A_440] : memref<100000x300xf32, #tpu.memory_space<hbm>> -> memref<100000x128xf32, #tpu.memory_space<hbm>>
        %dma_start3A_442 = tpu.memref_slice %arg11[%dma_start3A_431] : memref<4x!tpu.dma_semaphore, #tpu.memory_space<semaphore_mem>> -> memref<1x!tpu.dma_semaphore, #tpu.memory_space<semaphore_mem>>
        %dma_start3A_443 = tpu.memref_squeeze %dma_start3A_442 : memref<1x!tpu.dma_semaphore, #tpu.memory_space<semaphore_mem>> -> memref<!tpu.dma_semaphore, #tpu.memory_space<semaphore_mem>>
        tpu.enqueue_indirect_dma source(%dma_start3A_441 : memref<100000x128xf32, #tpu.memory_space<hbm>>) target(%dma_start3A_435 : memref<50x128xf32, #tpu.memory_space<vmem>>) offsets(%dma_start3A_438 : memref<50xi32, #tpu.memory_space<vmem>>) semaphore(%dma_start3A_443 : memref<!tpu.dma_semaphore, #tpu.memory_space<semaphore_mem>>)
        %dma_start3A_444 = arith.constant 3 : i32
        %dma_start3A_445 = arith.constant 3 : i32
        %dma_start3A_446 = arith.constant 0 : i32
        %dma_start3A_447 = arith.constant 0 : i32
        %dma_start3A_448 = tpu.memref_slice %arg10[%dma_start3A_444, %dma_start3A_446, %dma_start3A_447] : memref<4x50x128xf32, #tpu.memory_space<vmem>> -> memref<1x50x128xf32, #tpu.memory_space<vmem>>
        %dma_start3A_449 = tpu.memref_squeeze %dma_start3A_448 : memref<1x50x128xf32, #tpu.memory_space<vmem>> -> memref<50x128xf32, #tpu.memory_space<vmem>>
        %dma_start3A_450 = arith.constant 0 : i32
        %dma_start3A_451 = tpu.memref_slice %arg7[%add3A_415, %dma_start3A_450] : memref<32x50xi32, #tpu.memory_space<vmem>> -> memref<1x50xi32, #tpu.memory_space<vmem>>
        %dma_start3A_452 = tpu.memref_squeeze %dma_start3A_451 : memref<1x50xi32, #tpu.memory_space<vmem>> -> memref<50xi32, #tpu.memory_space<vmem>>
        %dma_start3A_453 = arith.constant 0 : i32
        %dma_start3A_454 = arith.constant 0 : i32
        %dma_start3A_455 = tpu.memref_slice %arg4[%dma_start3A_453, %dma_start3A_454] : memref<100000x128xf32, #tpu.memory_space<hbm>> -> memref<100000x128xf32, #tpu.memory_space<hbm>>
        %dma_start3A_456 = tpu.memref_slice %arg11[%dma_start3A_445] : memref<4x!tpu.dma_semaphore, #tpu.memory_space<semaphore_mem>> -> memref<1x!tpu.dma_semaphore, #tpu.memory_space<semaphore_mem>>
        %dma_start3A_457 = tpu.memref_squeeze %dma_start3A_456 : memref<1x!tpu.dma_semaphore, #tpu.memory_space<semaphore_mem>> -> memref<!tpu.dma_semaphore, #tpu.memory_space<semaphore_mem>>
        tpu.enqueue_indirect_dma source(%dma_start3A_455 : memref<100000x128xf32, #tpu.memory_space<hbm>>) target(%dma_start3A_449 : memref<50x128xf32, #tpu.memory_space<vmem>>) offsets(%dma_start3A_452 : memref<50xi32, #tpu.memory_space<vmem>>) semaphore(%dma_start3A_457 : memref<!tpu.dma_semaphore, #tpu.memory_space<semaphore_mem>>)
      } else {
      }
    }
    %scan3A_185 = arith.constant 8 : i32
    return
  }
}

</mosaic_0001>

<sc_bundles>
// kernel: kernel.3.cloned.1.call-start
scs
__scs_entry_jumppad:
0x0: {  	(pc) =	sbr.rel $0x88, $3  }
0x1: {  	(tag) =	ssettag $0x0;
	lr =	simm.s32 $0x1  }
0x2: {  	[smem:$0x3F9F] =	sst lr;
	_ =	strace $0xD0000000  }
0x3: {  	_ = 	snop  }
0x4: {  	_ = 	snop  }
0x5: {  	_ = 	snop  }
0x6: {  	_ = 	snop  }
0x7: {  	_ = 	snop  }
__scs_overlays_trampoline_lowered:
0x8: {  	[smem:$0x3FAE] =	sst s0  }
0x9: {  	[smem:$0x3FAF] =	sst s1  }
0xa: {  	[smem:$0x3FB0] =	sst s2  }
0xb: {  	[smem:$0x3FB1] =	sst s3  }
0xc: {  	[smem:$0x3FB2] =	sst s4  }
0xd: {  	[smem:$0x3FB3] =	sst s5  }
0xe: {  	[smem:$0x3FB4] =	sst s6  }
0xf: {  	[smem:$0x3FB5] =	sst s7  }
0x10: {  	[smem:$0x3FB6] =	sst s8  }
0x11: {  	[smem:$0x3FB7] =	sst s9;
	s0 =	simm.s32 @!p0 $0x0  }
0x12: {  	s1 =	sld [smem:$0x3F9D];
	s0 =	simm.s32 @p0 $0x1  }
0x13: {  	[smem:$0x3FB8] =	sst s0;
	s0 =	simm.s32 @!p1 $0x0  }
0x14: {  	s2 =	sld [smem:$0x3F9C];
	s0 =	simm.s32 @p1 $0x1  }
0x15: {  	[smem:$0x3FB9] =	sst s0;
	s0 =	simm.s32 @!p2 $0x0  }
0x16: {  	s3 =	sld [smem:$0x3FDB];
	s0 =	simm.s32 @p2 $0x1  }
0x17: {  	s4 =	simm.s32 $0x1BF5;
	[smem:$0x3FBB] =	sst s0  }
0x18: {  	s0 =	sld [smem:$0x3F9E];
	_ =	swait.ge [sflag:s4], $0x0  }
0x19: {  	s7 =	sld [smem:$0x3F9F]  }
0x1a: {  	s8 =	sadd.s32 $0xFFFFE003, lr  }
0x1b: {  	s9 =	sadd.s32 $0xFFFFFEF7, lr;
	s5 =	simm.s32 $0xFFFFFFFF;
	p2 =	slt.u32 s8, $0xFFFFF086  }
0x1c: {  	p1 =	slt.u32 s9, $0xF7A;
	s5 =	simm.s32 @!p2 $0x0  }
0x1d: {  	s5 =	simm.s32 @p1 $0x1;
	p0 =	seq.s32 s7, s2  }
0x1e: {  	s7 =	smul.u32 @!p0 $0xF7A, s2;
	p2 =	seq.s32 @!p0 s5, $0x0  }
0x1f: {  	s9 =	smul.u32 $0xF7A, s1;
	s8 =	simm.s32 @!p0 $0x1BF5;
	p2 =	por !p2, p0  }
0x20: {  	[sflag:s8] =	ssyncset.s32 @!p0 $0xFFFFF086;
	s6 =	sadd.s32 @!p0 s3, s7;
	s7 =	simm.s32 @!p0 $0x108  }
0x21: {  	s3 =	sadd.s32 s3, s9;
	s6 =	sadd.s32 @!p0 $0x88, s6;
	s7 =	simm.s32 @p2 $0x1082  }
0x22: {  	[simem:s7], [sflag:s8] =	dma.local @!p0 [hbm:s6], $0xF7A  }
0x23: {  	s9 =	sor.u32 $0xD0000000, s2;
	s6 =	simm.s32 $0x108;
	_ =	swait.ge @!p0 [sflag:s8], $0x0  }
0x24: {  	s3 =	sadd.s32 $0x88, s3;
	s6 =	simm.s32 @!p1 $0x1082;
	[sflag:s4] =	ssyncset.s32 $0xFFFFF086  }
0x25: {  	[simem:s6], [sflag:s4] =	dma.local [hbm:s3], $0xF7A  }
0x26: {  	[smem:$0x3F9F] =	sst s1;
	(tag) =	ssettag s2;
	_ =	strace s9  }
0x27: {  	s1 =	sld [smem:$0x3FAF]  }
0x28: {  	s2 =	sld [smem:$0x3FB0]  }
0x29: {  	s4 =	sld [smem:$0x3FB2]  }
0x2a: {  	p0 =	seq.s32 s5, $0x0;
	s5 =	sld [smem:$0x3FB3]  }
0x2b: {  	s6 =	sld [smem:$0x3FB4]  }
0x2c: {  	s7 =	sld [smem:$0x3FB5]  }
0x2d: {  	s3 =	simm.s32 $0x108;
	s8 =	sld [smem:$0x3FB6]  }
0x2e: {  	s3 =	simm.s32 @!p0 $0x1082;
	s9 =	sld [smem:$0x3FB7]  }
0x2f: {  	lr =	sadd.s32 s0, s3;
	s0 =	sld [smem:$0x3FAE]  }
0x30: {  	s3 =	sld [smem:$0x3FB1]  }
0x31: {  	[smem:$0x3FBA] =	sst s10  }
0x32: {  	s10 =	sld [smem:$0x3FB8];
	_ =	sdelay $0x3  }
0x33: {  	p0 =	seq.s32 s10, $0x1;
	s10 =	sld [smem:$0x3FBA];
	_ =	sdelay $0x3  }
0x34: {  	[smem:$0x3FBA] =	sst s10  }
0x35: {  	s10 =	sld [smem:$0x3FB9];
	_ =	sdelay $0x3  }
0x36: {  	p1 =	seq.s32 s10, $0x1;
	s10 =	sld [smem:$0x3FBA];
	_ =	sdelay $0x3  }
0x37: {  	[smem:$0x3FBA] =	sst s10  }
0x38: {  	s10 =	sld [smem:$0x3FBB]  }
0x39: {  	_ = 	snop;
	(pc) =	sbr.ind lr, $3  }
0x3a: {  	_ = 	snop  }
0x3b: {  	_ = 	snop  }
0x3c: {  	p2 =	seq.s32 s10, $0x1;
	s10 =	sld [smem:$0x3FBA]  }
0x3d: {  	_ =	shalt  }
0x3e: {  	_ =	shalt  }
0x3f: {  	_ =	shalt  }
0x40: {  	_ =	shalt  }
0x41: {  	_ =	shalt  }
0x42: {  	_ =	shalt  }
0x43: {  	_ =	shalt  }
0x44: {  	_ =	shalt  }
0x45: {  	_ =	shalt  }
0x46: {  	_ =	shalt  }
0x47: {  	_ =	shalt  }
0x48: {  	_ =	shalt  }
0x49: {  	_ =	shalt  }
0x4a: {  	_ =	shalt  }
0x4b: {  	_ =	shalt  }
0x4c: {  	_ =	shalt  }
0x4d: {  	_ =	shalt  }
0x4e: {  	_ =	shalt  }
0x4f: {  	_ =	shalt  }
0x50: {  	_ =	shalt  }
0x51: {  	_ =	shalt  }
0x52: {  	_ =	shalt  }
0x53: {  	_ =	shalt  }
0x54: {  	_ =	shalt  }
0x55: {  	_ =	shalt  }
0x56: {  	_ =	shalt  }
0x57: {  	_ =	shalt  }
0x58: {  	_ =	shalt  }
0x59: {  	_ =	shalt  }
0x5a: {  	_ =	shalt  }
0x5b: {  	_ =	shalt  }
0x5c: {  	_ =	shalt  }
0x5d: {  	_ =	shalt  }
0x5e: {  	_ =	shalt  }
0x5f: {  	_ =	shalt  }
0x60: {  	_ =	shalt  }
0x61: {  	_ =	shalt  }
0x62: {  	_ =	shalt  }
0x63: {  	_ =	shalt  }
0x64: {  	_ =	shalt  }
0x65: {  	_ =	shalt  }
0x66: {  	_ =	shalt  }
0x67: {  	_ =	shalt  }
0x68: {  	_ =	shalt  }
0x69: {  	_ =	shalt  }
0x6a: {  	_ =	shalt  }
0x6b: {  	_ =	shalt  }
0x6c: {  	_ =	shalt  }
0x6d: {  	_ =	shalt  }
0x6e: {  	_ =	shalt  }
0x6f: {  	_ =	shalt  }
0x70: {  	_ =	shalt  }
0x71: {  	_ =	shalt  }
0x72: {  	_ =	shalt  }
0x73: {  	_ =	shalt  }
0x74: {  	_ =	shalt  }
0x75: {  	_ =	shalt  }
0x76: {  	_ =	shalt  }
0x77: {  	_ =	shalt  }
0x78: {  	_ =	shalt  }
0x79: {  	_ =	shalt  }
0x7a: {  	_ =	shalt  }
0x7b: {  	_ =	shalt  }
0x7c: {  	_ =	shalt  }
0x7d: {  	_ =	shalt  }
0x7e: {  	_ =	shalt  }
0x7f: {  	_ =	shalt  }
0x80: {  	_ =	shalt  }
0x81: {  	_ =	shalt  }
0x82: {  	_ =	shalt  }
0x83: {  	_ =	shalt  }
0x84: {  	_ =	shalt  }
0x85: {  	_ =	shalt  }
0x86: {  	_ =	shalt  }
0x87: {  	_ =	shalt  }
.Lfunc_end0:
.L_simem_size_0:
called_computation.1_lowered:
.L_overlay_start_0:
0x88: {  	s2 =	sld [smem:$0x3FD9]  }
0x89: {  	s3 =	sld [smem:$0x3FFE];
	_ =	sdelay $0x1  }
0x8a: {  	s1 =	srdreg.scid  }
0x8b: {  	s0 =	sand.u32 $0x1, s1  }
0x8c: {  	s17 =	sshll.u32 s0, $0xA;
	s2 =	sadd.s32 s3, s2  }
0x8d: {  	s2 =	sadd.s32 s2, s17  }
0x8e: {  	[smem:$0x3FC6] =	sst s2  }
0x8f: {  	_ = 	snop  }
0x90: {  	s2 =	sld [smem:$0x3FD0];
	(tm) =	ssettm $0x1  }
0x91: {  	s18 =	sld [smem:$0x3FFB];
	_ =	sdelay $0x3  }
0x92: {  	_ =	strace s18  }
0x93: {  	s3 =	sld [smem:$0x3FFC];
	_ =	sdelay $0x3  }
0x94: {  	_ =	strace s3  }
0x95: {  	s3 =	sld [smem:$0x3FFD];
	_ =	sdelay $0x3  }
0x96: {  	_ =	strace s3  }
0x97: {  	_ =	strace $0x8FFFFFFF  }
0x98: {  	s19 =	sld [smem:$0x3FDB];
	_ =	sdelay $0x1  }
0x99: {  	s4 =	simm.s32 $_scs_section_size  }
0x9a: {  	s5 =	simm.s32 $_size__tile_overlayer_lowered;
	s6 =	simm.s32 $_tile_overlayer_lowered  }
0x9b: {  	s22 =	simm.s32 $0x1BFF;
	s21 =	sshll.u32 s6, $0x1;
	s3 =	sadd.s32 s4, s19  }
0x9c: {  	s7 =	simm.s32 $0x0;
	s20 =	sshll.u32 s5, $0x1;
	s5 =	sadd.s32 s21, s3  }
0x9d: {  	[timem:s7], [sflag:s22] =	dma.local [hbm:s5], s20  }
0x9e: {  	_ =	swait.ge [sflag:s22], s20  }
0x9f: {  	s4 =	ssub.s32 $0x0, s20;
	[sflag:s22] =	ssyncset.done $0x0  }
0xa0: {  	[sflag:s22] =	ssyncadd.s32 s4;
	_ =	sdelay $0x1  }
0xa1: {  	s23 =	simm.s32 $0x1B8B  }
0xa2: {  	_ =	swait.ge [sflag:s23], $0x1  }
0xa3: {  	[sflag:s23] =	ssyncset.done $0x0  }
0xa4: {  	s25 =	simm.s32 $0x1B8E;
	s24 =	sld [smem:$0x3FFE];
	[sflag:s23] =	ssyncadd.s32 $0xFFFFFFFF  }
0xa5: {  	s26 =	simm.s32 $execute0_lowered;
	[smem:$0x3FD2] =	sst s25  }
0xa6: {  	s5 =	sshll.u32 s26, $0x1;
	_ =	strace $0x80000046;
	[dreg:$0x1] =	wrdreg $0xFFFFFFFF  }
0xa7: {  	s28 =	simm.s32 $_size_execute0_lowered;
	s3 =	sadd.s32 s3, s5;
	[dreg:$0x0] =	wrdreg $0x0  }
0xa8: {  	s5 =	sshll.u32 s28, $0x1;
	[dreg:$0x2] =	wrdreg s3  }
0xa9: {  	[dreg:$0x3] =	wrdreg s5  }
0xaa: {  	[dreg:$0x4] =	wrdreg $0xC0  }
0xab: {  	_ =	task [dreg:s7], $0x5FFFF  }
0xac: {  	[dreg:$0x1] =	wrdreg $0xFFFFFFFF  }
0xad: {  	[dreg:$0x0] =	wrdreg $0x60  }
0xae: {  	[dreg:$0x2] =	wrdreg s24  }
0xaf: {  	[dreg:$0x3] =	wrdreg s2  }
0xb0: {  	[dreg:$0x4] =	wrdreg $0x9  }
0xb1: {  	_ =	task.clear_ibuf [dreg:s7], $0x5FFFF;
	_ =	strace $0x90000046  }
0xb2: {  	s29 =	simm.s32 $0x9;
	_ =	strace $0x80000048  }
0xb3: {  	_ =	swait.ge [sflag:s29], $0x1  }
0xb4: {  	[sflag:s29] =	ssyncadd.s32 $0xFFFFFFFF  }
0xb5: {  	_ =	strace $0x90000048  }
0xb6: {  	_ =	sfence  }
0xb7: {  	s30 =	sld [smem:$0x0];
	_ =	sdelay $0x2  }
0xb8: {  	s31 =	sshll.u32 s1, $0xD;
	s1 =	sshrl.u32 s1, $0x2  }
0xb9: {  	s3 =	sand.u32 $0x4000, s31;
	s1 =	sadd.s32 s1, s30  }
0xba: {  	s0 =	sor.u32 s3, s0;
	s1 =	sshll.u32 s1, $0x11  }
0xbb: {  	s0 =	sor.u32 s1, s0  }
0xbc: {  	s0 =	sadd.s32 $0x8F2B, s0  }
0xbd: {  	[sflag:s0] =	ssyncadd.remote.s32 $0x1  }
0xbe: {  	_ =	sfence.sel $0xFFFF  }
0xbf: {  	[dreg:$0x0] =	wrdreg $0xFFFFFFFF;
	(pc) =	sbr.abs _section_cstart, $3  }
0xc0: {  	[dreg:$0x1] =	wrdreg $0xFFFFFFFF  }
0xc1: {  	_ =	task.clear_ibuf [dreg:s7], $0x2FFFF;
	_ =	strace $0x9FFFFFFF  }
0xc2: {  	(tm) =	ssettm $0x7FFFFFFF  }
0xc3: {  	_ =	shalt  }
tec
execute0_lowered:
.L_overlay_start_1:
0x0: {  	(tag) =	ssettag $0x1  }
0x1: {  	s0 =	rddreg [dreg:$0x0]  }
0x2: {  	s2 =	rddreg [dreg:$0x1]  }
0x3: {  	s1 =	srdreg.scid;
	s13 =	stileid.u32  }
0x4: {  	s3 =	simm.s32 $0x0;
	s30 =	simm.s32 $0x32;
	s15 =	simm.s32 $0xD000  }
0x5: {  	s20 =	simm.s32 $0x12800;
	s16 =	simm.s32 $0x7C00;
	s14 =	simm.s32 $0x400  }
0x6: {  	s17 =	simm.s32 $0xEC00;
	s19 =	simm.s32 $0x3;
	s6 =	smul.u32 $0xE000, s13  }
0x7: {  	s28 =	simm.s32 $0x4;
	s1 =	sand.u32 $0x1, s1;
	s10 =	smul.u32 $0x150000, s13  }
0x8: {  	s4 =	sshll.u32 s13, $0xA;
	[smem:$0x7FF] =	sst s3;
	s24 =	smul.u32 $0x2A000, s13  }
0x9: {  	s11 =	sadd.s32 $0x498A00, s0;
	s13 =	simm.s32 $0x1;
	s8 =	smul.u32 $0x7000, s1  }
0xa: {  	s5 =	sshll.u32 s1, $0x9;
	_ =	strace $0x80000047;
	s21 =	smul.u32 $0xA8000, s1  }
0xb: {  	s7 =	ssub.s32 $0x2, s1;
	s26 =	smul.u32 $0x15000, s1;
	s4 =	sor.u32 s5, s4  }
0xc: {  	s9 =	sshrl.u32 s7, $0x1;
	s12 =	sadd.s32 s6, s0;
	s6 =	sadd.s32 $0x4C80, s0  }
0xd: {  	s5 =	sadd.s32 s4, s0;
	s4 =	sadd.s32 $0x4C00, s0;
	s7 =	ssub.s32 s7, s9  }
0xe: {  	s23 =	sadd.s32 s8, s12;
	s25 =	sadd.s32 s21, s10;
	s12 =	simm.s32 $0x5  }
0xf: {  	s8 =	simm.s32 $0x14400;
	s5 =	sadd.s32 $0xC00, s5;
	s22 =	smax.u32 s7, $0x1  }
0x10: {  	v0 =	vimm.s32 $0x3;
	s0 =	sadd.s32 $0x739480, s23;
	s29 =	sor.u32 $0x5800, s25;
	[dreg:$0x3] =	wrdreg s5  }
0x11: {  	v1 =	vimm.s32 $0x7;
	v2 =	vimm.s32 $0x0;
	v3 =	vlaneseq.u32;
	s7 =	sadd.s32 $0x10000, s25;
	s23 =	simm.s32 $0x6400;
	[dreg:$0x4] =	wrdreg s22  }
.Ltmp0:
0x12: {  	vm0 =	vmmov $0x1;
	v4 =	vimm.s32 $0x1;
	v5 =	vimm.s32 $0x2;
	s25 =	simm.s32 $0xD400;
	[dreg:$0x5] =	wrdreg s0;
	(pc) =	sbr.rel .LBB2_1-.Ltmp0, $4  }
0x13: {  	v6 =	vimm.s32 $0x4;
	v7 =	vimm.s32 $0x5;
	v8 =	vimm.s32 $0x6;
	s5 =	sadd.s32 s24, s11;
	s1 =	sshrl.u32 s29, $0x3;
	s31 =	sshrl.u32 s7, $0x3  }
0x14: {  	v9 =	vimm.s32 $0x8;
	v10 =	vimm.s32 $0x9;
	v11 =	vimm.s32 $0xA;
	s22 =	simm.s32 $0x4800;
	s7 =	simm.s32 $0xB800;
	s24 =	simm.s32 $0x2  }
0x15: {  	v12 =	vimm.s32 $0xB;
	v13 =	vimm.s32 $0xC;
	v14 =	vimm.s32 $0xD;
	s9 =	sadd.s32 s26, s5;
	s10 =	sadd.s32 s1, s11;
	s11 =	sadd.s32 s31, s11  }
0x16: {  	v15 =	vimm.s32 $0xE;
	v16 =	vimm.s32 $0xF;
	v3 =	vmul.u32 $0x8, v3;
	s26 =	simm.s32 $0x6000;
	s1 =	simm.s32 $0xC00;
	s5 =	simm.s32 $0x0  }
.LBB2_10:
0x17: {  	s5 =	rddreg [dreg:$0x6]  }
0x18: {  	s0 =	rddreg [dreg:$0x4];
	s5 =	sadd.s32 $0x1, s5  }
0x19: {  	p0 =	sne.s32 s5, s0  }
.Ltmp1:
0x1a: {  	_ = 	snop;
	(pc) =	sbr.rel @!p0 .LBB2_11-.Ltmp1, $1  }
0x1b: {  	_ =	sdelay $0x3  }
.LBB2_1:
0x1c: {  	[dreg:$0x6] =	wrdreg s5  }
0x1d: {  	s0 =	rddreg [dreg:$0x3]  }
0x1e: {  	[tilespmem:s3], [sflag:$0x5] =	stream.linear.gather [hbm4b:s0+s3], $0x1000, $0x38;
	[tilespmem:$0x16000] =	vst v63  }
0x1f: {  	_ =	swait.ge [sflag:s12], $0x1000  }
0x20: {  	[sflag:s12] =	ssyncset.done $0x0  }
0x21: {  	[sflag:s12] =	ssyncadd.s32 $0xFFFFF000  }
0x22: {  	v17 =	vld [tilespmem:$0x0];
	_ =	sdelay $0x4  }
0x23: {  	v18 =	vshrl.u32 v17, $0x3  }
0x24: {  	v18 =	vmul.u32 $0x18, v18  }
0x25: {  	v17 =	vand.u32 $0x7, v17  }
0x26: {  	v17 =	vor.u32 v17, v18  }
0x27: {  	v18 =	vperm.xlane v17, v2;
	_ =	sdelay $0x1  }
0x28: {  	v19 =	vperm.xlane v17, v4;
	v18 =	vadd.s32 v3, v18;
	_ =	sdelay $0x1  }
0x29: {  	v20 =	vperm.xlane v17, v5;
	v19 =	vadd.s32 v3, v19;
	_ =	sdelay $0x1  }
0x2a: {  	s18 =	simm.s32 $0x1000;
	v21 =	vperm.xlane v17, v0;
	v20 =	vadd.s32 v3, v20  }
0x2b: {  	[tilespmem:s18], [sflag:$0x1] =	stream.indirect_vreg.gather [hbm4b:s4+s3], $0x80, v18, vm0, $0xb8;
	[tilespmem:$0x16000] =	vst v63  }
0x2c: {  	s21 =	simm.s32 $0x1080;
	v58 =	vperm.xlane v17, v6;
	v18 =	vadd.s32 v3, v21  }
0x2d: {  	[tilespmem:s21], [sflag:$0x1] =	stream.indirect_vreg.gather [hbm4b:s4+s3], $0x80, v19, vm0, $0xb8;
	[tilespmem:$0x16000] =	vst v63  }
0x2e: {  	s5 =	simm.s32 $0x1100;
	v59 =	vperm.xlane v17, v7;
	v19 =	vadd.s32 v3, v58  }
0x2f: {  	[tilespmem:s5], [sflag:$0x1] =	stream.indirect_vreg.gather [hbm4b:s4+s3], $0x80, v20, vm0, $0xb8;
	[tilespmem:$0x16000] =	vst v63  }
0x30: {  	v61 =	vperm.xlane v17, v8;
	v60 =	vadd.s32 v3, v59;
	s18 =	simm.s32 $0x1180  }
0x31: {  	[tilespmem:s18], [sflag:$0x1] =	stream.indirect_vreg.gather [hbm4b:s4+s3], $0x80, v18, vm0, $0xb8;
	[tilespmem:$0x16000] =	vst v63  }
0x32: {  	v62 =	vperm.xlane v17, v1;
	s21 =	simm.s32 $0x1200;
	v18 =	vadd.s32 v3, v61  }
0x33: {  	[tilespmem:s21], [sflag:$0x1] =	stream.indirect_vreg.gather [hbm4b:s4+s3], $0x80, v19, vm0, $0xb8;
	[tilespmem:$0x16000] =	vst v63  }
0x34: {  	v63 =	vperm.xlane v17, v9;
	s5 =	simm.s32 $0x1280;
	v19 =	vadd.s32 v3, v62  }
0x35: {  	[tilespmem:s5], [sflag:$0x1] =	stream.indirect_vreg.gather [hbm4b:s4+s3], $0x80, v60, vm0, $0xb8;
	[tilespmem:$0x16000] =	vst v63  }
0x36: {  	v25 =	vperm.xlane v17, v10;
	v24 =	vadd.s32 v3, v63;
	s18 =	simm.s32 $0x1300  }
0x37: {  	[tilespmem:s18], [sflag:$0x1] =	stream.indirect_vreg.gather [hbm4b:s4+s3], $0x80, v18, vm0, $0xb8;
	[tilespmem:$0x16000] =	vst v63  }
0x38: {  	v26 =	vperm.xlane v17, v11;
	s21 =	simm.s32 $0x1380;
	v18 =	vadd.s32 v3, v25  }
0x39: {  	[tilespmem:s21], [sflag:$0x1] =	stream.indirect_vreg.gather [hbm4b:s4+s3], $0x80, v19, vm0, $0xb8;
	[tilespmem:$0x16000] =	vst v63  }
0x3a: {  	v27 =	vperm.xlane v17, v12;
	s5 =	simm.s32 $0x1400;
	v19 =	vadd.s32 v3, v26  }
0x3b: {  	[tilespmem:s5], [sflag:$0x1] =	stream.indirect_vreg.gather [hbm4b:s4+s3], $0x80, v24, vm0, $0xb8;
	[tilespmem:$0x16000] =	vst v63  }
0x3c: {  	v29 =	vperm.xlane v17, v13;
	v28 =	vadd.s32 v3, v27;
	s18 =	simm.s32 $0x1480  }
0x3d: {  	[tilespmem:s18], [sflag:$0x1] =	stream.indirect_vreg.gather [hbm4b:s4+s3], $0x80, v18, vm0, $0xb8;
	[tilespmem:$0x16000] =	vst v63  }
0x3e: {  	v30 =	vperm.xlane v17, v14;
	s21 =	simm.s32 $0x1500;
	v18 =	vadd.s32 v3, v29  }
0x3f: {  	[tilespmem:s21], [sflag:$0x1] =	stream.indirect_vreg.gather [hbm4b:s4+s3], $0x80, v19, vm0, $0xb8;
	[tilespmem:$0x16000] =	vst v63  }
0x40: {  	v31 =	vperm.xlane v17, v15;
	s5 =	simm.s32 $0x1580;
	v19 =	vadd.s32 v3, v30  }
0x41: {  	[tilespmem:s5], [sflag:$0x1] =	stream.indirect_vreg.gather [hbm4b:s4+s3], $0x80, v28, vm0, $0xb8;
	[tilespmem:$0x16000] =	vst v63  }
0x42: {  	v17 =	vperm.xlane v17, v16;
	v32 =	vadd.s32 v3, v31;
	s18 =	simm.s32 $0x1600  }
0x43: {  	[tilespmem:s18], [sflag:$0x1] =	stream.indirect_vreg.gather [hbm4b:s4+s3], $0x80, v18, vm0, $0xb8;
	[tilespmem:$0x16000] =	vst v63  }
0x44: {  	v17 =	vadd.s32 v3, v17;
	s21 =	simm.s32 $0x1680  }
0x45: {  	[tilespmem:s21], [sflag:$0x1] =	stream.indirect_vreg.gather [hbm4b:s4+s3], $0x80, v19, vm0, $0xb8;
	[tilespmem:$0x16000] =	vst v63  }
0x46: {  	s5 =	simm.s32 $0x1700  }
0x47: {  	[tilespmem:s5], [sflag:$0x1] =	stream.indirect_vreg.gather [hbm4b:s4+s3], $0x80, v32, vm0, $0xb8;
	[tilespmem:$0x16000] =	vst v63  }
0x48: {  	s18 =	simm.s32 $0x1780  }
0x49: {  	[tilespmem:s18], [sflag:$0x1] =	stream.indirect_vreg.gather [hbm4b:s4+s3], $0x80, v17, vm0, $0xb8;
	[tilespmem:$0x16000] =	vst v63  }
0x4a: {  	v17 =	vld [tilespmem:$0x10];
	_ =	sdelay $0x4  }
0x4b: {  	v18 =	vshrl.u32 v17, $0x3  }
0x4c: {  	v18 =	vmul.u32 $0x18, v18  }
0x4d: {  	v17 =	vand.u32 $0x7, v17  }
0x4e: {  	v17 =	vor.u32 v17, v18  }
0x4f: {  	v18 =	vperm.xlane v17, v2;
	_ =	sdelay $0x1  }
0x50: {  	v19 =	vperm.xlane v17, v4;
	v18 =	vadd.s32 v3, v18;
	_ =	sdelay $0x1  }
0x51: {  	v33 =	vperm.xlane v17, v5;
	v19 =	vadd.s32 v3, v19;
	_ =	sdelay $0x1  }
0x52: {  	s21 =	simm.s32 $0x1800;
	v34 =	vperm.xlane v17, v0;
	v20 =	vadd.s32 v3, v33  }
0x53: {  	[tilespmem:s21], [sflag:$0x1] =	stream.indirect_vreg.gather [hbm4b:s4+s3], $0x80, v18, vm0, $0xb8;
	[tilespmem:$0x16000] =	vst v63  }
0x54: {  	s5 =	simm.s32 $0x1880;
	v35 =	vperm.xlane v17, v6;
	v18 =	vadd.s32 v3, v34  }
0x55: {  	[tilespmem:s5], [sflag:$0x1] =	stream.indirect_vreg.gather [hbm4b:s4+s3], $0x80, v19, vm0, $0xb8;
	[tilespmem:$0x16000] =	vst v63  }
0x56: {  	s18 =	simm.s32 $0x1900;
	v36 =	vperm.xlane v17, v7;
	v19 =	vadd.s32 v3, v35  }
0x57: {  	[tilespmem:s18], [sflag:$0x1] =	stream.indirect_vreg.gather [hbm4b:s4+s3], $0x80, v20, vm0, $0xb8;
	[tilespmem:$0x16000] =	vst v63  }
0x58: {  	v38 =	vperm.xlane v17, v8;
	v37 =	vadd.s32 v3, v36;
	s21 =	simm.s32 $0x1980  }
0x59: {  	[tilespmem:s21], [sflag:$0x1] =	stream.indirect_vreg.gather [hbm4b:s4+s3], $0x80, v18, vm0, $0xb8;
	[tilespmem:$0x16000] =	vst v63  }
0x5a: {  	v39 =	vperm.xlane v17, v1;
	s5 =	simm.s32 $0x1A00;
	v18 =	vadd.s32 v3, v38  }
0x5b: {  	[tilespmem:s5], [sflag:$0x1] =	stream.indirect_vreg.gather [hbm4b:s4+s3], $0x80, v19, vm0, $0xb8;
	[tilespmem:$0x16000] =	vst v63  }
0x5c: {  	v40 =	vperm.xlane v17, v9;
	s18 =	simm.s32 $0x1A80;
	v19 =	vadd.s32 v3, v39  }
0x5d: {  	[tilespmem:s18], [sflag:$0x1] =	stream.indirect_vreg.gather [hbm4b:s4+s3], $0x80, v37, vm0, $0xb8;
	[tilespmem:$0x16000] =	vst v63  }
0x5e: {  	v42 =	vperm.xlane v17, v10;
	v41 =	vadd.s32 v3, v40;
	s21 =	simm.s32 $0x1B00  }
0x5f: {  	[tilespmem:s21], [sflag:$0x1] =	stream.indirect_vreg.gather [hbm4b:s4+s3], $0x80, v18, vm0, $0xb8;
	[tilespmem:$0x16000] =	vst v63  }
0x60: {  	v43 =	vperm.xlane v17, v11;
	s5 =	simm.s32 $0x1B80;
	v18 =	vadd.s32 v3, v42  }
0x61: {  	[tilespmem:s5], [sflag:$0x1] =	stream.indirect_vreg.gather [hbm4b:s4+s3], $0x80, v19, vm0, $0xb8;
	[tilespmem:$0x16000] =	vst v63  }
0x62: {  	v44 =	vperm.xlane v17, v12;
	s18 =	simm.s32 $0x1C00;
	v19 =	vadd.s32 v3, v43  }
0x63: {  	[tilespmem:s18], [sflag:$0x1] =	stream.indirect_vreg.gather [hbm4b:s4+s3], $0x80, v41, vm0, $0xb8;
	[tilespmem:$0x16000] =	vst v63  }
0x64: {  	v46 =	vperm.xlane v17, v13;
	v45 =	vadd.s32 v3, v44;
	s21 =	simm.s32 $0x1C80  }
0x65: {  	[tilespmem:s21], [sflag:$0x1] =	stream.indirect_vreg.gather [hbm4b:s4+s3], $0x80, v18, vm0, $0xb8;
	[tilespmem:$0x16000] =	vst v63  }
0x66: {  	v47 =	vperm.xlane v17, v14;
	s5 =	simm.s32 $0x1D00;
	v18 =	vadd.s32 v3, v46  }
0x67: {  	[tilespmem:s5], [sflag:$0x1] =	stream.indirect_vreg.gather [hbm4b:s4+s3], $0x80, v19, vm0, $0xb8;
	[tilespmem:$0x16000] =	vst v63  }
0x68: {  	v48 =	vperm.xlane v17, v15;
	s18 =	simm.s32 $0x1D80;
	v19 =	vadd.s32 v3, v47  }
0x69: {  	[tilespmem:s18], [sflag:$0x1] =	stream.indirect_vreg.gather [hbm4b:s4+s3], $0x80, v45, vm0, $0xb8;
	[tilespmem:$0x16000] =	vst v63  }
0x6a: {  	v17 =	vperm.xlane v17, v16;
	v49 =	vadd.s32 v3, v48;
	s21 =	simm.s32 $0x1E00  }
0x6b: {  	[tilespmem:s21], [sflag:$0x1] =	stream.indirect_vreg.gather [hbm4b:s4+s3], $0x80, v18, vm0, $0xb8;
	[tilespmem:$0x16000] =	vst v63  }
0x6c: {  	v17 =	vadd.s32 v3, v17;
	s5 =	simm.s32 $0x1E80  }
0x6d: {  	[tilespmem:s5], [sflag:$0x1] =	stream.indirect_vreg.gather [hbm4b:s4+s3], $0x80, v19, vm0, $0xb8;
	[tilespmem:$0x16000] =	vst v63  }
0x6e: {  	s18 =	simm.s32 $0x1F00  }
0x6f: {  	[tilespmem:s18], [sflag:$0x1] =	stream.indirect_vreg.gather [hbm4b:s4+s3], $0x80, v49, vm0, $0xb8;
	[tilespmem:$0x16000] =	vst v63  }
0x70: {  	s21 =	simm.s32 $0x1F80  }
0x71: {  	[tilespmem:s21], [sflag:$0x1] =	stream.indirect_vreg.gather [hbm4b:s4+s3], $0x80, v17, vm0, $0xb8;
	[tilespmem:$0x16000] =	vst v63  }
0x72: {  	v17 =	vld [tilespmem:$0x20];
	_ =	sdelay $0x4  }
0x73: {  	v18 =	vshrl.u32 v17, $0x3  }
0x74: {  	v18 =	vmul.u32 $0x18, v18  }
0x75: {  	v17 =	vand.u32 $0x7, v17  }
0x76: {  	v17 =	vor.u32 v17, v18  }
0x77: {  	v18 =	vperm.xlane v17, v2;
	_ =	sdelay $0x1  }
0x78: {  	v19 =	vperm.xlane v17, v4;
	v18 =	vadd.s32 v3, v18;
	_ =	sdelay $0x1  }
0x79: {  	v50 =	vperm.xlane v17, v5;
	v19 =	vadd.s32 v3, v19;
	_ =	sdelay $0x1  }
0x7a: {  	s5 =	simm.s32 $0x2000;
	v51 =	vperm.xlane v17, v0;
	v20 =	vadd.s32 v3, v50  }
0x7b: {  	[tilespmem:s5], [sflag:$0x1] =	stream.indirect_vreg.gather [hbm4b:s4+s3], $0x80, v18, vm0, $0xb8;
	[tilespmem:$0x16000] =	vst v63  }
0x7c: {  	s18 =	simm.s32 $0x2080;
	v52 =	vperm.xlane v17, v6;
	v18 =	vadd.s32 v3, v51  }
0x7d: {  	[tilespmem:s18], [sflag:$0x1] =	stream.indirect_vreg.gather [hbm4b:s4+s3], $0x80, v19, vm0, $0xb8;
	[tilespmem:$0x16000] =	vst v63  }
0x7e: {  	s21 =	simm.s32 $0x2100;
	v53 =	vperm.xlane v17, v7;
	v19 =	vadd.s32 v3, v52  }
0x7f: {  	[tilespmem:s21], [sflag:$0x1] =	stream.indirect_vreg.gather [hbm4b:s4+s3], $0x80, v20, vm0, $0xb8;
	[tilespmem:$0x16000] =	vst v63  }
0x80: {  	v55 =	vperm.xlane v17, v8;
	v54 =	vadd.s32 v3, v53;
	s5 =	simm.s32 $0x2180  }
0x81: {  	[tilespmem:s5], [sflag:$0x1] =	stream.indirect_vreg.gather [hbm4b:s4+s3], $0x80, v18, vm0, $0xb8;
	[tilespmem:$0x16000] =	vst v63  }
0x82: {  	v56 =	vperm.xlane v17, v1;
	s18 =	simm.s32 $0x2200;
	v18 =	vadd.s32 v3, v55  }
0x83: {  	[tilespmem:s18], [sflag:$0x1] =	stream.indirect_vreg.gather [hbm4b:s4+s3], $0x80, v19, vm0, $0xb8;
	[tilespmem:$0x16000] =	vst v63  }
0x84: {  	v57 =	vperm.xlane v17, v9;
	s21 =	simm.s32 $0x2280;
	v19 =	vadd.s32 v3, v56  }
0x85: {  	[tilespmem:s21], [sflag:$0x1] =	stream.indirect_vreg.gather [hbm4b:s4+s3], $0x80, v54, vm0, $0xb8;
	[tilespmem:$0x16000] =	vst v63  }
0x86: {  	v59 =	vperm.xlane v17, v10;
	v58 =	vadd.s32 v3, v57;
	s5 =	simm.s32 $0x2300  }
0x87: {  	[tilespmem:s5], [sflag:$0x1] =	stream.indirect_vreg.gather [hbm4b:s4+s3], $0x80, v18, vm0, $0xb8;
	[tilespmem:$0x16000] =	vst v63  }
0x88: {  	v60 =	vperm.xlane v17, v11;
	s18 =	simm.s32 $0x2380;
	v18 =	vadd.s32 v3, v59  }
0x89: {  	[tilespmem:s18], [sflag:$0x1] =	stream.indirect_vreg.gather [hbm4b:s4+s3], $0x80, v19, vm0, $0xb8;
	[tilespmem:$0x16000] =	vst v63  }
0x8a: {  	v61 =	vperm.xlane v17, v12;
	s21 =	simm.s32 $0x2400;
	v19 =	vadd.s32 v3, v60  }
0x8b: {  	[tilespmem:s21], [sflag:$0x1] =	stream.indirect_vreg.gather [hbm4b:s4+s3], $0x80, v58, vm0, $0xb8;
	[tilespmem:$0x16000] =	vst v63  }
0x8c: {  	v63 =	vperm.xlane v17, v13;
	v62 =	vadd.s32 v3, v61;
	s5 =	simm.s32 $0x2480  }
0x8d: {  	[tilespmem:s5], [sflag:$0x1] =	stream.indirect_vreg.gather [hbm4b:s4+s3], $0x80, v18, vm0, $0xb8;
	[tilespmem:$0x16000] =	vst v63  }
0x8e: {  	v24 =	vperm.xlane v17, v14;
	s18 =	simm.s32 $0x2500;
	v18 =	vadd.s32 v3, v63  }
0x8f: {  	[tilespmem:s18], [sflag:$0x1] =	stream.indirect_vreg.gather [hbm4b:s4+s3], $0x80, v19, vm0, $0xb8;
	[tilespmem:$0x16000] =	vst v63  }
0x90: {  	v25 =	vperm.xlane v17, v15;
	s21 =	simm.s32 $0x2580;
	v19 =	vadd.s32 v3, v24  }
0x91: {  	[tilespmem:s21], [sflag:$0x1] =	stream.indirect_vreg.gather [hbm4b:s4+s3], $0x80, v62, vm0, $0xb8;
	[tilespmem:$0x16000] =	vst v63  }
0x92: {  	v17 =	vperm.xlane v17, v16;
	v26 =	vadd.s32 v3, v25;
	s5 =	simm.s32 $0x2600  }
0x93: {  	[tilespmem:s5], [sflag:$0x1] =	stream.indirect_vreg.gather [hbm4b:s4+s3], $0x80, v18, vm0, $0xb8;
	[tilespmem:$0x16000] =	vst v63  }
0x94: {  	v17 =	vadd.s32 v3, v17;
	s18 =	simm.s32 $0x2680  }
0x95: {  	[tilespmem:s18], [sflag:$0x1] =	stream.indirect_vreg.gather [hbm4b:s4+s3], $0x80, v19, vm0, $0xb8;
	[tilespmem:$0x16000] =	vst v63  }
0x96: {  	s21 =	simm.s32 $0x2700  }
0x97: {  	[tilespmem:s21], [sflag:$0x1] =	stream.indirect_vreg.gather [hbm4b:s4+s3], $0x80, v26, vm0, $0xb8;
	[tilespmem:$0x16000] =	vst v63  }
0x98: {  	s5 =	simm.s32 $0x2780  }
0x99: {  	[tilespmem:s5], [sflag:$0x1] =	stream.indirect_vreg.gather [hbm4b:s4+s3], $0x80, v17, vm0, $0xb8;
	[tilespmem:$0x16000] =	vst v63  }
0x9a: {  	v17 =	vld.msk [tilespmem:$0x30], $0x3;
	_ =	sdelay $0x4  }
0x9b: {  	v18 =	vshrl.u32 v17, $0x3  }
0x9c: {  	v18 =	vmul.u32 $0x18, v18  }
0x9d: {  	v17 =	vand.u32 $0x7, v17  }
0x9e: {  	v17 =	vor.u32 v17, v18  }
0x9f: {  	v18 =	vperm.xlane v17, v2;
	_ =	sdelay $0x1  }
0xa0: {  	v17 =	vperm.xlane v17, v4;
	v18 =	vadd.s32 v3, v18;
	_ =	sdelay $0x1  }
0xa1: {  	v17 =	vadd.s32 v3, v17;
	_ =	sdelay $0x1  }
0xa2: {  	s18 =	simm.s32 $0x2800  }
0xa3: {  	[tilespmem:s18], [sflag:$0x1] =	stream.indirect_vreg.gather [hbm4b:s4+s3], $0x80, v18, vm0, $0xb8;
	[tilespmem:$0x16000] =	vst v63  }
0xa4: {  	s21 =	simm.s32 $0x2880  }
0xa5: {  	[tilespmem:s21], [sflag:$0x1] =	stream.indirect_vreg.gather [hbm4b:s4+s3], $0x80, v17, vm0, $0xb8;
	[tilespmem:$0x16000] =	vst v63  }
0xa6: {  	v17 =	vld [tilespmem:$0x0];
	_ =	sdelay $0x4  }
0xa7: {  	v18 =	vshrl.u32 v17, $0x3  }
0xa8: {  	v18 =	vmul.u32 $0x18, v18  }
0xa9: {  	v17 =	vand.u32 $0x7, v17  }
0xaa: {  	v17 =	vor.u32 v17, v18  }
0xab: {  	v18 =	vperm.xlane v17, v2;
	_ =	sdelay $0x1  }
0xac: {  	v19 =	vperm.xlane v17, v4;
	v18 =	vadd.s32 v3, v18;
	_ =	sdelay $0x1  }
0xad: {  	v27 =	vperm.xlane v17, v5;
	v19 =	vadd.s32 v3, v19;
	_ =	sdelay $0x1  }
0xae: {  	s5 =	simm.s32 $0x8000;
	v28 =	vperm.xlane v17, v0;
	v20 =	vadd.s32 v3, v27  }
0xaf: {  	[tilespmem:s5], [sflag:$0x1] =	stream.indirect_vreg.gather [hbm4b:s6+s3], $0x80, v18, vm0, $0xb8;
	[tilespmem:$0x16000] =	vst v63  }
0xb0: {  	s18 =	simm.s32 $0x8080;
	v29 =	vperm.xlane v17, v6;
	v18 =	vadd.s32 v3, v28  }
0xb1: {  	[tilespmem:s18], [sflag:$0x1] =	stream.indirect_vreg.gather [hbm4b:s6+s3], $0x80, v19, vm0, $0xb8;
	[tilespmem:$0x16000] =	vst v63  }
0xb2: {  	s21 =	simm.s32 $0x8100;
	v30 =	vperm.xlane v17, v7;
	v19 =	vadd.s32 v3, v29  }
0xb3: {  	[tilespmem:s21], [sflag:$0x1] =	stream.indirect_vreg.gather [hbm4b:s6+s3], $0x80, v20, vm0, $0xb8;
	[tilespmem:$0x16000] =	vst v63  }
0xb4: {  	v32 =	vperm.xlane v17, v8;
	v31 =	vadd.s32 v3, v30;
	s5 =	simm.s32 $0x8180  }
0xb5: {  	[tilespmem:s5], [sflag:$0x1] =	stream.indirect_vreg.gather [hbm4b:s6+s3], $0x80, v18, vm0, $0xb8;
	[tilespmem:$0x16000] =	vst v63  }
0xb6: {  	v33 =	vperm.xlane v17, v1;
	s18 =	simm.s32 $0x8200;
	v18 =	vadd.s32 v3, v32  }
0xb7: {  	[tilespmem:s18], [sflag:$0x1] =	stream.indirect_vreg.gather [hbm4b:s6+s3], $0x80, v19, vm0, $0xb8;
	[tilespmem:$0x16000] =	vst v63  }
0xb8: {  	v34 =	vperm.xlane v17, v9;
	s21 =	simm.s32 $0x8280;
	v19 =	vadd.s32 v3, v33  }
0xb9: {  	[tilespmem:s21], [sflag:$0x1] =	stream.indirect_vreg.gather [hbm4b:s6+s3], $0x80, v31, vm0, $0xb8;
	[tilespmem:$0x16000] =	vst v63  }
0xba: {  	v36 =	vperm.xlane v17, v10;
	v35 =	vadd.s32 v3, v34;
	s5 =	simm.s32 $0x8300  }
0xbb: {  	[tilespmem:s5], [sflag:$0x1] =	stream.indirect_vreg.gather [hbm4b:s6+s3], $0x80, v18, vm0, $0xb8;
	[tilespmem:$0x16000] =	vst v63  }
0xbc: {  	v37 =	vperm.xlane v17, v11;
	s18 =	simm.s32 $0x8380;
	v18 =	vadd.s32 v3, v36  }
0xbd: {  	[tilespmem:s18], [sflag:$0x1] =	stream.indirect_vreg.gather [hbm4b:s6+s3], $0x80, v19, vm0, $0xb8;
	[tilespmem:$0x16000] =	vst v63  }
0xbe: {  	v38 =	vperm.xlane v17, v12;
	s21 =	simm.s32 $0x8400;
	v19 =	vadd.s32 v3, v37  }
0xbf: {  	[tilespmem:s21], [sflag:$0x1] =	stream.indirect_vreg.gather [hbm4b:s6+s3], $0x80, v35, vm0, $0xb8;
	[tilespmem:$0x16000] =	vst v63  }
0xc0: {  	v40 =	vperm.xlane v17, v13;
	v39 =	vadd.s32 v3, v38;
	s5 =	simm.s32 $0x8480  }
0xc1: {  	[tilespmem:s5], [sflag:$0x1] =	stream.indirect_vreg.gather [hbm4b:s6+s3], $0x80, v18, vm0, $0xb8;
	[tilespmem:$0x16000] =	vst v63  }
0xc2: {  	v41 =	vperm.xlane v17, v14;
	s18 =	simm.s32 $0x8500;
	v18 =	vadd.s32 v3, v40  }
0xc3: {  	[tilespmem:s18], [sflag:$0x1] =	stream.indirect_vreg.gather [hbm4b:s6+s3], $0x80, v19, vm0, $0xb8;
	[tilespmem:$0x16000] =	vst v63  }
0xc4: {  	v42 =	vperm.xlane v17, v15;
	s21 =	simm.s32 $0x8580;
	v19 =	vadd.s32 v3, v41  }
0xc5: {  	[tilespmem:s21], [sflag:$0x1] =	stream.indirect_vreg.gather [hbm4b:s6+s3], $0x80, v39, vm0, $0xb8;
	[tilespmem:$0x16000] =	vst v63  }
0xc6: {  	v17 =	vperm.xlane v17, v16;
	v43 =	vadd.s32 v3, v42;
	s5 =	simm.s32 $0x8600  }
0xc7: {  	[tilespmem:s5], [sflag:$0x1] =	stream.indirect_vreg.gather [hbm4b:s6+s3], $0x80, v18, vm0, $0xb8;
	[tilespmem:$0x16000] =	vst v63  }
0xc8: {  	v17 =	vadd.s32 v3, v17;
	s18 =	simm.s32 $0x8680  }
0xc9: {  	[tilespmem:s18], [sflag:$0x1] =	stream.indirect_vreg.gather [hbm4b:s6+s3], $0x80, v19, vm0, $0xb8;
	[tilespmem:$0x16000] =	vst v63  }
0xca: {  	s21 =	simm.s32 $0x8700  }
0xcb: {  	[tilespmem:s21], [sflag:$0x1] =	stream.indirect_vreg.gather [hbm4b:s6+s3], $0x80, v43, vm0, $0xb8;
	[tilespmem:$0x16000] =	vst v63  }
0xcc: {  	s5 =	simm.s32 $0x8780  }
0xcd: {  	[tilespmem:s5], [sflag:$0x1] =	stream.indirect_vreg.gather [hbm4b:s6+s3], $0x80, v17, vm0, $0xb8;
	[tilespmem:$0x16000] =	vst v63  }
0xce: {  	v17 =	vld [tilespmem:$0x10];
	_ =	sdelay $0x4  }
0xcf: {  	v18 =	vshrl.u32 v17, $0x3  }
0xd0: {  	v18 =	vmul.u32 $0x18, v18  }
0xd1: {  	v17 =	vand.u32 $0x7, v17  }
0xd2: {  	v17 =	vor.u32 v17, v18  }
0xd3: {  	v18 =	vperm.xlane v17, v2;
	_ =	sdelay $0x1  }
0xd4: {  	v19 =	vperm.xlane v17, v4;
	v18 =	vadd.s32 v3, v18;
	_ =	sdelay $0x1  }
0xd5: {  	v44 =	vperm.xlane v17, v5;
	v19 =	vadd.s32 v3, v19;
	_ =	sdelay $0x1  }
0xd6: {  	s18 =	simm.s32 $0x8800;
	v45 =	vperm.xlane v17, v0;
	v20 =	vadd.s32 v3, v44  }
0xd7: {  	[tilespmem:s18], [sflag:$0x1] =	stream.indirect_vreg.gather [hbm4b:s6+s3], $0x80, v18, vm0, $0xb8;
	[tilespmem:$0x16000] =	vst v63  }
0xd8: {  	s21 =	simm.s32 $0x8880;
	v46 =	vperm.xlane v17, v6;
	v18 =	vadd.s32 v3, v45  }
0xd9: {  	[tilespmem:s21], [sflag:$0x1] =	stream.indirect_vreg.gather [hbm4b:s6+s3], $0x80, v19, vm0, $0xb8;
	[tilespmem:$0x16000] =	vst v63  }
0xda: {  	s5 =	simm.s32 $0x8900;
	v47 =	vperm.xlane v17, v7;
	v19 =	vadd.s32 v3, v46  }
0xdb: {  	[tilespmem:s5], [sflag:$0x1] =	stream.indirect_vreg.gather [hbm4b:s6+s3], $0x80, v20, vm0, $0xb8;
	[tilespmem:$0x16000] =	vst v63  }
0xdc: {  	v49 =	vperm.xlane v17, v8;
	v48 =	vadd.s32 v3, v47;
	s18 =	simm.s32 $0x8980  }
0xdd: {  	[tilespmem:s18], [sflag:$0x1] =	stream.indirect_vreg.gather [hbm4b:s6+s3], $0x80, v18, vm0, $0xb8;
	[tilespmem:$0x16000] =	vst v63  }
0xde: {  	v50 =	vperm.xlane v17, v1;
	s21 =	simm.s32 $0x8A00;
	v18 =	vadd.s32 v3, v49  }
0xdf: {  	[tilespmem:s21], [sflag:$0x1] =	stream.indirect_vreg.gather [hbm4b:s6+s3], $0x80, v19, vm0, $0xb8;
	[tilespmem:$0x16000] =	vst v63  }
0xe0: {  	v51 =	vperm.xlane v17, v9;
	s5 =	simm.s32 $0x8A80;
	v19 =	vadd.s32 v3, v50  }
0xe1: {  	[tilespmem:s5], [sflag:$0x1] =	stream.indirect_vreg.gather [hbm4b:s6+s3], $0x80, v48, vm0, $0xb8;
	[tilespmem:$0x16000] =	vst v63  }
0xe2: {  	v53 =	vperm.xlane v17, v10;
	v52 =	vadd.s32 v3, v51;
	s18 =	simm.s32 $0x8B00  }
0xe3: {  	[tilespmem:s18], [sflag:$0x1] =	stream.indirect_vreg.gather [hbm4b:s6+s3], $0x80, v18, vm0, $0xb8;
	[tilespmem:$0x16000] =	vst v63  }
0xe4: {  	v54 =	vperm.xlane v17, v11;
	s21 =	simm.s32 $0x8B80;
	v18 =	vadd.s32 v3, v53  }
0xe5: {  	[tilespmem:s21], [sflag:$0x1] =	stream.indirect_vreg.gather [hbm4b:s6+s3], $0x80, v19, vm0, $0xb8;
	[tilespmem:$0x16000] =	vst v63  }
0xe6: {  	v55 =	vperm.xlane v17, v12;
	s5 =	simm.s32 $0x8C00;
	v19 =	vadd.s32 v3, v54  }
0xe7: {  	[tilespmem:s5], [sflag:$0x1] =	stream.indirect_vreg.gather [hbm4b:s6+s3], $0x80, v52, vm0, $0xb8;
	[tilespmem:$0x16000] =	vst v63  }
0xe8: {  	v57 =	vperm.xlane v17, v13;
	v56 =	vadd.s32 v3, v55;
	s18 =	simm.s32 $0x8C80  }
0xe9: {  	[tilespmem:s18], [sflag:$0x1] =	stream.indirect_vreg.gather [hbm4b:s6+s3], $0x80, v18, vm0, $0xb8;
	[tilespmem:$0x16000] =	vst v63  }
0xea: {  	v58 =	vperm.xlane v17, v14;
	s21 =	simm.s32 $0x8D00;
	v18 =	vadd.s32 v3, v57  }
0xeb: {  	[tilespmem:s21], [sflag:$0x1] =	stream.indirect_vreg.gather [hbm4b:s6+s3], $0x80, v19, vm0, $0xb8;
	[tilespmem:$0x16000] =	vst v63  }
0xec: {  	v59 =	vperm.xlane v17, v15;
	s5 =	simm.s32 $0x8D80;
	v19 =	vadd.s32 v3, v58  }
0xed: {  	[tilespmem:s5], [sflag:$0x1] =	stream.indirect_vreg.gather [hbm4b:s6+s3], $0x80, v56, vm0, $0xb8;
	[tilespmem:$0x16000] =	vst v63  }
0xee: {  	v17 =	vperm.xlane v17, v16;
	v60 =	vadd.s32 v3, v59;
	s18 =	simm.s32 $0x8E00  }
0xef: {  	[tilespmem:s18], [sflag:$0x1] =	stream.indirect_vreg.gather [hbm4b:s6+s3], $0x80, v18, vm0, $0xb8;
	[tilespmem:$0x16000] =	vst v63  }
0xf0: {  	v17 =	vadd.s32 v3, v17;
	s21 =	simm.s32 $0x8E80  }
0xf1: {  	[tilespmem:s21], [sflag:$0x1] =	stream.indirect_vreg.gather [hbm4b:s6+s3], $0x80, v19, vm0, $0xb8;
	[tilespmem:$0x16000] =	vst v63  }
0xf2: {  	s5 =	simm.s32 $0x8F00  }
0xf3: {  	[tilespmem:s5], [sflag:$0x1] =	stream.indirect_vreg.gather [hbm4b:s6+s3], $0x80, v60, vm0, $0xb8;
	[tilespmem:$0x16000] =	vst v63  }
0xf4: {  	s18 =	simm.s32 $0x8F80  }
0xf5: {  	[tilespmem:s18], [sflag:$0x1] =	stream.indirect_vreg.gather [hbm4b:s6+s3], $0x80, v17, vm0, $0xb8;
	[tilespmem:$0x16000] =	vst v63  }
0xf6: {  	v17 =	vld [tilespmem:$0x20];
	_ =	sdelay $0x4  }
0xf7: {  	v18 =	vshrl.u32 v17, $0x3  }
0xf8: {  	v18 =	vmul.u32 $0x18, v18  }
0xf9: {  	v17 =	vand.u32 $0x7, v17  }
0xfa: {  	v17 =	vor.u32 v17, v18  }
0xfb: {  	v18 =	vperm.xlane v17, v2;
	_ =	sdelay $0x1  }
0xfc: {  	v19 =	vperm.xlane v17, v4;
	v18 =	vadd.s32 v3, v18;
	_ =	sdelay $0x1  }
0xfd: {  	v61 =	vperm.xlane v17, v5;
	v19 =	vadd.s32 v3, v19;
	_ =	sdelay $0x1  }
0xfe: {  	s21 =	simm.s32 $0x9000;
	v62 =	vperm.xlane v17, v0;
	v20 =	vadd.s32 v3, v61  }
0xff: {  	[tilespmem:s21], [sflag:$0x1] =	stream.indirect_vreg.gather [hbm4b:s6+s3], $0x80, v18, vm0, $0xb8;
	[tilespmem:$0x16000] =	vst v63  }
0x100: {  	s5 =	simm.s32 $0x9080;
	v63 =	vperm.xlane v17, v6;
	v18 =	vadd.s32 v3, v62  }
0x101: {  	[tilespmem:s5], [sflag:$0x1] =	stream.indirect_vreg.gather [hbm4b:s6+s3], $0x80, v19, vm0, $0xb8;
	[tilespmem:$0x16000] =	vst v63  }
0x102: {  	s18 =	simm.s32 $0x9100;
	v24 =	vperm.xlane v17, v7;
	v19 =	vadd.s32 v3, v63  }
0x103: {  	[tilespmem:s18], [sflag:$0x1] =	stream.indirect_vreg.gather [hbm4b:s6+s3], $0x80, v20, vm0, $0xb8;
	[tilespmem:$0x16000] =	vst v63  }
0x104: {  	v26 =	vperm.xlane v17, v8;
	v25 =	vadd.s32 v3, v24;
	s21 =	simm.s32 $0x9180  }
0x105: {  	[tilespmem:s21], [sflag:$0x1] =	stream.indirect_vreg.gather [hbm4b:s6+s3], $0x80, v18, vm0, $0xb8;
	[tilespmem:$0x16000] =	vst v63  }
0x106: {  	v27 =	vperm.xlane v17, v1;
	s5 =	simm.s32 $0x9200;
	v18 =	vadd.s32 v3, v26  }
0x107: {  	[tilespmem:s5], [sflag:$0x1] =	stream.indirect_vreg.gather [hbm4b:s6+s3], $0x80, v19, vm0, $0xb8;
	[tilespmem:$0x16000] =	vst v63  }
0x108: {  	v28 =	vperm.xlane v17, v9;
	s18 =	simm.s32 $0x9280;
	v19 =	vadd.s32 v3, v27  }
0x109: {  	[tilespmem:s18], [sflag:$0x1] =	stream.indirect_vreg.gather [hbm4b:s6+s3], $0x80, v25, vm0, $0xb8;
	[tilespmem:$0x16000] =	vst v63  }
0x10a: {  	v30 =	vperm.xlane v17, v10;
	v29 =	vadd.s32 v3, v28;
	s21 =	simm.s32 $0x9300  }
0x10b: {  	[tilespmem:s21], [sflag:$0x1] =	stream.indirect_vreg.gather [hbm4b:s6+s3], $0x80, v18, vm0, $0xb8;
	[tilespmem:$0x16000] =	vst v63  }
0x10c: {  	v31 =	vperm.xlane v17, v11;
	s5 =	simm.s32 $0x9380;
	v18 =	vadd.s32 v3, v30  }
0x10d: {  	[tilespmem:s5], [sflag:$0x1] =	stream.indirect_vreg.gather [hbm4b:s6+s3], $0x80, v19, vm0, $0xb8;
	[tilespmem:$0x16000] =	vst v63  }
0x10e: {  	v32 =	vperm.xlane v17, v12;
	s18 =	simm.s32 $0x9400;
	v19 =	vadd.s32 v3, v31  }
0x10f: {  	[tilespmem:s18], [sflag:$0x1] =	stream.indirect_vreg.gather [hbm4b:s6+s3], $0x80, v29, vm0, $0xb8;
	[tilespmem:$0x16000] =	vst v63  }
0x110: {  	v34 =	vperm.xlane v17, v13;
	v33 =	vadd.s32 v3, v32;
	s21 =	simm.s32 $0x9480  }
0x111: {  	[tilespmem:s21], [sflag:$0x1] =	stream.indirect_vreg.gather [hbm4b:s6+s3], $0x80, v18, vm0, $0xb8;
	[tilespmem:$0x16000] =	vst v63  }
0x112: {  	v35 =	vperm.xlane v17, v14;
	s5 =	simm.s32 $0x9500;
	v18 =	vadd.s32 v3, v34  }
0x113: {  	[tilespmem:s5], [sflag:$0x1] =	stream.indirect_vreg.gather [hbm4b:s6+s3], $0x80, v19, vm0, $0xb8;
	[tilespmem:$0x16000] =	vst v63  }
0x114: {  	v36 =	vperm.xlane v17, v15;
	s18 =	simm.s32 $0x9580;
	v19 =	vadd.s32 v3, v35  }
0x115: {  	[tilespmem:s18], [sflag:$0x1] =	stream.indirect_vreg.gather [hbm4b:s6+s3], $0x80, v33, vm0, $0xb8;
	[tilespmem:$0x16000] =	vst v63  }
0x116: {  	v17 =	vperm.xlane v17, v16;
	v37 =	vadd.s32 v3, v36;
	s21 =	simm.s32 $0x9600  }
0x117: {  	[tilespmem:s21], [sflag:$0x1] =	stream.indirect_vreg.gather [hbm4b:s6+s3], $0x80, v18, vm0, $0xb8;
	[tilespmem:$0x16000] =	vst v63  }
0x118: {  	v17 =	vadd.s32 v3, v17;
	s5 =	simm.s32 $0x9680  }
0x119: {  	[tilespmem:s5], [sflag:$0x1] =	stream.indirect_vreg.gather [hbm4b:s6+s3], $0x80, v19, vm0, $0xb8;
	[tilespmem:$0x16000] =	vst v63  }
0x11a: {  	s18 =	simm.s32 $0x9700  }
0x11b: {  	[tilespmem:s18], [sflag:$0x1] =	stream.indirect_vreg.gather [hbm4b:s6+s3], $0x80, v37, vm0, $0xb8;
	[tilespmem:$0x16000] =	vst v63  }
0x11c: {  	s21 =	simm.s32 $0x9780  }
0x11d: {  	[tilespmem:s21], [sflag:$0x1] =	stream.indirect_vreg.gather [hbm4b:s6+s3], $0x80, v17, vm0, $0xb8;
	[tilespmem:$0x16000] =	vst v63  }
0x11e: {  	v17 =	vld.msk [tilespmem:$0x30], $0x3;
	_ =	sdelay $0x4  }
0x11f: {  	v18 =	vshrl.u32 v17, $0x3  }
0x120: {  	v18 =	vmul.u32 $0x18, v18  }
0x121: {  	v17 =	vand.u32 $0x7, v17  }
0x122: {  	v17 =	vor.u32 v17, v18  }
0x123: {  	v18 =	vperm.xlane v17, v2;
	_ =	sdelay $0x1  }
0x124: {  	v17 =	vperm.xlane v17, v4;
	v18 =	vadd.s32 v3, v18;
	_ =	sdelay $0x1  }
0x125: {  	v17 =	vadd.s32 v3, v17;
	_ =	sdelay $0x1  }
0x126: {  	s5 =	simm.s32 $0x9800  }
0x127: {  	[tilespmem:s5], [sflag:$0x1] =	stream.indirect_vreg.gather [hbm4b:s6+s3], $0x80, v18, vm0, $0xb8;
	[tilespmem:$0x16000] =	vst v63  }
0x128: {  	s18 =	simm.s32 $0x9880  }
0x129: {  	[tilespmem:s18], [sflag:$0x1] =	stream.indirect_vreg.gather [hbm4b:s6+s3], $0x80, v17, vm0, $0xb8;
	[tilespmem:$0x16000] =	vst v63  }
0x12a: {  	s21 =	simm.s32 $0xF000  }
0x12b: {  	[tilespmem:s21], [sflag:$0x1] =	stream.indirect.gather [hbm4b:s2+s30], $0x80, s3, s30, $0xb8;
	[tilespmem:$0x16000] =	vst v63  }
0x12c: {  	v17 =	vld [tilespmem:$0x80];
	_ =	sdelay $0x4  }
0x12d: {  	v18 =	vshrl.u32 v17, $0x3  }
0x12e: {  	v18 =	vmul.u32 $0x18, v18  }
0x12f: {  	v17 =	vand.u32 $0x7, v17  }
0x130: {  	v17 =	vor.u32 v17, v18  }
0x131: {  	v18 =	vperm.xlane v17, v2;
	_ =	sdelay $0x1  }
0x132: {  	v19 =	vperm.xlane v17, v4;
	v18 =	vadd.s32 v3, v18;
	_ =	sdelay $0x1  }
0x133: {  	v38 =	vperm.xlane v17, v5;
	v19 =	vadd.s32 v3, v19;
	_ =	sdelay $0x1  }
0x134: {  	s5 =	simm.s32 $0x2C00;
	v39 =	vperm.xlane v17, v0;
	v20 =	vadd.s32 v3, v38  }
0x135: {  	[tilespmem:s5], [sflag:$0x2] =	stream.indirect_vreg.gather [hbm4b:s4+s3], $0x80, v18, vm0, $0xb8;
	[tilespmem:$0x16000] =	vst v63  }
0x136: {  	s18 =	simm.s32 $0x2C80;
	v40 =	vperm.xlane v17, v6;
	v18 =	vadd.s32 v3, v39  }
0x137: {  	[tilespmem:s18], [sflag:$0x2] =	stream.indirect_vreg.gather [hbm4b:s4+s3], $0x80, v19, vm0, $0xb8;
	[tilespmem:$0x16000] =	vst v63  }
0x138: {  	s21 =	simm.s32 $0x2D00;
	v41 =	vperm.xlane v17, v7;
	v19 =	vadd.s32 v3, v40  }
0x139: {  	[tilespmem:s21], [sflag:$0x2] =	stream.indirect_vreg.gather [hbm4b:s4+s3], $0x80, v20, vm0, $0xb8;
	[tilespmem:$0x16000] =	vst v63  }
0x13a: {  	v43 =	vperm.xlane v17, v8;
	v42 =	vadd.s32 v3, v41;
	s5 =	simm.s32 $0x2D80  }
0x13b: {  	[tilespmem:s5], [sflag:$0x2] =	stream.indirect_vreg.gather [hbm4b:s4+s3], $0x80, v18, vm0, $0xb8;
	[tilespmem:$0x16000] =	vst v63  }
0x13c: {  	v44 =	vperm.xlane v17, v1;
	s18 =	simm.s32 $0x2E00;
	v18 =	vadd.s32 v3, v43  }
0x13d: {  	[tilespmem:s18], [sflag:$0x2] =	stream.indirect_vreg.gather [hbm4b:s4+s3], $0x80, v19, vm0, $0xb8;
	[tilespmem:$0x16000] =	vst v63  }
0x13e: {  	v45 =	vperm.xlane v17, v9;
	s21 =	simm.s32 $0x2E80;
	v19 =	vadd.s32 v3, v44  }
0x13f: {  	[tilespmem:s21], [sflag:$0x2] =	stream.indirect_vreg.gather [hbm4b:s4+s3], $0x80, v42, vm0, $0xb8;
	[tilespmem:$0x16000] =	vst v63  }
0x140: {  	v47 =	vperm.xlane v17, v10;
	v46 =	vadd.s32 v3, v45;
	s5 =	simm.s32 $0x2F00  }
0x141: {  	[tilespmem:s5], [sflag:$0x2] =	stream.indirect_vreg.gather [hbm4b:s4+s3], $0x80, v18, vm0, $0xb8;
	[tilespmem:$0x16000] =	vst v63  }
0x142: {  	v48 =	vperm.xlane v17, v11;
	s18 =	simm.s32 $0x2F80;
	v18 =	vadd.s32 v3, v47  }
0x143: {  	[tilespmem:s18], [sflag:$0x2] =	stream.indirect_vreg.gather [hbm4b:s4+s3], $0x80, v19, vm0, $0xb8;
	[tilespmem:$0x16000] =	vst v63  }
0x144: {  	v49 =	vperm.xlane v17, v12;
	s21 =	simm.s32 $0x3000;
	v19 =	vadd.s32 v3, v48  }
0x145: {  	[tilespmem:s21], [sflag:$0x2] =	stream.indirect_vreg.gather [hbm4b:s4+s3], $0x80, v46, vm0, $0xb8;
	[tilespmem:$0x16000] =	vst v63  }
0x146: {  	v51 =	vperm.xlane v17, v13;
	v50 =	vadd.s32 v3, v49;
	s5 =	simm.s32 $0x3080  }
0x147: {  	[tilespmem:s5], [sflag:$0x2] =	stream.indirect_vreg.gather [hbm4b:s4+s3], $0x80, v18, vm0, $0xb8;
	[tilespmem:$0x16000] =	vst v63  }
0x148: {  	v52 =	vperm.xlane v17, v14;
	s18 =	simm.s32 $0x3100;
	v18 =	vadd.s32 v3, v51  }
0x149: {  	[tilespmem:s18], [sflag:$0x2] =	stream.indirect_vreg.gather [hbm4b:s4+s3], $0x80, v19, vm0, $0xb8;
	[tilespmem:$0x16000] =	vst v63  }
0x14a: {  	v53 =	vperm.xlane v17, v15;
	s21 =	simm.s32 $0x3180;
	v19 =	vadd.s32 v3, v52  }
0x14b: {  	[tilespmem:s21], [sflag:$0x2] =	stream.indirect_vreg.gather [hbm4b:s4+s3], $0x80, v50, vm0, $0xb8;
	[tilespmem:$0x16000] =	vst v63  }
0x14c: {  	v17 =	vperm.xlane v17, v16;
	v54 =	vadd.s32 v3, v53;
	s5 =	simm.s32 $0x3200  }
0x14d: {  	[tilespmem:s5], [sflag:$0x2] =	stream.indirect_vreg.gather [hbm4b:s4+s3], $0x80, v18, vm0, $0xb8;
	[tilespmem:$0x16000] =	vst v63  }
0x14e: {  	v17 =	vadd.s32 v3, v17;
	s18 =	simm.s32 $0x3280  }
0x14f: {  	[tilespmem:s18], [sflag:$0x2] =	stream.indirect_vreg.gather [hbm4b:s4+s3], $0x80, v19, vm0, $0xb8;
	[tilespmem:$0x16000] =	vst v63  }
0x150: {  	s21 =	simm.s32 $0x3300  }
0x151: {  	[tilespmem:s21], [sflag:$0x2] =	stream.indirect_vreg.gather [hbm4b:s4+s3], $0x80, v54, vm0, $0xb8;
	[tilespmem:$0x16000] =	vst v63  }
0x152: {  	s5 =	simm.s32 $0x3380  }
0x153: {  	[tilespmem:s5], [sflag:$0x2] =	stream.indirect_vreg.gather [hbm4b:s4+s3], $0x80, v17, vm0, $0xb8;
	[tilespmem:$0x16000] =	vst v63  }
0x154: {  	v17 =	vld [tilespmem:$0x90];
	_ =	sdelay $0x4  }
0x155: {  	v18 =	vshrl.u32 v17, $0x3  }
0x156: {  	v18 =	vmul.u32 $0x18, v18  }
0x157: {  	v17 =	vand.u32 $0x7, v17  }
0x158: {  	v17 =	vor.u32 v17, v18  }
0x159: {  	v18 =	vperm.xlane v17, v2;
	_ =	sdelay $0x1  }
0x15a: {  	v19 =	vperm.xlane v17, v4;
	v18 =	vadd.s32 v3, v18;
	_ =	sdelay $0x1  }
0x15b: {  	v55 =	vperm.xlane v17, v5;
	v19 =	vadd.s32 v3, v19;
	_ =	sdelay $0x1  }
0x15c: {  	s18 =	simm.s32 $0x3400;
	v56 =	vperm.xlane v17, v0;
	v20 =	vadd.s32 v3, v55  }
0x15d: {  	[tilespmem:s18], [sflag:$0x2] =	stream.indirect_vreg.gather [hbm4b:s4+s3], $0x80, v18, vm0, $0xb8;
	[tilespmem:$0x16000] =	vst v63  }
0x15e: {  	s21 =	simm.s32 $0x3480;
	v57 =	vperm.xlane v17, v6;
	v18 =	vadd.s32 v3, v56  }
0x15f: {  	[tilespmem:s21], [sflag:$0x2] =	stream.indirect_vreg.gather [hbm4b:s4+s3], $0x80, v19, vm0, $0xb8;
	[tilespmem:$0x16000] =	vst v63  }
0x160: {  	s5 =	simm.s32 $0x3500;
	v58 =	vperm.xlane v17, v7;
	v19 =	vadd.s32 v3, v57  }
0x161: {  	[tilespmem:s5], [sflag:$0x2] =	stream.indirect_vreg.gather [hbm4b:s4+s3], $0x80, v20, vm0, $0xb8;
	[tilespmem:$0x16000] =	vst v63  }
0x162: {  	v60 =	vperm.xlane v17, v8;
	v59 =	vadd.s32 v3, v58;
	s18 =	simm.s32 $0x3580  }
0x163: {  	[tilespmem:s18], [sflag:$0x2] =	stream.indirect_vreg.gather [hbm4b:s4+s3], $0x80, v18, vm0, $0xb8;
	[tilespmem:$0x16000] =	vst v63  }
0x164: {  	v61 =	vperm.xlane v17, v1;
	s21 =	simm.s32 $0x3600;
	v18 =	vadd.s32 v3, v60  }
0x165: {  	[tilespmem:s21], [sflag:$0x2] =	stream.indirect_vreg.gather [hbm4b:s4+s3], $0x80, v19, vm0, $0xb8;
	[tilespmem:$0x16000] =	vst v63  }
0x166: {  	v62 =	vperm.xlane v17, v9;
	s5 =	simm.s32 $0x3680;
	v19 =	vadd.s32 v3, v61  }
0x167: {  	[tilespmem:s5], [sflag:$0x2] =	stream.indirect_vreg.gather [hbm4b:s4+s3], $0x80, v59, vm0, $0xb8;
	[tilespmem:$0x16000] =	vst v63  }
0x168: {  	v24 =	vperm.xlane v17, v10;
	v63 =	vadd.s32 v3, v62;
	s18 =	simm.s32 $0x3700  }
0x169: {  	[tilespmem:s18], [sflag:$0x2] =	stream.indirect_vreg.gather [hbm4b:s4+s3], $0x80, v18, vm0, $0xb8;
	[tilespmem:$0x16000] =	vst v63  }
0x16a: {  	v25 =	vperm.xlane v17, v11;
	s21 =	simm.s32 $0x3780;
	v18 =	vadd.s32 v3, v24  }
0x16b: {  	[tilespmem:s21], [sflag:$0x2] =	stream.indirect_vreg.gather [hbm4b:s4+s3], $0x80, v19, vm0, $0xb8;
	[tilespmem:$0x16000] =	vst v63  }
0x16c: {  	v26 =	vperm.xlane v17, v12;
	s5 =	simm.s32 $0x3800;
	v19 =	vadd.s32 v3, v25  }
0x16d: {  	[tilespmem:s5], [sflag:$0x2] =	stream.indirect_vreg.gather [hbm4b:s4+s3], $0x80, v63, vm0, $0xb8;
	[tilespmem:$0x16000] =	vst v63  }
0x16e: {  	v28 =	vperm.xlane v17, v13;
	v27 =	vadd.s32 v3, v26;
	s18 =	simm.s32 $0x3880  }
0x16f: {  	[tilespmem:s18], [sflag:$0x2] =	stream.indirect_vreg.gather [hbm4b:s4+s3], $0x80, v18, vm0, $0xb8;
	[tilespmem:$0x16000] =	vst v63  }
0x170: {  	v29 =	vperm.xlane v17, v14;
	s21 =	simm.s32 $0x3900;
	v18 =	vadd.s32 v3, v28  }
0x171: {  	[tilespmem:s21], [sflag:$0x2] =	stream.indirect_vreg.gather [hbm4b:s4+s3], $0x80, v19, vm0, $0xb8;
	[tilespmem:$0x16000] =	vst v63  }
0x172: {  	v30 =	vperm.xlane v17, v15;
	s5 =	simm.s32 $0x3980;
	v19 =	vadd.s32 v3, v29  }
0x173: {  	[tilespmem:s5], [sflag:$0x2] =	stream.indirect_vreg.gather [hbm4b:s4+s3], $0x80, v27, vm0, $0xb8;
	[tilespmem:$0x16000] =	vst v63  }
0x174: {  	v17 =	vperm.xlane v17, v16;
	v31 =	vadd.s32 v3, v30;
	s18 =	simm.s32 $0x3A00  }
0x175: {  	[tilespmem:s18], [sflag:$0x2] =	stream.indirect_vreg.gather [hbm4b:s4+s3], $0x80, v18, vm0, $0xb8;
	[tilespmem:$0x16000] =	vst v63  }
0x176: {  	v17 =	vadd.s32 v3, v17;
	s21 =	simm.s32 $0x3A80  }
0x177: {  	[tilespmem:s21], [sflag:$0x2] =	stream.indirect_vreg.gather [hbm4b:s4+s3], $0x80, v19, vm0, $0xb8;
	[tilespmem:$0x16000] =	vst v63  }
0x178: {  	s5 =	simm.s32 $0x3B00  }
0x179: {  	[tilespmem:s5], [sflag:$0x2] =	stream.indirect_vreg.gather [hbm4b:s4+s3], $0x80, v31, vm0, $0xb8;
	[tilespmem:$0x16000] =	vst v63  }
0x17a: {  	s18 =	simm.s32 $0x3B80  }
0x17b: {  	[tilespmem:s18], [sflag:$0x2] =	stream.indirect_vreg.gather [hbm4b:s4+s3], $0x80, v17, vm0, $0xb8;
	[tilespmem:$0x16000] =	vst v63  }
0x17c: {  	v17 =	vld [tilespmem:$0xA0];
	_ =	sdelay $0x4  }
0x17d: {  	v18 =	vshrl.u32 v17, $0x3  }
0x17e: {  	v18 =	vmul.u32 $0x18, v18  }
0x17f: {  	v17 =	vand.u32 $0x7, v17  }
0x180: {  	v17 =	vor.u32 v17, v18  }
0x181: {  	v18 =	vperm.xlane v17, v2;
	_ =	sdelay $0x1  }
0x182: {  	v19 =	vperm.xlane v17, v4;
	v18 =	vadd.s32 v3, v18;
	_ =	sdelay $0x1  }
0x183: {  	v32 =	vperm.xlane v17, v5;
	v19 =	vadd.s32 v3, v19;
	_ =	sdelay $0x1  }
0x184: {  	s21 =	simm.s32 $0x3C00;
	v33 =	vperm.xlane v17, v0;
	v20 =	vadd.s32 v3, v32  }
0x185: {  	[tilespmem:s21], [sflag:$0x2] =	stream.indirect_vreg.gather [hbm4b:s4+s3], $0x80, v18, vm0, $0xb8;
	[tilespmem:$0x16000] =	vst v63  }
0x186: {  	s5 =	simm.s32 $0x3C80;
	v34 =	vperm.xlane v17, v6;
	v18 =	vadd.s32 v3, v33  }
0x187: {  	[tilespmem:s5], [sflag:$0x2] =	stream.indirect_vreg.gather [hbm4b:s4+s3], $0x80, v19, vm0, $0xb8;
	[tilespmem:$0x16000] =	vst v63  }
0x188: {  	s18 =	simm.s32 $0x3D00;
	v35 =	vperm.xlane v17, v7;
	v19 =	vadd.s32 v3, v34  }
0x189: {  	[tilespmem:s18], [sflag:$0x2] =	stream.indirect_vreg.gather [hbm4b:s4+s3], $0x80, v20, vm0, $0xb8;
	[tilespmem:$0x16000] =	vst v63  }
0x18a: {  	v37 =	vperm.xlane v17, v8;
	v36 =	vadd.s32 v3, v35;
	s21 =	simm.s32 $0x3D80  }
0x18b: {  	[tilespmem:s21], [sflag:$0x2] =	stream.indirect_vreg.gather [hbm4b:s4+s3], $0x80, v18, vm0, $0xb8;
	[tilespmem:$0x16000] =	vst v63  }
0x18c: {  	v38 =	vperm.xlane v17, v1;
	s5 =	simm.s32 $0x3E00;
	v18 =	vadd.s32 v3, v37  }
0x18d: {  	[tilespmem:s5], [sflag:$0x2] =	stream.indirect_vreg.gather [hbm4b:s4+s3], $0x80, v19, vm0, $0xb8;
	[tilespmem:$0x16000] =	vst v63  }
0x18e: {  	v39 =	vperm.xlane v17, v9;
	s18 =	simm.s32 $0x3E80;
	v19 =	vadd.s32 v3, v38  }
0x18f: {  	[tilespmem:s18], [sflag:$0x2] =	stream.indirect_vreg.gather [hbm4b:s4+s3], $0x80, v36, vm0, $0xb8;
	[tilespmem:$0x16000] =	vst v63  }
0x190: {  	v41 =	vperm.xlane v17, v10;
	v40 =	vadd.s32 v3, v39;
	s21 =	simm.s32 $0x3F00  }
0x191: {  	[tilespmem:s21], [sflag:$0x2] =	stream.indirect_vreg.gather [hbm4b:s4+s3], $0x80, v18, vm0, $0xb8;
	[tilespmem:$0x16000] =	vst v63  }
0x192: {  	v42 =	vperm.xlane v17, v11;
	s5 =	simm.s32 $0x3F80;
	v18 =	vadd.s32 v3, v41  }
0x193: {  	[tilespmem:s5], [sflag:$0x2] =	stream.indirect_vreg.gather [hbm4b:s4+s3], $0x80, v19, vm0, $0xb8;
	[tilespmem:$0x16000] =	vst v63  }
0x194: {  	v43 =	vperm.xlane v17, v12;
	s18 =	simm.s32 $0x4000;
	v19 =	vadd.s32 v3, v42  }
0x195: {  	[tilespmem:s18], [sflag:$0x2] =	stream.indirect_vreg.gather [hbm4b:s4+s3], $0x80, v40, vm0, $0xb8;
	[tilespmem:$0x16000] =	vst v63  }
0x196: {  	v45 =	vperm.xlane v17, v13;
	v44 =	vadd.s32 v3, v43;
	s21 =	simm.s32 $0x4080  }
0x197: {  	[tilespmem:s21], [sflag:$0x2] =	stream.indirect_vreg.gather [hbm4b:s4+s3], $0x80, v18, vm0, $0xb8;
	[tilespmem:$0x16000] =	vst v63  }
0x198: {  	v46 =	vperm.xlane v17, v14;
	s5 =	simm.s32 $0x4100;
	v18 =	vadd.s32 v3, v45  }
0x199: {  	[tilespmem:s5], [sflag:$0x2] =	stream.indirect_vreg.gather [hbm4b:s4+s3], $0x80, v19, vm0, $0xb8;
	[tilespmem:$0x16000] =	vst v63  }
0x19a: {  	v47 =	vperm.xlane v17, v15;
	s18 =	simm.s32 $0x4180;
	v19 =	vadd.s32 v3, v46  }
0x19b: {  	[tilespmem:s18], [sflag:$0x2] =	stream.indirect_vreg.gather [hbm4b:s4+s3], $0x80, v44, vm0, $0xb8;
	[tilespmem:$0x16000] =	vst v63  }
0x19c: {  	v17 =	vperm.xlane v17, v16;
	v48 =	vadd.s32 v3, v47;
	s21 =	simm.s32 $0x4200  }
0x19d: {  	[tilespmem:s21], [sflag:$0x2] =	stream.indirect_vreg.gather [hbm4b:s4+s3], $0x80, v18, vm0, $0xb8;
	[tilespmem:$0x16000] =	vst v63  }
0x19e: {  	v17 =	vadd.s32 v3, v17;
	s5 =	simm.s32 $0x4280  }
0x19f: {  	[tilespmem:s5], [sflag:$0x2] =	stream.indirect_vreg.gather [hbm4b:s4+s3], $0x80, v19, vm0, $0xb8;
	[tilespmem:$0x16000] =	vst v63  }
0x1a0: {  	s18 =	simm.s32 $0x4300  }
0x1a1: {  	[tilespmem:s18], [sflag:$0x2] =	stream.indirect_vreg.gather [hbm4b:s4+s3], $0x80, v48, vm0, $0xb8;
	[tilespmem:$0x16000] =	vst v63  }
0x1a2: {  	s21 =	simm.s32 $0x4380  }
0x1a3: {  	[tilespmem:s21], [sflag:$0x2] =	stream.indirect_vreg.gather [hbm4b:s4+s3], $0x80, v17, vm0, $0xb8;
	[tilespmem:$0x16000] =	vst v63  }
0x1a4: {  	v17 =	vld.msk [tilespmem:$0xB0], $0x3;
	_ =	sdelay $0x4  }
0x1a5: {  	v18 =	vshrl.u32 v17, $0x3  }
0x1a6: {  	v18 =	vmul.u32 $0x18, v18  }
0x1a7: {  	v17 =	vand.u32 $0x7, v17  }
0x1a8: {  	v17 =	vor.u32 v17, v18  }
0x1a9: {  	v18 =	vperm.xlane v17, v2;
	_ =	sdelay $0x1  }
0x1aa: {  	v17 =	vperm.xlane v17, v4;
	v18 =	vadd.s32 v3, v18;
	_ =	sdelay $0x1  }
0x1ab: {  	v17 =	vadd.s32 v3, v17;
	_ =	sdelay $0x1  }
0x1ac: {  	s5 =	simm.s32 $0x4400  }
0x1ad: {  	[tilespmem:s5], [sflag:$0x2] =	stream.indirect_vreg.gather [hbm4b:s4+s3], $0x80, v18, vm0, $0xb8;
	[tilespmem:$0x16000] =	vst v63  }
0x1ae: {  	s18 =	simm.s32 $0x4480  }
0x1af: {  	[tilespmem:s18], [sflag:$0x2] =	stream.indirect_vreg.gather [hbm4b:s4+s3], $0x80, v17, vm0, $0xb8;
	[tilespmem:$0x16000] =	vst v63  }
0x1b0: {  	v17 =	vld [tilespmem:$0x80];
	_ =	sdelay $0x4  }
0x1b1: {  	v18 =	vshrl.u32 v17, $0x3  }
0x1b2: {  	v18 =	vmul.u32 $0x18, v18  }
0x1b3: {  	v17 =	vand.u32 $0x7, v17  }
0x1b4: {  	v17 =	vor.u32 v17, v18  }
0x1b5: {  	v18 =	vperm.xlane v17, v2;
	_ =	sdelay $0x1  }
0x1b6: {  	v19 =	vperm.xlane v17, v4;
	v18 =	vadd.s32 v3, v18;
	_ =	sdelay $0x1  }
0x1b7: {  	v49 =	vperm.xlane v17, v5;
	v19 =	vadd.s32 v3, v19;
	_ =	sdelay $0x1  }
0x1b8: {  	s21 =	simm.s32 $0x9C00;
	v50 =	vperm.xlane v17, v0;
	v20 =	vadd.s32 v3, v49  }
0x1b9: {  	[tilespmem:s21], [sflag:$0x2] =	stream.indirect_vreg.gather [hbm4b:s6+s3], $0x80, v18, vm0, $0xb8;
	[tilespmem:$0x16000] =	vst v63  }
0x1ba: {  	s5 =	simm.s32 $0x9C80;
	v51 =	vperm.xlane v17, v6;
	v18 =	vadd.s32 v3, v50  }
0x1bb: {  	[tilespmem:s5], [sflag:$0x2] =	stream.indirect_vreg.gather [hbm4b:s6+s3], $0x80, v19, vm0, $0xb8;
	[tilespmem:$0x16000] =	vst v63  }
0x1bc: {  	s18 =	simm.s32 $0x9D00;
	v52 =	vperm.xlane v17, v7;
	v19 =	vadd.s32 v3, v51  }
0x1bd: {  	[tilespmem:s18], [sflag:$0x2] =	stream.indirect_vreg.gather [hbm4b:s6+s3], $0x80, v20, vm0, $0xb8;
	[tilespmem:$0x16000] =	vst v63  }
0x1be: {  	v54 =	vperm.xlane v17, v8;
	v53 =	vadd.s32 v3, v52;
	s21 =	simm.s32 $0x9D80  }
0x1bf: {  	[tilespmem:s21], [sflag:$0x2] =	stream.indirect_vreg.gather [hbm4b:s6+s3], $0x80, v18, vm0, $0xb8;
	[tilespmem:$0x16000] =	vst v63  }
0x1c0: {  	v55 =	vperm.xlane v17, v1;
	s5 =	simm.s32 $0x9E00;
	v18 =	vadd.s32 v3, v54  }
0x1c1: {  	[tilespmem:s5], [sflag:$0x2] =	stream.indirect_vreg.gather [hbm4b:s6+s3], $0x80, v19, vm0, $0xb8;
	[tilespmem:$0x16000] =	vst v63  }
0x1c2: {  	v56 =	vperm.xlane v17, v9;
	s18 =	simm.s32 $0x9E80;
	v19 =	vadd.s32 v3, v55  }
0x1c3: {  	[tilespmem:s18], [sflag:$0x2] =	stream.indirect_vreg.gather [hbm4b:s6+s3], $0x80, v53, vm0, $0xb8;
	[tilespmem:$0x16000] =	vst v63  }
0x1c4: {  	v58 =	vperm.xlane v17, v10;
	v57 =	vadd.s32 v3, v56;
	s21 =	simm.s32 $0x9F00  }
0x1c5: {  	[tilespmem:s21], [sflag:$0x2] =	stream.indirect_vreg.gather [hbm4b:s6+s3], $0x80, v18, vm0, $0xb8;
	[tilespmem:$0x16000] =	vst v63  }
0x1c6: {  	v59 =	vperm.xlane v17, v11;
	s5 =	simm.s32 $0x9F80;
	v18 =	vadd.s32 v3, v58  }
0x1c7: {  	[tilespmem:s5], [sflag:$0x2] =	stream.indirect_vreg.gather [hbm4b:s6+s3], $0x80, v19, vm0, $0xb8;
	[tilespmem:$0x16000] =	vst v63  }
0x1c8: {  	v60 =	vperm.xlane v17, v12;
	s18 =	simm.s32 $0xA000;
	v19 =	vadd.s32 v3, v59  }
0x1c9: {  	[tilespmem:s18], [sflag:$0x2] =	stream.indirect_vreg.gather [hbm4b:s6+s3], $0x80, v57, vm0, $0xb8;
	[tilespmem:$0x16000] =	vst v63  }
0x1ca: {  	v62 =	vperm.xlane v17, v13;
	v61 =	vadd.s32 v3, v60;
	s21 =	simm.s32 $0xA080  }
0x1cb: {  	[tilespmem:s21], [sflag:$0x2] =	stream.indirect_vreg.gather [hbm4b:s6+s3], $0x80, v18, vm0, $0xb8;
	[tilespmem:$0x16000] =	vst v63  }
0x1cc: {  	v63 =	vperm.xlane v17, v14;
	s5 =	simm.s32 $0xA100;
	v18 =	vadd.s32 v3, v62  }
0x1cd: {  	[tilespmem:s5], [sflag:$0x2] =	stream.indirect_vreg.gather [hbm4b:s6+s3], $0x80, v19, vm0, $0xb8;
	[tilespmem:$0x16000] =	vst v63  }
0x1ce: {  	v24 =	vperm.xlane v17, v15;
	s18 =	simm.s32 $0xA180;
	v19 =	vadd.s32 v3, v63  }
0x1cf: {  	[tilespmem:s18], [sflag:$0x2] =	stream.indirect_vreg.gather [hbm4b:s6+s3], $0x80, v61, vm0, $0xb8;
	[tilespmem:$0x16000] =	vst v63  }
0x1d0: {  	v17 =	vperm.xlane v17, v16;
	v25 =	vadd.s32 v3, v24;
	s21 =	simm.s32 $0xA200  }
0x1d1: {  	[tilespmem:s21], [sflag:$0x2] =	stream.indirect_vreg.gather [hbm4b:s6+s3], $0x80, v18, vm0, $0xb8;
	[tilespmem:$0x16000] =	vst v63  }
0x1d2: {  	v17 =	vadd.s32 v3, v17;
	s5 =	simm.s32 $0xA280  }
0x1d3: {  	[tilespmem:s5], [sflag:$0x2] =	stream.indirect_vreg.gather [hbm4b:s6+s3], $0x80, v19, vm0, $0xb8;
	[tilespmem:$0x16000] =	vst v63  }
0x1d4: {  	s18 =	simm.s32 $0xA300  }
0x1d5: {  	[tilespmem:s18], [sflag:$0x2] =	stream.indirect_vreg.gather [hbm4b:s6+s3], $0x80, v25, vm0, $0xb8;
	[tilespmem:$0x16000] =	vst v63  }
0x1d6: {  	s21 =	simm.s32 $0xA380  }
0x1d7: {  	[tilespmem:s21], [sflag:$0x2] =	stream.indirect_vreg.gather [hbm4b:s6+s3], $0x80, v17, vm0, $0xb8;
	[tilespmem:$0x16000] =	vst v63  }
0x1d8: {  	v17 =	vld [tilespmem:$0x90];
	_ =	sdelay $0x4  }
0x1d9: {  	v18 =	vshrl.u32 v17, $0x3  }
0x1da: {  	v18 =	vmul.u32 $0x18, v18  }
0x1db: {  	v17 =	vand.u32 $0x7, v17  }
0x1dc: {  	v17 =	vor.u32 v17, v18  }
0x1dd: {  	v18 =	vperm.xlane v17, v2;
	_ =	sdelay $0x1  }
0x1de: {  	v19 =	vperm.xlane v17, v4;
	v18 =	vadd.s32 v3, v18;
	_ =	sdelay $0x1  }
0x1df: {  	v26 =	vperm.xlane v17, v5;
	v19 =	vadd.s32 v3, v19;
	_ =	sdelay $0x1  }
0x1e0: {  	s5 =	simm.s32 $0xA400;
	v27 =	vperm.xlane v17, v0;
	v20 =	vadd.s32 v3, v26  }
0x1e1: {  	[tilespmem:s5], [sflag:$0x2] =	stream.indirect_vreg.gather [hbm4b:s6+s3], $0x80, v18, vm0, $0xb8;
	[tilespmem:$0x16000] =	vst v63  }
0x1e2: {  	s18 =	simm.s32 $0xA480;
	v28 =	vperm.xlane v17, v6;
	v18 =	vadd.s32 v3, v27  }
0x1e3: {  	[tilespmem:s18], [sflag:$0x2] =	stream.indirect_vreg.gather [hbm4b:s6+s3], $0x80, v19, vm0, $0xb8;
	[tilespmem:$0x16000] =	vst v63  }
0x1e4: {  	s21 =	simm.s32 $0xA500;
	v29 =	vperm.xlane v17, v7;
	v19 =	vadd.s32 v3, v28  }
0x1e5: {  	[tilespmem:s21], [sflag:$0x2] =	stream.indirect_vreg.gather [hbm4b:s6+s3], $0x80, v20, vm0, $0xb8;
	[tilespmem:$0x16000] =	vst v63  }
0x1e6: {  	v31 =	vperm.xlane v17, v8;
	v30 =	vadd.s32 v3, v29;
	s5 =	simm.s32 $0xA580  }
0x1e7: {  	[tilespmem:s5], [sflag:$0x2] =	stream.indirect_vreg.gather [hbm4b:s6+s3], $0x80, v18, vm0, $0xb8;
	[tilespmem:$0x16000] =	vst v63  }
0x1e8: {  	v32 =	vperm.xlane v17, v1;
	s18 =	simm.s32 $0xA600;
	v18 =	vadd.s32 v3, v31  }
0x1e9: {  	[tilespmem:s18], [sflag:$0x2] =	stream.indirect_vreg.gather [hbm4b:s6+s3], $0x80, v19, vm0, $0xb8;
	[tilespmem:$0x16000] =	vst v63  }
0x1ea: {  	v33 =	vperm.xlane v17, v9;
	s21 =	simm.s32 $0xA680;
	v19 =	vadd.s32 v3, v32  }
0x1eb: {  	[tilespmem:s21], [sflag:$0x2] =	stream.indirect_vreg.gather [hbm4b:s6+s3], $0x80, v30, vm0, $0xb8;
	[tilespmem:$0x16000] =	vst v63  }
0x1ec: {  	v35 =	vperm.xlane v17, v10;
	v34 =	vadd.s32 v3, v33;
	s5 =	simm.s32 $0xA700  }
0x1ed: {  	[tilespmem:s5], [sflag:$0x2] =	stream.indirect_vreg.gather [hbm4b:s6+s3], $0x80, v18, vm0, $0xb8;
	[tilespmem:$0x16000] =	vst v63  }
0x1ee: {  	v36 =	vperm.xlane v17, v11;
	s18 =	simm.s32 $0xA780;
	v18 =	vadd.s32 v3, v35  }
0x1ef: {  	[tilespmem:s18], [sflag:$0x2] =	stream.indirect_vreg.gather [hbm4b:s6+s3], $0x80, v19, vm0, $0xb8;
	[tilespmem:$0x16000] =	vst v63  }
0x1f0: {  	v37 =	vperm.xlane v17, v12;
	s21 =	simm.s32 $0xA800;
	v19 =	vadd.s32 v3, v36  }
0x1f1: {  	[tilespmem:s21], [sflag:$0x2] =	stream.indirect_vreg.gather [hbm4b:s6+s3], $0x80, v34, vm0, $0xb8;
	[tilespmem:$0x16000] =	vst v63  }
0x1f2: {  	v39 =	vperm.xlane v17, v13;
	v38 =	vadd.s32 v3, v37;
	s5 =	simm.s32 $0xA880  }
0x1f3: {  	[tilespmem:s5], [sflag:$0x2] =	stream.indirect_vreg.gather [hbm4b:s6+s3], $0x80, v18, vm0, $0xb8;
	[tilespmem:$0x16000] =	vst v63  }
0x1f4: {  	v40 =	vperm.xlane v17, v14;
	s18 =	simm.s32 $0xA900;
	v18 =	vadd.s32 v3, v39  }
0x1f5: {  	[tilespmem:s18], [sflag:$0x2] =	stream.indirect_vreg.gather [hbm4b:s6+s3], $0x80, v19, vm0, $0xb8;
	[tilespmem:$0x16000] =	vst v63  }
0x1f6: {  	v41 =	vperm.xlane v17, v15;
	s21 =	simm.s32 $0xA980;
	v19 =	vadd.s32 v3, v40  }
0x1f7: {  	[tilespmem:s21], [sflag:$0x2] =	stream.indirect_vreg.gather [hbm4b:s6+s3], $0x80, v38, vm0, $0xb8;
	[tilespmem:$0x16000] =	vst v63  }
0x1f8: {  	v17 =	vperm.xlane v17, v16;
	v42 =	vadd.s32 v3, v41;
	s5 =	simm.s32 $0xAA00  }
0x1f9: {  	[tilespmem:s5], [sflag:$0x2] =	stream.indirect_vreg.gather [hbm4b:s6+s3], $0x80, v18, vm0, $0xb8;
	[tilespmem:$0x16000] =	vst v63  }
0x1fa: {  	v17 =	vadd.s32 v3, v17;
	s18 =	simm.s32 $0xAA80  }
0x1fb: {  	[tilespmem:s18], [sflag:$0x2] =	stream.indirect_vreg.gather [hbm4b:s6+s3], $0x80, v19, vm0, $0xb8;
	[tilespmem:$0x16000] =	vst v63  }
0x1fc: {  	s21 =	simm.s32 $0xAB00  }
0x1fd: {  	[tilespmem:s21], [sflag:$0x2] =	stream.indirect_vreg.gather [hbm4b:s6+s3], $0x80, v42, vm0, $0xb8;
	[tilespmem:$0x16000] =	vst v63  }
0x1fe: {  	s5 =	simm.s32 $0xAB80  }
0x1ff: {  	[tilespmem:s5], [sflag:$0x2] =	stream.indirect_vreg.gather [hbm4b:s6+s3], $0x80, v17, vm0, $0xb8;
	[tilespmem:$0x16000] =	vst v63  }
0x200: {  	v17 =	vld [tilespmem:$0xA0];
	_ =	sdelay $0x4  }
0x201: {  	v18 =	vshrl.u32 v17, $0x3  }
0x202: {  	v18 =	vmul.u32 $0x18, v18  }
0x203: {  	v17 =	vand.u32 $0x7, v17  }
0x204: {  	v17 =	vor.u32 v17, v18  }
0x205: {  	v18 =	vperm.xlane v17, v2;
	_ =	sdelay $0x1  }
0x206: {  	v19 =	vperm.xlane v17, v4;
	v18 =	vadd.s32 v3, v18;
	_ =	sdelay $0x1  }
0x207: {  	v43 =	vperm.xlane v17, v5;
	v19 =	vadd.s32 v3, v19;
	_ =	sdelay $0x1  }
0x208: {  	s18 =	simm.s32 $0xAC00;
	v44 =	vperm.xlane v17, v0;
	v20 =	vadd.s32 v3, v43  }
0x209: {  	[tilespmem:s18], [sflag:$0x2] =	stream.indirect_vreg.gather [hbm4b:s6+s3], $0x80, v18, vm0, $0xb8;
	[tilespmem:$0x16000] =	vst v63  }
0x20a: {  	s21 =	simm.s32 $0xAC80;
	v45 =	vperm.xlane v17, v6;
	v18 =	vadd.s32 v3, v44  }
0x20b: {  	[tilespmem:s21], [sflag:$0x2] =	stream.indirect_vreg.gather [hbm4b:s6+s3], $0x80, v19, vm0, $0xb8;
	[tilespmem:$0x16000] =	vst v63  }
0x20c: {  	s5 =	simm.s32 $0xAD00;
	v46 =	vperm.xlane v17, v7;
	v19 =	vadd.s32 v3, v45  }
0x20d: {  	[tilespmem:s5], [sflag:$0x2] =	stream.indirect_vreg.gather [hbm4b:s6+s3], $0x80, v20, vm0, $0xb8;
	[tilespmem:$0x16000] =	vst v63  }
0x20e: {  	v48 =	vperm.xlane v17, v8;
	v47 =	vadd.s32 v3, v46;
	s18 =	simm.s32 $0xAD80  }
0x20f: {  	[tilespmem:s18], [sflag:$0x2] =	stream.indirect_vreg.gather [hbm4b:s6+s3], $0x80, v18, vm0, $0xb8;
	[tilespmem:$0x16000] =	vst v63  }
0x210: {  	v49 =	vperm.xlane v17, v1;
	s21 =	simm.s32 $0xAE00;
	v18 =	vadd.s32 v3, v48  }
0x211: {  	[tilespmem:s21], [sflag:$0x2] =	stream.indirect_vreg.gather [hbm4b:s6+s3], $0x80, v19, vm0, $0xb8;
	[tilespmem:$0x16000] =	vst v63  }
0x212: {  	v50 =	vperm.xlane v17, v9;
	s5 =	simm.s32 $0xAE80;
	v19 =	vadd.s32 v3, v49  }
0x213: {  	[tilespmem:s5], [sflag:$0x2] =	stream.indirect_vreg.gather [hbm4b:s6+s3], $0x80, v47, vm0, $0xb8;
	[tilespmem:$0x16000] =	vst v63  }
0x214: {  	v52 =	vperm.xlane v17, v10;
	v51 =	vadd.s32 v3, v50;
	s18 =	simm.s32 $0xAF00  }
0x215: {  	[tilespmem:s18], [sflag:$0x2] =	stream.indirect_vreg.gather [hbm4b:s6+s3], $0x80, v18, vm0, $0xb8;
	[tilespmem:$0x16000] =	vst v63  }
0x216: {  	v53 =	vperm.xlane v17, v11;
	s21 =	simm.s32 $0xAF80;
	v18 =	vadd.s32 v3, v52  }
0x217: {  	[tilespmem:s21], [sflag:$0x2] =	stream.indirect_vreg.gather [hbm4b:s6+s3], $0x80, v19, vm0, $0xb8;
	[tilespmem:$0x16000] =	vst v63  }
0x218: {  	v54 =	vperm.xlane v17, v12;
	s5 =	simm.s32 $0xB000;
	v19 =	vadd.s32 v3, v53  }
0x219: {  	[tilespmem:s5], [sflag:$0x2] =	stream.indirect_vreg.gather [hbm4b:s6+s3], $0x80, v51, vm0, $0xb8;
	[tilespmem:$0x16000] =	vst v63  }
0x21a: {  	v56 =	vperm.xlane v17, v13;
	v55 =	vadd.s32 v3, v54;
	s18 =	simm.s32 $0xB080  }
0x21b: {  	[tilespmem:s18], [sflag:$0x2] =	stream.indirect_vreg.gather [hbm4b:s6+s3], $0x80, v18, vm0, $0xb8;
	[tilespmem:$0x16000] =	vst v63  }
0x21c: {  	v57 =	vperm.xlane v17, v14;
	s21 =	simm.s32 $0xB100;
	v18 =	vadd.s32 v3, v56  }
0x21d: {  	[tilespmem:s21], [sflag:$0x2] =	stream.indirect_vreg.gather [hbm4b:s6+s3], $0x80, v19, vm0, $0xb8;
	[tilespmem:$0x16000] =	vst v63  }
0x21e: {  	v58 =	vperm.xlane v17, v15;
	s5 =	simm.s32 $0xB180;
	v19 =	vadd.s32 v3, v57  }
0x21f: {  	[tilespmem:s5], [sflag:$0x2] =	stream.indirect_vreg.gather [hbm4b:s6+s3], $0x80, v55, vm0, $0xb8;
	[tilespmem:$0x16000] =	vst v63  }
0x220: {  	v17 =	vperm.xlane v17, v16;
	v59 =	vadd.s32 v3, v58;
	s18 =	simm.s32 $0xB200  }
0x221: {  	[tilespmem:s18], [sflag:$0x2] =	stream.indirect_vreg.gather [hbm4b:s6+s3], $0x80, v18, vm0, $0xb8;
	[tilespmem:$0x16000] =	vst v63  }
0x222: {  	v17 =	vadd.s32 v3, v17;
	s21 =	simm.s32 $0xB280  }
0x223: {  	[tilespmem:s21], [sflag:$0x2] =	stream.indirect_vreg.gather [hbm4b:s6+s3], $0x80, v19, vm0, $0xb8;
	[tilespmem:$0x16000] =	vst v63  }
0x224: {  	s5 =	simm.s32 $0xB300  }
0x225: {  	[tilespmem:s5], [sflag:$0x2] =	stream.indirect_vreg.gather [hbm4b:s6+s3], $0x80, v59, vm0, $0xb8;
	[tilespmem:$0x16000] =	vst v63  }
0x226: {  	s18 =	simm.s32 $0xB380  }
0x227: {  	[tilespmem:s18], [sflag:$0x2] =	stream.indirect_vreg.gather [hbm4b:s6+s3], $0x80, v17, vm0, $0xb8;
	[tilespmem:$0x16000] =	vst v63  }
0x228: {  	v17 =	vld.msk [tilespmem:$0xB0], $0x3;
	_ =	sdelay $0x4  }
0x229: {  	v18 =	vshrl.u32 v17, $0x3  }
0x22a: {  	v18 =	vmul.u32 $0x18, v18  }
0x22b: {  	v17 =	vand.u32 $0x7, v17  }
0x22c: {  	v17 =	vor.u32 v17, v18  }
0x22d: {  	v18 =	vperm.xlane v17, v2;
	_ =	sdelay $0x1  }
0x22e: {  	v17 =	vperm.xlane v17, v4;
	v18 =	vadd.s32 v3, v18;
	_ =	sdelay $0x1  }
0x22f: {  	v17 =	vadd.s32 v3, v17;
	_ =	sdelay $0x1  }
0x230: {  	s21 =	simm.s32 $0xB400  }
0x231: {  	[tilespmem:s21], [sflag:$0x2] =	stream.indirect_vreg.gather [hbm4b:s6+s3], $0x80, v18, vm0, $0xb8;
	[tilespmem:$0x16000] =	vst v63  }
0x232: {  	s5 =	simm.s32 $0xB480  }
0x233: {  	[tilespmem:s5], [sflag:$0x2] =	stream.indirect_vreg.gather [hbm4b:s6+s3], $0x80, v17, vm0, $0xb8;
	[tilespmem:$0x16000] =	vst v63  }
0x234: {  	s18 =	simm.s32 $0x80;
	s21 =	simm.s32 $0x10C00  }
0x235: {  	[tilespmem:s21], [sflag:$0x2] =	stream.indirect.gather [hbm4b:s2+s30], $0x80, s18, s30, $0xb8;
	[tilespmem:$0x16000] =	vst v63  }
0x236: {  	v17 =	vld [tilespmem:$0x100];
	_ =	sdelay $0x4  }
0x237: {  	v18 =	vshrl.u32 v17, $0x3  }
0x238: {  	v18 =	vmul.u32 $0x18, v18  }
0x239: {  	v17 =	vand.u32 $0x7, v17  }
0x23a: {  	v17 =	vor.u32 v17, v18  }
0x23b: {  	v18 =	vperm.xlane v17, v2;
	_ =	sdelay $0x1  }
0x23c: {  	v19 =	vperm.xlane v17, v4;
	v18 =	vadd.s32 v3, v18;
	_ =	sdelay $0x1  }
0x23d: {  	v60 =	vperm.xlane v17, v5;
	v19 =	vadd.s32 v3, v19;
	_ =	sdelay $0x1  }
0x23e: {  	v61 =	vperm.xlane v17, v0;
	v20 =	vadd.s32 v3, v60  }
0x23f: {  	[tilespmem:s22], [sflag:$0x3] =	stream.indirect_vreg.gather [hbm4b:s4+s3], $0x80, v18, vm0, $0xb8;
	[tilespmem:$0x16000] =	vst v63  }
0x240: {  	s18 =	simm.s32 $0x4880;
	v62 =	vperm.xlane v17, v6;
	v18 =	vadd.s32 v3, v61  }
0x241: {  	[tilespmem:s18], [sflag:$0x3] =	stream.indirect_vreg.gather [hbm4b:s4+s3], $0x80, v19, vm0, $0xb8;
	[tilespmem:$0x16000] =	vst v63  }
0x242: {  	s21 =	simm.s32 $0x4900;
	v63 =	vperm.xlane v17, v7;
	v19 =	vadd.s32 v3, v62  }
0x243: {  	[tilespmem:s21], [sflag:$0x3] =	stream.indirect_vreg.gather [hbm4b:s4+s3], $0x80, v20, vm0, $0xb8;
	[tilespmem:$0x16000] =	vst v63  }
0x244: {  	s5 =	simm.s32 $0x4980;
	v25 =	vperm.xlane v17, v8;
	v24 =	vadd.s32 v3, v63  }
0x245: {  	[tilespmem:s5], [sflag:$0x3] =	stream.indirect_vreg.gather [hbm4b:s4+s3], $0x80, v18, vm0, $0xb8;
	[tilespmem:$0x16000] =	vst v63  }
0x246: {  	v26 =	vperm.xlane v17, v1;
	s18 =	simm.s32 $0x4A00;
	v18 =	vadd.s32 v3, v25  }
0x247: {  	[tilespmem:s18], [sflag:$0x3] =	stream.indirect_vreg.gather [hbm4b:s4+s3], $0x80, v19, vm0, $0xb8;
	[tilespmem:$0x16000] =	vst v63  }
0x248: {  	v27 =	vperm.xlane v17, v9;
	s21 =	simm.s32 $0x4A80;
	v19 =	vadd.s32 v3, v26  }
0x249: {  	[tilespmem:s21], [sflag:$0x3] =	stream.indirect_vreg.gather [hbm4b:s4+s3], $0x80, v24, vm0, $0xb8;
	[tilespmem:$0x16000] =	vst v63  }
0x24a: {  	v29 =	vperm.xlane v17, v10;
	v28 =	vadd.s32 v3, v27;
	s5 =	simm.s32 $0x4B00  }
0x24b: {  	[tilespmem:s5], [sflag:$0x3] =	stream.indirect_vreg.gather [hbm4b:s4+s3], $0x80, v18, vm0, $0xb8;
	[tilespmem:$0x16000] =	vst v63  }
0x24c: {  	v30 =	vperm.xlane v17, v11;
	s18 =	simm.s32 $0x4B80;
	v18 =	vadd.s32 v3, v29  }
0x24d: {  	[tilespmem:s18], [sflag:$0x3] =	stream.indirect_vreg.gather [hbm4b:s4+s3], $0x80, v19, vm0, $0xb8;
	[tilespmem:$0x16000] =	vst v63  }
0x24e: {  	v31 =	vperm.xlane v17, v12;
	s21 =	simm.s32 $0x4C00;
	v19 =	vadd.s32 v3, v30  }
0x24f: {  	[tilespmem:s21], [sflag:$0x3] =	stream.indirect_vreg.gather [hbm4b:s4+s3], $0x80, v28, vm0, $0xb8;
	[tilespmem:$0x16000] =	vst v63  }
0x250: {  	v33 =	vperm.xlane v17, v13;
	v32 =	vadd.s32 v3, v31;
	s5 =	simm.s32 $0x4C80  }
0x251: {  	[tilespmem:s5], [sflag:$0x3] =	stream.indirect_vreg.gather [hbm4b:s4+s3], $0x80, v18, vm0, $0xb8;
	[tilespmem:$0x16000] =	vst v63  }
0x252: {  	v34 =	vperm.xlane v17, v14;
	s18 =	simm.s32 $0x4D00;
	v18 =	vadd.s32 v3, v33  }
0x253: {  	[tilespmem:s18], [sflag:$0x3] =	stream.indirect_vreg.gather [hbm4b:s4+s3], $0x80, v19, vm0, $0xb8;
	[tilespmem:$0x16000] =	vst v63  }
0x254: {  	v35 =	vperm.xlane v17, v15;
	s21 =	simm.s32 $0x4D80;
	v19 =	vadd.s32 v3, v34  }
0x255: {  	[tilespmem:s21], [sflag:$0x3] =	stream.indirect_vreg.gather [hbm4b:s4+s3], $0x80, v32, vm0, $0xb8;
	[tilespmem:$0x16000] =	vst v63  }
0x256: {  	v17 =	vperm.xlane v17, v16;
	v36 =	vadd.s32 v3, v35;
	s5 =	simm.s32 $0x4E00  }
0x257: {  	[tilespmem:s5], [sflag:$0x3] =	stream.indirect_vreg.gather [hbm4b:s4+s3], $0x80, v18, vm0, $0xb8;
	[tilespmem:$0x16000] =	vst v63  }
0x258: {  	v17 =	vadd.s32 v3, v17;
	s18 =	simm.s32 $0x4E80  }
0x259: {  	[tilespmem:s18], [sflag:$0x3] =	stream.indirect_vreg.gather [hbm4b:s4+s3], $0x80, v19, vm0, $0xb8;
	[tilespmem:$0x16000] =	vst v63  }
0x25a: {  	s21 =	simm.s32 $0x4F00  }
0x25b: {  	[tilespmem:s21], [sflag:$0x3] =	stream.indirect_vreg.gather [hbm4b:s4+s3], $0x80, v36, vm0, $0xb8;
	[tilespmem:$0x16000] =	vst v63  }
0x25c: {  	s5 =	simm.s32 $0x4F80  }
0x25d: {  	[tilespmem:s5], [sflag:$0x3] =	stream.indirect_vreg.gather [hbm4b:s4+s3], $0x80, v17, vm0, $0xb8;
	[tilespmem:$0x16000] =	vst v63  }
0x25e: {  	v17 =	vld [tilespmem:$0x110];
	_ =	sdelay $0x4  }
0x25f: {  	v18 =	vshrl.u32 v17, $0x3  }
0x260: {  	v18 =	vmul.u32 $0x18, v18  }
0x261: {  	v17 =	vand.u32 $0x7, v17  }
0x262: {  	v17 =	vor.u32 v17, v18  }
0x263: {  	v18 =	vperm.xlane v17, v2;
	_ =	sdelay $0x1  }
0x264: {  	v19 =	vperm.xlane v17, v4;
	v18 =	vadd.s32 v3, v18;
	_ =	sdelay $0x1  }
0x265: {  	v37 =	vperm.xlane v17, v5;
	v19 =	vadd.s32 v3, v19;
	_ =	sdelay $0x1  }
0x266: {  	s18 =	simm.s32 $0x5000;
	v38 =	vperm.xlane v17, v0;
	v20 =	vadd.s32 v3, v37  }
0x267: {  	[tilespmem:s18], [sflag:$0x3] =	stream.indirect_vreg.gather [hbm4b:s4+s3], $0x80, v18, vm0, $0xb8;
	[tilespmem:$0x16000] =	vst v63  }
0x268: {  	s21 =	simm.s32 $0x5080;
	v39 =	vperm.xlane v17, v6;
	v18 =	vadd.s32 v3, v38  }
0x269: {  	[tilespmem:s21], [sflag:$0x3] =	stream.indirect_vreg.gather [hbm4b:s4+s3], $0x80, v19, vm0, $0xb8;
	[tilespmem:$0x16000] =	vst v63  }
0x26a: {  	s5 =	simm.s32 $0x5100;
	v40 =	vperm.xlane v17, v7;
	v19 =	vadd.s32 v3, v39  }
0x26b: {  	[tilespmem:s5], [sflag:$0x3] =	stream.indirect_vreg.gather [hbm4b:s4+s3], $0x80, v20, vm0, $0xb8;
	[tilespmem:$0x16000] =	vst v63  }
0x26c: {  	v42 =	vperm.xlane v17, v8;
	v41 =	vadd.s32 v3, v40;
	s18 =	simm.s32 $0x5180  }
0x26d: {  	[tilespmem:s18], [sflag:$0x3] =	stream.indirect_vreg.gather [hbm4b:s4+s3], $0x80, v18, vm0, $0xb8;
	[tilespmem:$0x16000] =	vst v63  }
0x26e: {  	v43 =	vperm.xlane v17, v1;
	s21 =	simm.s32 $0x5200;
	v18 =	vadd.s32 v3, v42  }
0x26f: {  	[tilespmem:s21], [sflag:$0x3] =	stream.indirect_vreg.gather [hbm4b:s4+s3], $0x80, v19, vm0, $0xb8;
	[tilespmem:$0x16000] =	vst v63  }
0x270: {  	v44 =	vperm.xlane v17, v9;
	s5 =	simm.s32 $0x5280;
	v19 =	vadd.s32 v3, v43  }
0x271: {  	[tilespmem:s5], [sflag:$0x3] =	stream.indirect_vreg.gather [hbm4b:s4+s3], $0x80, v41, vm0, $0xb8;
	[tilespmem:$0x16000] =	vst v63  }
0x272: {  	v46 =	vperm.xlane v17, v10;
	v45 =	vadd.s32 v3, v44;
	s18 =	simm.s32 $0x5300  }
0x273: {  	[tilespmem:s18], [sflag:$0x3] =	stream.indirect_vreg.gather [hbm4b:s4+s3], $0x80, v18, vm0, $0xb8;
	[tilespmem:$0x16000] =	vst v63  }
0x274: {  	v47 =	vperm.xlane v17, v11;
	s21 =	simm.s32 $0x5380;
	v18 =	vadd.s32 v3, v46  }
0x275: {  	[tilespmem:s21], [sflag:$0x3] =	stream.indirect_vreg.gather [hbm4b:s4+s3], $0x80, v19, vm0, $0xb8;
	[tilespmem:$0x16000] =	vst v63  }
0x276: {  	v48 =	vperm.xlane v17, v12;
	s5 =	simm.s32 $0x5400;
	v19 =	vadd.s32 v3, v47  }
0x277: {  	[tilespmem:s5], [sflag:$0x3] =	stream.indirect_vreg.gather [hbm4b:s4+s3], $0x80, v45, vm0, $0xb8;
	[tilespmem:$0x16000] =	vst v63  }
0x278: {  	v50 =	vperm.xlane v17, v13;
	v49 =	vadd.s32 v3, v48;
	s18 =	simm.s32 $0x5480  }
0x279: {  	[tilespmem:s18], [sflag:$0x3] =	stream.indirect_vreg.gather [hbm4b:s4+s3], $0x80, v18, vm0, $0xb8;
	[tilespmem:$0x16000] =	vst v63  }
0x27a: {  	v51 =	vperm.xlane v17, v14;
	s21 =	simm.s32 $0x5500;
	v18 =	vadd.s32 v3, v50  }
0x27b: {  	[tilespmem:s21], [sflag:$0x3] =	stream.indirect_vreg.gather [hbm4b:s4+s3], $0x80, v19, vm0, $0xb8;
	[tilespmem:$0x16000] =	vst v63  }
0x27c: {  	v52 =	vperm.xlane v17, v15;
	s5 =	simm.s32 $0x5580;
	v19 =	vadd.s32 v3, v51  }
0x27d: {  	[tilespmem:s5], [sflag:$0x3] =	stream.indirect_vreg.gather [hbm4b:s4+s3], $0x80, v49, vm0, $0xb8;
	[tilespmem:$0x16000] =	vst v63  }
0x27e: {  	v17 =	vperm.xlane v17, v16;
	v53 =	vadd.s32 v3, v52;
	s18 =	simm.s32 $0x5600  }
0x27f: {  	[tilespmem:s18], [sflag:$0x3] =	stream.indirect_vreg.gather [hbm4b:s4+s3], $0x80, v18, vm0, $0xb8;
	[tilespmem:$0x16000] =	vst v63  }
0x280: {  	v17 =	vadd.s32 v3, v17;
	s21 =	simm.s32 $0x5680  }
0x281: {  	[tilespmem:s21], [sflag:$0x3] =	stream.indirect_vreg.gather [hbm4b:s4+s3], $0x80, v19, vm0, $0xb8;
	[tilespmem:$0x16000] =	vst v63  }
0x282: {  	s5 =	simm.s32 $0x5700  }
0x283: {  	[tilespmem:s5], [sflag:$0x3] =	stream.indirect_vreg.gather [hbm4b:s4+s3], $0x80, v53, vm0, $0xb8;
	[tilespmem:$0x16000] =	vst v63  }
0x284: {  	s18 =	simm.s32 $0x5780  }
0x285: {  	[tilespmem:s18], [sflag:$0x3] =	stream.indirect_vreg.gather [hbm4b:s4+s3], $0x80, v17, vm0, $0xb8;
	[tilespmem:$0x16000] =	vst v63  }
0x286: {  	v17 =	vld [tilespmem:$0x120];
	_ =	sdelay $0x4  }
0x287: {  	v18 =	vshrl.u32 v17, $0x3  }
0x288: {  	v18 =	vmul.u32 $0x18, v18  }
0x289: {  	v17 =	vand.u32 $0x7, v17  }
0x28a: {  	v17 =	vor.u32 v17, v18  }
0x28b: {  	v18 =	vperm.xlane v17, v2;
	_ =	sdelay $0x1  }
0x28c: {  	v19 =	vperm.xlane v17, v4;
	v18 =	vadd.s32 v3, v18;
	_ =	sdelay $0x1  }
0x28d: {  	v54 =	vperm.xlane v17, v5;
	v19 =	vadd.s32 v3, v19;
	_ =	sdelay $0x1  }
0x28e: {  	s21 =	simm.s32 $0x5800;
	v55 =	vperm.xlane v17, v0;
	v20 =	vadd.s32 v3, v54  }
0x28f: {  	[tilespmem:s21], [sflag:$0x3] =	stream.indirect_vreg.gather [hbm4b:s4+s3], $0x80, v18, vm0, $0xb8;
	[tilespmem:$0x16000] =	vst v63  }
0x290: {  	s5 =	simm.s32 $0x5880;
	v56 =	vperm.xlane v17, v6;
	v18 =	vadd.s32 v3, v55  }
0x291: {  	[tilespmem:s5], [sflag:$0x3] =	stream.indirect_vreg.gather [hbm4b:s4+s3], $0x80, v19, vm0, $0xb8;
	[tilespmem:$0x16000] =	vst v63  }
0x292: {  	s18 =	simm.s32 $0x5900;
	v57 =	vperm.xlane v17, v7;
	v19 =	vadd.s32 v3, v56  }
0x293: {  	[tilespmem:s18], [sflag:$0x3] =	stream.indirect_vreg.gather [hbm4b:s4+s3], $0x80, v20, vm0, $0xb8;
	[tilespmem:$0x16000] =	vst v63  }
0x294: {  	v59 =	vperm.xlane v17, v8;
	v58 =	vadd.s32 v3, v57;
	s21 =	simm.s32 $0x5980  }
0x295: {  	[tilespmem:s21], [sflag:$0x3] =	stream.indirect_vreg.gather [hbm4b:s4+s3], $0x80, v18, vm0, $0xb8;
	[tilespmem:$0x16000] =	vst v63  }
0x296: {  	v60 =	vperm.xlane v17, v1;
	s5 =	simm.s32 $0x5A00;
	v18 =	vadd.s32 v3, v59  }
0x297: {  	[tilespmem:s5], [sflag:$0x3] =	stream.indirect_vreg.gather [hbm4b:s4+s3], $0x80, v19, vm0, $0xb8;
	[tilespmem:$0x16000] =	vst v63  }
0x298: {  	v61 =	vperm.xlane v17, v9;
	s18 =	simm.s32 $0x5A80;
	v19 =	vadd.s32 v3, v60  }
0x299: {  	[tilespmem:s18], [sflag:$0x3] =	stream.indirect_vreg.gather [hbm4b:s4+s3], $0x80, v58, vm0, $0xb8;
	[tilespmem:$0x16000] =	vst v63  }
0x29a: {  	v63 =	vperm.xlane v17, v10;
	v62 =	vadd.s32 v3, v61;
	s21 =	simm.s32 $0x5B00  }
0x29b: {  	[tilespmem:s21], [sflag:$0x3] =	stream.indirect_vreg.gather [hbm4b:s4+s3], $0x80, v18, vm0, $0xb8;
	[tilespmem:$0x16000] =	vst v63  }
0x29c: {  	v24 =	vperm.xlane v17, v11;
	s5 =	simm.s32 $0x5B80;
	v18 =	vadd.s32 v3, v63  }
0x29d: {  	[tilespmem:s5], [sflag:$0x3] =	stream.indirect_vreg.gather [hbm4b:s4+s3], $0x80, v19, vm0, $0xb8;
	[tilespmem:$0x16000] =	vst v63  }
0x29e: {  	v25 =	vperm.xlane v17, v12;
	s18 =	simm.s32 $0x5C00;
	v19 =	vadd.s32 v3, v24  }
0x29f: {  	[tilespmem:s18], [sflag:$0x3] =	stream.indirect_vreg.gather [hbm4b:s4+s3], $0x80, v62, vm0, $0xb8;
	[tilespmem:$0x16000] =	vst v63  }
0x2a0: {  	v27 =	vperm.xlane v17, v13;
	v26 =	vadd.s32 v3, v25;
	s21 =	simm.s32 $0x5C80  }
0x2a1: {  	[tilespmem:s21], [sflag:$0x3] =	stream.indirect_vreg.gather [hbm4b:s4+s3], $0x80, v18, vm0, $0xb8;
	[tilespmem:$0x16000] =	vst v63  }
0x2a2: {  	v28 =	vperm.xlane v17, v14;
	s5 =	simm.s32 $0x5D00;
	v18 =	vadd.s32 v3, v27  }
0x2a3: {  	[tilespmem:s5], [sflag:$0x3] =	stream.indirect_vreg.gather [hbm4b:s4+s3], $0x80, v19, vm0, $0xb8;
	[tilespmem:$0x16000] =	vst v63  }
0x2a4: {  	v29 =	vperm.xlane v17, v15;
	s18 =	simm.s32 $0x5D80;
	v19 =	vadd.s32 v3, v28  }
0x2a5: {  	[tilespmem:s18], [sflag:$0x3] =	stream.indirect_vreg.gather [hbm4b:s4+s3], $0x80, v26, vm0, $0xb8;
	[tilespmem:$0x16000] =	vst v63  }
0x2a6: {  	v17 =	vperm.xlane v17, v16;
	v30 =	vadd.s32 v3, v29;
	s21 =	simm.s32 $0x5E00  }
0x2a7: {  	[tilespmem:s21], [sflag:$0x3] =	stream.indirect_vreg.gather [hbm4b:s4+s3], $0x80, v18, vm0, $0xb8;
	[tilespmem:$0x16000] =	vst v63  }
0x2a8: {  	v17 =	vadd.s32 v3, v17;
	s5 =	simm.s32 $0x5E80  }
0x2a9: {  	[tilespmem:s5], [sflag:$0x3] =	stream.indirect_vreg.gather [hbm4b:s4+s3], $0x80, v19, vm0, $0xb8;
	[tilespmem:$0x16000] =	vst v63  }
0x2aa: {  	s18 =	simm.s32 $0x5F00  }
0x2ab: {  	[tilespmem:s18], [sflag:$0x3] =	stream.indirect_vreg.gather [hbm4b:s4+s3], $0x80, v30, vm0, $0xb8;
	[tilespmem:$0x16000] =	vst v63  }
0x2ac: {  	s21 =	simm.s32 $0x5F80  }
0x2ad: {  	[tilespmem:s21], [sflag:$0x3] =	stream.indirect_vreg.gather [hbm4b:s4+s3], $0x80, v17, vm0, $0xb8;
	[tilespmem:$0x16000] =	vst v63  }
0x2ae: {  	v17 =	vld.msk [tilespmem:$0x130], $0x3;
	_ =	sdelay $0x4  }
0x2af: {  	v18 =	vshrl.u32 v17, $0x3  }
0x2b0: {  	v18 =	vmul.u32 $0x18, v18  }
0x2b1: {  	v17 =	vand.u32 $0x7, v17  }
0x2b2: {  	v17 =	vor.u32 v17, v18  }
0x2b3: {  	v18 =	vperm.xlane v17, v2;
	_ =	sdelay $0x1  }
0x2b4: {  	v17 =	vperm.xlane v17, v4;
	v18 =	vadd.s32 v3, v18;
	_ =	sdelay $0x1  }
0x2b5: {  	v17 =	vadd.s32 v3, v17;
	_ =	sdelay $0x2  }
0x2b6: {  	[tilespmem:s26], [sflag:$0x3] =	stream.indirect_vreg.gather [hbm4b:s4+s3], $0x80, v18, vm0, $0xb8;
	[tilespmem:$0x16000] =	vst v63  }
0x2b7: {  	s5 =	simm.s32 $0x6080  }
0x2b8: {  	[tilespmem:s5], [sflag:$0x3] =	stream.indirect_vreg.gather [hbm4b:s4+s3], $0x80, v17, vm0, $0xb8;
	[tilespmem:$0x16000] =	vst v63  }
0x2b9: {  	v17 =	vld [tilespmem:$0x100];
	_ =	sdelay $0x4  }
0x2ba: {  	v18 =	vshrl.u32 v17, $0x3  }
0x2bb: {  	v18 =	vmul.u32 $0x18, v18  }
0x2bc: {  	v17 =	vand.u32 $0x7, v17  }
0x2bd: {  	v17 =	vor.u32 v17, v18  }
0x2be: {  	v18 =	vperm.xlane v17, v2;
	_ =	sdelay $0x1  }
0x2bf: {  	v19 =	vperm.xlane v17, v4;
	v18 =	vadd.s32 v3, v18;
	_ =	sdelay $0x1  }
0x2c0: {  	v31 =	vperm.xlane v17, v5;
	v19 =	vadd.s32 v3, v19;
	_ =	sdelay $0x1  }
0x2c1: {  	v32 =	vperm.xlane v17, v0;
	v20 =	vadd.s32 v3, v31  }
0x2c2: {  	[tilespmem:s7], [sflag:$0x3] =	stream.indirect_vreg.gather [hbm4b:s6+s3], $0x80, v18, vm0, $0xb8;
	[tilespmem:$0x16000] =	vst v63  }
0x2c3: {  	s18 =	simm.s32 $0xB880;
	v33 =	vperm.xlane v17, v6;
	v18 =	vadd.s32 v3, v32  }
0x2c4: {  	[tilespmem:s18], [sflag:$0x3] =	stream.indirect_vreg.gather [hbm4b:s6+s3], $0x80, v19, vm0, $0xb8;
	[tilespmem:$0x16000] =	vst v63  }
0x2c5: {  	s21 =	simm.s32 $0xB900;
	v34 =	vperm.xlane v17, v7;
	v19 =	vadd.s32 v3, v33  }
0x2c6: {  	[tilespmem:s21], [sflag:$0x3] =	stream.indirect_vreg.gather [hbm4b:s6+s3], $0x80, v20, vm0, $0xb8;
	[tilespmem:$0x16000] =	vst v63  }
0x2c7: {  	s5 =	simm.s32 $0xB980;
	v36 =	vperm.xlane v17, v8;
	v35 =	vadd.s32 v3, v34  }
0x2c8: {  	[tilespmem:s5], [sflag:$0x3] =	stream.indirect_vreg.gather [hbm4b:s6+s3], $0x80, v18, vm0, $0xb8;
	[tilespmem:$0x16000] =	vst v63  }
0x2c9: {  	v37 =	vperm.xlane v17, v1;
	s18 =	simm.s32 $0xBA00;
	v18 =	vadd.s32 v3, v36  }
0x2ca: {  	[tilespmem:s18], [sflag:$0x3] =	stream.indirect_vreg.gather [hbm4b:s6+s3], $0x80, v19, vm0, $0xb8;
	[tilespmem:$0x16000] =	vst v63  }
0x2cb: {  	v38 =	vperm.xlane v17, v9;
	s21 =	simm.s32 $0xBA80;
	v19 =	vadd.s32 v3, v37  }
0x2cc: {  	[tilespmem:s21], [sflag:$0x3] =	stream.indirect_vreg.gather [hbm4b:s6+s3], $0x80, v35, vm0, $0xb8;
	[tilespmem:$0x16000] =	vst v63  }
0x2cd: {  	v40 =	vperm.xlane v17, v10;
	v39 =	vadd.s32 v3, v38;
	s5 =	simm.s32 $0xBB00  }
0x2ce: {  	[tilespmem:s5], [sflag:$0x3] =	stream.indirect_vreg.gather [hbm4b:s6+s3], $0x80, v18, vm0, $0xb8;
	[tilespmem:$0x16000] =	vst v63  }
0x2cf: {  	v41 =	vperm.xlane v17, v11;
	s18 =	simm.s32 $0xBB80;
	v18 =	vadd.s32 v3, v40  }
0x2d0: {  	[tilespmem:s18], [sflag:$0x3] =	stream.indirect_vreg.gather [hbm4b:s6+s3], $0x80, v19, vm0, $0xb8;
	[tilespmem:$0x16000] =	vst v63  }
0x2d1: {  	v42 =	vperm.xlane v17, v12;
	s21 =	simm.s32 $0xBC00;
	v19 =	vadd.s32 v3, v41  }
0x2d2: {  	[tilespmem:s21], [sflag:$0x3] =	stream.indirect_vreg.gather [hbm4b:s6+s3], $0x80, v39, vm0, $0xb8;
	[tilespmem:$0x16000] =	vst v63  }
0x2d3: {  	v44 =	vperm.xlane v17, v13;
	v43 =	vadd.s32 v3, v42;
	s5 =	simm.s32 $0xBC80  }
0x2d4: {  	[tilespmem:s5], [sflag:$0x3] =	stream.indirect_vreg.gather [hbm4b:s6+s3], $0x80, v18, vm0, $0xb8;
	[tilespmem:$0x16000] =	vst v63  }
0x2d5: {  	v45 =	vperm.xlane v17, v14;
	s18 =	simm.s32 $0xBD00;
	v18 =	vadd.s32 v3, v44  }
0x2d6: {  	[tilespmem:s18], [sflag:$0x3] =	stream.indirect_vreg.gather [hbm4b:s6+s3], $0x80, v19, vm0, $0xb8;
	[tilespmem:$0x16000] =	vst v63  }
0x2d7: {  	v46 =	vperm.xlane v17, v15;
	s21 =	simm.s32 $0xBD80;
	v19 =	vadd.s32 v3, v45  }
0x2d8: {  	[tilespmem:s21], [sflag:$0x3] =	stream.indirect_vreg.gather [hbm4b:s6+s3], $0x80, v43, vm0, $0xb8;
	[tilespmem:$0x16000] =	vst v63  }
0x2d9: {  	v17 =	vperm.xlane v17, v16;
	v47 =	vadd.s32 v3, v46;
	s5 =	simm.s32 $0xBE00  }
0x2da: {  	[tilespmem:s5], [sflag:$0x3] =	stream.indirect_vreg.gather [hbm4b:s6+s3], $0x80, v18, vm0, $0xb8;
	[tilespmem:$0x16000] =	vst v63  }
0x2db: {  	v17 =	vadd.s32 v3, v17;
	s18 =	simm.s32 $0xBE80  }
0x2dc: {  	[tilespmem:s18], [sflag:$0x3] =	stream.indirect_vreg.gather [hbm4b:s6+s3], $0x80, v19, vm0, $0xb8;
	[tilespmem:$0x16000] =	vst v63  }
0x2dd: {  	s21 =	simm.s32 $0xBF00  }
0x2de: {  	[tilespmem:s21], [sflag:$0x3] =	stream.indirect_vreg.gather [hbm4b:s6+s3], $0x80, v47, vm0, $0xb8;
	[tilespmem:$0x16000] =	vst v63  }
0x2df: {  	s5 =	simm.s32 $0xBF80  }
0x2e0: {  	[tilespmem:s5], [sflag:$0x3] =	stream.indirect_vreg.gather [hbm4b:s6+s3], $0x80, v17, vm0, $0xb8;
	[tilespmem:$0x16000] =	vst v63  }
0x2e1: {  	v17 =	vld [tilespmem:$0x110];
	_ =	sdelay $0x4  }
0x2e2: {  	v18 =	vshrl.u32 v17, $0x3  }
0x2e3: {  	v18 =	vmul.u32 $0x18, v18  }
0x2e4: {  	v17 =	vand.u32 $0x7, v17  }
0x2e5: {  	v17 =	vor.u32 v17, v18  }
0x2e6: {  	v18 =	vperm.xlane v17, v2;
	_ =	sdelay $0x1  }
0x2e7: {  	v19 =	vperm.xlane v17, v4;
	v18 =	vadd.s32 v3, v18;
	_ =	sdelay $0x1  }
0x2e8: {  	v48 =	vperm.xlane v17, v5;
	v19 =	vadd.s32 v3, v19;
	_ =	sdelay $0x1  }
0x2e9: {  	s18 =	simm.s32 $0xC000;
	v49 =	vperm.xlane v17, v0;
	v20 =	vadd.s32 v3, v48  }
0x2ea: {  	[tilespmem:s18], [sflag:$0x3] =	stream.indirect_vreg.gather [hbm4b:s6+s3], $0x80, v18, vm0, $0xb8;
	[tilespmem:$0x16000] =	vst v63  }
0x2eb: {  	s21 =	simm.s32 $0xC080;
	v50 =	vperm.xlane v17, v6;
	v18 =	vadd.s32 v3, v49  }
0x2ec: {  	[tilespmem:s21], [sflag:$0x3] =	stream.indirect_vreg.gather [hbm4b:s6+s3], $0x80, v19, vm0, $0xb8;
	[tilespmem:$0x16000] =	vst v63  }
0x2ed: {  	s5 =	simm.s32 $0xC100;
	v51 =	vperm.xlane v17, v7;
	v19 =	vadd.s32 v3, v50  }
0x2ee: {  	[tilespmem:s5], [sflag:$0x3] =	stream.indirect_vreg.gather [hbm4b:s6+s3], $0x80, v20, vm0, $0xb8;
	[tilespmem:$0x16000] =	vst v63  }
0x2ef: {  	v53 =	vperm.xlane v17, v8;
	v52 =	vadd.s32 v3, v51;
	s18 =	simm.s32 $0xC180  }
0x2f0: {  	[tilespmem:s18], [sflag:$0x3] =	stream.indirect_vreg.gather [hbm4b:s6+s3], $0x80, v18, vm0, $0xb8;
	[tilespmem:$0x16000] =	vst v63  }
0x2f1: {  	v54 =	vperm.xlane v17, v1;
	s21 =	simm.s32 $0xC200;
	v18 =	vadd.s32 v3, v53  }
0x2f2: {  	[tilespmem:s21], [sflag:$0x3] =	stream.indirect_vreg.gather [hbm4b:s6+s3], $0x80, v19, vm0, $0xb8;
	[tilespmem:$0x16000] =	vst v63  }
0x2f3: {  	v55 =	vperm.xlane v17, v9;
	s5 =	simm.s32 $0xC280;
	v19 =	vadd.s32 v3, v54  }
0x2f4: {  	[tilespmem:s5], [sflag:$0x3] =	stream.indirect_vreg.gather [hbm4b:s6+s3], $0x80, v52, vm0, $0xb8;
	[tilespmem:$0x16000] =	vst v63  }
0x2f5: {  	v57 =	vperm.xlane v17, v10;
	v56 =	vadd.s32 v3, v55;
	s18 =	simm.s32 $0xC300  }
0x2f6: {  	[tilespmem:s18], [sflag:$0x3] =	stream.indirect_vreg.gather [hbm4b:s6+s3], $0x80, v18, vm0, $0xb8;
	[tilespmem:$0x16000] =	vst v63  }
0x2f7: {  	v58 =	vperm.xlane v17, v11;
	s21 =	simm.s32 $0xC380;
	v18 =	vadd.s32 v3, v57  }
0x2f8: {  	[tilespmem:s21], [sflag:$0x3] =	stream.indirect_vreg.gather [hbm4b:s6+s3], $0x80, v19, vm0, $0xb8;
	[tilespmem:$0x16000] =	vst v63  }
0x2f9: {  	v59 =	vperm.xlane v17, v12;
	s5 =	simm.s32 $0xC400;
	v19 =	vadd.s32 v3, v58  }
0x2fa: {  	[tilespmem:s5], [sflag:$0x3] =	stream.indirect_vreg.gather [hbm4b:s6+s3], $0x80, v56, vm0, $0xb8;
	[tilespmem:$0x16000] =	vst v63  }
0x2fb: {  	v61 =	vperm.xlane v17, v13;
	v60 =	vadd.s32 v3, v59;
	s18 =	simm.s32 $0xC480  }
0x2fc: {  	[tilespmem:s18], [sflag:$0x3] =	stream.indirect_vreg.gather [hbm4b:s6+s3], $0x80, v18, vm0, $0xb8;
	[tilespmem:$0x16000] =	vst v63  }
0x2fd: {  	v62 =	vperm.xlane v17, v14;
	s21 =	simm.s32 $0xC500;
	v18 =	vadd.s32 v3, v61  }
0x2fe: {  	[tilespmem:s21], [sflag:$0x3] =	stream.indirect_vreg.gather [hbm4b:s6+s3], $0x80, v19, vm0, $0xb8;
	[tilespmem:$0x16000] =	vst v63  }
0x2ff: {  	v63 =	vperm.xlane v17, v15;
	s5 =	simm.s32 $0xC580;
	v19 =	vadd.s32 v3, v62  }
0x300: {  	[tilespmem:s5], [sflag:$0x3] =	stream.indirect_vreg.gather [hbm4b:s6+s3], $0x80, v60, vm0, $0xb8;
	[tilespmem:$0x16000] =	vst v63  }
0x301: {  	v17 =	vperm.xlane v17, v16;
	v24 =	vadd.s32 v3, v63;
	s18 =	simm.s32 $0xC600  }
0x302: {  	[tilespmem:s18], [sflag:$0x3] =	stream.indirect_vreg.gather [hbm4b:s6+s3], $0x80, v18, vm0, $0xb8;
	[tilespmem:$0x16000] =	vst v63  }
0x303: {  	v17 =	vadd.s32 v3, v17;
	s21 =	simm.s32 $0xC680  }
0x304: {  	[tilespmem:s21], [sflag:$0x3] =	stream.indirect_vreg.gather [hbm4b:s6+s3], $0x80, v19, vm0, $0xb8;
	[tilespmem:$0x16000] =	vst v63  }
0x305: {  	s5 =	simm.s32 $0xC700  }
0x306: {  	[tilespmem:s5], [sflag:$0x3] =	stream.indirect_vreg.gather [hbm4b:s6+s3], $0x80, v24, vm0, $0xb8;
	[tilespmem:$0x16000] =	vst v63  }
0x307: {  	s18 =	simm.s32 $0xC780  }
0x308: {  	[tilespmem:s18], [sflag:$0x3] =	stream.indirect_vreg.gather [hbm4b:s6+s3], $0x80, v17, vm0, $0xb8;
	[tilespmem:$0x16000] =	vst v63  }
0x309: {  	v17 =	vld [tilespmem:$0x120];
	_ =	sdelay $0x4  }
0x30a: {  	v18 =	vshrl.u32 v17, $0x3  }
0x30b: {  	v18 =	vmul.u32 $0x18, v18  }
0x30c: {  	v17 =	vand.u32 $0x7, v17  }
0x30d: {  	v17 =	vor.u32 v17, v18  }
0x30e: {  	v18 =	vperm.xlane v17, v2;
	_ =	sdelay $0x1  }
0x30f: {  	v19 =	vperm.xlane v17, v4;
	v18 =	vadd.s32 v3, v18;
	_ =	sdelay $0x1  }
0x310: {  	v25 =	vperm.xlane v17, v5;
	v19 =	vadd.s32 v3, v19;
	_ =	sdelay $0x1  }
0x311: {  	s21 =	simm.s32 $0xC800;
	v26 =	vperm.xlane v17, v0;
	v20 =	vadd.s32 v3, v25  }
0x312: {  	[tilespmem:s21], [sflag:$0x3] =	stream.indirect_vreg.gather [hbm4b:s6+s3], $0x80, v18, vm0, $0xb8;
	[tilespmem:$0x16000] =	vst v63  }
0x313: {  	s5 =	simm.s32 $0xC880;
	v27 =	vperm.xlane v17, v6;
	v18 =	vadd.s32 v3, v26  }
0x314: {  	[tilespmem:s5], [sflag:$0x3] =	stream.indirect_vreg.gather [hbm4b:s6+s3], $0x80, v19, vm0, $0xb8;
	[tilespmem:$0x16000] =	vst v63  }
0x315: {  	s18 =	simm.s32 $0xC900;
	v28 =	vperm.xlane v17, v7;
	v19 =	vadd.s32 v3, v27  }
0x316: {  	[tilespmem:s18], [sflag:$0x3] =	stream.indirect_vreg.gather [hbm4b:s6+s3], $0x80, v20, vm0, $0xb8;
	[tilespmem:$0x16000] =	vst v63  }
0x317: {  	v30 =	vperm.xlane v17, v8;
	v29 =	vadd.s32 v3, v28;
	s21 =	simm.s32 $0xC980  }
0x318: {  	[tilespmem:s21], [sflag:$0x3] =	stream.indirect_vreg.gather [hbm4b:s6+s3], $0x80, v18, vm0, $0xb8;
	[tilespmem:$0x16000] =	vst v63  }
0x319: {  	v31 =	vperm.xlane v17, v1;
	s5 =	simm.s32 $0xCA00;
	v18 =	vadd.s32 v3, v30  }
0x31a: {  	[tilespmem:s5], [sflag:$0x3] =	stream.indirect_vreg.gather [hbm4b:s6+s3], $0x80, v19, vm0, $0xb8;
	[tilespmem:$0x16000] =	vst v63  }
0x31b: {  	v32 =	vperm.xlane v17, v9;
	s18 =	simm.s32 $0xCA80;
	v19 =	vadd.s32 v3, v31  }
0x31c: {  	[tilespmem:s18], [sflag:$0x3] =	stream.indirect_vreg.gather [hbm4b:s6+s3], $0x80, v29, vm0, $0xb8;
	[tilespmem:$0x16000] =	vst v63  }
0x31d: {  	v34 =	vperm.xlane v17, v10;
	v33 =	vadd.s32 v3, v32;
	s21 =	simm.s32 $0xCB00  }
0x31e: {  	[tilespmem:s21], [sflag:$0x3] =	stream.indirect_vreg.gather [hbm4b:s6+s3], $0x80, v18, vm0, $0xb8;
	[tilespmem:$0x16000] =	vst v63  }
0x31f: {  	v35 =	vperm.xlane v17, v11;
	s5 =	simm.s32 $0xCB80;
	v18 =	vadd.s32 v3, v34  }
0x320: {  	[tilespmem:s5], [sflag:$0x3] =	stream.indirect_vreg.gather [hbm4b:s6+s3], $0x80, v19, vm0, $0xb8;
	[tilespmem:$0x16000] =	vst v63  }
0x321: {  	v36 =	vperm.xlane v17, v12;
	s18 =	simm.s32 $0xCC00;
	v19 =	vadd.s32 v3, v35  }
0x322: {  	[tilespmem:s18], [sflag:$0x3] =	stream.indirect_vreg.gather [hbm4b:s6+s3], $0x80, v33, vm0, $0xb8;
	[tilespmem:$0x16000] =	vst v63  }
0x323: {  	v38 =	vperm.xlane v17, v13;
	v37 =	vadd.s32 v3, v36;
	s21 =	simm.s32 $0xCC80  }
0x324: {  	[tilespmem:s21], [sflag:$0x3] =	stream.indirect_vreg.gather [hbm4b:s6+s3], $0x80, v18, vm0, $0xb8;
	[tilespmem:$0x16000] =	vst v63  }
0x325: {  	v39 =	vperm.xlane v17, v14;
	s5 =	simm.s32 $0xCD00;
	v18 =	vadd.s32 v3, v38  }
0x326: {  	[tilespmem:s5], [sflag:$0x3] =	stream.indirect_vreg.gather [hbm4b:s6+s3], $0x80, v19, vm0, $0xb8;
	[tilespmem:$0x16000] =	vst v63  }
0x327: {  	v40 =	vperm.xlane v17, v15;
	s18 =	simm.s32 $0xCD80;
	v19 =	vadd.s32 v3, v39  }
0x328: {  	[tilespmem:s18], [sflag:$0x3] =	stream.indirect_vreg.gather [hbm4b:s6+s3], $0x80, v37, vm0, $0xb8;
	[tilespmem:$0x16000] =	vst v63  }
0x329: {  	v17 =	vperm.xlane v17, v16;
	v41 =	vadd.s32 v3, v40;
	s21 =	simm.s32 $0xCE00  }
0x32a: {  	[tilespmem:s21], [sflag:$0x3] =	stream.indirect_vreg.gather [hbm4b:s6+s3], $0x80, v18, vm0, $0xb8;
	[tilespmem:$0x16000] =	vst v63  }
0x32b: {  	v17 =	vadd.s32 v3, v17;
	s5 =	simm.s32 $0xCE80  }
0x32c: {  	[tilespmem:s5], [sflag:$0x3] =	stream.indirect_vreg.gather [hbm4b:s6+s3], $0x80, v19, vm0, $0xb8;
	[tilespmem:$0x16000] =	vst v63  }
0x32d: {  	s18 =	simm.s32 $0xCF00  }
0x32e: {  	[tilespmem:s18], [sflag:$0x3] =	stream.indirect_vreg.gather [hbm4b:s6+s3], $0x80, v41, vm0, $0xb8;
	[tilespmem:$0x16000] =	vst v63  }
0x32f: {  	s21 =	simm.s32 $0xCF80  }
0x330: {  	[tilespmem:s21], [sflag:$0x3] =	stream.indirect_vreg.gather [hbm4b:s6+s3], $0x80, v17, vm0, $0xb8;
	[tilespmem:$0x16000] =	vst v63  }
0x331: {  	v17 =	vld.msk [tilespmem:$0x130], $0x3;
	_ =	sdelay $0x4  }
0x332: {  	v18 =	vshrl.u32 v17, $0x3  }
0x333: {  	v18 =	vmul.u32 $0x18, v18  }
0x334: {  	v17 =	vand.u32 $0x7, v17  }
0x335: {  	v17 =	vor.u32 v17, v18  }
0x336: {  	v18 =	vperm.xlane v17, v2;
	_ =	sdelay $0x1  }
0x337: {  	v17 =	vperm.xlane v17, v4;
	v18 =	vadd.s32 v3, v18;
	_ =	sdelay $0x1  }
0x338: {  	v17 =	vadd.s32 v3, v17;
	_ =	sdelay $0x2  }
0x339: {  	[tilespmem:s15], [sflag:$0x3] =	stream.indirect_vreg.gather [hbm4b:s6+s3], $0x80, v18, vm0, $0xb8;
	[tilespmem:$0x16000] =	vst v63  }
0x33a: {  	s5 =	simm.s32 $0xD080  }
0x33b: {  	[tilespmem:s5], [sflag:$0x3] =	stream.indirect_vreg.gather [hbm4b:s6+s3], $0x80, v17, vm0, $0xb8;
	[tilespmem:$0x16000] =	vst v63  }
0x33c: {  	s18 =	simm.s32 $0x100  }
0x33d: {  	[tilespmem:s20], [sflag:$0x3] =	stream.indirect.gather [hbm4b:s2+s30], $0x80, s18, s30, $0xb8;
	[tilespmem:$0x16000] =	vst v63  }
0x33e: {  	v17 =	vld [tilespmem:$0x180];
	_ =	sdelay $0x4  }
0x33f: {  	v18 =	vshrl.u32 v17, $0x3  }
0x340: {  	v18 =	vmul.u32 $0x18, v18  }
0x341: {  	v17 =	vand.u32 $0x7, v17  }
0x342: {  	v17 =	vor.u32 v17, v18  }
0x343: {  	v18 =	vperm.xlane v17, v2;
	_ =	sdelay $0x1  }
0x344: {  	v19 =	vperm.xlane v17, v4;
	v18 =	vadd.s32 v3, v18;
	_ =	sdelay $0x1  }
0x345: {  	v42 =	vperm.xlane v17, v5;
	v19 =	vadd.s32 v3, v19;
	_ =	sdelay $0x1  }
0x346: {  	v43 =	vperm.xlane v17, v0;
	v20 =	vadd.s32 v3, v42  }
0x347: {  	[tilespmem:s23], [sflag:$0x4] =	stream.indirect_vreg.gather [hbm4b:s4+s3], $0x80, v18, vm0, $0xb8;
	[tilespmem:$0x16000] =	vst v63  }
0x348: {  	s21 =	simm.s32 $0x6480;
	v44 =	vperm.xlane v17, v6;
	v18 =	vadd.s32 v3, v43  }
0x349: {  	[tilespmem:s21], [sflag:$0x4] =	stream.indirect_vreg.gather [hbm4b:s4+s3], $0x80, v19, vm0, $0xb8;
	[tilespmem:$0x16000] =	vst v63  }
0x34a: {  	s5 =	simm.s32 $0x6500;
	v45 =	vperm.xlane v17, v7;
	v19 =	vadd.s32 v3, v44  }
0x34b: {  	[tilespmem:s5], [sflag:$0x4] =	stream.indirect_vreg.gather [hbm4b:s4+s3], $0x80, v20, vm0, $0xb8;
	[tilespmem:$0x16000] =	vst v63  }
0x34c: {  	s18 =	simm.s32 $0x6580;
	v47 =	vperm.xlane v17, v8;
	v46 =	vadd.s32 v3, v45  }
0x34d: {  	[tilespmem:s18], [sflag:$0x4] =	stream.indirect_vreg.gather [hbm4b:s4+s3], $0x80, v18, vm0, $0xb8;
	[tilespmem:$0x16000] =	vst v63  }
0x34e: {  	v48 =	vperm.xlane v17, v1;
	s21 =	simm.s32 $0x6600;
	v18 =	vadd.s32 v3, v47  }
0x34f: {  	[tilespmem:s21], [sflag:$0x4] =	stream.indirect_vreg.gather [hbm4b:s4+s3], $0x80, v19, vm0, $0xb8;
	[tilespmem:$0x16000] =	vst v63  }
0x350: {  	v49 =	vperm.xlane v17, v9;
	s5 =	simm.s32 $0x6680;
	v19 =	vadd.s32 v3, v48  }
0x351: {  	[tilespmem:s5], [sflag:$0x4] =	stream.indirect_vreg.gather [hbm4b:s4+s3], $0x80, v46, vm0, $0xb8;
	[tilespmem:$0x16000] =	vst v63  }
0x352: {  	v51 =	vperm.xlane v17, v10;
	v50 =	vadd.s32 v3, v49;
	s18 =	simm.s32 $0x6700  }
0x353: {  	[tilespmem:s18], [sflag:$0x4] =	stream.indirect_vreg.gather [hbm4b:s4+s3], $0x80, v18, vm0, $0xb8;
	[tilespmem:$0x16000] =	vst v63  }
0x354: {  	v52 =	vperm.xlane v17, v11;
	s21 =	simm.s32 $0x6780;
	v18 =	vadd.s32 v3, v51  }
0x355: {  	[tilespmem:s21], [sflag:$0x4] =	stream.indirect_vreg.gather [hbm4b:s4+s3], $0x80, v19, vm0, $0xb8;
	[tilespmem:$0x16000] =	vst v63  }
0x356: {  	v53 =	vperm.xlane v17, v12;
	s5 =	simm.s32 $0x6800;
	v19 =	vadd.s32 v3, v52  }
0x357: {  	[tilespmem:s5], [sflag:$0x4] =	stream.indirect_vreg.gather [hbm4b:s4+s3], $0x80, v50, vm0, $0xb8;
	[tilespmem:$0x16000] =	vst v63  }
0x358: {  	v55 =	vperm.xlane v17, v13;
	v54 =	vadd.s32 v3, v53;
	s18 =	simm.s32 $0x6880  }
0x359: {  	[tilespmem:s18], [sflag:$0x4] =	stream.indirect_vreg.gather [hbm4b:s4+s3], $0x80, v18, vm0, $0xb8;
	[tilespmem:$0x16000] =	vst v63  }
0x35a: {  	v56 =	vperm.xlane v17, v14;
	s21 =	simm.s32 $0x6900;
	v18 =	vadd.s32 v3, v55  }
0x35b: {  	[tilespmem:s21], [sflag:$0x4] =	stream.indirect_vreg.gather [hbm4b:s4+s3], $0x80, v19, vm0, $0xb8;
	[tilespmem:$0x16000] =	vst v63  }
0x35c: {  	v57 =	vperm.xlane v17, v15;
	s5 =	simm.s32 $0x6980;
	v19 =	vadd.s32 v3, v56  }
0x35d: {  	[tilespmem:s5], [sflag:$0x4] =	stream.indirect_vreg.gather [hbm4b:s4+s3], $0x80, v54, vm0, $0xb8;
	[tilespmem:$0x16000] =	vst v63  }
0x35e: {  	v17 =	vperm.xlane v17, v16;
	v58 =	vadd.s32 v3, v57;
	s18 =	simm.s32 $0x6A00  }
0x35f: {  	[tilespmem:s18], [sflag:$0x4] =	stream.indirect_vreg.gather [hbm4b:s4+s3], $0x80, v18, vm0, $0xb8;
	[tilespmem:$0x16000] =	vst v63  }
0x360: {  	v17 =	vadd.s32 v3, v17;
	s21 =	simm.s32 $0x6A80  }
0x361: {  	[tilespmem:s21], [sflag:$0x4] =	stream.indirect_vreg.gather [hbm4b:s4+s3], $0x80, v19, vm0, $0xb8;
	[tilespmem:$0x16000] =	vst v63  }
0x362: {  	s5 =	simm.s32 $0x6B00  }
0x363: {  	[tilespmem:s5], [sflag:$0x4] =	stream.indirect_vreg.gather [hbm4b:s4+s3], $0x80, v58, vm0, $0xb8;
	[tilespmem:$0x16000] =	vst v63  }
0x364: {  	s18 =	simm.s32 $0x6B80  }
0x365: {  	[tilespmem:s18], [sflag:$0x4] =	stream.indirect_vreg.gather [hbm4b:s4+s3], $0x80, v17, vm0, $0xb8;
	[tilespmem:$0x16000] =	vst v63  }
0x366: {  	v17 =	vld [tilespmem:$0x190];
	_ =	sdelay $0x4  }
0x367: {  	v18 =	vshrl.u32 v17, $0x3  }
0x368: {  	v18 =	vmul.u32 $0x18, v18  }
0x369: {  	v17 =	vand.u32 $0x7, v17  }
0x36a: {  	v17 =	vor.u32 v17, v18  }
0x36b: {  	v18 =	vperm.xlane v17, v2;
	_ =	sdelay $0x1  }
0x36c: {  	v19 =	vperm.xlane v17, v4;
	v18 =	vadd.s32 v3, v18;
	_ =	sdelay $0x1  }
0x36d: {  	v59 =	vperm.xlane v17, v5;
	v19 =	vadd.s32 v3, v19;
	_ =	sdelay $0x1  }
0x36e: {  	s21 =	simm.s32 $0x6C00;
	v60 =	vperm.xlane v17, v0;
	v20 =	vadd.s32 v3, v59  }
0x36f: {  	[tilespmem:s21], [sflag:$0x4] =	stream.indirect_vreg.gather [hbm4b:s4+s3], $0x80, v18, vm0, $0xb8;
	[tilespmem:$0x16000] =	vst v63  }
0x370: {  	s5 =	simm.s32 $0x6C80;
	v61 =	vperm.xlane v17, v6;
	v18 =	vadd.s32 v3, v60  }
0x371: {  	[tilespmem:s5], [sflag:$0x4] =	stream.indirect_vreg.gather [hbm4b:s4+s3], $0x80, v19, vm0, $0xb8;
	[tilespmem:$0x16000] =	vst v63  }
0x372: {  	s18 =	simm.s32 $0x6D00;
	v62 =	vperm.xlane v17, v7;
	v19 =	vadd.s32 v3, v61  }
0x373: {  	[tilespmem:s18], [sflag:$0x4] =	stream.indirect_vreg.gather [hbm4b:s4+s3], $0x80, v20, vm0, $0xb8;
	[tilespmem:$0x16000] =	vst v63  }
0x374: {  	v24 =	vperm.xlane v17, v8;
	v63 =	vadd.s32 v3, v62;
	s21 =	simm.s32 $0x6D80  }
0x375: {  	[tilespmem:s21], [sflag:$0x4] =	stream.indirect_vreg.gather [hbm4b:s4+s3], $0x80, v18, vm0, $0xb8;
	[tilespmem:$0x16000] =	vst v63  }
0x376: {  	v25 =	vperm.xlane v17, v1;
	s5 =	simm.s32 $0x6E00;
	v18 =	vadd.s32 v3, v24  }
0x377: {  	[tilespmem:s5], [sflag:$0x4] =	stream.indirect_vreg.gather [hbm4b:s4+s3], $0x80, v19, vm0, $0xb8;
	[tilespmem:$0x16000] =	vst v63  }
0x378: {  	v26 =	vperm.xlane v17, v9;
	s18 =	simm.s32 $0x6E80;
	v19 =	vadd.s32 v3, v25  }
0x379: {  	[tilespmem:s18], [sflag:$0x4] =	stream.indirect_vreg.gather [hbm4b:s4+s3], $0x80, v63, vm0, $0xb8;
	[tilespmem:$0x16000] =	vst v63  }
0x37a: {  	v28 =	vperm.xlane v17, v10;
	v27 =	vadd.s32 v3, v26;
	s21 =	simm.s32 $0x6F00  }
0x37b: {  	[tilespmem:s21], [sflag:$0x4] =	stream.indirect_vreg.gather [hbm4b:s4+s3], $0x80, v18, vm0, $0xb8;
	[tilespmem:$0x16000] =	vst v63  }
0x37c: {  	v29 =	vperm.xlane v17, v11;
	s5 =	simm.s32 $0x6F80;
	v18 =	vadd.s32 v3, v28  }
0x37d: {  	[tilespmem:s5], [sflag:$0x4] =	stream.indirect_vreg.gather [hbm4b:s4+s3], $0x80, v19, vm0, $0xb8;
	[tilespmem:$0x16000] =	vst v63  }
0x37e: {  	v30 =	vperm.xlane v17, v12;
	s18 =	simm.s32 $0x7000;
	v19 =	vadd.s32 v3, v29  }
0x37f: {  	[tilespmem:s18], [sflag:$0x4] =	stream.indirect_vreg.gather [hbm4b:s4+s3], $0x80, v27, vm0, $0xb8;
	[tilespmem:$0x16000] =	vst v63  }
0x380: {  	v32 =	vperm.xlane v17, v13;
	v31 =	vadd.s32 v3, v30;
	s21 =	simm.s32 $0x7080  }
0x381: {  	[tilespmem:s21], [sflag:$0x4] =	stream.indirect_vreg.gather [hbm4b:s4+s3], $0x80, v18, vm0, $0xb8;
	[tilespmem:$0x16000] =	vst v63  }
0x382: {  	v33 =	vperm.xlane v17, v14;
	s5 =	simm.s32 $0x7100;
	v18 =	vadd.s32 v3, v32  }
0x383: {  	[tilespmem:s5], [sflag:$0x4] =	stream.indirect_vreg.gather [hbm4b:s4+s3], $0x80, v19, vm0, $0xb8;
	[tilespmem:$0x16000] =	vst v63  }
0x384: {  	v34 =	vperm.xlane v17, v15;
	s18 =	simm.s32 $0x7180;
	v19 =	vadd.s32 v3, v33  }
0x385: {  	[tilespmem:s18], [sflag:$0x4] =	stream.indirect_vreg.gather [hbm4b:s4+s3], $0x80, v31, vm0, $0xb8;
	[tilespmem:$0x16000] =	vst v63  }
0x386: {  	v17 =	vperm.xlane v17, v16;
	v35 =	vadd.s32 v3, v34;
	s21 =	simm.s32 $0x7200  }
0x387: {  	[tilespmem:s21], [sflag:$0x4] =	stream.indirect_vreg.gather [hbm4b:s4+s3], $0x80, v18, vm0, $0xb8;
	[tilespmem:$0x16000] =	vst v63  }
0x388: {  	v17 =	vadd.s32 v3, v17;
	s5 =	simm.s32 $0x7280  }
0x389: {  	[tilespmem:s5], [sflag:$0x4] =	stream.indirect_vreg.gather [hbm4b:s4+s3], $0x80, v19, vm0, $0xb8;
	[tilespmem:$0x16000] =	vst v63  }
0x38a: {  	s18 =	simm.s32 $0x7300  }
0x38b: {  	[tilespmem:s18], [sflag:$0x4] =	stream.indirect_vreg.gather [hbm4b:s4+s3], $0x80, v35, vm0, $0xb8;
	[tilespmem:$0x16000] =	vst v63  }
0x38c: {  	s21 =	simm.s32 $0x7380  }
0x38d: {  	[tilespmem:s21], [sflag:$0x4] =	stream.indirect_vreg.gather [hbm4b:s4+s3], $0x80, v17, vm0, $0xb8;
	[tilespmem:$0x16000] =	vst v63  }
0x38e: {  	v17 =	vld [tilespmem:$0x1A0];
	_ =	sdelay $0x4  }
0x38f: {  	v18 =	vshrl.u32 v17, $0x3  }
0x390: {  	v18 =	vmul.u32 $0x18, v18  }
0x391: {  	v17 =	vand.u32 $0x7, v17  }
0x392: {  	v17 =	vor.u32 v17, v18  }
0x393: {  	v18 =	vperm.xlane v17, v2;
	_ =	sdelay $0x1  }
0x394: {  	v19 =	vperm.xlane v17, v4;
	v18 =	vadd.s32 v3, v18;
	_ =	sdelay $0x1  }
0x395: {  	v36 =	vperm.xlane v17, v5;
	v19 =	vadd.s32 v3, v19;
	_ =	sdelay $0x1  }
0x396: {  	s5 =	simm.s32 $0x7400;
	v37 =	vperm.xlane v17, v0;
	v20 =	vadd.s32 v3, v36  }
0x397: {  	[tilespmem:s5], [sflag:$0x4] =	stream.indirect_vreg.gather [hbm4b:s4+s3], $0x80, v18, vm0, $0xb8;
	[tilespmem:$0x16000] =	vst v63  }
0x398: {  	s18 =	simm.s32 $0x7480;
	v38 =	vperm.xlane v17, v6;
	v18 =	vadd.s32 v3, v37  }
0x399: {  	[tilespmem:s18], [sflag:$0x4] =	stream.indirect_vreg.gather [hbm4b:s4+s3], $0x80, v19, vm0, $0xb8;
	[tilespmem:$0x16000] =	vst v63  }
0x39a: {  	s21 =	simm.s32 $0x7500;
	v39 =	vperm.xlane v17, v7;
	v19 =	vadd.s32 v3, v38  }
0x39b: {  	[tilespmem:s21], [sflag:$0x4] =	stream.indirect_vreg.gather [hbm4b:s4+s3], $0x80, v20, vm0, $0xb8;
	[tilespmem:$0x16000] =	vst v63  }
0x39c: {  	v41 =	vperm.xlane v17, v8;
	v40 =	vadd.s32 v3, v39;
	s5 =	simm.s32 $0x7580  }
0x39d: {  	[tilespmem:s5], [sflag:$0x4] =	stream.indirect_vreg.gather [hbm4b:s4+s3], $0x80, v18, vm0, $0xb8;
	[tilespmem:$0x16000] =	vst v63  }
0x39e: {  	v42 =	vperm.xlane v17, v1;
	s18 =	simm.s32 $0x7600;
	v18 =	vadd.s32 v3, v41  }
0x39f: {  	[tilespmem:s18], [sflag:$0x4] =	stream.indirect_vreg.gather [hbm4b:s4+s3], $0x80, v19, vm0, $0xb8;
	[tilespmem:$0x16000] =	vst v63  }
0x3a0: {  	v43 =	vperm.xlane v17, v9;
	s21 =	simm.s32 $0x7680;
	v19 =	vadd.s32 v3, v42  }
0x3a1: {  	[tilespmem:s21], [sflag:$0x4] =	stream.indirect_vreg.gather [hbm4b:s4+s3], $0x80, v40, vm0, $0xb8;
	[tilespmem:$0x16000] =	vst v63  }
0x3a2: {  	v45 =	vperm.xlane v17, v10;
	v44 =	vadd.s32 v3, v43;
	s5 =	simm.s32 $0x7700  }
0x3a3: {  	[tilespmem:s5], [sflag:$0x4] =	stream.indirect_vreg.gather [hbm4b:s4+s3], $0x80, v18, vm0, $0xb8;
	[tilespmem:$0x16000] =	vst v63  }
0x3a4: {  	v46 =	vperm.xlane v17, v11;
	s18 =	simm.s32 $0x7780;
	v18 =	vadd.s32 v3, v45  }
0x3a5: {  	[tilespmem:s18], [sflag:$0x4] =	stream.indirect_vreg.gather [hbm4b:s4+s3], $0x80, v19, vm0, $0xb8;
	[tilespmem:$0x16000] =	vst v63  }
0x3a6: {  	v47 =	vperm.xlane v17, v12;
	s21 =	simm.s32 $0x7800;
	v19 =	vadd.s32 v3, v46  }
0x3a7: {  	[tilespmem:s21], [sflag:$0x4] =	stream.indirect_vreg.gather [hbm4b:s4+s3], $0x80, v44, vm0, $0xb8;
	[tilespmem:$0x16000] =	vst v63  }
0x3a8: {  	v49 =	vperm.xlane v17, v13;
	v48 =	vadd.s32 v3, v47;
	s5 =	simm.s32 $0x7880  }
0x3a9: {  	[tilespmem:s5], [sflag:$0x4] =	stream.indirect_vreg.gather [hbm4b:s4+s3], $0x80, v18, vm0, $0xb8;
	[tilespmem:$0x16000] =	vst v63  }
0x3aa: {  	v50 =	vperm.xlane v17, v14;
	s18 =	simm.s32 $0x7900;
	v18 =	vadd.s32 v3, v49  }
0x3ab: {  	[tilespmem:s18], [sflag:$0x4] =	stream.indirect_vreg.gather [hbm4b:s4+s3], $0x80, v19, vm0, $0xb8;
	[tilespmem:$0x16000] =	vst v63  }
0x3ac: {  	v51 =	vperm.xlane v17, v15;
	s21 =	simm.s32 $0x7980;
	v19 =	vadd.s32 v3, v50  }
0x3ad: {  	[tilespmem:s21], [sflag:$0x4] =	stream.indirect_vreg.gather [hbm4b:s4+s3], $0x80, v48, vm0, $0xb8;
	[tilespmem:$0x16000] =	vst v63  }
0x3ae: {  	v17 =	vperm.xlane v17, v16;
	v52 =	vadd.s32 v3, v51;
	s5 =	simm.s32 $0x7A00  }
0x3af: {  	[tilespmem:s5], [sflag:$0x4] =	stream.indirect_vreg.gather [hbm4b:s4+s3], $0x80, v18, vm0, $0xb8;
	[tilespmem:$0x16000] =	vst v63  }
0x3b0: {  	v17 =	vadd.s32 v3, v17;
	s18 =	simm.s32 $0x7A80  }
0x3b1: {  	[tilespmem:s18], [sflag:$0x4] =	stream.indirect_vreg.gather [hbm4b:s4+s3], $0x80, v19, vm0, $0xb8;
	[tilespmem:$0x16000] =	vst v63  }
0x3b2: {  	s21 =	simm.s32 $0x7B00  }
0x3b3: {  	[tilespmem:s21], [sflag:$0x4] =	stream.indirect_vreg.gather [hbm4b:s4+s3], $0x80, v52, vm0, $0xb8;
	[tilespmem:$0x16000] =	vst v63  }
0x3b4: {  	s5 =	simm.s32 $0x7B80  }
0x3b5: {  	[tilespmem:s5], [sflag:$0x4] =	stream.indirect_vreg.gather [hbm4b:s4+s3], $0x80, v17, vm0, $0xb8;
	[tilespmem:$0x16000] =	vst v63  }
0x3b6: {  	v17 =	vld.msk [tilespmem:$0x1B0], $0x3;
	_ =	sdelay $0x4  }
0x3b7: {  	v18 =	vshrl.u32 v17, $0x3  }
0x3b8: {  	v18 =	vmul.u32 $0x18, v18  }
0x3b9: {  	v17 =	vand.u32 $0x7, v17  }
0x3ba: {  	v17 =	vor.u32 v17, v18  }
0x3bb: {  	v18 =	vperm.xlane v17, v2;
	_ =	sdelay $0x1  }
0x3bc: {  	v17 =	vperm.xlane v17, v4;
	v18 =	vadd.s32 v3, v18;
	_ =	sdelay $0x1  }
0x3bd: {  	v17 =	vadd.s32 v3, v17;
	_ =	sdelay $0x2  }
0x3be: {  	[tilespmem:s16], [sflag:$0x4] =	stream.indirect_vreg.gather [hbm4b:s4+s3], $0x80, v18, vm0, $0xb8;
	[tilespmem:$0x16000] =	vst v63  }
0x3bf: {  	s18 =	simm.s32 $0x7C80  }
0x3c0: {  	[tilespmem:s18], [sflag:$0x4] =	stream.indirect_vreg.gather [hbm4b:s4+s3], $0x80, v17, vm0, $0xb8;
	[tilespmem:$0x16000] =	vst v63  }
0x3c1: {  	v17 =	vld [tilespmem:$0x180];
	_ =	sdelay $0x4  }
0x3c2: {  	v18 =	vshrl.u32 v17, $0x3  }
0x3c3: {  	v18 =	vmul.u32 $0x18, v18  }
0x3c4: {  	v17 =	vand.u32 $0x7, v17  }
0x3c5: {  	v17 =	vor.u32 v17, v18  }
0x3c6: {  	v18 =	vperm.xlane v17, v2;
	_ =	sdelay $0x1  }
0x3c7: {  	v19 =	vperm.xlane v17, v4;
	v18 =	vadd.s32 v3, v18;
	_ =	sdelay $0x1  }
0x3c8: {  	v53 =	vperm.xlane v17, v5;
	v19 =	vadd.s32 v3, v19;
	_ =	sdelay $0x1  }
0x3c9: {  	v54 =	vperm.xlane v17, v0;
	v20 =	vadd.s32 v3, v53  }
0x3ca: {  	[tilespmem:s25], [sflag:$0x4] =	stream.indirect_vreg.gather [hbm4b:s6+s3], $0x80, v18, vm0, $0xb8;
	[tilespmem:$0x16000] =	vst v63  }
0x3cb: {  	s21 =	simm.s32 $0xD480;
	v55 =	vperm.xlane v17, v6;
	v18 =	vadd.s32 v3, v54  }
0x3cc: {  	[tilespmem:s21], [sflag:$0x4] =	stream.indirect_vreg.gather [hbm4b:s6+s3], $0x80, v19, vm0, $0xb8;
	[tilespmem:$0x16000] =	vst v63  }
0x3cd: {  	s5 =	simm.s32 $0xD500;
	v56 =	vperm.xlane v17, v7;
	v19 =	vadd.s32 v3, v55  }
0x3ce: {  	[tilespmem:s5], [sflag:$0x4] =	stream.indirect_vreg.gather [hbm4b:s6+s3], $0x80, v20, vm0, $0xb8;
	[tilespmem:$0x16000] =	vst v63  }
0x3cf: {  	s18 =	simm.s32 $0xD580;
	v58 =	vperm.xlane v17, v8;
	v57 =	vadd.s32 v3, v56  }
0x3d0: {  	[tilespmem:s18], [sflag:$0x4] =	stream.indirect_vreg.gather [hbm4b:s6+s3], $0x80, v18, vm0, $0xb8;
	[tilespmem:$0x16000] =	vst v63  }
0x3d1: {  	v59 =	vperm.xlane v17, v1;
	s21 =	simm.s32 $0xD600;
	v18 =	vadd.s32 v3, v58  }
0x3d2: {  	[tilespmem:s21], [sflag:$0x4] =	stream.indirect_vreg.gather [hbm4b:s6+s3], $0x80, v19, vm0, $0xb8;
	[tilespmem:$0x16000] =	vst v63  }
0x3d3: {  	v60 =	vperm.xlane v17, v9;
	s5 =	simm.s32 $0xD680;
	v19 =	vadd.s32 v3, v59  }
0x3d4: {  	[tilespmem:s5], [sflag:$0x4] =	stream.indirect_vreg.gather [hbm4b:s6+s3], $0x80, v57, vm0, $0xb8;
	[tilespmem:$0x16000] =	vst v63  }
0x3d5: {  	v62 =	vperm.xlane v17, v10;
	v61 =	vadd.s32 v3, v60;
	s18 =	simm.s32 $0xD700  }
0x3d6: {  	[tilespmem:s18], [sflag:$0x4] =	stream.indirect_vreg.gather [hbm4b:s6+s3], $0x80, v18, vm0, $0xb8;
	[tilespmem:$0x16000] =	vst v63  }
0x3d7: {  	v63 =	vperm.xlane v17, v11;
	s21 =	simm.s32 $0xD780;
	v18 =	vadd.s32 v3, v62  }
0x3d8: {  	[tilespmem:s21], [sflag:$0x4] =	stream.indirect_vreg.gather [hbm4b:s6+s3], $0x80, v19, vm0, $0xb8;
	[tilespmem:$0x16000] =	vst v63  }
0x3d9: {  	v24 =	vperm.xlane v17, v12;
	s5 =	simm.s32 $0xD800;
	v19 =	vadd.s32 v3, v63  }
0x3da: {  	[tilespmem:s5], [sflag:$0x4] =	stream.indirect_vreg.gather [hbm4b:s6+s3], $0x80, v61, vm0, $0xb8;
	[tilespmem:$0x16000] =	vst v63  }
0x3db: {  	v26 =	vperm.xlane v17, v13;
	v25 =	vadd.s32 v3, v24;
	s18 =	simm.s32 $0xD880  }
0x3dc: {  	[tilespmem:s18], [sflag:$0x4] =	stream.indirect_vreg.gather [hbm4b:s6+s3], $0x80, v18, vm0, $0xb8;
	[tilespmem:$0x16000] =	vst v63  }
0x3dd: {  	v27 =	vperm.xlane v17, v14;
	s21 =	simm.s32 $0xD900;
	v18 =	vadd.s32 v3, v26  }
0x3de: {  	[tilespmem:s21], [sflag:$0x4] =	stream.indirect_vreg.gather [hbm4b:s6+s3], $0x80, v19, vm0, $0xb8;
	[tilespmem:$0x16000] =	vst v63  }
0x3df: {  	v28 =	vperm.xlane v17, v15;
	s5 =	simm.s32 $0xD980;
	v19 =	vadd.s32 v3, v27  }
0x3e0: {  	[tilespmem:s5], [sflag:$0x4] =	stream.indirect_vreg.gather [hbm4b:s6+s3], $0x80, v25, vm0, $0xb8;
	[tilespmem:$0x16000] =	vst v63  }
0x3e1: {  	v17 =	vperm.xlane v17, v16;
	v29 =	vadd.s32 v3, v28;
	s18 =	simm.s32 $0xDA00  }
0x3e2: {  	[tilespmem:s18], [sflag:$0x4] =	stream.indirect_vreg.gather [hbm4b:s6+s3], $0x80, v18, vm0, $0xb8;
	[tilespmem:$0x16000] =	vst v63  }
0x3e3: {  	v17 =	vadd.s32 v3, v17;
	s21 =	simm.s32 $0xDA80  }
0x3e4: {  	[tilespmem:s21], [sflag:$0x4] =	stream.indirect_vreg.gather [hbm4b:s6+s3], $0x80, v19, vm0, $0xb8;
	[tilespmem:$0x16000] =	vst v63  }
0x3e5: {  	s5 =	simm.s32 $0xDB00  }
0x3e6: {  	[tilespmem:s5], [sflag:$0x4] =	stream.indirect_vreg.gather [hbm4b:s6+s3], $0x80, v29, vm0, $0xb8;
	[tilespmem:$0x16000] =	vst v63  }
0x3e7: {  	s18 =	simm.s32 $0xDB80  }
0x3e8: {  	[tilespmem:s18], [sflag:$0x4] =	stream.indirect_vreg.gather [hbm4b:s6+s3], $0x80, v17, vm0, $0xb8;
	[tilespmem:$0x16000] =	vst v63  }
0x3e9: {  	v17 =	vld [tilespmem:$0x190];
	_ =	sdelay $0x4  }
0x3ea: {  	v18 =	vshrl.u32 v17, $0x3  }
0x3eb: {  	v18 =	vmul.u32 $0x18, v18  }
0x3ec: {  	v17 =	vand.u32 $0x7, v17  }
0x3ed: {  	v17 =	vor.u32 v17, v18  }
0x3ee: {  	v18 =	vperm.xlane v17, v2;
	_ =	sdelay $0x1  }
0x3ef: {  	v19 =	vperm.xlane v17, v4;
	v18 =	vadd.s32 v3, v18;
	_ =	sdelay $0x1  }
0x3f0: {  	v30 =	vperm.xlane v17, v5;
	v19 =	vadd.s32 v3, v19;
	_ =	sdelay $0x1  }
0x3f1: {  	s21 =	simm.s32 $0xDC00;
	v31 =	vperm.xlane v17, v0;
	v20 =	vadd.s32 v3, v30  }
0x3f2: {  	[tilespmem:s21], [sflag:$0x4] =	stream.indirect_vreg.gather [hbm4b:s6+s3], $0x80, v18, vm0, $0xb8;
	[tilespmem:$0x16000] =	vst v63  }
0x3f3: {  	s5 =	simm.s32 $0xDC80;
	v32 =	vperm.xlane v17, v6;
	v18 =	vadd.s32 v3, v31  }
0x3f4: {  	[tilespmem:s5], [sflag:$0x4] =	stream.indirect_vreg.gather [hbm4b:s6+s3], $0x80, v19, vm0, $0xb8;
	[tilespmem:$0x16000] =	vst v63  }
0x3f5: {  	s18 =	simm.s32 $0xDD00;
	v33 =	vperm.xlane v17, v7;
	v19 =	vadd.s32 v3, v32  }
0x3f6: {  	[tilespmem:s18], [sflag:$0x4] =	stream.indirect_vreg.gather [hbm4b:s6+s3], $0x80, v20, vm0, $0xb8;
	[tilespmem:$0x16000] =	vst v63  }
0x3f7: {  	v35 =	vperm.xlane v17, v8;
	v34 =	vadd.s32 v3, v33;
	s21 =	simm.s32 $0xDD80  }
0x3f8: {  	[tilespmem:s21], [sflag:$0x4] =	stream.indirect_vreg.gather [hbm4b:s6+s3], $0x80, v18, vm0, $0xb8;
	[tilespmem:$0x16000] =	vst v63  }
0x3f9: {  	v36 =	vperm.xlane v17, v1;
	s5 =	simm.s32 $0xDE00;
	v18 =	vadd.s32 v3, v35  }
0x3fa: {  	[tilespmem:s5], [sflag:$0x4] =	stream.indirect_vreg.gather [hbm4b:s6+s3], $0x80, v19, vm0, $0xb8;
	[tilespmem:$0x16000] =	vst v63  }
0x3fb: {  	v37 =	vperm.xlane v17, v9;
	s18 =	simm.s32 $0xDE80;
	v19 =	vadd.s32 v3, v36  }
0x3fc: {  	[tilespmem:s18], [sflag:$0x4] =	stream.indirect_vreg.gather [hbm4b:s6+s3], $0x80, v34, vm0, $0xb8;
	[tilespmem:$0x16000] =	vst v63  }
0x3fd: {  	v39 =	vperm.xlane v17, v10;
	v38 =	vadd.s32 v3, v37;
	s21 =	simm.s32 $0xDF00  }
0x3fe: {  	[tilespmem:s21], [sflag:$0x4] =	stream.indirect_vreg.gather [hbm4b:s6+s3], $0x80, v18, vm0, $0xb8;
	[tilespmem:$0x16000] =	vst v63  }
0x3ff: {  	v40 =	vperm.xlane v17, v11;
	s5 =	simm.s32 $0xDF80;
	v18 =	vadd.s32 v3, v39  }
0x400: {  	[tilespmem:s5], [sflag:$0x4] =	stream.indirect_vreg.gather [hbm4b:s6+s3], $0x80, v19, vm0, $0xb8;
	[tilespmem:$0x16000] =	vst v63  }
0x401: {  	v41 =	vperm.xlane v17, v12;
	s18 =	simm.s32 $0xE000;
	v19 =	vadd.s32 v3, v40  }
0x402: {  	[tilespmem:s18], [sflag:$0x4] =	stream.indirect_vreg.gather [hbm4b:s6+s3], $0x80, v38, vm0, $0xb8;
	[tilespmem:$0x16000] =	vst v63  }
0x403: {  	v43 =	vperm.xlane v17, v13;
	v42 =	vadd.s32 v3, v41;
	s21 =	simm.s32 $0xE080  }
0x404: {  	[tilespmem:s21], [sflag:$0x4] =	stream.indirect_vreg.gather [hbm4b:s6+s3], $0x80, v18, vm0, $0xb8;
	[tilespmem:$0x16000] =	vst v63  }
0x405: {  	v44 =	vperm.xlane v17, v14;
	s5 =	simm.s32 $0xE100;
	v18 =	vadd.s32 v3, v43  }
0x406: {  	[tilespmem:s5], [sflag:$0x4] =	stream.indirect_vreg.gather [hbm4b:s6+s3], $0x80, v19, vm0, $0xb8;
	[tilespmem:$0x16000] =	vst v63  }
0x407: {  	v45 =	vperm.xlane v17, v15;
	s18 =	simm.s32 $0xE180;
	v19 =	vadd.s32 v3, v44  }
0x408: {  	[tilespmem:s18], [sflag:$0x4] =	stream.indirect_vreg.gather [hbm4b:s6+s3], $0x80, v42, vm0, $0xb8;
	[tilespmem:$0x16000] =	vst v63  }
0x409: {  	v17 =	vperm.xlane v17, v16;
	v46 =	vadd.s32 v3, v45;
	s21 =	simm.s32 $0xE200  }
0x40a: {  	[tilespmem:s21], [sflag:$0x4] =	stream.indirect_vreg.gather [hbm4b:s6+s3], $0x80, v18, vm0, $0xb8;
	[tilespmem:$0x16000] =	vst v63  }
0x40b: {  	v17 =	vadd.s32 v3, v17;
	s5 =	simm.s32 $0xE280  }
0x40c: {  	[tilespmem:s5], [sflag:$0x4] =	stream.indirect_vreg.gather [hbm4b:s6+s3], $0x80, v19, vm0, $0xb8;
	[tilespmem:$0x16000] =	vst v63  }
0x40d: {  	s18 =	simm.s32 $0xE300  }
0x40e: {  	[tilespmem:s18], [sflag:$0x4] =	stream.indirect_vreg.gather [hbm4b:s6+s3], $0x80, v46, vm0, $0xb8;
	[tilespmem:$0x16000] =	vst v63  }
0x40f: {  	s21 =	simm.s32 $0xE380  }
0x410: {  	[tilespmem:s21], [sflag:$0x4] =	stream.indirect_vreg.gather [hbm4b:s6+s3], $0x80, v17, vm0, $0xb8;
	[tilespmem:$0x16000] =	vst v63  }
0x411: {  	v17 =	vld [tilespmem:$0x1A0];
	_ =	sdelay $0x4  }
0x412: {  	v18 =	vshrl.u32 v17, $0x3  }
0x413: {  	v18 =	vmul.u32 $0x18, v18  }
0x414: {  	v17 =	vand.u32 $0x7, v17  }
0x415: {  	v17 =	vor.u32 v17, v18  }
0x416: {  	v18 =	vperm.xlane v17, v2;
	_ =	sdelay $0x1  }
0x417: {  	v19 =	vperm.xlane v17, v4;
	v18 =	vadd.s32 v3, v18;
	_ =	sdelay $0x1  }
0x418: {  	v47 =	vperm.xlane v17, v5;
	v19 =	vadd.s32 v3, v19;
	_ =	sdelay $0x1  }
0x419: {  	s5 =	simm.s32 $0xE400;
	v48 =	vperm.xlane v17, v0;
	v20 =	vadd.s32 v3, v47  }
0x41a: {  	[tilespmem:s5], [sflag:$0x4] =	stream.indirect_vreg.gather [hbm4b:s6+s3], $0x80, v18, vm0, $0xb8;
	[tilespmem:$0x16000] =	vst v63  }
0x41b: {  	s18 =	simm.s32 $0xE480;
	v49 =	vperm.xlane v17, v6;
	v18 =	vadd.s32 v3, v48  }
0x41c: {  	[tilespmem:s18], [sflag:$0x4] =	stream.indirect_vreg.gather [hbm4b:s6+s3], $0x80, v19, vm0, $0xb8;
	[tilespmem:$0x16000] =	vst v63  }
0x41d: {  	s21 =	simm.s32 $0xE500;
	v50 =	vperm.xlane v17, v7;
	v19 =	vadd.s32 v3, v49  }
0x41e: {  	[tilespmem:s21], [sflag:$0x4] =	stream.indirect_vreg.gather [hbm4b:s6+s3], $0x80, v20, vm0, $0xb8;
	[tilespmem:$0x16000] =	vst v63  }
0x41f: {  	v52 =	vperm.xlane v17, v8;
	v51 =	vadd.s32 v3, v50;
	s5 =	simm.s32 $0xE580  }
0x420: {  	[tilespmem:s5], [sflag:$0x4] =	stream.indirect_vreg.gather [hbm4b:s6+s3], $0x80, v18, vm0, $0xb8;
	[tilespmem:$0x16000] =	vst v63  }
0x421: {  	v53 =	vperm.xlane v17, v1;
	s18 =	simm.s32 $0xE600;
	v18 =	vadd.s32 v3, v52  }
0x422: {  	[tilespmem:s18], [sflag:$0x4] =	stream.indirect_vreg.gather [hbm4b:s6+s3], $0x80, v19, vm0, $0xb8;
	[tilespmem:$0x16000] =	vst v63  }
0x423: {  	v54 =	vperm.xlane v17, v9;
	s21 =	simm.s32 $0xE680;
	v19 =	vadd.s32 v3, v53  }
0x424: {  	[tilespmem:s21], [sflag:$0x4] =	stream.indirect_vreg.gather [hbm4b:s6+s3], $0x80, v51, vm0, $0xb8;
	[tilespmem:$0x16000] =	vst v63  }
0x425: {  	v56 =	vperm.xlane v17, v10;
	v55 =	vadd.s32 v3, v54;
	s5 =	simm.s32 $0xE700  }
0x426: {  	[tilespmem:s5], [sflag:$0x4] =	stream.indirect_vreg.gather [hbm4b:s6+s3], $0x80, v18, vm0, $0xb8;
	[tilespmem:$0x16000] =	vst v63  }
0x427: {  	v57 =	vperm.xlane v17, v11;
	s18 =	simm.s32 $0xE780;
	v18 =	vadd.s32 v3, v56  }
0x428: {  	[tilespmem:s18], [sflag:$0x4] =	stream.indirect_vreg.gather [hbm4b:s6+s3], $0x80, v19, vm0, $0xb8;
	[tilespmem:$0x16000] =	vst v63  }
0x429: {  	v58 =	vperm.xlane v17, v12;
	s21 =	simm.s32 $0xE800;
	v19 =	vadd.s32 v3, v57  }
0x42a: {  	[tilespmem:s21], [sflag:$0x4] =	stream.indirect_vreg.gather [hbm4b:s6+s3], $0x80, v55, vm0, $0xb8;
	[tilespmem:$0x16000] =	vst v63  }
0x42b: {  	v60 =	vperm.xlane v17, v13;
	v59 =	vadd.s32 v3, v58;
	s5 =	simm.s32 $0xE880  }
0x42c: {  	[tilespmem:s5], [sflag:$0x4] =	stream.indirect_vreg.gather [hbm4b:s6+s3], $0x80, v18, vm0, $0xb8;
	[tilespmem:$0x16000] =	vst v63  }
0x42d: {  	v61 =	vperm.xlane v17, v14;
	s18 =	simm.s32 $0xE900;
	v18 =	vadd.s32 v3, v60  }
0x42e: {  	[tilespmem:s18], [sflag:$0x4] =	stream.indirect_vreg.gather [hbm4b:s6+s3], $0x80, v19, vm0, $0xb8;
	[tilespmem:$0x16000] =	vst v63  }
0x42f: {  	v62 =	vperm.xlane v17, v15;
	s21 =	simm.s32 $0xE980;
	v19 =	vadd.s32 v3, v61  }
0x430: {  	[tilespmem:s21], [sflag:$0x4] =	stream.indirect_vreg.gather [hbm4b:s6+s3], $0x80, v59, vm0, $0xb8;
	[tilespmem:$0x16000] =	vst v63  }
0x431: {  	v17 =	vperm.xlane v17, v16;
	v63 =	vadd.s32 v3, v62;
	s5 =	simm.s32 $0xEA00  }
0x432: {  	[tilespmem:s5], [sflag:$0x4] =	stream.indirect_vreg.gather [hbm4b:s6+s3], $0x80, v18, vm0, $0xb8;
	[tilespmem:$0x16000] =	vst v63  }
0x433: {  	v17 =	vadd.s32 v3, v17;
	s18 =	simm.s32 $0xEA80  }
0x434: {  	[tilespmem:s18], [sflag:$0x4] =	stream.indirect_vreg.gather [hbm4b:s6+s3], $0x80, v19, vm0, $0xb8;
	[tilespmem:$0x16000] =	vst v63  }
0x435: {  	s21 =	simm.s32 $0xEB00  }
0x436: {  	[tilespmem:s21], [sflag:$0x4] =	stream.indirect_vreg.gather [hbm4b:s6+s3], $0x80, v63, vm0, $0xb8;
	[tilespmem:$0x16000] =	vst v63  }
0x437: {  	s5 =	simm.s32 $0xEB80  }
0x438: {  	[tilespmem:s5], [sflag:$0x4] =	stream.indirect_vreg.gather [hbm4b:s6+s3], $0x80, v17, vm0, $0xb8;
	[tilespmem:$0x16000] =	vst v63  }
0x439: {  	v17 =	vld.msk [tilespmem:$0x1B0], $0x3;
	_ =	sdelay $0x4  }
0x43a: {  	v18 =	vshrl.u32 v17, $0x3  }
0x43b: {  	v18 =	vmul.u32 $0x18, v18  }
0x43c: {  	v17 =	vand.u32 $0x7, v17  }
0x43d: {  	v17 =	vor.u32 v17, v18  }
0x43e: {  	v18 =	vperm.xlane v17, v2;
	_ =	sdelay $0x1  }
0x43f: {  	v17 =	vperm.xlane v17, v4;
	v18 =	vadd.s32 v3, v18;
	_ =	sdelay $0x1  }
0x440: {  	v17 =	vadd.s32 v3, v17;
	_ =	sdelay $0x2  }
0x441: {  	[tilespmem:s17], [sflag:$0x4] =	stream.indirect_vreg.gather [hbm4b:s6+s3], $0x80, v18, vm0, $0xb8;
	[tilespmem:$0x16000] =	vst v63  }
0x442: {  	s31 =	simm.s32 $0x3B0;
	s18 =	simm.s32 $0xEC80  }
0x443: {  	[tilespmem:s18], [sflag:$0x4] =	stream.indirect_vreg.gather [hbm4b:s6+s3], $0x80, v17, vm0, $0xb8;
	[tilespmem:$0x16000] =	vst v63  }
0x444: {  	s29 =	simm.s32 $0x0;
	s0 =	rddreg [dreg:$0x5];
	s21 =	simm.s32 $0x180  }
0x445: {  	[tilespmem:s8], [sflag:$0x4] =	stream.indirect.gather [hbm4b:s2+s30], $0x80, s21, s30, $0xb8;
	[tilespmem:$0x16000] =	vst v63  }
.LBB2_2:
0x446: {  	_ =	swait.ge [sflag:s13], $0x1900  }
0x447: {  	[sflag:s13] =	ssyncset.done $0x0  }
0x448: {  	[sflag:s13] =	ssyncadd.s32 $0xFFFFE700  }
0x449: {  	_ =	swait.ge [sflag:s13], $0x1900  }
0x44a: {  	[sflag:s13] =	ssyncset.done $0x0  }
0x44b: {  	[sflag:s13] =	ssyncadd.s32 $0xFFFFE700  }
0x44c: {  	_ =	swait.ge [sflag:s13], $0x1900  }
0x44d: {  	[sflag:s13] =	ssyncset.done $0x0  }
0x44e: {  	s5 =	sadd.s32 s29, s9;
	s18 =	simm.s32 $0x1000;
	[sflag:s13] =	ssyncadd.s32 $0xFFFFE700  }
0x44f: {  	[hbm4b:s5+s14] =	stream.strided.scatter [tilespmem:s18], [sflag:$0x5], $0x1800, s1, s14, $0x38;
	[tilespmem:$0x16000] =	vst v63  }
0x450: {  	s21 =	simm.s32 $0x2800;
	s18 =	sadd.s32 $0x900, s5  }
0x451: {  	[hbm4b:s18+s3] =	stream.linear.scatter [tilespmem:s21], [sflag:$0x5], $0x100, $0x38;
	[tilespmem:$0x16000] =	vst v63  }
0x452: {  	_ =	swait.ge [sflag:s12], $0x1900  }
0x453: {  	[sflag:s12] =	ssyncset.done $0x0  }
0x454: {  	s18 =	sadd.s32 $0x80, s5;
	s21 =	simm.s32 $0x8000;
	[sflag:s12] =	ssyncadd.s32 $0xFFFFE700  }
0x455: {  	[hbm4b:s18+s14] =	stream.strided.scatter [tilespmem:s21], [sflag:$0x5], $0x1800, s1, s14, $0x38;
	[tilespmem:$0x16000] =	vst v63  }
0x456: {  	s18 =	sadd.s32 $0x980, s5;
	s21 =	simm.s32 $0x9800  }
0x457: {  	[hbm4b:s18+s3] =	stream.linear.scatter [tilespmem:s21], [sflag:$0x5], $0x100, $0x38;
	[tilespmem:$0x16000] =	vst v63  }
0x458: {  	_ =	swait.ge [sflag:s12], $0x1900  }
0x459: {  	p0 =	seq.s32 s29, $0x12600;
	s18 =	sadd.s32 $0xFFFFF580, s0;
	[sflag:s12] =	ssyncset.done $0x0  }
.Ltmp2:
0x45a: {  	s21 =	simm.s32 $0xF000;
	[sflag:s12] =	ssyncadd.s32 $0xFFFFE700;
	(pc) =	sbr.rel @p0 .LBB2_4-.Ltmp2, $4  }
0x45b: {  	[hbm4b:s18+s3] =	stream.linear.scatter [tilespmem:s21], [sflag:$0x5], $0x1900, $0x38;
	[tilespmem:$0x16000] =	vst v63  }
0x45c: {  	_ =	swait.ge [sflag:s12], $0x1900  }
0x45d: {  	[sflag:s12] =	ssyncset.done $0x0  }
0x45e: {  	[sflag:s12] =	ssyncadd.s32 $0xFFFFE700  }
0x45f: {  	v17 =	vld [tilespmem:s31+$0xFFFFFE50];
	_ =	sdelay $0x4  }
0x460: {  	v18 =	vshrl.u32 v17, $0x3  }
0x461: {  	v18 =	vmul.u32 $0x18, v18  }
0x462: {  	v17 =	vand.u32 $0x7, v17  }
0x463: {  	v17 =	vor.u32 v17, v18  }
0x464: {  	v18 =	vperm.xlane v17, v2;
	_ =	sdelay $0x1  }
0x465: {  	v19 =	vperm.xlane v17, v4;
	v18 =	vadd.s32 v3, v18;
	_ =	sdelay $0x1  }
0x466: {  	v20 =	vperm.xlane v17, v5;
	v19 =	vadd.s32 v3, v19;
	_ =	sdelay $0x1  }
0x467: {  	s18 =	simm.s32 $0x1000;
	v21 =	vperm.xlane v17, v0;
	v20 =	vadd.s32 v3, v20  }
0x468: {  	[tilespmem:s18], [sflag:$0x1] =	stream.indirect_vreg.gather [hbm4b:s4+s3], $0x80, v18, vm0, $0xb8;
	[tilespmem:$0x16000] =	vst v63  }
0x469: {  	s21 =	simm.s32 $0x1080;
	v44 =	vperm.xlane v17, v6;
	v18 =	vadd.s32 v3, v21  }
0x46a: {  	[tilespmem:s21], [sflag:$0x1] =	stream.indirect_vreg.gather [hbm4b:s4+s3], $0x80, v19, vm0, $0xb8;
	[tilespmem:$0x16000] =	vst v63  }
0x46b: {  	v45 =	vperm.xlane v17, v7;
	v19 =	vadd.s32 v3, v44;
	s21 =	simm.s32 $0x1100  }
0x46c: {  	[tilespmem:s21], [sflag:$0x1] =	stream.indirect_vreg.gather [hbm4b:s4+s3], $0x80, v20, vm0, $0xb8;
	[tilespmem:$0x16000] =	vst v63  }
0x46d: {  	v47 =	vperm.xlane v17, v8;
	v46 =	vadd.s32 v3, v45;
	s21 =	simm.s32 $0x1180  }
0x46e: {  	[tilespmem:s21], [sflag:$0x1] =	stream.indirect_vreg.gather [hbm4b:s4+s3], $0x80, v18, vm0, $0xb8;
	[tilespmem:$0x16000] =	vst v63  }
0x46f: {  	v48 =	vperm.xlane v17, v1;
	v18 =	vadd.s32 v3, v47;
	s21 =	simm.s32 $0x1200  }
0x470: {  	[tilespmem:s21], [sflag:$0x1] =	stream.indirect_vreg.gather [hbm4b:s4+s3], $0x80, v19, vm0, $0xb8;
	[tilespmem:$0x16000] =	vst v63  }
0x471: {  	v49 =	vperm.xlane v17, v9;
	v19 =	vadd.s32 v3, v48;
	s21 =	simm.s32 $0x1280  }
0x472: {  	[tilespmem:s21], [sflag:$0x1] =	stream.indirect_vreg.gather [hbm4b:s4+s3], $0x80, v46, vm0, $0xb8;
	[tilespmem:$0x16000] =	vst v63  }
0x473: {  	v51 =	vperm.xlane v17, v10;
	v50 =	vadd.s32 v3, v49;
	s21 =	simm.s32 $0x1300  }
0x474: {  	[tilespmem:s21], [sflag:$0x1] =	stream.indirect_vreg.gather [hbm4b:s4+s3], $0x80, v18, vm0, $0xb8;
	[tilespmem:$0x16000] =	vst v63  }
0x475: {  	v52 =	vperm.xlane v17, v11;
	v18 =	vadd.s32 v3, v51;
	s21 =	simm.s32 $0x1380  }
0x476: {  	[tilespmem:s21], [sflag:$0x1] =	stream.indirect_vreg.gather [hbm4b:s4+s3], $0x80, v19, vm0, $0xb8;
	[tilespmem:$0x16000] =	vst v63  }
0x477: {  	v53 =	vperm.xlane v17, v12;
	v19 =	vadd.s32 v3, v52;
	s21 =	simm.s32 $0x1400  }
0x478: {  	[tilespmem:s21], [sflag:$0x1] =	stream.indirect_vreg.gather [hbm4b:s4+s3], $0x80, v50, vm0, $0xb8;
	[tilespmem:$0x16000] =	vst v63  }
0x479: {  	v55 =	vperm.xlane v17, v13;
	v54 =	vadd.s32 v3, v53;
	s21 =	simm.s32 $0x1480  }
0x47a: {  	[tilespmem:s21], [sflag:$0x1] =	stream.indirect_vreg.gather [hbm4b:s4+s3], $0x80, v18, vm0, $0xb8;
	[tilespmem:$0x16000] =	vst v63  }
0x47b: {  	v56 =	vperm.xlane v17, v14;
	v18 =	vadd.s32 v3, v55;
	s21 =	simm.s32 $0x1500  }
0x47c: {  	[tilespmem:s21], [sflag:$0x1] =	stream.indirect_vreg.gather [hbm4b:s4+s3], $0x80, v19, vm0, $0xb8;
	[tilespmem:$0x16000] =	vst v63  }
0x47d: {  	v57 =	vperm.xlane v17, v15;
	v19 =	vadd.s32 v3, v56;
	s21 =	simm.s32 $0x1580  }
0x47e: {  	[tilespmem:s21], [sflag:$0x1] =	stream.indirect_vreg.gather [hbm4b:s4+s3], $0x80, v54, vm0, $0xb8;
	[tilespmem:$0x16000] =	vst v63  }
0x47f: {  	v17 =	vperm.xlane v17, v16;
	v58 =	vadd.s32 v3, v57;
	s21 =	simm.s32 $0x1600  }
0x480: {  	[tilespmem:s21], [sflag:$0x1] =	stream.indirect_vreg.gather [hbm4b:s4+s3], $0x80, v18, vm0, $0xb8;
	[tilespmem:$0x16000] =	vst v63  }
0x481: {  	v17 =	vadd.s32 v3, v17;
	s21 =	simm.s32 $0x1680  }
0x482: {  	[tilespmem:s21], [sflag:$0x1] =	stream.indirect_vreg.gather [hbm4b:s4+s3], $0x80, v19, vm0, $0xb8;
	[tilespmem:$0x16000] =	vst v63  }
0x483: {  	s21 =	simm.s32 $0x1700  }
0x484: {  	[tilespmem:s21], [sflag:$0x1] =	stream.indirect_vreg.gather [hbm4b:s4+s3], $0x80, v58, vm0, $0xb8;
	[tilespmem:$0x16000] =	vst v63  }
0x485: {  	s21 =	simm.s32 $0x1780  }
0x486: {  	[tilespmem:s21], [sflag:$0x1] =	stream.indirect_vreg.gather [hbm4b:s4+s3], $0x80, v17, vm0, $0xb8;
	[tilespmem:$0x16000] =	vst v63  }
0x487: {  	v17 =	vld [tilespmem:s31+$0xFFFFFE60];
	_ =	sdelay $0x4  }
0x488: {  	v18 =	vshrl.u32 v17, $0x3  }
0x489: {  	v18 =	vmul.u32 $0x18, v18  }
0x48a: {  	v17 =	vand.u32 $0x7, v17  }
0x48b: {  	v17 =	vor.u32 v17, v18  }
0x48c: {  	v18 =	vperm.xlane v17, v2;
	_ =	sdelay $0x1  }
0x48d: {  	v19 =	vperm.xlane v17, v4;
	v18 =	vadd.s32 v3, v18;
	_ =	sdelay $0x1  }
0x48e: {  	v59 =	vperm.xlane v17, v5;
	v19 =	vadd.s32 v3, v19;
	_ =	sdelay $0x1  }
0x48f: {  	s21 =	simm.s32 $0x1800;
	v60 =	vperm.xlane v17, v0;
	v20 =	vadd.s32 v3, v59  }
0x490: {  	[tilespmem:s21], [sflag:$0x1] =	stream.indirect_vreg.gather [hbm4b:s4+s3], $0x80, v18, vm0, $0xb8;
	[tilespmem:$0x16000] =	vst v63  }
0x491: {  	v61 =	vperm.xlane v17, v6;
	v18 =	vadd.s32 v3, v60;
	s21 =	simm.s32 $0x1880  }
0x492: {  	[tilespmem:s21], [sflag:$0x1] =	stream.indirect_vreg.gather [hbm4b:s4+s3], $0x80, v19, vm0, $0xb8;
	[tilespmem:$0x16000] =	vst v63  }
0x493: {  	v62 =	vperm.xlane v17, v7;
	v19 =	vadd.s32 v3, v61;
	s21 =	simm.s32 $0x1900  }
0x494: {  	[tilespmem:s21], [sflag:$0x1] =	stream.indirect_vreg.gather [hbm4b:s4+s3], $0x80, v20, vm0, $0xb8;
	[tilespmem:$0x16000] =	vst v63  }
0x495: {  	v24 =	vperm.xlane v17, v8;
	v63 =	vadd.s32 v3, v62;
	s21 =	simm.s32 $0x1980  }
0x496: {  	[tilespmem:s21], [sflag:$0x1] =	stream.indirect_vreg.gather [hbm4b:s4+s3], $0x80, v18, vm0, $0xb8;
	[tilespmem:$0x16000] =	vst v63  }
0x497: {  	v25 =	vperm.xlane v17, v1;
	v18 =	vadd.s32 v3, v24;
	s21 =	simm.s32 $0x1A00  }
0x498: {  	[tilespmem:s21], [sflag:$0x1] =	stream.indirect_vreg.gather [hbm4b:s4+s3], $0x80, v19, vm0, $0xb8;
	[tilespmem:$0x16000] =	vst v63  }
0x499: {  	v26 =	vperm.xlane v17, v9;
	v19 =	vadd.s32 v3, v25;
	s21 =	simm.s32 $0x1A80  }
0x49a: {  	[tilespmem:s21], [sflag:$0x1] =	stream.indirect_vreg.gather [hbm4b:s4+s3], $0x80, v63, vm0, $0xb8;
	[tilespmem:$0x16000] =	vst v63  }
0x49b: {  	v28 =	vperm.xlane v17, v10;
	v27 =	vadd.s32 v3, v26;
	s21 =	simm.s32 $0x1B00  }
0x49c: {  	[tilespmem:s21], [sflag:$0x1] =	stream.indirect_vreg.gather [hbm4b:s4+s3], $0x80, v18, vm0, $0xb8;
	[tilespmem:$0x16000] =	vst v63  }
0x49d: {  	v29 =	vperm.xlane v17, v11;
	v18 =	vadd.s32 v3, v28;
	s21 =	simm.s32 $0x1B80  }
0x49e: {  	[tilespmem:s21], [sflag:$0x1] =	stream.indirect_vreg.gather [hbm4b:s4+s3], $0x80, v19, vm0, $0xb8;
	[tilespmem:$0x16000] =	vst v63  }
0x49f: {  	v30 =	vperm.xlane v17, v12;
	v19 =	vadd.s32 v3, v29;
	s21 =	simm.s32 $0x1C00  }
0x4a0: {  	[tilespmem:s21], [sflag:$0x1] =	stream.indirect_vreg.gather [hbm4b:s4+s3], $0x80, v27, vm0, $0xb8;
	[tilespmem:$0x16000] =	vst v63  }
0x4a1: {  	v32 =	vperm.xlane v17, v13;
	v31 =	vadd.s32 v3, v30;
	s21 =	simm.s32 $0x1C80  }
0x4a2: {  	[tilespmem:s21], [sflag:$0x1] =	stream.indirect_vreg.gather [hbm4b:s4+s3], $0x80, v18, vm0, $0xb8;
	[tilespmem:$0x16000] =	vst v63  }
0x4a3: {  	v33 =	vperm.xlane v17, v14;
	v18 =	vadd.s32 v3, v32;
	s21 =	simm.s32 $0x1D00  }
0x4a4: {  	[tilespmem:s21], [sflag:$0x1] =	stream.indirect_vreg.gather [hbm4b:s4+s3], $0x80, v19, vm0, $0xb8;
	[tilespmem:$0x16000] =	vst v63  }
0x4a5: {  	v34 =	vperm.xlane v17, v15;
	v19 =	vadd.s32 v3, v33;
	s21 =	simm.s32 $0x1D80  }
0x4a6: {  	[tilespmem:s21], [sflag:$0x1] =	stream.indirect_vreg.gather [hbm4b:s4+s3], $0x80, v31, vm0, $0xb8;
	[tilespmem:$0x16000] =	vst v63  }
0x4a7: {  	v17 =	vperm.xlane v17, v16;
	v35 =	vadd.s32 v3, v34;
	s21 =	simm.s32 $0x1E00  }
0x4a8: {  	[tilespmem:s21], [sflag:$0x1] =	stream.indirect_vreg.gather [hbm4b:s4+s3], $0x80, v18, vm0, $0xb8;
	[tilespmem:$0x16000] =	vst v63  }
0x4a9: {  	v17 =	vadd.s32 v3, v17;
	s21 =	simm.s32 $0x1E80  }
0x4aa: {  	[tilespmem:s21], [sflag:$0x1] =	stream.indirect_vreg.gather [hbm4b:s4+s3], $0x80, v19, vm0, $0xb8;
	[tilespmem:$0x16000] =	vst v63  }
0x4ab: {  	s21 =	simm.s32 $0x1F00  }
0x4ac: {  	[tilespmem:s21], [sflag:$0x1] =	stream.indirect_vreg.gather [hbm4b:s4+s3], $0x80, v35, vm0, $0xb8;
	[tilespmem:$0x16000] =	vst v63  }
0x4ad: {  	s21 =	simm.s32 $0x1F80  }
0x4ae: {  	[tilespmem:s21], [sflag:$0x1] =	stream.indirect_vreg.gather [hbm4b:s4+s3], $0x80, v17, vm0, $0xb8;
	[tilespmem:$0x16000] =	vst v63  }
0x4af: {  	v17 =	vld [tilespmem:s31+$0xFFFFFE70];
	_ =	sdelay $0x4  }
0x4b0: {  	v18 =	vshrl.u32 v17, $0x3  }
0x4b1: {  	v18 =	vmul.u32 $0x18, v18  }
0x4b2: {  	v17 =	vand.u32 $0x7, v17  }
0x4b3: {  	v17 =	vor.u32 v17, v18  }
0x4b4: {  	v18 =	vperm.xlane v17, v2;
	_ =	sdelay $0x1  }
0x4b5: {  	v19 =	vperm.xlane v17, v4;
	v18 =	vadd.s32 v3, v18;
	_ =	sdelay $0x1  }
0x4b6: {  	v36 =	vperm.xlane v17, v5;
	v19 =	vadd.s32 v3, v19;
	_ =	sdelay $0x1  }
0x4b7: {  	s21 =	simm.s32 $0x2000;
	v37 =	vperm.xlane v17, v0;
	v20 =	vadd.s32 v3, v36  }
0x4b8: {  	[tilespmem:s21], [sflag:$0x1] =	stream.indirect_vreg.gather [hbm4b:s4+s3], $0x80, v18, vm0, $0xb8;
	[tilespmem:$0x16000] =	vst v63  }
0x4b9: {  	v38 =	vperm.xlane v17, v6;
	v18 =	vadd.s32 v3, v37;
	s21 =	simm.s32 $0x2080  }
0x4ba: {  	[tilespmem:s21], [sflag:$0x1] =	stream.indirect_vreg.gather [hbm4b:s4+s3], $0x80, v19, vm0, $0xb8;
	[tilespmem:$0x16000] =	vst v63  }
0x4bb: {  	v39 =	vperm.xlane v17, v7;
	v19 =	vadd.s32 v3, v38;
	s21 =	simm.s32 $0x2100  }
0x4bc: {  	[tilespmem:s21], [sflag:$0x1] =	stream.indirect_vreg.gather [hbm4b:s4+s3], $0x80, v20, vm0, $0xb8;
	[tilespmem:$0x16000] =	vst v63  }
0x4bd: {  	v41 =	vperm.xlane v17, v8;
	v40 =	vadd.s32 v3, v39;
	s21 =	simm.s32 $0x2180  }
0x4be: {  	[tilespmem:s21], [sflag:$0x1] =	stream.indirect_vreg.gather [hbm4b:s4+s3], $0x80, v18, vm0, $0xb8;
	[tilespmem:$0x16000] =	vst v63  }
0x4bf: {  	v42 =	vperm.xlane v17, v1;
	v18 =	vadd.s32 v3, v41;
	s21 =	simm.s32 $0x2200  }
0x4c0: {  	[tilespmem:s21], [sflag:$0x1] =	stream.indirect_vreg.gather [hbm4b:s4+s3], $0x80, v19, vm0, $0xb8;
	[tilespmem:$0x16000] =	vst v63  }
0x4c1: {  	v43 =	vperm.xlane v17, v9;
	v19 =	vadd.s32 v3, v42;
	s21 =	simm.s32 $0x2280  }
0x4c2: {  	[tilespmem:s21], [sflag:$0x1] =	stream.indirect_vreg.gather [hbm4b:s4+s3], $0x80, v40, vm0, $0xb8;
	[tilespmem:$0x16000] =	vst v63  }
0x4c3: {  	v45 =	vperm.xlane v17, v10;
	v44 =	vadd.s32 v3, v43;
	s21 =	simm.s32 $0x2300  }
0x4c4: {  	[tilespmem:s21], [sflag:$0x1] =	stream.indirect_vreg.gather [hbm4b:s4+s3], $0x80, v18, vm0, $0xb8;
	[tilespmem:$0x16000] =	vst v63  }
0x4c5: {  	v46 =	vperm.xlane v17, v11;
	v18 =	vadd.s32 v3, v45;
	s21 =	simm.s32 $0x2380  }
0x4c6: {  	[tilespmem:s21], [sflag:$0x1] =	stream.indirect_vreg.gather [hbm4b:s4+s3], $0x80, v19, vm0, $0xb8;
	[tilespmem:$0x16000] =	vst v63  }
0x4c7: {  	v47 =	vperm.xlane v17, v12;
	v19 =	vadd.s32 v3, v46;
	s21 =	simm.s32 $0x2400  }
0x4c8: {  	[tilespmem:s21], [sflag:$0x1] =	stream.indirect_vreg.gather [hbm4b:s4+s3], $0x80, v44, vm0, $0xb8;
	[tilespmem:$0x16000] =	vst v63  }
0x4c9: {  	v49 =	vperm.xlane v17, v13;
	v48 =	vadd.s32 v3, v47;
	s21 =	simm.s32 $0x2480  }
0x4ca: {  	[tilespmem:s21], [sflag:$0x1] =	stream.indirect_vreg.gather [hbm4b:s4+s3], $0x80, v18, vm0, $0xb8;
	[tilespmem:$0x16000] =	vst v63  }
0x4cb: {  	v50 =	vperm.xlane v17, v14;
	v18 =	vadd.s32 v3, v49;
	s21 =	simm.s32 $0x2500  }
0x4cc: {  	[tilespmem:s21], [sflag:$0x1] =	stream.indirect_vreg.gather [hbm4b:s4+s3], $0x80, v19, vm0, $0xb8;
	[tilespmem:$0x16000] =	vst v63  }
0x4cd: {  	v51 =	vperm.xlane v17, v15;
	v19 =	vadd.s32 v3, v50;
	s21 =	simm.s32 $0x2580  }
0x4ce: {  	[tilespmem:s21], [sflag:$0x1] =	stream.indirect_vreg.gather [hbm4b:s4+s3], $0x80, v48, vm0, $0xb8;
	[tilespmem:$0x16000] =	vst v63  }
0x4cf: {  	v17 =	vperm.xlane v17, v16;
	v52 =	vadd.s32 v3, v51;
	s21 =	simm.s32 $0x2600  }
0x4d0: {  	[tilespmem:s21], [sflag:$0x1] =	stream.indirect_vreg.gather [hbm4b:s4+s3], $0x80, v18, vm0, $0xb8;
	[tilespmem:$0x16000] =	vst v63  }
0x4d1: {  	v17 =	vadd.s32 v3, v17;
	s21 =	simm.s32 $0x2680  }
0x4d2: {  	[tilespmem:s21], [sflag:$0x1] =	stream.indirect_vreg.gather [hbm4b:s4+s3], $0x80, v19, vm0, $0xb8;
	[tilespmem:$0x16000] =	vst v63  }
0x4d3: {  	s21 =	simm.s32 $0x2700  }
0x4d4: {  	[tilespmem:s21], [sflag:$0x1] =	stream.indirect_vreg.gather [hbm4b:s4+s3], $0x80, v52, vm0, $0xb8;
	[tilespmem:$0x16000] =	vst v63  }
0x4d5: {  	s21 =	simm.s32 $0x2780  }
0x4d6: {  	[tilespmem:s21], [sflag:$0x1] =	stream.indirect_vreg.gather [hbm4b:s4+s3], $0x80, v17, vm0, $0xb8;
	[tilespmem:$0x16000] =	vst v63  }
0x4d7: {  	v17 =	vld.msk [tilespmem:s31+$0xFFFFFE80], $0x3;
	_ =	sdelay $0x4  }
0x4d8: {  	v18 =	vshrl.u32 v17, $0x3  }
0x4d9: {  	v18 =	vmul.u32 $0x18, v18  }
0x4da: {  	v17 =	vand.u32 $0x7, v17  }
0x4db: {  	v17 =	vor.u32 v17, v18  }
0x4dc: {  	v18 =	vperm.xlane v17, v2;
	_ =	sdelay $0x1  }
0x4dd: {  	v17 =	vperm.xlane v17, v4;
	v18 =	vadd.s32 v3, v18;
	_ =	sdelay $0x1  }
0x4de: {  	v17 =	vadd.s32 v3, v17;
	_ =	sdelay $0x1  }
0x4df: {  	s21 =	simm.s32 $0x2800  }
0x4e0: {  	[tilespmem:s21], [sflag:$0x1] =	stream.indirect_vreg.gather [hbm4b:s4+s3], $0x80, v18, vm0, $0xb8;
	[tilespmem:$0x16000] =	vst v63  }
0x4e1: {  	s21 =	simm.s32 $0x2880  }
0x4e2: {  	[tilespmem:s21], [sflag:$0x1] =	stream.indirect_vreg.gather [hbm4b:s4+s3], $0x80, v17, vm0, $0xb8;
	[tilespmem:$0x16000] =	vst v63  }
0x4e3: {  	v17 =	vld [tilespmem:s31+$0xFFFFFE50];
	_ =	sdelay $0x4  }
0x4e4: {  	v18 =	vshrl.u32 v17, $0x3  }
0x4e5: {  	v18 =	vmul.u32 $0x18, v18  }
0x4e6: {  	v17 =	vand.u32 $0x7, v17  }
0x4e7: {  	v17 =	vor.u32 v17, v18  }
0x4e8: {  	v18 =	vperm.xlane v17, v2;
	_ =	sdelay $0x1  }
0x4e9: {  	v19 =	vperm.xlane v17, v4;
	v18 =	vadd.s32 v3, v18;
	_ =	sdelay $0x1  }
0x4ea: {  	v53 =	vperm.xlane v17, v5;
	v19 =	vadd.s32 v3, v19;
	_ =	sdelay $0x1  }
0x4eb: {  	s21 =	simm.s32 $0x8000;
	v54 =	vperm.xlane v17, v0;
	v20 =	vadd.s32 v3, v53  }
0x4ec: {  	[tilespmem:s21], [sflag:$0x1] =	stream.indirect_vreg.gather [hbm4b:s6+s3], $0x80, v18, vm0, $0xb8;
	[tilespmem:$0x16000] =	vst v63  }
0x4ed: {  	v55 =	vperm.xlane v17, v6;
	v18 =	vadd.s32 v3, v54;
	s21 =	simm.s32 $0x8080  }
0x4ee: {  	[tilespmem:s21], [sflag:$0x1] =	stream.indirect_vreg.gather [hbm4b:s6+s3], $0x80, v19, vm0, $0xb8;
	[tilespmem:$0x16000] =	vst v63  }
0x4ef: {  	v56 =	vperm.xlane v17, v7;
	v19 =	vadd.s32 v3, v55;
	s21 =	simm.s32 $0x8100  }
0x4f0: {  	[tilespmem:s21], [sflag:$0x1] =	stream.indirect_vreg.gather [hbm4b:s6+s3], $0x80, v20, vm0, $0xb8;
	[tilespmem:$0x16000] =	vst v63  }
0x4f1: {  	v58 =	vperm.xlane v17, v8;
	v57 =	vadd.s32 v3, v56;
	s21 =	simm.s32 $0x8180  }
0x4f2: {  	[tilespmem:s21], [sflag:$0x1] =	stream.indirect_vreg.gather [hbm4b:s6+s3], $0x80, v18, vm0, $0xb8;
	[tilespmem:$0x16000] =	vst v63  }
0x4f3: {  	v59 =	vperm.xlane v17, v1;
	v18 =	vadd.s32 v3, v58;
	s21 =	simm.s32 $0x8200  }
0x4f4: {  	[tilespmem:s21], [sflag:$0x1] =	stream.indirect_vreg.gather [hbm4b:s6+s3], $0x80, v19, vm0, $0xb8;
	[tilespmem:$0x16000] =	vst v63  }
0x4f5: {  	v60 =	vperm.xlane v17, v9;
	v19 =	vadd.s32 v3, v59;
	s21 =	simm.s32 $0x8280  }
0x4f6: {  	[tilespmem:s21], [sflag:$0x1] =	stream.indirect_vreg.gather [hbm4b:s6+s3], $0x80, v57, vm0, $0xb8;
	[tilespmem:$0x16000] =	vst v63  }
0x4f7: {  	v62 =	vperm.xlane v17, v10;
	v61 =	vadd.s32 v3, v60;
	s21 =	simm.s32 $0x8300  }
0x4f8: {  	[tilespmem:s21], [sflag:$0x1] =	stream.indirect_vreg.gather [hbm4b:s6+s3], $0x80, v18, vm0, $0xb8;
	[tilespmem:$0x16000] =	vst v63  }
0x4f9: {  	v63 =	vperm.xlane v17, v11;
	v18 =	vadd.s32 v3, v62;
	s21 =	simm.s32 $0x8380  }
0x4fa: {  	[tilespmem:s21], [sflag:$0x1] =	stream.indirect_vreg.gather [hbm4b:s6+s3], $0x80, v19, vm0, $0xb8;
	[tilespmem:$0x16000] =	vst v63  }
0x4fb: {  	v24 =	vperm.xlane v17, v12;
	v19 =	vadd.s32 v3, v63;
	s21 =	simm.s32 $0x8400  }
0x4fc: {  	[tilespmem:s21], [sflag:$0x1] =	stream.indirect_vreg.gather [hbm4b:s6+s3], $0x80, v61, vm0, $0xb8;
	[tilespmem:$0x16000] =	vst v63  }
0x4fd: {  	v26 =	vperm.xlane v17, v13;
	v25 =	vadd.s32 v3, v24;
	s21 =	simm.s32 $0x8480  }
0x4fe: {  	[tilespmem:s21], [sflag:$0x1] =	stream.indirect_vreg.gather [hbm4b:s6+s3], $0x80, v18, vm0, $0xb8;
	[tilespmem:$0x16000] =	vst v63  }
0x4ff: {  	v27 =	vperm.xlane v17, v14;
	v18 =	vadd.s32 v3, v26;
	s21 =	simm.s32 $0x8500  }
0x500: {  	[tilespmem:s21], [sflag:$0x1] =	stream.indirect_vreg.gather [hbm4b:s6+s3], $0x80, v19, vm0, $0xb8;
	[tilespmem:$0x16000] =	vst v63  }
0x501: {  	v28 =	vperm.xlane v17, v15;
	v19 =	vadd.s32 v3, v27;
	s21 =	simm.s32 $0x8580  }
0x502: {  	[tilespmem:s21], [sflag:$0x1] =	stream.indirect_vreg.gather [hbm4b:s6+s3], $0x80, v25, vm0, $0xb8;
	[tilespmem:$0x16000] =	vst v63  }
0x503: {  	v17 =	vperm.xlane v17, v16;
	v29 =	vadd.s32 v3, v28;
	s21 =	simm.s32 $0x8600  }
0x504: {  	[tilespmem:s21], [sflag:$0x1] =	stream.indirect_vreg.gather [hbm4b:s6+s3], $0x80, v18, vm0, $0xb8;
	[tilespmem:$0x16000] =	vst v63  }
0x505: {  	v17 =	vadd.s32 v3, v17;
	s21 =	simm.s32 $0x8680  }
0x506: {  	[tilespmem:s21], [sflag:$0x1] =	stream.indirect_vreg.gather [hbm4b:s6+s3], $0x80, v19, vm0, $0xb8;
	[tilespmem:$0x16000] =	vst v63  }
0x507: {  	s21 =	simm.s32 $0x8700  }
0x508: {  	[tilespmem:s21], [sflag:$0x1] =	stream.indirect_vreg.gather [hbm4b:s6+s3], $0x80, v29, vm0, $0xb8;
	[tilespmem:$0x16000] =	vst v63  }
0x509: {  	s21 =	simm.s32 $0x8780  }
0x50a: {  	[tilespmem:s21], [sflag:$0x1] =	stream.indirect_vreg.gather [hbm4b:s6+s3], $0x80, v17, vm0, $0xb8;
	[tilespmem:$0x16000] =	vst v63  }
0x50b: {  	v17 =	vld [tilespmem:s31+$0xFFFFFE60];
	_ =	sdelay $0x4  }
0x50c: {  	v18 =	vshrl.u32 v17, $0x3  }
0x50d: {  	v18 =	vmul.u32 $0x18, v18  }
0x50e: {  	v17 =	vand.u32 $0x7, v17  }
0x50f: {  	v17 =	vor.u32 v17, v18  }
0x510: {  	v18 =	vperm.xlane v17, v2;
	_ =	sdelay $0x1  }
0x511: {  	v19 =	vperm.xlane v17, v4;
	v18 =	vadd.s32 v3, v18;
	_ =	sdelay $0x1  }
0x512: {  	v30 =	vperm.xlane v17, v5;
	v19 =	vadd.s32 v3, v19;
	_ =	sdelay $0x1  }
0x513: {  	s21 =	simm.s32 $0x8800;
	v31 =	vperm.xlane v17, v0;
	v20 =	vadd.s32 v3, v30  }
0x514: {  	[tilespmem:s21], [sflag:$0x1] =	stream.indirect_vreg.gather [hbm4b:s6+s3], $0x80, v18, vm0, $0xb8;
	[tilespmem:$0x16000] =	vst v63  }
0x515: {  	v32 =	vperm.xlane v17, v6;
	v18 =	vadd.s32 v3, v31;
	s21 =	simm.s32 $0x8880  }
0x516: {  	[tilespmem:s21], [sflag:$0x1] =	stream.indirect_vreg.gather [hbm4b:s6+s3], $0x80, v19, vm0, $0xb8;
	[tilespmem:$0x16000] =	vst v63  }
0x517: {  	v33 =	vperm.xlane v17, v7;
	v19 =	vadd.s32 v3, v32;
	s21 =	simm.s32 $0x8900  }
0x518: {  	[tilespmem:s21], [sflag:$0x1] =	stream.indirect_vreg.gather [hbm4b:s6+s3], $0x80, v20, vm0, $0xb8;
	[tilespmem:$0x16000] =	vst v63  }
0x519: {  	v35 =	vperm.xlane v17, v8;
	v34 =	vadd.s32 v3, v33;
	s21 =	simm.s32 $0x8980  }
0x51a: {  	[tilespmem:s21], [sflag:$0x1] =	stream.indirect_vreg.gather [hbm4b:s6+s3], $0x80, v18, vm0, $0xb8;
	[tilespmem:$0x16000] =	vst v63  }
0x51b: {  	v36 =	vperm.xlane v17, v1;
	v18 =	vadd.s32 v3, v35;
	s21 =	simm.s32 $0x8A00  }
0x51c: {  	[tilespmem:s21], [sflag:$0x1] =	stream.indirect_vreg.gather [hbm4b:s6+s3], $0x80, v19, vm0, $0xb8;
	[tilespmem:$0x16000] =	vst v63  }
0x51d: {  	v37 =	vperm.xlane v17, v9;
	v19 =	vadd.s32 v3, v36;
	s21 =	simm.s32 $0x8A80  }
0x51e: {  	[tilespmem:s21], [sflag:$0x1] =	stream.indirect_vreg.gather [hbm4b:s6+s3], $0x80, v34, vm0, $0xb8;
	[tilespmem:$0x16000] =	vst v63  }
0x51f: {  	v39 =	vperm.xlane v17, v10;
	v38 =	vadd.s32 v3, v37;
	s21 =	simm.s32 $0x8B00  }
0x520: {  	[tilespmem:s21], [sflag:$0x1] =	stream.indirect_vreg.gather [hbm4b:s6+s3], $0x80, v18, vm0, $0xb8;
	[tilespmem:$0x16000] =	vst v63  }
0x521: {  	v40 =	vperm.xlane v17, v11;
	v18 =	vadd.s32 v3, v39;
	s21 =	simm.s32 $0x8B80  }
0x522: {  	[tilespmem:s21], [sflag:$0x1] =	stream.indirect_vreg.gather [hbm4b:s6+s3], $0x80, v19, vm0, $0xb8;
	[tilespmem:$0x16000] =	vst v63  }
0x523: {  	v41 =	vperm.xlane v17, v12;
	v19 =	vadd.s32 v3, v40;
	s21 =	simm.s32 $0x8C00  }
0x524: {  	[tilespmem:s21], [sflag:$0x1] =	stream.indirect_vreg.gather [hbm4b:s6+s3], $0x80, v38, vm0, $0xb8;
	[tilespmem:$0x16000] =	vst v63  }
0x525: {  	v43 =	vperm.xlane v17, v13;
	v42 =	vadd.s32 v3, v41;
	s21 =	simm.s32 $0x8C80  }
0x526: {  	[tilespmem:s21], [sflag:$0x1] =	stream.indirect_vreg.gather [hbm4b:s6+s3], $0x80, v18, vm0, $0xb8;
	[tilespmem:$0x16000] =	vst v63  }
0x527: {  	v44 =	vperm.xlane v17, v14;
	v18 =	vadd.s32 v3, v43;
	s21 =	simm.s32 $0x8D00  }
0x528: {  	[tilespmem:s21], [sflag:$0x1] =	stream.indirect_vreg.gather [hbm4b:s6+s3], $0x80, v19, vm0, $0xb8;
	[tilespmem:$0x16000] =	vst v63  }
0x529: {  	v45 =	vperm.xlane v17, v15;
	v19 =	vadd.s32 v3, v44;
	s21 =	simm.s32 $0x8D80  }
0x52a: {  	[tilespmem:s21], [sflag:$0x1] =	stream.indirect_vreg.gather [hbm4b:s6+s3], $0x80, v42, vm0, $0xb8;
	[tilespmem:$0x16000] =	vst v63  }
0x52b: {  	v17 =	vperm.xlane v17, v16;
	v46 =	vadd.s32 v3, v45;
	s21 =	simm.s32 $0x8E00  }
0x52c: {  	[tilespmem:s21], [sflag:$0x1] =	stream.indirect_vreg.gather [hbm4b:s6+s3], $0x80, v18, vm0, $0xb8;
	[tilespmem:$0x16000] =	vst v63  }
0x52d: {  	v17 =	vadd.s32 v3, v17;
	s21 =	simm.s32 $0x8E80  }
0x52e: {  	[tilespmem:s21], [sflag:$0x1] =	stream.indirect_vreg.gather [hbm4b:s6+s3], $0x80, v19, vm0, $0xb8;
	[tilespmem:$0x16000] =	vst v63  }
0x52f: {  	s21 =	simm.s32 $0x8F00  }
0x530: {  	[tilespmem:s21], [sflag:$0x1] =	stream.indirect_vreg.gather [hbm4b:s6+s3], $0x80, v46, vm0, $0xb8;
	[tilespmem:$0x16000] =	vst v63  }
0x531: {  	s21 =	simm.s32 $0x8F80  }
0x532: {  	[tilespmem:s21], [sflag:$0x1] =	stream.indirect_vreg.gather [hbm4b:s6+s3], $0x80, v17, vm0, $0xb8;
	[tilespmem:$0x16000] =	vst v63  }
0x533: {  	v17 =	vld [tilespmem:s31+$0xFFFFFE70];
	_ =	sdelay $0x4  }
0x534: {  	v18 =	vshrl.u32 v17, $0x3  }
0x535: {  	v18 =	vmul.u32 $0x18, v18  }
0x536: {  	v17 =	vand.u32 $0x7, v17  }
0x537: {  	v17 =	vor.u32 v17, v18  }
0x538: {  	v18 =	vperm.xlane v17, v2;
	_ =	sdelay $0x1  }
0x539: {  	v19 =	vperm.xlane v17, v4;
	v18 =	vadd.s32 v3, v18;
	_ =	sdelay $0x1  }
0x53a: {  	v47 =	vperm.xlane v17, v5;
	v19 =	vadd.s32 v3, v19;
	_ =	sdelay $0x1  }
0x53b: {  	s21 =	simm.s32 $0x9000;
	v48 =	vperm.xlane v17, v0;
	v20 =	vadd.s32 v3, v47  }
0x53c: {  	[tilespmem:s21], [sflag:$0x1] =	stream.indirect_vreg.gather [hbm4b:s6+s3], $0x80, v18, vm0, $0xb8;
	[tilespmem:$0x16000] =	vst v63  }
0x53d: {  	v49 =	vperm.xlane v17, v6;
	v18 =	vadd.s32 v3, v48;
	s21 =	simm.s32 $0x9080  }
0x53e: {  	[tilespmem:s21], [sflag:$0x1] =	stream.indirect_vreg.gather [hbm4b:s6+s3], $0x80, v19, vm0, $0xb8;
	[tilespmem:$0x16000] =	vst v63  }
0x53f: {  	v50 =	vperm.xlane v17, v7;
	v19 =	vadd.s32 v3, v49;
	s21 =	simm.s32 $0x9100  }
0x540: {  	[tilespmem:s21], [sflag:$0x1] =	stream.indirect_vreg.gather [hbm4b:s6+s3], $0x80, v20, vm0, $0xb8;
	[tilespmem:$0x16000] =	vst v63  }
0x541: {  	v52 =	vperm.xlane v17, v8;
	v51 =	vadd.s32 v3, v50;
	s21 =	simm.s32 $0x9180  }
0x542: {  	[tilespmem:s21], [sflag:$0x1] =	stream.indirect_vreg.gather [hbm4b:s6+s3], $0x80, v18, vm0, $0xb8;
	[tilespmem:$0x16000] =	vst v63  }
0x543: {  	v53 =	vperm.xlane v17, v1;
	v18 =	vadd.s32 v3, v52;
	s21 =	simm.s32 $0x9200  }
0x544: {  	[tilespmem:s21], [sflag:$0x1] =	stream.indirect_vreg.gather [hbm4b:s6+s3], $0x80, v19, vm0, $0xb8;
	[tilespmem:$0x16000] =	vst v63  }
0x545: {  	v54 =	vperm.xlane v17, v9;
	v19 =	vadd.s32 v3, v53;
	s21 =	simm.s32 $0x9280  }
0x546: {  	[tilespmem:s21], [sflag:$0x1] =	stream.indirect_vreg.gather [hbm4b:s6+s3], $0x80, v51, vm0, $0xb8;
	[tilespmem:$0x16000] =	vst v63  }
0x547: {  	v56 =	vperm.xlane v17, v10;
	v55 =	vadd.s32 v3, v54;
	s21 =	simm.s32 $0x9300  }
0x548: {  	[tilespmem:s21], [sflag:$0x1] =	stream.indirect_vreg.gather [hbm4b:s6+s3], $0x80, v18, vm0, $0xb8;
	[tilespmem:$0x16000] =	vst v63  }
0x549: {  	v57 =	vperm.xlane v17, v11;
	v18 =	vadd.s32 v3, v56;
	s21 =	simm.s32 $0x9380  }
0x54a: {  	[tilespmem:s21], [sflag:$0x1] =	stream.indirect_vreg.gather [hbm4b:s6+s3], $0x80, v19, vm0, $0xb8;
	[tilespmem:$0x16000] =	vst v63  }
0x54b: {  	v58 =	vperm.xlane v17, v12;
	v19 =	vadd.s32 v3, v57;
	s21 =	simm.s32 $0x9400  }
0x54c: {  	[tilespmem:s21], [sflag:$0x1] =	stream.indirect_vreg.gather [hbm4b:s6+s3], $0x80, v55, vm0, $0xb8;
	[tilespmem:$0x16000] =	vst v63  }
0x54d: {  	v60 =	vperm.xlane v17, v13;
	v59 =	vadd.s32 v3, v58;
	s21 =	simm.s32 $0x9480  }
0x54e: {  	[tilespmem:s21], [sflag:$0x1] =	stream.indirect_vreg.gather [hbm4b:s6+s3], $0x80, v18, vm0, $0xb8;
	[tilespmem:$0x16000] =	vst v63  }
0x54f: {  	v61 =	vperm.xlane v17, v14;
	v18 =	vadd.s32 v3, v60;
	s21 =	simm.s32 $0x9500  }
0x550: {  	[tilespmem:s21], [sflag:$0x1] =	stream.indirect_vreg.gather [hbm4b:s6+s3], $0x80, v19, vm0, $0xb8;
	[tilespmem:$0x16000] =	vst v63  }
0x551: {  	v62 =	vperm.xlane v17, v15;
	v19 =	vadd.s32 v3, v61;
	s21 =	simm.s32 $0x9580  }
0x552: {  	[tilespmem:s21], [sflag:$0x1] =	stream.indirect_vreg.gather [hbm4b:s6+s3], $0x80, v59, vm0, $0xb8;
	[tilespmem:$0x16000] =	vst v63  }
0x553: {  	v17 =	vperm.xlane v17, v16;
	v63 =	vadd.s32 v3, v62;
	s21 =	simm.s32 $0x9600  }
0x554: {  	[tilespmem:s21], [sflag:$0x1] =	stream.indirect_vreg.gather [hbm4b:s6+s3], $0x80, v18, vm0, $0xb8;
	[tilespmem:$0x16000] =	vst v63  }
0x555: {  	v17 =	vadd.s32 v3, v17;
	s21 =	simm.s32 $0x9680  }
0x556: {  	[tilespmem:s21], [sflag:$0x1] =	stream.indirect_vreg.gather [hbm4b:s6+s3], $0x80, v19, vm0, $0xb8;
	[tilespmem:$0x16000] =	vst v63  }
0x557: {  	s21 =	simm.s32 $0x9700  }
0x558: {  	[tilespmem:s21], [sflag:$0x1] =	stream.indirect_vreg.gather [hbm4b:s6+s3], $0x80, v63, vm0, $0xb8;
	[tilespmem:$0x16000] =	vst v63  }
0x559: {  	s21 =	simm.s32 $0x9780  }
0x55a: {  	[tilespmem:s21], [sflag:$0x1] =	stream.indirect_vreg.gather [hbm4b:s6+s3], $0x80, v17, vm0, $0xb8;
	[tilespmem:$0x16000] =	vst v63  }
0x55b: {  	v17 =	vld.msk [tilespmem:s31+$0xFFFFFE80], $0x3;
	_ =	sdelay $0x4  }
0x55c: {  	v18 =	vshrl.u32 v17, $0x3  }
0x55d: {  	v18 =	vmul.u32 $0x18, v18  }
0x55e: {  	v17 =	vand.u32 $0x7, v17  }
0x55f: {  	v17 =	vor.u32 v17, v18  }
0x560: {  	v18 =	vperm.xlane v17, v2;
	_ =	sdelay $0x1  }
0x561: {  	v17 =	vperm.xlane v17, v4;
	v18 =	vadd.s32 v3, v18;
	_ =	sdelay $0x1  }
0x562: {  	v17 =	vadd.s32 v3, v17;
	_ =	sdelay $0x1  }
0x563: {  	s21 =	simm.s32 $0x9800  }
0x564: {  	[tilespmem:s21], [sflag:$0x1] =	stream.indirect_vreg.gather [hbm4b:s6+s3], $0x80, v18, vm0, $0xb8;
	[tilespmem:$0x16000] =	vst v63  }
0x565: {  	s21 =	simm.s32 $0x9880  }
0x566: {  	[tilespmem:s21], [sflag:$0x1] =	stream.indirect_vreg.gather [hbm4b:s6+s3], $0x80, v17, vm0, $0xb8;
	[tilespmem:$0x16000] =	vst v63  }
0x567: {  	s18 =	sadd.s32 $0xFFFFFE50, s31;
	s21 =	simm.s32 $0xF000  }
0x568: {  	[tilespmem:s21], [sflag:$0x1] =	stream.indirect.gather [hbm4b:s2+s30], $0x80, s18, s30, $0xb8;
	[tilespmem:$0x16000] =	vst v63  }
.LBB2_4:
0x569: {  	_ =	swait.ge [sflag:s24], $0x1900  }
0x56a: {  	[sflag:s24] =	ssyncset.done $0x0  }
0x56b: {  	[sflag:s24] =	ssyncadd.s32 $0xFFFFE700  }
0x56c: {  	_ =	swait.ge [sflag:s24], $0x1900  }
0x56d: {  	[sflag:s24] =	ssyncset.done $0x0  }
0x56e: {  	[sflag:s24] =	ssyncadd.s32 $0xFFFFE700  }
0x56f: {  	_ =	swait.ge [sflag:s24], $0x1900  }
0x570: {  	[sflag:s24] =	ssyncset.done $0x0  }
0x571: {  	s18 =	sadd.s32 $0xA80, s5;
	s21 =	simm.s32 $0x2C00;
	[sflag:s24] =	ssyncadd.s32 $0xFFFFE700  }
0x572: {  	[hbm4b:s18+s14] =	stream.strided.scatter [tilespmem:s21], [sflag:$0x5], $0x1800, s1, s14, $0x38;
	[tilespmem:$0x16000] =	vst v63  }
0x573: {  	s18 =	sadd.s32 $0x1380, s5;
	s21 =	simm.s32 $0x4400  }
0x574: {  	[hbm4b:s18+s3] =	stream.linear.scatter [tilespmem:s21], [sflag:$0x5], $0x100, $0x38;
	[tilespmem:$0x16000] =	vst v63  }
0x575: {  	_ =	swait.ge [sflag:s12], $0x1900  }
0x576: {  	[sflag:s12] =	ssyncset.done $0x0  }
0x577: {  	s18 =	sadd.s32 s29, s10;
	s21 =	simm.s32 $0x9C00;
	[sflag:s12] =	ssyncadd.s32 $0xFFFFE700  }
0x578: {  	[hbm4b:s18+s14] =	stream.strided.scatter [tilespmem:s21], [sflag:$0x5], $0x1800, s1, s14, $0x38;
	[tilespmem:$0x16000] =	vst v63  }
0x579: {  	s18 =	sadd.s32 $0x900, s18;
	s21 =	simm.s32 $0xB400  }
0x57a: {  	[hbm4b:s18+s3] =	stream.linear.scatter [tilespmem:s21], [sflag:$0x5], $0x100, $0x38;
	[tilespmem:$0x16000] =	vst v63  }
0x57b: {  	_ =	swait.ge [sflag:s12], $0x1900  }
0x57c: {  	s18 =	sadd.s32 $0xFFFFF900, s0;
	[sflag:s12] =	ssyncset.done $0x0  }
.Ltmp3:
0x57d: {  	s21 =	simm.s32 $0x10C00;
	[sflag:s12] =	ssyncadd.s32 $0xFFFFE700;
	(pc) =	sbr.rel @p0 .LBB2_6-.Ltmp3, $4  }
0x57e: {  	[hbm4b:s18+s3] =	stream.linear.scatter [tilespmem:s21], [sflag:$0x5], $0x1900, $0x38;
	[tilespmem:$0x16000] =	vst v63  }
0x57f: {  	_ =	swait.ge [sflag:s12], $0x1900  }
0x580: {  	[sflag:s12] =	ssyncset.done $0x0  }
0x581: {  	[sflag:s12] =	ssyncadd.s32 $0xFFFFE700  }
0x582: {  	v17 =	vld [tilespmem:s31+$0xFFFFFED0];
	_ =	sdelay $0x4  }
0x583: {  	v18 =	vshrl.u32 v17, $0x3  }
0x584: {  	v18 =	vmul.u32 $0x18, v18  }
0x585: {  	v17 =	vand.u32 $0x7, v17  }
0x586: {  	v17 =	vor.u32 v17, v18  }
0x587: {  	v18 =	vperm.xlane v17, v2;
	_ =	sdelay $0x1  }
0x588: {  	v19 =	vperm.xlane v17, v4;
	v18 =	vadd.s32 v3, v18;
	_ =	sdelay $0x1  }
0x589: {  	v20 =	vperm.xlane v17, v5;
	v19 =	vadd.s32 v3, v19;
	_ =	sdelay $0x1  }
0x58a: {  	s18 =	simm.s32 $0x2C00;
	v21 =	vperm.xlane v17, v0;
	v20 =	vadd.s32 v3, v20  }
0x58b: {  	[tilespmem:s18], [sflag:$0x2] =	stream.indirect_vreg.gather [hbm4b:s4+s3], $0x80, v18, vm0, $0xb8;
	[tilespmem:$0x16000] =	vst v63  }
0x58c: {  	s21 =	simm.s32 $0x2C80;
	v44 =	vperm.xlane v17, v6;
	v18 =	vadd.s32 v3, v21  }
0x58d: {  	[tilespmem:s21], [sflag:$0x2] =	stream.indirect_vreg.gather [hbm4b:s4+s3], $0x80, v19, vm0, $0xb8;
	[tilespmem:$0x16000] =	vst v63  }
0x58e: {  	v45 =	vperm.xlane v17, v7;
	v19 =	vadd.s32 v3, v44;
	s21 =	simm.s32 $0x2D00  }
0x58f: {  	[tilespmem:s21], [sflag:$0x2] =	stream.indirect_vreg.gather [hbm4b:s4+s3], $0x80, v20, vm0, $0xb8;
	[tilespmem:$0x16000] =	vst v63  }
0x590: {  	v47 =	vperm.xlane v17, v8;
	v46 =	vadd.s32 v3, v45;
	s21 =	simm.s32 $0x2D80  }
0x591: {  	[tilespmem:s21], [sflag:$0x2] =	stream.indirect_vreg.gather [hbm4b:s4+s3], $0x80, v18, vm0, $0xb8;
	[tilespmem:$0x16000] =	vst v63  }
0x592: {  	v48 =	vperm.xlane v17, v1;
	v18 =	vadd.s32 v3, v47;
	s21 =	simm.s32 $0x2E00  }
0x593: {  	[tilespmem:s21], [sflag:$0x2] =	stream.indirect_vreg.gather [hbm4b:s4+s3], $0x80, v19, vm0, $0xb8;
	[tilespmem:$0x16000] =	vst v63  }
0x594: {  	v49 =	vperm.xlane v17, v9;
	v19 =	vadd.s32 v3, v48;
	s21 =	simm.s32 $0x2E80  }
0x595: {  	[tilespmem:s21], [sflag:$0x2] =	stream.indirect_vreg.gather [hbm4b:s4+s3], $0x80, v46, vm0, $0xb8;
	[tilespmem:$0x16000] =	vst v63  }
0x596: {  	v51 =	vperm.xlane v17, v10;
	v50 =	vadd.s32 v3, v49;
	s21 =	simm.s32 $0x2F00  }
0x597: {  	[tilespmem:s21], [sflag:$0x2] =	stream.indirect_vreg.gather [hbm4b:s4+s3], $0x80, v18, vm0, $0xb8;
	[tilespmem:$0x16000] =	vst v63  }
0x598: {  	v52 =	vperm.xlane v17, v11;
	v18 =	vadd.s32 v3, v51;
	s21 =	simm.s32 $0x2F80  }
0x599: {  	[tilespmem:s21], [sflag:$0x2] =	stream.indirect_vreg.gather [hbm4b:s4+s3], $0x80, v19, vm0, $0xb8;
	[tilespmem:$0x16000] =	vst v63  }
0x59a: {  	v53 =	vperm.xlane v17, v12;
	v19 =	vadd.s32 v3, v52;
	s21 =	simm.s32 $0x3000  }
0x59b: {  	[tilespmem:s21], [sflag:$0x2] =	stream.indirect_vreg.gather [hbm4b:s4+s3], $0x80, v50, vm0, $0xb8;
	[tilespmem:$0x16000] =	vst v63  }
0x59c: {  	v55 =	vperm.xlane v17, v13;
	v54 =	vadd.s32 v3, v53;
	s21 =	simm.s32 $0x3080  }
0x59d: {  	[tilespmem:s21], [sflag:$0x2] =	stream.indirect_vreg.gather [hbm4b:s4+s3], $0x80, v18, vm0, $0xb8;
	[tilespmem:$0x16000] =	vst v63  }
0x59e: {  	v56 =	vperm.xlane v17, v14;
	v18 =	vadd.s32 v3, v55;
	s21 =	simm.s32 $0x3100  }
0x59f: {  	[tilespmem:s21], [sflag:$0x2] =	stream.indirect_vreg.gather [hbm4b:s4+s3], $0x80, v19, vm0, $0xb8;
	[tilespmem:$0x16000] =	vst v63  }
0x5a0: {  	v57 =	vperm.xlane v17, v15;
	v19 =	vadd.s32 v3, v56;
	s21 =	simm.s32 $0x3180  }
0x5a1: {  	[tilespmem:s21], [sflag:$0x2] =	stream.indirect_vreg.gather [hbm4b:s4+s3], $0x80, v54, vm0, $0xb8;
	[tilespmem:$0x16000] =	vst v63  }
0x5a2: {  	v17 =	vperm.xlane v17, v16;
	v58 =	vadd.s32 v3, v57;
	s21 =	simm.s32 $0x3200  }
0x5a3: {  	[tilespmem:s21], [sflag:$0x2] =	stream.indirect_vreg.gather [hbm4b:s4+s3], $0x80, v18, vm0, $0xb8;
	[tilespmem:$0x16000] =	vst v63  }
0x5a4: {  	v17 =	vadd.s32 v3, v17;
	s21 =	simm.s32 $0x3280  }
0x5a5: {  	[tilespmem:s21], [sflag:$0x2] =	stream.indirect_vreg.gather [hbm4b:s4+s3], $0x80, v19, vm0, $0xb8;
	[tilespmem:$0x16000] =	vst v63  }
0x5a6: {  	s21 =	simm.s32 $0x3300  }
0x5a7: {  	[tilespmem:s21], [sflag:$0x2] =	stream.indirect_vreg.gather [hbm4b:s4+s3], $0x80, v58, vm0, $0xb8;
	[tilespmem:$0x16000] =	vst v63  }
0x5a8: {  	s21 =	simm.s32 $0x3380  }
0x5a9: {  	[tilespmem:s21], [sflag:$0x2] =	stream.indirect_vreg.gather [hbm4b:s4+s3], $0x80, v17, vm0, $0xb8;
	[tilespmem:$0x16000] =	vst v63  }
0x5aa: {  	v17 =	vld [tilespmem:s31+$0xFFFFFEE0];
	_ =	sdelay $0x4  }
0x5ab: {  	v18 =	vshrl.u32 v17, $0x3  }
0x5ac: {  	v18 =	vmul.u32 $0x18, v18  }
0x5ad: {  	v17 =	vand.u32 $0x7, v17  }
0x5ae: {  	v17 =	vor.u32 v17, v18  }
0x5af: {  	v18 =	vperm.xlane v17, v2;
	_ =	sdelay $0x1  }
0x5b0: {  	v19 =	vperm.xlane v17, v4;
	v18 =	vadd.s32 v3, v18;
	_ =	sdelay $0x1  }
0x5b1: {  	v59 =	vperm.xlane v17, v5;
	v19 =	vadd.s32 v3, v19;
	_ =	sdelay $0x1  }
0x5b2: {  	s21 =	simm.s32 $0x3400;
	v60 =	vperm.xlane v17, v0;
	v20 =	vadd.s32 v3, v59  }
0x5b3: {  	[tilespmem:s21], [sflag:$0x2] =	stream.indirect_vreg.gather [hbm4b:s4+s3], $0x80, v18, vm0, $0xb8;
	[tilespmem:$0x16000] =	vst v63  }
0x5b4: {  	v61 =	vperm.xlane v17, v6;
	v18 =	vadd.s32 v3, v60;
	s21 =	simm.s32 $0x3480  }
0x5b5: {  	[tilespmem:s21], [sflag:$0x2] =	stream.indirect_vreg.gather [hbm4b:s4+s3], $0x80, v19, vm0, $0xb8;
	[tilespmem:$0x16000] =	vst v63  }
0x5b6: {  	v62 =	vperm.xlane v17, v7;
	v19 =	vadd.s32 v3, v61;
	s21 =	simm.s32 $0x3500  }
0x5b7: {  	[tilespmem:s21], [sflag:$0x2] =	stream.indirect_vreg.gather [hbm4b:s4+s3], $0x80, v20, vm0, $0xb8;
	[tilespmem:$0x16000] =	vst v63  }
0x5b8: {  	v24 =	vperm.xlane v17, v8;
	v63 =	vadd.s32 v3, v62;
	s21 =	simm.s32 $0x3580  }
0x5b9: {  	[tilespmem:s21], [sflag:$0x2] =	stream.indirect_vreg.gather [hbm4b:s4+s3], $0x80, v18, vm0, $0xb8;
	[tilespmem:$0x16000] =	vst v63  }
0x5ba: {  	v25 =	vperm.xlane v17, v1;
	v18 =	vadd.s32 v3, v24;
	s21 =	simm.s32 $0x3600  }
0x5bb: {  	[tilespmem:s21], [sflag:$0x2] =	stream.indirect_vreg.gather [hbm4b:s4+s3], $0x80, v19, vm0, $0xb8;
	[tilespmem:$0x16000] =	vst v63  }
0x5bc: {  	v26 =	vperm.xlane v17, v9;
	v19 =	vadd.s32 v3, v25;
	s21 =	simm.s32 $0x3680  }
0x5bd: {  	[tilespmem:s21], [sflag:$0x2] =	stream.indirect_vreg.gather [hbm4b:s4+s3], $0x80, v63, vm0, $0xb8;
	[tilespmem:$0x16000] =	vst v63  }
0x5be: {  	v28 =	vperm.xlane v17, v10;
	v27 =	vadd.s32 v3, v26;
	s21 =	simm.s32 $0x3700  }
0x5bf: {  	[tilespmem:s21], [sflag:$0x2] =	stream.indirect_vreg.gather [hbm4b:s4+s3], $0x80, v18, vm0, $0xb8;
	[tilespmem:$0x16000] =	vst v63  }
0x5c0: {  	v29 =	vperm.xlane v17, v11;
	v18 =	vadd.s32 v3, v28;
	s21 =	simm.s32 $0x3780  }
0x5c1: {  	[tilespmem:s21], [sflag:$0x2] =	stream.indirect_vreg.gather [hbm4b:s4+s3], $0x80, v19, vm0, $0xb8;
	[tilespmem:$0x16000] =	vst v63  }
0x5c2: {  	v30 =	vperm.xlane v17, v12;
	v19 =	vadd.s32 v3, v29;
	s21 =	simm.s32 $0x3800  }
0x5c3: {  	[tilespmem:s21], [sflag:$0x2] =	stream.indirect_vreg.gather [hbm4b:s4+s3], $0x80, v27, vm0, $0xb8;
	[tilespmem:$0x16000] =	vst v63  }
0x5c4: {  	v32 =	vperm.xlane v17, v13;
	v31 =	vadd.s32 v3, v30;
	s21 =	simm.s32 $0x3880  }
0x5c5: {  	[tilespmem:s21], [sflag:$0x2] =	stream.indirect_vreg.gather [hbm4b:s4+s3], $0x80, v18, vm0, $0xb8;
	[tilespmem:$0x16000] =	vst v63  }
0x5c6: {  	v33 =	vperm.xlane v17, v14;
	v18 =	vadd.s32 v3, v32;
	s21 =	simm.s32 $0x3900  }
0x5c7: {  	[tilespmem:s21], [sflag:$0x2] =	stream.indirect_vreg.gather [hbm4b:s4+s3], $0x80, v19, vm0, $0xb8;
	[tilespmem:$0x16000] =	vst v63  }
0x5c8: {  	v34 =	vperm.xlane v17, v15;
	v19 =	vadd.s32 v3, v33;
	s21 =	simm.s32 $0x3980  }
0x5c9: {  	[tilespmem:s21], [sflag:$0x2] =	stream.indirect_vreg.gather [hbm4b:s4+s3], $0x80, v31, vm0, $0xb8;
	[tilespmem:$0x16000] =	vst v63  }
0x5ca: {  	v17 =	vperm.xlane v17, v16;
	v35 =	vadd.s32 v3, v34;
	s21 =	simm.s32 $0x3A00  }
0x5cb: {  	[tilespmem:s21], [sflag:$0x2] =	stream.indirect_vreg.gather [hbm4b:s4+s3], $0x80, v18, vm0, $0xb8;
	[tilespmem:$0x16000] =	vst v63  }
0x5cc: {  	v17 =	vadd.s32 v3, v17;
	s21 =	simm.s32 $0x3A80  }
0x5cd: {  	[tilespmem:s21], [sflag:$0x2] =	stream.indirect_vreg.gather [hbm4b:s4+s3], $0x80, v19, vm0, $0xb8;
	[tilespmem:$0x16000] =	vst v63  }
0x5ce: {  	s21 =	simm.s32 $0x3B00  }
0x5cf: {  	[tilespmem:s21], [sflag:$0x2] =	stream.indirect_vreg.gather [hbm4b:s4+s3], $0x80, v35, vm0, $0xb8;
	[tilespmem:$0x16000] =	vst v63  }
0x5d0: {  	s21 =	simm.s32 $0x3B80  }
0x5d1: {  	[tilespmem:s21], [sflag:$0x2] =	stream.indirect_vreg.gather [hbm4b:s4+s3], $0x80, v17, vm0, $0xb8;
	[tilespmem:$0x16000] =	vst v63  }
0x5d2: {  	v17 =	vld [tilespmem:s31+$0xFFFFFEF0];
	_ =	sdelay $0x4  }
0x5d3: {  	v18 =	vshrl.u32 v17, $0x3  }
0x5d4: {  	v18 =	vmul.u32 $0x18, v18  }
0x5d5: {  	v17 =	vand.u32 $0x7, v17  }
0x5d6: {  	v17 =	vor.u32 v17, v18  }
0x5d7: {  	v18 =	vperm.xlane v17, v2;
	_ =	sdelay $0x1  }
0x5d8: {  	v19 =	vperm.xlane v17, v4;
	v18 =	vadd.s32 v3, v18;
	_ =	sdelay $0x1  }
0x5d9: {  	v36 =	vperm.xlane v17, v5;
	v19 =	vadd.s32 v3, v19;
	_ =	sdelay $0x1  }
0x5da: {  	s21 =	simm.s32 $0x3C00;
	v37 =	vperm.xlane v17, v0;
	v20 =	vadd.s32 v3, v36  }
0x5db: {  	[tilespmem:s21], [sflag:$0x2] =	stream.indirect_vreg.gather [hbm4b:s4+s3], $0x80, v18, vm0, $0xb8;
	[tilespmem:$0x16000] =	vst v63  }
0x5dc: {  	v38 =	vperm.xlane v17, v6;
	v18 =	vadd.s32 v3, v37;
	s21 =	simm.s32 $0x3C80  }
0x5dd: {  	[tilespmem:s21], [sflag:$0x2] =	stream.indirect_vreg.gather [hbm4b:s4+s3], $0x80, v19, vm0, $0xb8;
	[tilespmem:$0x16000] =	vst v63  }
0x5de: {  	v39 =	vperm.xlane v17, v7;
	v19 =	vadd.s32 v3, v38;
	s21 =	simm.s32 $0x3D00  }
0x5df: {  	[tilespmem:s21], [sflag:$0x2] =	stream.indirect_vreg.gather [hbm4b:s4+s3], $0x80, v20, vm0, $0xb8;
	[tilespmem:$0x16000] =	vst v63  }
0x5e0: {  	v41 =	vperm.xlane v17, v8;
	v40 =	vadd.s32 v3, v39;
	s21 =	simm.s32 $0x3D80  }
0x5e1: {  	[tilespmem:s21], [sflag:$0x2] =	stream.indirect_vreg.gather [hbm4b:s4+s3], $0x80, v18, vm0, $0xb8;
	[tilespmem:$0x16000] =	vst v63  }
0x5e2: {  	v42 =	vperm.xlane v17, v1;
	v18 =	vadd.s32 v3, v41;
	s21 =	simm.s32 $0x3E00  }
0x5e3: {  	[tilespmem:s21], [sflag:$0x2] =	stream.indirect_vreg.gather [hbm4b:s4+s3], $0x80, v19, vm0, $0xb8;
	[tilespmem:$0x16000] =	vst v63  }
0x5e4: {  	v43 =	vperm.xlane v17, v9;
	v19 =	vadd.s32 v3, v42;
	s21 =	simm.s32 $0x3E80  }
0x5e5: {  	[tilespmem:s21], [sflag:$0x2] =	stream.indirect_vreg.gather [hbm4b:s4+s3], $0x80, v40, vm0, $0xb8;
	[tilespmem:$0x16000] =	vst v63  }
0x5e6: {  	v45 =	vperm.xlane v17, v10;
	v44 =	vadd.s32 v3, v43;
	s21 =	simm.s32 $0x3F00  }
0x5e7: {  	[tilespmem:s21], [sflag:$0x2] =	stream.indirect_vreg.gather [hbm4b:s4+s3], $0x80, v18, vm0, $0xb8;
	[tilespmem:$0x16000] =	vst v63  }
0x5e8: {  	v46 =	vperm.xlane v17, v11;
	v18 =	vadd.s32 v3, v45;
	s21 =	simm.s32 $0x3F80  }
0x5e9: {  	[tilespmem:s21], [sflag:$0x2] =	stream.indirect_vreg.gather [hbm4b:s4+s3], $0x80, v19, vm0, $0xb8;
	[tilespmem:$0x16000] =	vst v63  }
0x5ea: {  	v47 =	vperm.xlane v17, v12;
	v19 =	vadd.s32 v3, v46;
	s21 =	simm.s32 $0x4000  }
0x5eb: {  	[tilespmem:s21], [sflag:$0x2] =	stream.indirect_vreg.gather [hbm4b:s4+s3], $0x80, v44, vm0, $0xb8;
	[tilespmem:$0x16000] =	vst v63  }
0x5ec: {  	v49 =	vperm.xlane v17, v13;
	v48 =	vadd.s32 v3, v47;
	s21 =	simm.s32 $0x4080  }
0x5ed: {  	[tilespmem:s21], [sflag:$0x2] =	stream.indirect_vreg.gather [hbm4b:s4+s3], $0x80, v18, vm0, $0xb8;
	[tilespmem:$0x16000] =	vst v63  }
0x5ee: {  	v50 =	vperm.xlane v17, v14;
	v18 =	vadd.s32 v3, v49;
	s21 =	simm.s32 $0x4100  }
0x5ef: {  	[tilespmem:s21], [sflag:$0x2] =	stream.indirect_vreg.gather [hbm4b:s4+s3], $0x80, v19, vm0, $0xb8;
	[tilespmem:$0x16000] =	vst v63  }
0x5f0: {  	v51 =	vperm.xlane v17, v15;
	v19 =	vadd.s32 v3, v50;
	s21 =	simm.s32 $0x4180  }
0x5f1: {  	[tilespmem:s21], [sflag:$0x2] =	stream.indirect_vreg.gather [hbm4b:s4+s3], $0x80, v48, vm0, $0xb8;
	[tilespmem:$0x16000] =	vst v63  }
0x5f2: {  	v17 =	vperm.xlane v17, v16;
	v52 =	vadd.s32 v3, v51;
	s21 =	simm.s32 $0x4200  }
0x5f3: {  	[tilespmem:s21], [sflag:$0x2] =	stream.indirect_vreg.gather [hbm4b:s4+s3], $0x80, v18, vm0, $0xb8;
	[tilespmem:$0x16000] =	vst v63  }
0x5f4: {  	v17 =	vadd.s32 v3, v17;
	s21 =	simm.s32 $0x4280  }
0x5f5: {  	[tilespmem:s21], [sflag:$0x2] =	stream.indirect_vreg.gather [hbm4b:s4+s3], $0x80, v19, vm0, $0xb8;
	[tilespmem:$0x16000] =	vst v63  }
0x5f6: {  	s21 =	simm.s32 $0x4300  }
0x5f7: {  	[tilespmem:s21], [sflag:$0x2] =	stream.indirect_vreg.gather [hbm4b:s4+s3], $0x80, v52, vm0, $0xb8;
	[tilespmem:$0x16000] =	vst v63  }
0x5f8: {  	s21 =	simm.s32 $0x4380  }
0x5f9: {  	[tilespmem:s21], [sflag:$0x2] =	stream.indirect_vreg.gather [hbm4b:s4+s3], $0x80, v17, vm0, $0xb8;
	[tilespmem:$0x16000] =	vst v63  }
0x5fa: {  	v17 =	vld.msk [tilespmem:s31+$0xFFFFFF00], $0x3;
	_ =	sdelay $0x4  }
0x5fb: {  	v18 =	vshrl.u32 v17, $0x3  }
0x5fc: {  	v18 =	vmul.u32 $0x18, v18  }
0x5fd: {  	v17 =	vand.u32 $0x7, v17  }
0x5fe: {  	v17 =	vor.u32 v17, v18  }
0x5ff: {  	v18 =	vperm.xlane v17, v2;
	_ =	sdelay $0x1  }
0x600: {  	v17 =	vperm.xlane v17, v4;
	v18 =	vadd.s32 v3, v18;
	_ =	sdelay $0x1  }
0x601: {  	v17 =	vadd.s32 v3, v17;
	_ =	sdelay $0x1  }
0x602: {  	s21 =	simm.s32 $0x4400  }
0x603: {  	[tilespmem:s21], [sflag:$0x2] =	stream.indirect_vreg.gather [hbm4b:s4+s3], $0x80, v18, vm0, $0xb8;
	[tilespmem:$0x16000] =	vst v63  }
0x604: {  	s21 =	simm.s32 $0x4480  }
0x605: {  	[tilespmem:s21], [sflag:$0x2] =	stream.indirect_vreg.gather [hbm4b:s4+s3], $0x80, v17, vm0, $0xb8;
	[tilespmem:$0x16000] =	vst v63  }
0x606: {  	v17 =	vld [tilespmem:s31+$0xFFFFFED0];
	_ =	sdelay $0x4  }
0x607: {  	v18 =	vshrl.u32 v17, $0x3  }
0x608: {  	v18 =	vmul.u32 $0x18, v18  }
0x609: {  	v17 =	vand.u32 $0x7, v17  }
0x60a: {  	v17 =	vor.u32 v17, v18  }
0x60b: {  	v18 =	vperm.xlane v17, v2;
	_ =	sdelay $0x1  }
0x60c: {  	v19 =	vperm.xlane v17, v4;
	v18 =	vadd.s32 v3, v18;
	_ =	sdelay $0x1  }
0x60d: {  	v53 =	vperm.xlane v17, v5;
	v19 =	vadd.s32 v3, v19;
	_ =	sdelay $0x1  }
0x60e: {  	s21 =	simm.s32 $0x9C00;
	v54 =	vperm.xlane v17, v0;
	v20 =	vadd.s32 v3, v53  }
0x60f: {  	[tilespmem:s21], [sflag:$0x2] =	stream.indirect_vreg.gather [hbm4b:s6+s3], $0x80, v18, vm0, $0xb8;
	[tilespmem:$0x16000] =	vst v63  }
0x610: {  	v55 =	vperm.xlane v17, v6;
	v18 =	vadd.s32 v3, v54;
	s21 =	simm.s32 $0x9C80  }
0x611: {  	[tilespmem:s21], [sflag:$0x2] =	stream.indirect_vreg.gather [hbm4b:s6+s3], $0x80, v19, vm0, $0xb8;
	[tilespmem:$0x16000] =	vst v63  }
0x612: {  	v56 =	vperm.xlane v17, v7;
	v19 =	vadd.s32 v3, v55;
	s21 =	simm.s32 $0x9D00  }
0x613: {  	[tilespmem:s21], [sflag:$0x2] =	stream.indirect_vreg.gather [hbm4b:s6+s3], $0x80, v20, vm0, $0xb8;
	[tilespmem:$0x16000] =	vst v63  }
0x614: {  	v58 =	vperm.xlane v17, v8;
	v57 =	vadd.s32 v3, v56;
	s21 =	simm.s32 $0x9D80  }
0x615: {  	[tilespmem:s21], [sflag:$0x2] =	stream.indirect_vreg.gather [hbm4b:s6+s3], $0x80, v18, vm0, $0xb8;
	[tilespmem:$0x16000] =	vst v63  }
0x616: {  	v59 =	vperm.xlane v17, v1;
	v18 =	vadd.s32 v3, v58;
	s21 =	simm.s32 $0x9E00  }
0x617: {  	[tilespmem:s21], [sflag:$0x2] =	stream.indirect_vreg.gather [hbm4b:s6+s3], $0x80, v19, vm0, $0xb8;
	[tilespmem:$0x16000] =	vst v63  }
0x618: {  	v60 =	vperm.xlane v17, v9;
	v19 =	vadd.s32 v3, v59;
	s21 =	simm.s32 $0x9E80  }
0x619: {  	[tilespmem:s21], [sflag:$0x2] =	stream.indirect_vreg.gather [hbm4b:s6+s3], $0x80, v57, vm0, $0xb8;
	[tilespmem:$0x16000] =	vst v63  }
0x61a: {  	v62 =	vperm.xlane v17, v10;
	v61 =	vadd.s32 v3, v60;
	s21 =	simm.s32 $0x9F00  }
0x61b: {  	[tilespmem:s21], [sflag:$0x2] =	stream.indirect_vreg.gather [hbm4b:s6+s3], $0x80, v18, vm0, $0xb8;
	[tilespmem:$0x16000] =	vst v63  }
0x61c: {  	v63 =	vperm.xlane v17, v11;
	v18 =	vadd.s32 v3, v62;
	s21 =	simm.s32 $0x9F80  }
0x61d: {  	[tilespmem:s21], [sflag:$0x2] =	stream.indirect_vreg.gather [hbm4b:s6+s3], $0x80, v19, vm0, $0xb8;
	[tilespmem:$0x16000] =	vst v63  }
0x61e: {  	v24 =	vperm.xlane v17, v12;
	v19 =	vadd.s32 v3, v63;
	s21 =	simm.s32 $0xA000  }
0x61f: {  	[tilespmem:s21], [sflag:$0x2] =	stream.indirect_vreg.gather [hbm4b:s6+s3], $0x80, v61, vm0, $0xb8;
	[tilespmem:$0x16000] =	vst v63  }
0x620: {  	v26 =	vperm.xlane v17, v13;
	v25 =	vadd.s32 v3, v24;
	s21 =	simm.s32 $0xA080  }
0x621: {  	[tilespmem:s21], [sflag:$0x2] =	stream.indirect_vreg.gather [hbm4b:s6+s3], $0x80, v18, vm0, $0xb8;
	[tilespmem:$0x16000] =	vst v63  }
0x622: {  	v27 =	vperm.xlane v17, v14;
	v18 =	vadd.s32 v3, v26;
	s21 =	simm.s32 $0xA100  }
0x623: {  	[tilespmem:s21], [sflag:$0x2] =	stream.indirect_vreg.gather [hbm4b:s6+s3], $0x80, v19, vm0, $0xb8;
	[tilespmem:$0x16000] =	vst v63  }
0x624: {  	v28 =	vperm.xlane v17, v15;
	v19 =	vadd.s32 v3, v27;
	s21 =	simm.s32 $0xA180  }
0x625: {  	[tilespmem:s21], [sflag:$0x2] =	stream.indirect_vreg.gather [hbm4b:s6+s3], $0x80, v25, vm0, $0xb8;
	[tilespmem:$0x16000] =	vst v63  }
0x626: {  	v17 =	vperm.xlane v17, v16;
	v29 =	vadd.s32 v3, v28;
	s21 =	simm.s32 $0xA200  }
0x627: {  	[tilespmem:s21], [sflag:$0x2] =	stream.indirect_vreg.gather [hbm4b:s6+s3], $0x80, v18, vm0, $0xb8;
	[tilespmem:$0x16000] =	vst v63  }
0x628: {  	v17 =	vadd.s32 v3, v17;
	s21 =	simm.s32 $0xA280  }
0x629: {  	[tilespmem:s21], [sflag:$0x2] =	stream.indirect_vreg.gather [hbm4b:s6+s3], $0x80, v19, vm0, $0xb8;
	[tilespmem:$0x16000] =	vst v63  }
0x62a: {  	s21 =	simm.s32 $0xA300  }
0x62b: {  	[tilespmem:s21], [sflag:$0x2] =	stream.indirect_vreg.gather [hbm4b:s6+s3], $0x80, v29, vm0, $0xb8;
	[tilespmem:$0x16000] =	vst v63  }
0x62c: {  	s21 =	simm.s32 $0xA380  }
0x62d: {  	[tilespmem:s21], [sflag:$0x2] =	stream.indirect_vreg.gather [hbm4b:s6+s3], $0x80, v17, vm0, $0xb8;
	[tilespmem:$0x16000] =	vst v63  }
0x62e: {  	v17 =	vld [tilespmem:s31+$0xFFFFFEE0];
	_ =	sdelay $0x4  }
0x62f: {  	v18 =	vshrl.u32 v17, $0x3  }
0x630: {  	v18 =	vmul.u32 $0x18, v18  }
0x631: {  	v17 =	vand.u32 $0x7, v17  }
0x632: {  	v17 =	vor.u32 v17, v18  }
0x633: {  	v18 =	vperm.xlane v17, v2;
	_ =	sdelay $0x1  }
0x634: {  	v19 =	vperm.xlane v17, v4;
	v18 =	vadd.s32 v3, v18;
	_ =	sdelay $0x1  }
0x635: {  	v30 =	vperm.xlane v17, v5;
	v19 =	vadd.s32 v3, v19;
	_ =	sdelay $0x1  }
0x636: {  	s21 =	simm.s32 $0xA400;
	v31 =	vperm.xlane v17, v0;
	v20 =	vadd.s32 v3, v30  }
0x637: {  	[tilespmem:s21], [sflag:$0x2] =	stream.indirect_vreg.gather [hbm4b:s6+s3], $0x80, v18, vm0, $0xb8;
	[tilespmem:$0x16000] =	vst v63  }
0x638: {  	v32 =	vperm.xlane v17, v6;
	v18 =	vadd.s32 v3, v31;
	s21 =	simm.s32 $0xA480  }
0x639: {  	[tilespmem:s21], [sflag:$0x2] =	stream.indirect_vreg.gather [hbm4b:s6+s3], $0x80, v19, vm0, $0xb8;
	[tilespmem:$0x16000] =	vst v63  }
0x63a: {  	v33 =	vperm.xlane v17, v7;
	v19 =	vadd.s32 v3, v32;
	s21 =	simm.s32 $0xA500  }
0x63b: {  	[tilespmem:s21], [sflag:$0x2] =	stream.indirect_vreg.gather [hbm4b:s6+s3], $0x80, v20, vm0, $0xb8;
	[tilespmem:$0x16000] =	vst v63  }
0x63c: {  	v35 =	vperm.xlane v17, v8;
	v34 =	vadd.s32 v3, v33;
	s21 =	simm.s32 $0xA580  }
0x63d: {  	[tilespmem:s21], [sflag:$0x2] =	stream.indirect_vreg.gather [hbm4b:s6+s3], $0x80, v18, vm0, $0xb8;
	[tilespmem:$0x16000] =	vst v63  }
0x63e: {  	v36 =	vperm.xlane v17, v1;
	v18 =	vadd.s32 v3, v35;
	s21 =	simm.s32 $0xA600  }
0x63f: {  	[tilespmem:s21], [sflag:$0x2] =	stream.indirect_vreg.gather [hbm4b:s6+s3], $0x80, v19, vm0, $0xb8;
	[tilespmem:$0x16000] =	vst v63  }
0x640: {  	v37 =	vperm.xlane v17, v9;
	v19 =	vadd.s32 v3, v36;
	s21 =	simm.s32 $0xA680  }
0x641: {  	[tilespmem:s21], [sflag:$0x2] =	stream.indirect_vreg.gather [hbm4b:s6+s3], $0x80, v34, vm0, $0xb8;
	[tilespmem:$0x16000] =	vst v63  }
0x642: {  	v39 =	vperm.xlane v17, v10;
	v38 =	vadd.s32 v3, v37;
	s21 =	simm.s32 $0xA700  }
0x643: {  	[tilespmem:s21], [sflag:$0x2] =	stream.indirect_vreg.gather [hbm4b:s6+s3], $0x80, v18, vm0, $0xb8;
	[tilespmem:$0x16000] =	vst v63  }
0x644: {  	v40 =	vperm.xlane v17, v11;
	v18 =	vadd.s32 v3, v39;
	s21 =	simm.s32 $0xA780  }
0x645: {  	[tilespmem:s21], [sflag:$0x2] =	stream.indirect_vreg.gather [hbm4b:s6+s3], $0x80, v19, vm0, $0xb8;
	[tilespmem:$0x16000] =	vst v63  }
0x646: {  	v41 =	vperm.xlane v17, v12;
	v19 =	vadd.s32 v3, v40;
	s21 =	simm.s32 $0xA800  }
0x647: {  	[tilespmem:s21], [sflag:$0x2] =	stream.indirect_vreg.gather [hbm4b:s6+s3], $0x80, v38, vm0, $0xb8;
	[tilespmem:$0x16000] =	vst v63  }
0x648: {  	v43 =	vperm.xlane v17, v13;
	v42 =	vadd.s32 v3, v41;
	s21 =	simm.s32 $0xA880  }
0x649: {  	[tilespmem:s21], [sflag:$0x2] =	stream.indirect_vreg.gather [hbm4b:s6+s3], $0x80, v18, vm0, $0xb8;
	[tilespmem:$0x16000] =	vst v63  }
0x64a: {  	v44 =	vperm.xlane v17, v14;
	v18 =	vadd.s32 v3, v43;
	s21 =	simm.s32 $0xA900  }
0x64b: {  	[tilespmem:s21], [sflag:$0x2] =	stream.indirect_vreg.gather [hbm4b:s6+s3], $0x80, v19, vm0, $0xb8;
	[tilespmem:$0x16000] =	vst v63  }
0x64c: {  	v45 =	vperm.xlane v17, v15;
	v19 =	vadd.s32 v3, v44;
	s21 =	simm.s32 $0xA980  }
0x64d: {  	[tilespmem:s21], [sflag:$0x2] =	stream.indirect_vreg.gather [hbm4b:s6+s3], $0x80, v42, vm0, $0xb8;
	[tilespmem:$0x16000] =	vst v63  }
0x64e: {  	v17 =	vperm.xlane v17, v16;
	v46 =	vadd.s32 v3, v45;
	s21 =	simm.s32 $0xAA00  }
0x64f: {  	[tilespmem:s21], [sflag:$0x2] =	stream.indirect_vreg.gather [hbm4b:s6+s3], $0x80, v18, vm0, $0xb8;
	[tilespmem:$0x16000] =	vst v63  }
0x650: {  	v17 =	vadd.s32 v3, v17;
	s21 =	simm.s32 $0xAA80  }
0x651: {  	[tilespmem:s21], [sflag:$0x2] =	stream.indirect_vreg.gather [hbm4b:s6+s3], $0x80, v19, vm0, $0xb8;
	[tilespmem:$0x16000] =	vst v63  }
0x652: {  	s21 =	simm.s32 $0xAB00  }
0x653: {  	[tilespmem:s21], [sflag:$0x2] =	stream.indirect_vreg.gather [hbm4b:s6+s3], $0x80, v46, vm0, $0xb8;
	[tilespmem:$0x16000] =	vst v63  }
0x654: {  	s21 =	simm.s32 $0xAB80  }
0x655: {  	[tilespmem:s21], [sflag:$0x2] =	stream.indirect_vreg.gather [hbm4b:s6+s3], $0x80, v17, vm0, $0xb8;
	[tilespmem:$0x16000] =	vst v63  }
0x656: {  	v17 =	vld [tilespmem:s31+$0xFFFFFEF0];
	_ =	sdelay $0x4  }
0x657: {  	v18 =	vshrl.u32 v17, $0x3  }
0x658: {  	v18 =	vmul.u32 $0x18, v18  }
0x659: {  	v17 =	vand.u32 $0x7, v17  }
0x65a: {  	v17 =	vor.u32 v17, v18  }
0x65b: {  	v18 =	vperm.xlane v17, v2;
	_ =	sdelay $0x1  }
0x65c: {  	v19 =	vperm.xlane v17, v4;
	v18 =	vadd.s32 v3, v18;
	_ =	sdelay $0x1  }
0x65d: {  	v47 =	vperm.xlane v17, v5;
	v19 =	vadd.s32 v3, v19;
	_ =	sdelay $0x1  }
0x65e: {  	s21 =	simm.s32 $0xAC00;
	v48 =	vperm.xlane v17, v0;
	v20 =	vadd.s32 v3, v47  }
0x65f: {  	[tilespmem:s21], [sflag:$0x2] =	stream.indirect_vreg.gather [hbm4b:s6+s3], $0x80, v18, vm0, $0xb8;
	[tilespmem:$0x16000] =	vst v63  }
0x660: {  	v49 =	vperm.xlane v17, v6;
	v18 =	vadd.s32 v3, v48;
	s21 =	simm.s32 $0xAC80  }
0x661: {  	[tilespmem:s21], [sflag:$0x2] =	stream.indirect_vreg.gather [hbm4b:s6+s3], $0x80, v19, vm0, $0xb8;
	[tilespmem:$0x16000] =	vst v63  }
0x662: {  	v50 =	vperm.xlane v17, v7;
	v19 =	vadd.s32 v3, v49;
	s21 =	simm.s32 $0xAD00  }
0x663: {  	[tilespmem:s21], [sflag:$0x2] =	stream.indirect_vreg.gather [hbm4b:s6+s3], $0x80, v20, vm0, $0xb8;
	[tilespmem:$0x16000] =	vst v63  }
0x664: {  	v52 =	vperm.xlane v17, v8;
	v51 =	vadd.s32 v3, v50;
	s21 =	simm.s32 $0xAD80  }
0x665: {  	[tilespmem:s21], [sflag:$0x2] =	stream.indirect_vreg.gather [hbm4b:s6+s3], $0x80, v18, vm0, $0xb8;
	[tilespmem:$0x16000] =	vst v63  }
0x666: {  	v53 =	vperm.xlane v17, v1;
	v18 =	vadd.s32 v3, v52;
	s21 =	simm.s32 $0xAE00  }
0x667: {  	[tilespmem:s21], [sflag:$0x2] =	stream.indirect_vreg.gather [hbm4b:s6+s3], $0x80, v19, vm0, $0xb8;
	[tilespmem:$0x16000] =	vst v63  }
0x668: {  	v54 =	vperm.xlane v17, v9;
	v19 =	vadd.s32 v3, v53;
	s21 =	simm.s32 $0xAE80  }
0x669: {  	[tilespmem:s21], [sflag:$0x2] =	stream.indirect_vreg.gather [hbm4b:s6+s3], $0x80, v51, vm0, $0xb8;
	[tilespmem:$0x16000] =	vst v63  }
0x66a: {  	v56 =	vperm.xlane v17, v10;
	v55 =	vadd.s32 v3, v54;
	s21 =	simm.s32 $0xAF00  }
0x66b: {  	[tilespmem:s21], [sflag:$0x2] =	stream.indirect_vreg.gather [hbm4b:s6+s3], $0x80, v18, vm0, $0xb8;
	[tilespmem:$0x16000] =	vst v63  }
0x66c: {  	v57 =	vperm.xlane v17, v11;
	v18 =	vadd.s32 v3, v56;
	s21 =	simm.s32 $0xAF80  }
0x66d: {  	[tilespmem:s21], [sflag:$0x2] =	stream.indirect_vreg.gather [hbm4b:s6+s3], $0x80, v19, vm0, $0xb8;
	[tilespmem:$0x16000] =	vst v63  }
0x66e: {  	v58 =	vperm.xlane v17, v12;
	v19 =	vadd.s32 v3, v57;
	s21 =	simm.s32 $0xB000  }
0x66f: {  	[tilespmem:s21], [sflag:$0x2] =	stream.indirect_vreg.gather [hbm4b:s6+s3], $0x80, v55, vm0, $0xb8;
	[tilespmem:$0x16000] =	vst v63  }
0x670: {  	v60 =	vperm.xlane v17, v13;
	v59 =	vadd.s32 v3, v58;
	s21 =	simm.s32 $0xB080  }
0x671: {  	[tilespmem:s21], [sflag:$0x2] =	stream.indirect_vreg.gather [hbm4b:s6+s3], $0x80, v18, vm0, $0xb8;
	[tilespmem:$0x16000] =	vst v63  }
0x672: {  	v61 =	vperm.xlane v17, v14;
	v18 =	vadd.s32 v3, v60;
	s21 =	simm.s32 $0xB100  }
0x673: {  	[tilespmem:s21], [sflag:$0x2] =	stream.indirect_vreg.gather [hbm4b:s6+s3], $0x80, v19, vm0, $0xb8;
	[tilespmem:$0x16000] =	vst v63  }
0x674: {  	v62 =	vperm.xlane v17, v15;
	v19 =	vadd.s32 v3, v61;
	s21 =	simm.s32 $0xB180  }
0x675: {  	[tilespmem:s21], [sflag:$0x2] =	stream.indirect_vreg.gather [hbm4b:s6+s3], $0x80, v59, vm0, $0xb8;
	[tilespmem:$0x16000] =	vst v63  }
0x676: {  	v17 =	vperm.xlane v17, v16;
	v63 =	vadd.s32 v3, v62;
	s21 =	simm.s32 $0xB200  }
0x677: {  	[tilespmem:s21], [sflag:$0x2] =	stream.indirect_vreg.gather [hbm4b:s6+s3], $0x80, v18, vm0, $0xb8;
	[tilespmem:$0x16000] =	vst v63  }
0x678: {  	v17 =	vadd.s32 v3, v17;
	s21 =	simm.s32 $0xB280  }
0x679: {  	[tilespmem:s21], [sflag:$0x2] =	stream.indirect_vreg.gather [hbm4b:s6+s3], $0x80, v19, vm0, $0xb8;
	[tilespmem:$0x16000] =	vst v63  }
0x67a: {  	s21 =	simm.s32 $0xB300  }
0x67b: {  	[tilespmem:s21], [sflag:$0x2] =	stream.indirect_vreg.gather [hbm4b:s6+s3], $0x80, v63, vm0, $0xb8;
	[tilespmem:$0x16000] =	vst v63  }
0x67c: {  	s21 =	simm.s32 $0xB380  }
0x67d: {  	[tilespmem:s21], [sflag:$0x2] =	stream.indirect_vreg.gather [hbm4b:s6+s3], $0x80, v17, vm0, $0xb8;
	[tilespmem:$0x16000] =	vst v63  }
0x67e: {  	v17 =	vld.msk [tilespmem:s31+$0xFFFFFF00], $0x3;
	_ =	sdelay $0x4  }
0x67f: {  	v18 =	vshrl.u32 v17, $0x3  }
0x680: {  	v18 =	vmul.u32 $0x18, v18  }
0x681: {  	v17 =	vand.u32 $0x7, v17  }
0x682: {  	v17 =	vor.u32 v17, v18  }
0x683: {  	v18 =	vperm.xlane v17, v2;
	_ =	sdelay $0x1  }
0x684: {  	v17 =	vperm.xlane v17, v4;
	v18 =	vadd.s32 v3, v18;
	_ =	sdelay $0x1  }
0x685: {  	v17 =	vadd.s32 v3, v17;
	_ =	sdelay $0x1  }
0x686: {  	s21 =	simm.s32 $0xB400  }
0x687: {  	[tilespmem:s21], [sflag:$0x2] =	stream.indirect_vreg.gather [hbm4b:s6+s3], $0x80, v18, vm0, $0xb8;
	[tilespmem:$0x16000] =	vst v63  }
0x688: {  	s21 =	simm.s32 $0xB480  }
0x689: {  	[tilespmem:s21], [sflag:$0x2] =	stream.indirect_vreg.gather [hbm4b:s6+s3], $0x80, v17, vm0, $0xb8;
	[tilespmem:$0x16000] =	vst v63  }
0x68a: {  	s18 =	sadd.s32 $0xFFFFFED0, s31;
	s21 =	simm.s32 $0x10C00  }
0x68b: {  	[tilespmem:s21], [sflag:$0x2] =	stream.indirect.gather [hbm4b:s2+s30], $0x80, s18, s30, $0xb8;
	[tilespmem:$0x16000] =	vst v63  }
.LBB2_6:
0x68c: {  	_ =	swait.ge [sflag:s19], $0x1900  }
0x68d: {  	[sflag:s19] =	ssyncset.done $0x0  }
0x68e: {  	[sflag:s19] =	ssyncadd.s32 $0xFFFFE700  }
0x68f: {  	_ =	swait.ge [sflag:s19], $0x1900  }
0x690: {  	[sflag:s19] =	ssyncset.done $0x0  }
0x691: {  	[sflag:s19] =	ssyncadd.s32 $0xFFFFE700  }
0x692: {  	_ =	swait.ge [sflag:s19], $0x1900  }
0x693: {  	[sflag:s19] =	ssyncset.done $0x0  }
0x694: {  	s18 =	sadd.s32 $0x1500, s5;
	[sflag:s19] =	ssyncadd.s32 $0xFFFFE700  }
0x695: {  	[hbm4b:s18+s14] =	stream.strided.scatter [tilespmem:s22], [sflag:$0x5], $0x1800, s1, s14, $0x38;
	[tilespmem:$0x16000] =	vst v63  }
0x696: {  	s21 =	sadd.s32 $0x1E00, s5  }
0x697: {  	[hbm4b:s21+s3] =	stream.linear.scatter [tilespmem:s26], [sflag:$0x5], $0x100, $0x38;
	[tilespmem:$0x16000] =	vst v63  }
0x698: {  	_ =	swait.ge [sflag:s12], $0x1900  }
0x699: {  	[sflag:s12] =	ssyncset.done $0x0  }
0x69a: {  	s21 =	sadd.s32 $0x1580, s5;
	[sflag:s12] =	ssyncadd.s32 $0xFFFFE700  }
0x69b: {  	[hbm4b:s21+s14] =	stream.strided.scatter [tilespmem:s7], [sflag:$0x5], $0x1800, s1, s14, $0x38;
	[tilespmem:$0x16000] =	vst v63  }
0x69c: {  	s21 =	sadd.s32 $0x1E80, s5  }
0x69d: {  	[hbm4b:s21+s3] =	stream.linear.scatter [tilespmem:s15], [sflag:$0x5], $0x100, $0x38;
	[tilespmem:$0x16000] =	vst v63  }
0x69e: {  	_ =	swait.ge [sflag:s12], $0x1900  }
0x69f: {  	[sflag:s12] =	ssyncset.done $0x0  }
.Ltmp4:
0x6a0: {  	s21 =	sadd.s32 $0xFFFFFC80, s0;
	[sflag:s12] =	ssyncadd.s32 $0xFFFFE700;
	(pc) =	sbr.rel @p0 .LBB2_8-.Ltmp4, $4  }
0x6a1: {  	[hbm4b:s21+s3] =	stream.linear.scatter [tilespmem:s20], [sflag:$0x5], $0x1900, $0x38;
	[tilespmem:$0x16000] =	vst v63  }
0x6a2: {  	_ =	swait.ge [sflag:s12], $0x1900  }
0x6a3: {  	[sflag:s12] =	ssyncset.done $0x0  }
0x6a4: {  	[sflag:s12] =	ssyncadd.s32 $0xFFFFE700  }
0x6a5: {  	v17 =	vld [tilespmem:s31+$0xFFFFFF50];
	_ =	sdelay $0x4  }
0x6a6: {  	v18 =	vshrl.u32 v17, $0x3  }
0x6a7: {  	v18 =	vmul.u32 $0x18, v18  }
0x6a8: {  	v17 =	vand.u32 $0x7, v17  }
0x6a9: {  	v17 =	vor.u32 v17, v18  }
0x6aa: {  	v18 =	vperm.xlane v17, v2;
	_ =	sdelay $0x1  }
0x6ab: {  	v19 =	vperm.xlane v17, v4;
	v18 =	vadd.s32 v3, v18;
	_ =	sdelay $0x1  }
0x6ac: {  	v20 =	vperm.xlane v17, v5;
	v19 =	vadd.s32 v3, v19;
	_ =	sdelay $0x1  }
0x6ad: {  	v21 =	vperm.xlane v17, v0;
	v20 =	vadd.s32 v3, v20  }
0x6ae: {  	[tilespmem:s22], [sflag:$0x3] =	stream.indirect_vreg.gather [hbm4b:s4+s3], $0x80, v18, vm0, $0xb8;
	[tilespmem:$0x16000] =	vst v63  }
0x6af: {  	s18 =	simm.s32 $0x4880;
	v44 =	vperm.xlane v17, v6;
	v18 =	vadd.s32 v3, v21  }
0x6b0: {  	[tilespmem:s18], [sflag:$0x3] =	stream.indirect_vreg.gather [hbm4b:s4+s3], $0x80, v19, vm0, $0xb8;
	[tilespmem:$0x16000] =	vst v63  }
0x6b1: {  	s21 =	simm.s32 $0x4900;
	v45 =	vperm.xlane v17, v7;
	v19 =	vadd.s32 v3, v44  }
0x6b2: {  	[tilespmem:s21], [sflag:$0x3] =	stream.indirect_vreg.gather [hbm4b:s4+s3], $0x80, v20, vm0, $0xb8;
	[tilespmem:$0x16000] =	vst v63  }
0x6b3: {  	v47 =	vperm.xlane v17, v8;
	v46 =	vadd.s32 v3, v45;
	s21 =	simm.s32 $0x4980  }
0x6b4: {  	[tilespmem:s21], [sflag:$0x3] =	stream.indirect_vreg.gather [hbm4b:s4+s3], $0x80, v18, vm0, $0xb8;
	[tilespmem:$0x16000] =	vst v63  }
0x6b5: {  	v48 =	vperm.xlane v17, v1;
	v18 =	vadd.s32 v3, v47;
	s21 =	simm.s32 $0x4A00  }
0x6b6: {  	[tilespmem:s21], [sflag:$0x3] =	stream.indirect_vreg.gather [hbm4b:s4+s3], $0x80, v19, vm0, $0xb8;
	[tilespmem:$0x16000] =	vst v63  }
0x6b7: {  	v49 =	vperm.xlane v17, v9;
	v19 =	vadd.s32 v3, v48;
	s21 =	simm.s32 $0x4A80  }
0x6b8: {  	[tilespmem:s21], [sflag:$0x3] =	stream.indirect_vreg.gather [hbm4b:s4+s3], $0x80, v46, vm0, $0xb8;
	[tilespmem:$0x16000] =	vst v63  }
0x6b9: {  	v51 =	vperm.xlane v17, v10;
	v50 =	vadd.s32 v3, v49;
	s21 =	simm.s32 $0x4B00  }
0x6ba: {  	[tilespmem:s21], [sflag:$0x3] =	stream.indirect_vreg.gather [hbm4b:s4+s3], $0x80, v18, vm0, $0xb8;
	[tilespmem:$0x16000] =	vst v63  }
0x6bb: {  	v52 =	vperm.xlane v17, v11;
	v18 =	vadd.s32 v3, v51;
	s21 =	simm.s32 $0x4B80  }
0x6bc: {  	[tilespmem:s21], [sflag:$0x3] =	stream.indirect_vreg.gather [hbm4b:s4+s3], $0x80, v19, vm0, $0xb8;
	[tilespmem:$0x16000] =	vst v63  }
0x6bd: {  	v53 =	vperm.xlane v17, v12;
	v19 =	vadd.s32 v3, v52;
	s21 =	simm.s32 $0x4C00  }
0x6be: {  	[tilespmem:s21], [sflag:$0x3] =	stream.indirect_vreg.gather [hbm4b:s4+s3], $0x80, v50, vm0, $0xb8;
	[tilespmem:$0x16000] =	vst v63  }
0x6bf: {  	v55 =	vperm.xlane v17, v13;
	v54 =	vadd.s32 v3, v53;
	s21 =	simm.s32 $0x4C80  }
0x6c0: {  	[tilespmem:s21], [sflag:$0x3] =	stream.indirect_vreg.gather [hbm4b:s4+s3], $0x80, v18, vm0, $0xb8;
	[tilespmem:$0x16000] =	vst v63  }
0x6c1: {  	v56 =	vperm.xlane v17, v14;
	v18 =	vadd.s32 v3, v55;
	s21 =	simm.s32 $0x4D00  }
0x6c2: {  	[tilespmem:s21], [sflag:$0x3] =	stream.indirect_vreg.gather [hbm4b:s4+s3], $0x80, v19, vm0, $0xb8;
	[tilespmem:$0x16000] =	vst v63  }
0x6c3: {  	v57 =	vperm.xlane v17, v15;
	v19 =	vadd.s32 v3, v56;
	s21 =	simm.s32 $0x4D80  }
0x6c4: {  	[tilespmem:s21], [sflag:$0x3] =	stream.indirect_vreg.gather [hbm4b:s4+s3], $0x80, v54, vm0, $0xb8;
	[tilespmem:$0x16000] =	vst v63  }
0x6c5: {  	v17 =	vperm.xlane v17, v16;
	v58 =	vadd.s32 v3, v57;
	s21 =	simm.s32 $0x4E00  }
0x6c6: {  	[tilespmem:s21], [sflag:$0x3] =	stream.indirect_vreg.gather [hbm4b:s4+s3], $0x80, v18, vm0, $0xb8;
	[tilespmem:$0x16000] =	vst v63  }
0x6c7: {  	v17 =	vadd.s32 v3, v17;
	s21 =	simm.s32 $0x4E80  }
0x6c8: {  	[tilespmem:s21], [sflag:$0x3] =	stream.indirect_vreg.gather [hbm4b:s4+s3], $0x80, v19, vm0, $0xb8;
	[tilespmem:$0x16000] =	vst v63  }
0x6c9: {  	s21 =	simm.s32 $0x4F00  }
0x6ca: {  	[tilespmem:s21], [sflag:$0x3] =	stream.indirect_vreg.gather [hbm4b:s4+s3], $0x80, v58, vm0, $0xb8;
	[tilespmem:$0x16000] =	vst v63  }
0x6cb: {  	s21 =	simm.s32 $0x4F80  }
0x6cc: {  	[tilespmem:s21], [sflag:$0x3] =	stream.indirect_vreg.gather [hbm4b:s4+s3], $0x80, v17, vm0, $0xb8;
	[tilespmem:$0x16000] =	vst v63  }
0x6cd: {  	v17 =	vld [tilespmem:s31+$0xFFFFFF60];
	_ =	sdelay $0x4  }
0x6ce: {  	v18 =	vshrl.u32 v17, $0x3  }
0x6cf: {  	v18 =	vmul.u32 $0x18, v18  }
0x6d0: {  	v17 =	vand.u32 $0x7, v17  }
0x6d1: {  	v17 =	vor.u32 v17, v18  }
0x6d2: {  	v18 =	vperm.xlane v17, v2;
	_ =	sdelay $0x1  }
0x6d3: {  	v19 =	vperm.xlane v17, v4;
	v18 =	vadd.s32 v3, v18;
	_ =	sdelay $0x1  }
0x6d4: {  	v59 =	vperm.xlane v17, v5;
	v19 =	vadd.s32 v3, v19;
	_ =	sdelay $0x1  }
0x6d5: {  	s21 =	simm.s32 $0x5000;
	v60 =	vperm.xlane v17, v0;
	v20 =	vadd.s32 v3, v59  }
0x6d6: {  	[tilespmem:s21], [sflag:$0x3] =	stream.indirect_vreg.gather [hbm4b:s4+s3], $0x80, v18, vm0, $0xb8;
	[tilespmem:$0x16000] =	vst v63  }
0x6d7: {  	v61 =	vperm.xlane v17, v6;
	v18 =	vadd.s32 v3, v60;
	s21 =	simm.s32 $0x5080  }
0x6d8: {  	[tilespmem:s21], [sflag:$0x3] =	stream.indirect_vreg.gather [hbm4b:s4+s3], $0x80, v19, vm0, $0xb8;
	[tilespmem:$0x16000] =	vst v63  }
0x6d9: {  	v62 =	vperm.xlane v17, v7;
	v19 =	vadd.s32 v3, v61;
	s21 =	simm.s32 $0x5100  }
0x6da: {  	[tilespmem:s21], [sflag:$0x3] =	stream.indirect_vreg.gather [hbm4b:s4+s3], $0x80, v20, vm0, $0xb8;
	[tilespmem:$0x16000] =	vst v63  }
0x6db: {  	v24 =	vperm.xlane v17, v8;
	v63 =	vadd.s32 v3, v62;
	s21 =	simm.s32 $0x5180  }
0x6dc: {  	[tilespmem:s21], [sflag:$0x3] =	stream.indirect_vreg.gather [hbm4b:s4+s3], $0x80, v18, vm0, $0xb8;
	[tilespmem:$0x16000] =	vst v63  }
0x6dd: {  	v25 =	vperm.xlane v17, v1;
	v18 =	vadd.s32 v3, v24;
	s21 =	simm.s32 $0x5200  }
0x6de: {  	[tilespmem:s21], [sflag:$0x3] =	stream.indirect_vreg.gather [hbm4b:s4+s3], $0x80, v19, vm0, $0xb8;
	[tilespmem:$0x16000] =	vst v63  }
0x6df: {  	v26 =	vperm.xlane v17, v9;
	v19 =	vadd.s32 v3, v25;
	s21 =	simm.s32 $0x5280  }
0x6e0: {  	[tilespmem:s21], [sflag:$0x3] =	stream.indirect_vreg.gather [hbm4b:s4+s3], $0x80, v63, vm0, $0xb8;
	[tilespmem:$0x16000] =	vst v63  }
0x6e1: {  	v28 =	vperm.xlane v17, v10;
	v27 =	vadd.s32 v3, v26;
	s21 =	simm.s32 $0x5300  }
0x6e2: {  	[tilespmem:s21], [sflag:$0x3] =	stream.indirect_vreg.gather [hbm4b:s4+s3], $0x80, v18, vm0, $0xb8;
	[tilespmem:$0x16000] =	vst v63  }
0x6e3: {  	v29 =	vperm.xlane v17, v11;
	v18 =	vadd.s32 v3, v28;
	s21 =	simm.s32 $0x5380  }
0x6e4: {  	[tilespmem:s21], [sflag:$0x3] =	stream.indirect_vreg.gather [hbm4b:s4+s3], $0x80, v19, vm0, $0xb8;
	[tilespmem:$0x16000] =	vst v63  }
0x6e5: {  	v30 =	vperm.xlane v17, v12;
	v19 =	vadd.s32 v3, v29;
	s21 =	simm.s32 $0x5400  }
0x6e6: {  	[tilespmem:s21], [sflag:$0x3] =	stream.indirect_vreg.gather [hbm4b:s4+s3], $0x80, v27, vm0, $0xb8;
	[tilespmem:$0x16000] =	vst v63  }
0x6e7: {  	v32 =	vperm.xlane v17, v13;
	v31 =	vadd.s32 v3, v30;
	s21 =	simm.s32 $0x5480  }
0x6e8: {  	[tilespmem:s21], [sflag:$0x3] =	stream.indirect_vreg.gather [hbm4b:s4+s3], $0x80, v18, vm0, $0xb8;
	[tilespmem:$0x16000] =	vst v63  }
0x6e9: {  	v33 =	vperm.xlane v17, v14;
	v18 =	vadd.s32 v3, v32;
	s21 =	simm.s32 $0x5500  }
0x6ea: {  	[tilespmem:s21], [sflag:$0x3] =	stream.indirect_vreg.gather [hbm4b:s4+s3], $0x80, v19, vm0, $0xb8;
	[tilespmem:$0x16000] =	vst v63  }
0x6eb: {  	v34 =	vperm.xlane v17, v15;
	v19 =	vadd.s32 v3, v33;
	s21 =	simm.s32 $0x5580  }
0x6ec: {  	[tilespmem:s21], [sflag:$0x3] =	stream.indirect_vreg.gather [hbm4b:s4+s3], $0x80, v31, vm0, $0xb8;
	[tilespmem:$0x16000] =	vst v63  }
0x6ed: {  	v17 =	vperm.xlane v17, v16;
	v35 =	vadd.s32 v3, v34;
	s21 =	simm.s32 $0x5600  }
0x6ee: {  	[tilespmem:s21], [sflag:$0x3] =	stream.indirect_vreg.gather [hbm4b:s4+s3], $0x80, v18, vm0, $0xb8;
	[tilespmem:$0x16000] =	vst v63  }
0x6ef: {  	v17 =	vadd.s32 v3, v17;
	s21 =	simm.s32 $0x5680  }
0x6f0: {  	[tilespmem:s21], [sflag:$0x3] =	stream.indirect_vreg.gather [hbm4b:s4+s3], $0x80, v19, vm0, $0xb8;
	[tilespmem:$0x16000] =	vst v63  }
0x6f1: {  	s21 =	simm.s32 $0x5700  }
0x6f2: {  	[tilespmem:s21], [sflag:$0x3] =	stream.indirect_vreg.gather [hbm4b:s4+s3], $0x80, v35, vm0, $0xb8;
	[tilespmem:$0x16000] =	vst v63  }
0x6f3: {  	s21 =	simm.s32 $0x5780  }
0x6f4: {  	[tilespmem:s21], [sflag:$0x3] =	stream.indirect_vreg.gather [hbm4b:s4+s3], $0x80, v17, vm0, $0xb8;
	[tilespmem:$0x16000] =	vst v63  }
0x6f5: {  	v17 =	vld [tilespmem:s31+$0xFFFFFF70];
	_ =	sdelay $0x4  }
0x6f6: {  	v18 =	vshrl.u32 v17, $0x3  }
0x6f7: {  	v18 =	vmul.u32 $0x18, v18  }
0x6f8: {  	v17 =	vand.u32 $0x7, v17  }
0x6f9: {  	v17 =	vor.u32 v17, v18  }
0x6fa: {  	v18 =	vperm.xlane v17, v2;
	_ =	sdelay $0x1  }
0x6fb: {  	v19 =	vperm.xlane v17, v4;
	v18 =	vadd.s32 v3, v18;
	_ =	sdelay $0x1  }
0x6fc: {  	v36 =	vperm.xlane v17, v5;
	v19 =	vadd.s32 v3, v19;
	_ =	sdelay $0x1  }
0x6fd: {  	s21 =	simm.s32 $0x5800;
	v37 =	vperm.xlane v17, v0;
	v20 =	vadd.s32 v3, v36  }
0x6fe: {  	[tilespmem:s21], [sflag:$0x3] =	stream.indirect_vreg.gather [hbm4b:s4+s3], $0x80, v18, vm0, $0xb8;
	[tilespmem:$0x16000] =	vst v63  }
0x6ff: {  	v38 =	vperm.xlane v17, v6;
	v18 =	vadd.s32 v3, v37;
	s21 =	simm.s32 $0x5880  }
0x700: {  	[tilespmem:s21], [sflag:$0x3] =	stream.indirect_vreg.gather [hbm4b:s4+s3], $0x80, v19, vm0, $0xb8;
	[tilespmem:$0x16000] =	vst v63  }
0x701: {  	v39 =	vperm.xlane v17, v7;
	v19 =	vadd.s32 v3, v38;
	s21 =	simm.s32 $0x5900  }
0x702: {  	[tilespmem:s21], [sflag:$0x3] =	stream.indirect_vreg.gather [hbm4b:s4+s3], $0x80, v20, vm0, $0xb8;
	[tilespmem:$0x16000] =	vst v63  }
0x703: {  	v41 =	vperm.xlane v17, v8;
	v40 =	vadd.s32 v3, v39;
	s21 =	simm.s32 $0x5980  }
0x704: {  	[tilespmem:s21], [sflag:$0x3] =	stream.indirect_vreg.gather [hbm4b:s4+s3], $0x80, v18, vm0, $0xb8;
	[tilespmem:$0x16000] =	vst v63  }
0x705: {  	v42 =	vperm.xlane v17, v1;
	v18 =	vadd.s32 v3, v41;
	s21 =	simm.s32 $0x5A00  }
0x706: {  	[tilespmem:s21], [sflag:$0x3] =	stream.indirect_vreg.gather [hbm4b:s4+s3], $0x80, v19, vm0, $0xb8;
	[tilespmem:$0x16000] =	vst v63  }
0x707: {  	v43 =	vperm.xlane v17, v9;
	v19 =	vadd.s32 v3, v42;
	s21 =	simm.s32 $0x5A80  }
0x708: {  	[tilespmem:s21], [sflag:$0x3] =	stream.indirect_vreg.gather [hbm4b:s4+s3], $0x80, v40, vm0, $0xb8;
	[tilespmem:$0x16000] =	vst v63  }
0x709: {  	v45 =	vperm.xlane v17, v10;
	v44 =	vadd.s32 v3, v43;
	s21 =	simm.s32 $0x5B00  }
0x70a: {  	[tilespmem:s21], [sflag:$0x3] =	stream.indirect_vreg.gather [hbm4b:s4+s3], $0x80, v18, vm0, $0xb8;
	[tilespmem:$0x16000] =	vst v63  }
0x70b: {  	v46 =	vperm.xlane v17, v11;
	v18 =	vadd.s32 v3, v45;
	s21 =	simm.s32 $0x5B80  }
0x70c: {  	[tilespmem:s21], [sflag:$0x3] =	stream.indirect_vreg.gather [hbm4b:s4+s3], $0x80, v19, vm0, $0xb8;
	[tilespmem:$0x16000] =	vst v63  }
0x70d: {  	v47 =	vperm.xlane v17, v12;
	v19 =	vadd.s32 v3, v46;
	s21 =	simm.s32 $0x5C00  }
0x70e: {  	[tilespmem:s21], [sflag:$0x3] =	stream.indirect_vreg.gather [hbm4b:s4+s3], $0x80, v44, vm0, $0xb8;
	[tilespmem:$0x16000] =	vst v63  }
0x70f: {  	v49 =	vperm.xlane v17, v13;
	v48 =	vadd.s32 v3, v47;
	s21 =	simm.s32 $0x5C80  }
0x710: {  	[tilespmem:s21], [sflag:$0x3] =	stream.indirect_vreg.gather [hbm4b:s4+s3], $0x80, v18, vm0, $0xb8;
	[tilespmem:$0x16000] =	vst v63  }
0x711: {  	v50 =	vperm.xlane v17, v14;
	v18 =	vadd.s32 v3, v49;
	s21 =	simm.s32 $0x5D00  }
0x712: {  	[tilespmem:s21], [sflag:$0x3] =	stream.indirect_vreg.gather [hbm4b:s4+s3], $0x80, v19, vm0, $0xb8;
	[tilespmem:$0x16000] =	vst v63  }
0x713: {  	v51 =	vperm.xlane v17, v15;
	v19 =	vadd.s32 v3, v50;
	s21 =	simm.s32 $0x5D80  }
0x714: {  	[tilespmem:s21], [sflag:$0x3] =	stream.indirect_vreg.gather [hbm4b:s4+s3], $0x80, v48, vm0, $0xb8;
	[tilespmem:$0x16000] =	vst v63  }
0x715: {  	v17 =	vperm.xlane v17, v16;
	v52 =	vadd.s32 v3, v51;
	s21 =	simm.s32 $0x5E00  }
0x716: {  	[tilespmem:s21], [sflag:$0x3] =	stream.indirect_vreg.gather [hbm4b:s4+s3], $0x80, v18, vm0, $0xb8;
	[tilespmem:$0x16000] =	vst v63  }
0x717: {  	v17 =	vadd.s32 v3, v17;
	s21 =	simm.s32 $0x5E80  }
0x718: {  	[tilespmem:s21], [sflag:$0x3] =	stream.indirect_vreg.gather [hbm4b:s4+s3], $0x80, v19, vm0, $0xb8;
	[tilespmem:$0x16000] =	vst v63  }
0x719: {  	s21 =	simm.s32 $0x5F00  }
0x71a: {  	[tilespmem:s21], [sflag:$0x3] =	stream.indirect_vreg.gather [hbm4b:s4+s3], $0x80, v52, vm0, $0xb8;
	[tilespmem:$0x16000] =	vst v63  }
0x71b: {  	s21 =	simm.s32 $0x5F80  }
0x71c: {  	[tilespmem:s21], [sflag:$0x3] =	stream.indirect_vreg.gather [hbm4b:s4+s3], $0x80, v17, vm0, $0xb8;
	[tilespmem:$0x16000] =	vst v63  }
0x71d: {  	v17 =	vld.msk [tilespmem:s31+$0xFFFFFF80], $0x3;
	_ =	sdelay $0x4  }
0x71e: {  	v18 =	vshrl.u32 v17, $0x3  }
0x71f: {  	v18 =	vmul.u32 $0x18, v18  }
0x720: {  	v17 =	vand.u32 $0x7, v17  }
0x721: {  	v17 =	vor.u32 v17, v18  }
0x722: {  	v18 =	vperm.xlane v17, v2;
	_ =	sdelay $0x1  }
0x723: {  	v17 =	vperm.xlane v17, v4;
	v18 =	vadd.s32 v3, v18;
	_ =	sdelay $0x1  }
0x724: {  	v17 =	vadd.s32 v3, v17;
	_ =	sdelay $0x2  }
0x725: {  	[tilespmem:s26], [sflag:$0x3] =	stream.indirect_vreg.gather [hbm4b:s4+s3], $0x80, v18, vm0, $0xb8;
	[tilespmem:$0x16000] =	vst v63  }
0x726: {  	s21 =	simm.s32 $0x6080  }
0x727: {  	[tilespmem:s21], [sflag:$0x3] =	stream.indirect_vreg.gather [hbm4b:s4+s3], $0x80, v17, vm0, $0xb8;
	[tilespmem:$0x16000] =	vst v63  }
0x728: {  	v17 =	vld [tilespmem:s31+$0xFFFFFF50];
	_ =	sdelay $0x4  }
0x729: {  	v18 =	vshrl.u32 v17, $0x3  }
0x72a: {  	v18 =	vmul.u32 $0x18, v18  }
0x72b: {  	v17 =	vand.u32 $0x7, v17  }
0x72c: {  	v17 =	vor.u32 v17, v18  }
0x72d: {  	v18 =	vperm.xlane v17, v2;
	_ =	sdelay $0x1  }
0x72e: {  	v19 =	vperm.xlane v17, v4;
	v18 =	vadd.s32 v3, v18;
	_ =	sdelay $0x1  }
0x72f: {  	v53 =	vperm.xlane v17, v5;
	v19 =	vadd.s32 v3, v19;
	_ =	sdelay $0x1  }
0x730: {  	v54 =	vperm.xlane v17, v0;
	v20 =	vadd.s32 v3, v53  }
0x731: {  	[tilespmem:s7], [sflag:$0x3] =	stream.indirect_vreg.gather [hbm4b:s6+s3], $0x80, v18, vm0, $0xb8;
	[tilespmem:$0x16000] =	vst v63  }
0x732: {  	s21 =	simm.s32 $0xB880;
	v55 =	vperm.xlane v17, v6;
	v18 =	vadd.s32 v3, v54  }
0x733: {  	[tilespmem:s21], [sflag:$0x3] =	stream.indirect_vreg.gather [hbm4b:s6+s3], $0x80, v19, vm0, $0xb8;
	[tilespmem:$0x16000] =	vst v63  }
0x734: {  	v56 =	vperm.xlane v17, v7;
	v19 =	vadd.s32 v3, v55;
	s21 =	simm.s32 $0xB900  }
0x735: {  	[tilespmem:s21], [sflag:$0x3] =	stream.indirect_vreg.gather [hbm4b:s6+s3], $0x80, v20, vm0, $0xb8;
	[tilespmem:$0x16000] =	vst v63  }
0x736: {  	v58 =	vperm.xlane v17, v8;
	v57 =	vadd.s32 v3, v56;
	s21 =	simm.s32 $0xB980  }
0x737: {  	[tilespmem:s21], [sflag:$0x3] =	stream.indirect_vreg.gather [hbm4b:s6+s3], $0x80, v18, vm0, $0xb8;
	[tilespmem:$0x16000] =	vst v63  }
0x738: {  	v59 =	vperm.xlane v17, v1;
	v18 =	vadd.s32 v3, v58;
	s21 =	simm.s32 $0xBA00  }
0x739: {  	[tilespmem:s21], [sflag:$0x3] =	stream.indirect_vreg.gather [hbm4b:s6+s3], $0x80, v19, vm0, $0xb8;
	[tilespmem:$0x16000] =	vst v63  }
0x73a: {  	v60 =	vperm.xlane v17, v9;
	v19 =	vadd.s32 v3, v59;
	s21 =	simm.s32 $0xBA80  }
0x73b: {  	[tilespmem:s21], [sflag:$0x3] =	stream.indirect_vreg.gather [hbm4b:s6+s3], $0x80, v57, vm0, $0xb8;
	[tilespmem:$0x16000] =	vst v63  }
0x73c: {  	v62 =	vperm.xlane v17, v10;
	v61 =	vadd.s32 v3, v60;
	s21 =	simm.s32 $0xBB00  }
0x73d: {  	[tilespmem:s21], [sflag:$0x3] =	stream.indirect_vreg.gather [hbm4b:s6+s3], $0x80, v18, vm0, $0xb8;
	[tilespmem:$0x16000] =	vst v63  }
0x73e: {  	v63 =	vperm.xlane v17, v11;
	v18 =	vadd.s32 v3, v62;
	s21 =	simm.s32 $0xBB80  }
0x73f: {  	[tilespmem:s21], [sflag:$0x3] =	stream.indirect_vreg.gather [hbm4b:s6+s3], $0x80, v19, vm0, $0xb8;
	[tilespmem:$0x16000] =	vst v63  }
0x740: {  	v24 =	vperm.xlane v17, v12;
	v19 =	vadd.s32 v3, v63;
	s21 =	simm.s32 $0xBC00  }
0x741: {  	[tilespmem:s21], [sflag:$0x3] =	stream.indirect_vreg.gather [hbm4b:s6+s3], $0x80, v61, vm0, $0xb8;
	[tilespmem:$0x16000] =	vst v63  }
0x742: {  	v26 =	vperm.xlane v17, v13;
	v25 =	vadd.s32 v3, v24;
	s21 =	simm.s32 $0xBC80  }
0x743: {  	[tilespmem:s21], [sflag:$0x3] =	stream.indirect_vreg.gather [hbm4b:s6+s3], $0x80, v18, vm0, $0xb8;
	[tilespmem:$0x16000] =	vst v63  }
0x744: {  	v27 =	vperm.xlane v17, v14;
	v18 =	vadd.s32 v3, v26;
	s21 =	simm.s32 $0xBD00  }
0x745: {  	[tilespmem:s21], [sflag:$0x3] =	stream.indirect_vreg.gather [hbm4b:s6+s3], $0x80, v19, vm0, $0xb8;
	[tilespmem:$0x16000] =	vst v63  }
0x746: {  	v28 =	vperm.xlane v17, v15;
	v19 =	vadd.s32 v3, v27;
	s21 =	simm.s32 $0xBD80  }
0x747: {  	[tilespmem:s21], [sflag:$0x3] =	stream.indirect_vreg.gather [hbm4b:s6+s3], $0x80, v25, vm0, $0xb8;
	[tilespmem:$0x16000] =	vst v63  }
0x748: {  	v17 =	vperm.xlane v17, v16;
	v29 =	vadd.s32 v3, v28;
	s21 =	simm.s32 $0xBE00  }
0x749: {  	[tilespmem:s21], [sflag:$0x3] =	stream.indirect_vreg.gather [hbm4b:s6+s3], $0x80, v18, vm0, $0xb8;
	[tilespmem:$0x16000] =	vst v63  }
0x74a: {  	v17 =	vadd.s32 v3, v17;
	s21 =	simm.s32 $0xBE80  }
0x74b: {  	[tilespmem:s21], [sflag:$0x3] =	stream.indirect_vreg.gather [hbm4b:s6+s3], $0x80, v19, vm0, $0xb8;
	[tilespmem:$0x16000] =	vst v63  }
0x74c: {  	s21 =	simm.s32 $0xBF00  }
0x74d: {  	[tilespmem:s21], [sflag:$0x3] =	stream.indirect_vreg.gather [hbm4b:s6+s3], $0x80, v29, vm0, $0xb8;
	[tilespmem:$0x16000] =	vst v63  }
0x74e: {  	s21 =	simm.s32 $0xBF80  }
0x74f: {  	[tilespmem:s21], [sflag:$0x3] =	stream.indirect_vreg.gather [hbm4b:s6+s3], $0x80, v17, vm0, $0xb8;
	[tilespmem:$0x16000] =	vst v63  }
0x750: {  	v17 =	vld [tilespmem:s31+$0xFFFFFF60];
	_ =	sdelay $0x4  }
0x751: {  	v18 =	vshrl.u32 v17, $0x3  }
0x752: {  	v18 =	vmul.u32 $0x18, v18  }
0x753: {  	v17 =	vand.u32 $0x7, v17  }
0x754: {  	v17 =	vor.u32 v17, v18  }
0x755: {  	v18 =	vperm.xlane v17, v2;
	_ =	sdelay $0x1  }
0x756: {  	v19 =	vperm.xlane v17, v4;
	v18 =	vadd.s32 v3, v18;
	_ =	sdelay $0x1  }
0x757: {  	v30 =	vperm.xlane v17, v5;
	v19 =	vadd.s32 v3, v19;
	_ =	sdelay $0x1  }
0x758: {  	s21 =	simm.s32 $0xC000;
	v31 =	vperm.xlane v17, v0;
	v20 =	vadd.s32 v3, v30  }
0x759: {  	[tilespmem:s21], [sflag:$0x3] =	stream.indirect_vreg.gather [hbm4b:s6+s3], $0x80, v18, vm0, $0xb8;
	[tilespmem:$0x16000] =	vst v63  }
0x75a: {  	v32 =	vperm.xlane v17, v6;
	v18 =	vadd.s32 v3, v31;
	s21 =	simm.s32 $0xC080  }
0x75b: {  	[tilespmem:s21], [sflag:$0x3] =	stream.indirect_vreg.gather [hbm4b:s6+s3], $0x80, v19, vm0, $0xb8;
	[tilespmem:$0x16000] =	vst v63  }
0x75c: {  	v33 =	vperm.xlane v17, v7;
	v19 =	vadd.s32 v3, v32;
	s21 =	simm.s32 $0xC100  }
0x75d: {  	[tilespmem:s21], [sflag:$0x3] =	stream.indirect_vreg.gather [hbm4b:s6+s3], $0x80, v20, vm0, $0xb8;
	[tilespmem:$0x16000] =	vst v63  }
0x75e: {  	v35 =	vperm.xlane v17, v8;
	v34 =	vadd.s32 v3, v33;
	s21 =	simm.s32 $0xC180  }
0x75f: {  	[tilespmem:s21], [sflag:$0x3] =	stream.indirect_vreg.gather [hbm4b:s6+s3], $0x80, v18, vm0, $0xb8;
	[tilespmem:$0x16000] =	vst v63  }
0x760: {  	v36 =	vperm.xlane v17, v1;
	v18 =	vadd.s32 v3, v35;
	s21 =	simm.s32 $0xC200  }
0x761: {  	[tilespmem:s21], [sflag:$0x3] =	stream.indirect_vreg.gather [hbm4b:s6+s3], $0x80, v19, vm0, $0xb8;
	[tilespmem:$0x16000] =	vst v63  }
0x762: {  	v37 =	vperm.xlane v17, v9;
	v19 =	vadd.s32 v3, v36;
	s21 =	simm.s32 $0xC280  }
0x763: {  	[tilespmem:s21], [sflag:$0x3] =	stream.indirect_vreg.gather [hbm4b:s6+s3], $0x80, v34, vm0, $0xb8;
	[tilespmem:$0x16000] =	vst v63  }
0x764: {  	v39 =	vperm.xlane v17, v10;
	v38 =	vadd.s32 v3, v37;
	s21 =	simm.s32 $0xC300  }
0x765: {  	[tilespmem:s21], [sflag:$0x3] =	stream.indirect_vreg.gather [hbm4b:s6+s3], $0x80, v18, vm0, $0xb8;
	[tilespmem:$0x16000] =	vst v63  }
0x766: {  	v40 =	vperm.xlane v17, v11;
	v18 =	vadd.s32 v3, v39;
	s21 =	simm.s32 $0xC380  }
0x767: {  	[tilespmem:s21], [sflag:$0x3] =	stream.indirect_vreg.gather [hbm4b:s6+s3], $0x80, v19, vm0, $0xb8;
	[tilespmem:$0x16000] =	vst v63  }
0x768: {  	v41 =	vperm.xlane v17, v12;
	v19 =	vadd.s32 v3, v40;
	s21 =	simm.s32 $0xC400  }
0x769: {  	[tilespmem:s21], [sflag:$0x3] =	stream.indirect_vreg.gather [hbm4b:s6+s3], $0x80, v38, vm0, $0xb8;
	[tilespmem:$0x16000] =	vst v63  }
0x76a: {  	v43 =	vperm.xlane v17, v13;
	v42 =	vadd.s32 v3, v41;
	s21 =	simm.s32 $0xC480  }
0x76b: {  	[tilespmem:s21], [sflag:$0x3] =	stream.indirect_vreg.gather [hbm4b:s6+s3], $0x80, v18, vm0, $0xb8;
	[tilespmem:$0x16000] =	vst v63  }
0x76c: {  	v44 =	vperm.xlane v17, v14;
	v18 =	vadd.s32 v3, v43;
	s21 =	simm.s32 $0xC500  }
0x76d: {  	[tilespmem:s21], [sflag:$0x3] =	stream.indirect_vreg.gather [hbm4b:s6+s3], $0x80, v19, vm0, $0xb8;
	[tilespmem:$0x16000] =	vst v63  }
0x76e: {  	v45 =	vperm.xlane v17, v15;
	v19 =	vadd.s32 v3, v44;
	s21 =	simm.s32 $0xC580  }
0x76f: {  	[tilespmem:s21], [sflag:$0x3] =	stream.indirect_vreg.gather [hbm4b:s6+s3], $0x80, v42, vm0, $0xb8;
	[tilespmem:$0x16000] =	vst v63  }
0x770: {  	v17 =	vperm.xlane v17, v16;
	v46 =	vadd.s32 v3, v45;
	s21 =	simm.s32 $0xC600  }
0x771: {  	[tilespmem:s21], [sflag:$0x3] =	stream.indirect_vreg.gather [hbm4b:s6+s3], $0x80, v18, vm0, $0xb8;
	[tilespmem:$0x16000] =	vst v63  }
0x772: {  	v17 =	vadd.s32 v3, v17;
	s21 =	simm.s32 $0xC680  }
0x773: {  	[tilespmem:s21], [sflag:$0x3] =	stream.indirect_vreg.gather [hbm4b:s6+s3], $0x80, v19, vm0, $0xb8;
	[tilespmem:$0x16000] =	vst v63  }
0x774: {  	s21 =	simm.s32 $0xC700  }
0x775: {  	[tilespmem:s21], [sflag:$0x3] =	stream.indirect_vreg.gather [hbm4b:s6+s3], $0x80, v46, vm0, $0xb8;
	[tilespmem:$0x16000] =	vst v63  }
0x776: {  	s21 =	simm.s32 $0xC780  }
0x777: {  	[tilespmem:s21], [sflag:$0x3] =	stream.indirect_vreg.gather [hbm4b:s6+s3], $0x80, v17, vm0, $0xb8;
	[tilespmem:$0x16000] =	vst v63  }
0x778: {  	v17 =	vld [tilespmem:s31+$0xFFFFFF70];
	_ =	sdelay $0x4  }
0x779: {  	v18 =	vshrl.u32 v17, $0x3  }
0x77a: {  	v18 =	vmul.u32 $0x18, v18  }
0x77b: {  	v17 =	vand.u32 $0x7, v17  }
0x77c: {  	v17 =	vor.u32 v17, v18  }
0x77d: {  	v18 =	vperm.xlane v17, v2;
	_ =	sdelay $0x1  }
0x77e: {  	v19 =	vperm.xlane v17, v4;
	v18 =	vadd.s32 v3, v18;
	_ =	sdelay $0x1  }
0x77f: {  	v47 =	vperm.xlane v17, v5;
	v19 =	vadd.s32 v3, v19;
	_ =	sdelay $0x1  }
0x780: {  	s21 =	simm.s32 $0xC800;
	v48 =	vperm.xlane v17, v0;
	v20 =	vadd.s32 v3, v47  }
0x781: {  	[tilespmem:s21], [sflag:$0x3] =	stream.indirect_vreg.gather [hbm4b:s6+s3], $0x80, v18, vm0, $0xb8;
	[tilespmem:$0x16000] =	vst v63  }
0x782: {  	v49 =	vperm.xlane v17, v6;
	v18 =	vadd.s32 v3, v48;
	s21 =	simm.s32 $0xC880  }
0x783: {  	[tilespmem:s21], [sflag:$0x3] =	stream.indirect_vreg.gather [hbm4b:s6+s3], $0x80, v19, vm0, $0xb8;
	[tilespmem:$0x16000] =	vst v63  }
0x784: {  	v50 =	vperm.xlane v17, v7;
	v19 =	vadd.s32 v3, v49;
	s21 =	simm.s32 $0xC900  }
0x785: {  	[tilespmem:s21], [sflag:$0x3] =	stream.indirect_vreg.gather [hbm4b:s6+s3], $0x80, v20, vm0, $0xb8;
	[tilespmem:$0x16000] =	vst v63  }
0x786: {  	v52 =	vperm.xlane v17, v8;
	v51 =	vadd.s32 v3, v50;
	s21 =	simm.s32 $0xC980  }
0x787: {  	[tilespmem:s21], [sflag:$0x3] =	stream.indirect_vreg.gather [hbm4b:s6+s3], $0x80, v18, vm0, $0xb8;
	[tilespmem:$0x16000] =	vst v63  }
0x788: {  	v53 =	vperm.xlane v17, v1;
	v18 =	vadd.s32 v3, v52;
	s21 =	simm.s32 $0xCA00  }
0x789: {  	[tilespmem:s21], [sflag:$0x3] =	stream.indirect_vreg.gather [hbm4b:s6+s3], $0x80, v19, vm0, $0xb8;
	[tilespmem:$0x16000] =	vst v63  }
0x78a: {  	v54 =	vperm.xlane v17, v9;
	v19 =	vadd.s32 v3, v53;
	s21 =	simm.s32 $0xCA80  }
0x78b: {  	[tilespmem:s21], [sflag:$0x3] =	stream.indirect_vreg.gather [hbm4b:s6+s3], $0x80, v51, vm0, $0xb8;
	[tilespmem:$0x16000] =	vst v63  }
0x78c: {  	v56 =	vperm.xlane v17, v10;
	v55 =	vadd.s32 v3, v54;
	s21 =	simm.s32 $0xCB00  }
0x78d: {  	[tilespmem:s21], [sflag:$0x3] =	stream.indirect_vreg.gather [hbm4b:s6+s3], $0x80, v18, vm0, $0xb8;
	[tilespmem:$0x16000] =	vst v63  }
0x78e: {  	v57 =	vperm.xlane v17, v11;
	v18 =	vadd.s32 v3, v56;
	s21 =	simm.s32 $0xCB80  }
0x78f: {  	[tilespmem:s21], [sflag:$0x3] =	stream.indirect_vreg.gather [hbm4b:s6+s3], $0x80, v19, vm0, $0xb8;
	[tilespmem:$0x16000] =	vst v63  }
0x790: {  	v58 =	vperm.xlane v17, v12;
	v19 =	vadd.s32 v3, v57;
	s21 =	simm.s32 $0xCC00  }
0x791: {  	[tilespmem:s21], [sflag:$0x3] =	stream.indirect_vreg.gather [hbm4b:s6+s3], $0x80, v55, vm0, $0xb8;
	[tilespmem:$0x16000] =	vst v63  }
0x792: {  	v60 =	vperm.xlane v17, v13;
	v59 =	vadd.s32 v3, v58;
	s21 =	simm.s32 $0xCC80  }
0x793: {  	[tilespmem:s21], [sflag:$0x3] =	stream.indirect_vreg.gather [hbm4b:s6+s3], $0x80, v18, vm0, $0xb8;
	[tilespmem:$0x16000] =	vst v63  }
0x794: {  	v61 =	vperm.xlane v17, v14;
	v18 =	vadd.s32 v3, v60;
	s21 =	simm.s32 $0xCD00  }
0x795: {  	[tilespmem:s21], [sflag:$0x3] =	stream.indirect_vreg.gather [hbm4b:s6+s3], $0x80, v19, vm0, $0xb8;
	[tilespmem:$0x16000] =	vst v63  }
0x796: {  	v62 =	vperm.xlane v17, v15;
	v19 =	vadd.s32 v3, v61;
	s21 =	simm.s32 $0xCD80  }
0x797: {  	[tilespmem:s21], [sflag:$0x3] =	stream.indirect_vreg.gather [hbm4b:s6+s3], $0x80, v59, vm0, $0xb8;
	[tilespmem:$0x16000] =	vst v63  }
0x798: {  	v17 =	vperm.xlane v17, v16;
	v63 =	vadd.s32 v3, v62;
	s21 =	simm.s32 $0xCE00  }
0x799: {  	[tilespmem:s21], [sflag:$0x3] =	stream.indirect_vreg.gather [hbm4b:s6+s3], $0x80, v18, vm0, $0xb8;
	[tilespmem:$0x16000] =	vst v63  }
0x79a: {  	v17 =	vadd.s32 v3, v17;
	s21 =	simm.s32 $0xCE80  }
0x79b: {  	[tilespmem:s21], [sflag:$0x3] =	stream.indirect_vreg.gather [hbm4b:s6+s3], $0x80, v19, vm0, $0xb8;
	[tilespmem:$0x16000] =	vst v63  }
0x79c: {  	s21 =	simm.s32 $0xCF00  }
0x79d: {  	[tilespmem:s21], [sflag:$0x3] =	stream.indirect_vreg.gather [hbm4b:s6+s3], $0x80, v63, vm0, $0xb8;
	[tilespmem:$0x16000] =	vst v63  }
0x79e: {  	s21 =	simm.s32 $0xCF80  }
0x79f: {  	[tilespmem:s21], [sflag:$0x3] =	stream.indirect_vreg.gather [hbm4b:s6+s3], $0x80, v17, vm0, $0xb8;
	[tilespmem:$0x16000] =	vst v63  }
0x7a0: {  	v17 =	vld.msk [tilespmem:s31+$0xFFFFFF80], $0x3;
	_ =	sdelay $0x4  }
0x7a1: {  	v18 =	vshrl.u32 v17, $0x3  }
0x7a2: {  	v18 =	vmul.u32 $0x18, v18  }
0x7a3: {  	v17 =	vand.u32 $0x7, v17  }
0x7a4: {  	v17 =	vor.u32 v17, v18  }
0x7a5: {  	v18 =	vperm.xlane v17, v2;
	_ =	sdelay $0x1  }
0x7a6: {  	v17 =	vperm.xlane v17, v4;
	v18 =	vadd.s32 v3, v18;
	_ =	sdelay $0x1  }
0x7a7: {  	v17 =	vadd.s32 v3, v17;
	_ =	sdelay $0x2  }
0x7a8: {  	[tilespmem:s15], [sflag:$0x3] =	stream.indirect_vreg.gather [hbm4b:s6+s3], $0x80, v18, vm0, $0xb8;
	[tilespmem:$0x16000] =	vst v63  }
0x7a9: {  	s21 =	simm.s32 $0xD080  }
0x7aa: {  	[tilespmem:s21], [sflag:$0x3] =	stream.indirect_vreg.gather [hbm4b:s6+s3], $0x80, v17, vm0, $0xb8;
	[tilespmem:$0x16000] =	vst v63  }
0x7ab: {  	s21 =	sadd.s32 $0xFFFFFF50, s31  }
0x7ac: {  	[tilespmem:s20], [sflag:$0x3] =	stream.indirect.gather [hbm4b:s2+s30], $0x80, s21, s30, $0xb8;
	[tilespmem:$0x16000] =	vst v63  }
.LBB2_8:
0x7ad: {  	_ =	swait.ge [sflag:s28], $0x1900  }
0x7ae: {  	[sflag:s28] =	ssyncset.done $0x0  }
0x7af: {  	[sflag:s28] =	ssyncadd.s32 $0xFFFFE700  }
0x7b0: {  	_ =	swait.ge [sflag:s28], $0x1900  }
0x7b1: {  	[sflag:s28] =	ssyncset.done $0x0  }
0x7b2: {  	[sflag:s28] =	ssyncadd.s32 $0xFFFFE700  }
0x7b3: {  	_ =	swait.ge [sflag:s28], $0x1900  }
0x7b4: {  	[sflag:s28] =	ssyncset.done $0x0  }
0x7b5: {  	s18 =	sadd.s32 $0x1F80, s5;
	[sflag:s28] =	ssyncadd.s32 $0xFFFFE700  }
0x7b6: {  	[hbm4b:s18+s14] =	stream.strided.scatter [tilespmem:s23], [sflag:$0x5], $0x1800, s1, s14, $0x38;
	[tilespmem:$0x16000] =	vst v63  }
0x7b7: {  	s18 =	sadd.s32 $0x2880, s5  }
0x7b8: {  	[hbm4b:s18+s3] =	stream.linear.scatter [tilespmem:s16], [sflag:$0x5], $0x100, $0x38;
	[tilespmem:$0x16000] =	vst v63  }
0x7b9: {  	_ =	swait.ge [sflag:s12], $0x1900  }
0x7ba: {  	[sflag:s12] =	ssyncset.done $0x0  }
0x7bb: {  	s21 =	sadd.s32 s29, s11;
	[sflag:s12] =	ssyncadd.s32 $0xFFFFE700  }
0x7bc: {  	[hbm4b:s21+s14] =	stream.strided.scatter [tilespmem:s25], [sflag:$0x5], $0x1800, s1, s14, $0x38;
	[tilespmem:$0x16000] =	vst v63  }
0x7bd: {  	s5 =	sadd.s32 $0x900, s21  }
0x7be: {  	[hbm4b:s5+s3] =	stream.linear.scatter [tilespmem:s17], [sflag:$0x5], $0x100, $0x38;
	[tilespmem:$0x16000] =	vst v63  }
0x7bf: {  	_ =	swait.ge [sflag:s12], $0x1900  }
0x7c0: {  	[sflag:s12] =	ssyncset.done $0x0  }
.Ltmp5:
0x7c1: {  	[sflag:s12] =	ssyncadd.s32 $0xFFFFE700;
	(pc) =	sbr.rel @p0 .LBB2_10-.Ltmp5, $4  }
0x7c2: {  	[hbm4b:s0+s3] =	stream.linear.scatter [tilespmem:s8], [sflag:$0x5], $0x1900, $0x38;
	[tilespmem:$0x16000] =	vst v63  }
0x7c3: {  	_ =	swait.ge [sflag:s12], $0x1900  }
0x7c4: {  	[sflag:s12] =	ssyncset.done $0x0  }
0x7c5: {  	[sflag:s12] =	ssyncadd.s32 $0xFFFFE700  }
0x7c6: {  	v17 =	vld [tilespmem:s31+$0xFFFFFFD0];
	_ =	sdelay $0x4  }
0x7c7: {  	v18 =	vshrl.u32 v17, $0x3  }
0x7c8: {  	v18 =	vmul.u32 $0x18, v18  }
0x7c9: {  	v17 =	vand.u32 $0x7, v17  }
0x7ca: {  	v17 =	vor.u32 v17, v18  }
0x7cb: {  	v18 =	vperm.xlane v17, v2;
	_ =	sdelay $0x1  }
0x7cc: {  	v19 =	vperm.xlane v17, v4;
	v18 =	vadd.s32 v3, v18;
	_ =	sdelay $0x1  }
0x7cd: {  	v20 =	vperm.xlane v17, v5;
	v19 =	vadd.s32 v3, v19;
	_ =	sdelay $0x1  }
0x7ce: {  	v21 =	vperm.xlane v17, v0;
	v20 =	vadd.s32 v3, v20  }
0x7cf: {  	[tilespmem:s23], [sflag:$0x4] =	stream.indirect_vreg.gather [hbm4b:s4+s3], $0x80, v18, vm0, $0xb8;
	[tilespmem:$0x16000] =	vst v63  }
0x7d0: {  	s5 =	simm.s32 $0x6480;
	v44 =	vperm.xlane v17, v6;
	v18 =	vadd.s32 v3, v21  }
0x7d1: {  	[tilespmem:s5], [sflag:$0x4] =	stream.indirect_vreg.gather [hbm4b:s4+s3], $0x80, v19, vm0, $0xb8;
	[tilespmem:$0x16000] =	vst v63  }
0x7d2: {  	s18 =	simm.s32 $0x6500;
	v45 =	vperm.xlane v17, v7;
	v19 =	vadd.s32 v3, v44  }
0x7d3: {  	[tilespmem:s18], [sflag:$0x4] =	stream.indirect_vreg.gather [hbm4b:s4+s3], $0x80, v20, vm0, $0xb8;
	[tilespmem:$0x16000] =	vst v63  }
0x7d4: {  	s21 =	simm.s32 $0x6580;
	v47 =	vperm.xlane v17, v8;
	v46 =	vadd.s32 v3, v45  }
0x7d5: {  	[tilespmem:s21], [sflag:$0x4] =	stream.indirect_vreg.gather [hbm4b:s4+s3], $0x80, v18, vm0, $0xb8;
	[tilespmem:$0x16000] =	vst v63  }
0x7d6: {  	v48 =	vperm.xlane v17, v1;
	s18 =	simm.s32 $0x6600;
	v18 =	vadd.s32 v3, v47  }
0x7d7: {  	[tilespmem:s18], [sflag:$0x4] =	stream.indirect_vreg.gather [hbm4b:s4+s3], $0x80, v19, vm0, $0xb8;
	[tilespmem:$0x16000] =	vst v63  }
0x7d8: {  	v49 =	vperm.xlane v17, v9;
	s21 =	simm.s32 $0x6680;
	v19 =	vadd.s32 v3, v48  }
0x7d9: {  	[tilespmem:s21], [sflag:$0x4] =	stream.indirect_vreg.gather [hbm4b:s4+s3], $0x80, v46, vm0, $0xb8;
	[tilespmem:$0x16000] =	vst v63  }
0x7da: {  	v51 =	vperm.xlane v17, v10;
	v50 =	vadd.s32 v3, v49;
	s18 =	simm.s32 $0x6700  }
0x7db: {  	[tilespmem:s18], [sflag:$0x4] =	stream.indirect_vreg.gather [hbm4b:s4+s3], $0x80, v18, vm0, $0xb8;
	[tilespmem:$0x16000] =	vst v63  }
0x7dc: {  	v52 =	vperm.xlane v17, v11;
	s21 =	simm.s32 $0x6780;
	v18 =	vadd.s32 v3, v51  }
0x7dd: {  	[tilespmem:s21], [sflag:$0x4] =	stream.indirect_vreg.gather [hbm4b:s4+s3], $0x80, v19, vm0, $0xb8;
	[tilespmem:$0x16000] =	vst v63  }
0x7de: {  	v53 =	vperm.xlane v17, v12;
	s18 =	simm.s32 $0x6800;
	v19 =	vadd.s32 v3, v52  }
0x7df: {  	[tilespmem:s18], [sflag:$0x4] =	stream.indirect_vreg.gather [hbm4b:s4+s3], $0x80, v50, vm0, $0xb8;
	[tilespmem:$0x16000] =	vst v63  }
0x7e0: {  	v55 =	vperm.xlane v17, v13;
	v54 =	vadd.s32 v3, v53;
	s21 =	simm.s32 $0x6880  }
0x7e1: {  	[tilespmem:s21], [sflag:$0x4] =	stream.indirect_vreg.gather [hbm4b:s4+s3], $0x80, v18, vm0, $0xb8;
	[tilespmem:$0x16000] =	vst v63  }
0x7e2: {  	v56 =	vperm.xlane v17, v14;
	s18 =	simm.s32 $0x6900;
	v18 =	vadd.s32 v3, v55  }
0x7e3: {  	[tilespmem:s18], [sflag:$0x4] =	stream.indirect_vreg.gather [hbm4b:s4+s3], $0x80, v19, vm0, $0xb8;
	[tilespmem:$0x16000] =	vst v63  }
0x7e4: {  	v57 =	vperm.xlane v17, v15;
	s21 =	simm.s32 $0x6980;
	v19 =	vadd.s32 v3, v56  }
0x7e5: {  	[tilespmem:s21], [sflag:$0x4] =	stream.indirect_vreg.gather [hbm4b:s4+s3], $0x80, v54, vm0, $0xb8;
	[tilespmem:$0x16000] =	vst v63  }
0x7e6: {  	v17 =	vperm.xlane v17, v16;
	v58 =	vadd.s32 v3, v57;
	s18 =	simm.s32 $0x6A00  }
0x7e7: {  	[tilespmem:s18], [sflag:$0x4] =	stream.indirect_vreg.gather [hbm4b:s4+s3], $0x80, v18, vm0, $0xb8;
	[tilespmem:$0x16000] =	vst v63  }
0x7e8: {  	v17 =	vadd.s32 v3, v17;
	s21 =	simm.s32 $0x6A80  }
0x7e9: {  	[tilespmem:s21], [sflag:$0x4] =	stream.indirect_vreg.gather [hbm4b:s4+s3], $0x80, v19, vm0, $0xb8;
	[tilespmem:$0x16000] =	vst v63  }
0x7ea: {  	s18 =	simm.s32 $0x6B00  }
0x7eb: {  	[tilespmem:s18], [sflag:$0x4] =	stream.indirect_vreg.gather [hbm4b:s4+s3], $0x80, v58, vm0, $0xb8;
	[tilespmem:$0x16000] =	vst v63  }
0x7ec: {  	s21 =	simm.s32 $0x6B80  }
0x7ed: {  	[tilespmem:s21], [sflag:$0x4] =	stream.indirect_vreg.gather [hbm4b:s4+s3], $0x80, v17, vm0, $0xb8;
	[tilespmem:$0x16000] =	vst v63  }
0x7ee: {  	v17 =	vld [tilespmem:s31+$0xFFFFFFE0];
	_ =	sdelay $0x4  }
0x7ef: {  	v18 =	vshrl.u32 v17, $0x3  }
0x7f0: {  	v18 =	vmul.u32 $0x18, v18  }
0x7f1: {  	v17 =	vand.u32 $0x7, v17  }
0x7f2: {  	v17 =	vor.u32 v17, v18  }
0x7f3: {  	v18 =	vperm.xlane v17, v2;
	_ =	sdelay $0x1  }
0x7f4: {  	v19 =	vperm.xlane v17, v4;
	v18 =	vadd.s32 v3, v18;
	_ =	sdelay $0x1  }
0x7f5: {  	v59 =	vperm.xlane v17, v5;
	v19 =	vadd.s32 v3, v19;
	_ =	sdelay $0x1  }
0x7f6: {  	s18 =	simm.s32 $0x6C00;
	v60 =	vperm.xlane v17, v0;
	v20 =	vadd.s32 v3, v59  }
0x7f7: {  	[tilespmem:s18], [sflag:$0x4] =	stream.indirect_vreg.gather [hbm4b:s4+s3], $0x80, v18, vm0, $0xb8;
	[tilespmem:$0x16000] =	vst v63  }
0x7f8: {  	s21 =	simm.s32 $0x6C80;
	v61 =	vperm.xlane v17, v6;
	v18 =	vadd.s32 v3, v60  }
0x7f9: {  	[tilespmem:s21], [sflag:$0x4] =	stream.indirect_vreg.gather [hbm4b:s4+s3], $0x80, v19, vm0, $0xb8;
	[tilespmem:$0x16000] =	vst v63  }
0x7fa: {  	v62 =	vperm.xlane v17, v7;
	s18 =	simm.s32 $0x6D00;
	v19 =	vadd.s32 v3, v61  }
0x7fb: {  	[tilespmem:s18], [sflag:$0x4] =	stream.indirect_vreg.gather [hbm4b:s4+s3], $0x80, v20, vm0, $0xb8;
	[tilespmem:$0x16000] =	vst v63  }
0x7fc: {  	v24 =	vperm.xlane v17, v8;
	v63 =	vadd.s32 v3, v62;
	s21 =	simm.s32 $0x6D80  }
0x7fd: {  	[tilespmem:s21], [sflag:$0x4] =	stream.indirect_vreg.gather [hbm4b:s4+s3], $0x80, v18, vm0, $0xb8;
	[tilespmem:$0x16000] =	vst v63  }
0x7fe: {  	v25 =	vperm.xlane v17, v1;
	s18 =	simm.s32 $0x6E00;
	v18 =	vadd.s32 v3, v24  }
0x7ff: {  	[tilespmem:s18], [sflag:$0x4] =	stream.indirect_vreg.gather [hbm4b:s4+s3], $0x80, v19, vm0, $0xb8;
	[tilespmem:$0x16000] =	vst v63  }
0x800: {  	v26 =	vperm.xlane v17, v9;
	s21 =	simm.s32 $0x6E80;
	v19 =	vadd.s32 v3, v25  }
0x801: {  	[tilespmem:s21], [sflag:$0x4] =	stream.indirect_vreg.gather [hbm4b:s4+s3], $0x80, v63, vm0, $0xb8;
	[tilespmem:$0x16000] =	vst v63  }
0x802: {  	v28 =	vperm.xlane v17, v10;
	v27 =	vadd.s32 v3, v26;
	s18 =	simm.s32 $0x6F00  }
0x803: {  	[tilespmem:s18], [sflag:$0x4] =	stream.indirect_vreg.gather [hbm4b:s4+s3], $0x80, v18, vm0, $0xb8;
	[tilespmem:$0x16000] =	vst v63  }
0x804: {  	v29 =	vperm.xlane v17, v11;
	s21 =	simm.s32 $0x6F80;
	v18 =	vadd.s32 v3, v28  }
0x805: {  	[tilespmem:s21], [sflag:$0x4] =	stream.indirect_vreg.gather [hbm4b:s4+s3], $0x80, v19, vm0, $0xb8;
	[tilespmem:$0x16000] =	vst v63  }
0x806: {  	v30 =	vperm.xlane v17, v12;
	s18 =	simm.s32 $0x7000;
	v19 =	vadd.s32 v3, v29  }
0x807: {  	[tilespmem:s18], [sflag:$0x4] =	stream.indirect_vreg.gather [hbm4b:s4+s3], $0x80, v27, vm0, $0xb8;
	[tilespmem:$0x16000] =	vst v63  }
0x808: {  	v32 =	vperm.xlane v17, v13;
	v31 =	vadd.s32 v3, v30;
	s21 =	simm.s32 $0x7080  }
0x809: {  	[tilespmem:s21], [sflag:$0x4] =	stream.indirect_vreg.gather [hbm4b:s4+s3], $0x80, v18, vm0, $0xb8;
	[tilespmem:$0x16000] =	vst v63  }
0x80a: {  	v33 =	vperm.xlane v17, v14;
	s18 =	simm.s32 $0x7100;
	v18 =	vadd.s32 v3, v32  }
0x80b: {  	[tilespmem:s18], [sflag:$0x4] =	stream.indirect_vreg.gather [hbm4b:s4+s3], $0x80, v19, vm0, $0xb8;
	[tilespmem:$0x16000] =	vst v63  }
0x80c: {  	v34 =	vperm.xlane v17, v15;
	s21 =	simm.s32 $0x7180;
	v19 =	vadd.s32 v3, v33  }
0x80d: {  	[tilespmem:s21], [sflag:$0x4] =	stream.indirect_vreg.gather [hbm4b:s4+s3], $0x80, v31, vm0, $0xb8;
	[tilespmem:$0x16000] =	vst v63  }
0x80e: {  	v17 =	vperm.xlane v17, v16;
	v35 =	vadd.s32 v3, v34;
	s18 =	simm.s32 $0x7200  }
0x80f: {  	[tilespmem:s18], [sflag:$0x4] =	stream.indirect_vreg.gather [hbm4b:s4+s3], $0x80, v18, vm0, $0xb8;
	[tilespmem:$0x16000] =	vst v63  }
0x810: {  	v17 =	vadd.s32 v3, v17;
	s21 =	simm.s32 $0x7280  }
0x811: {  	[tilespmem:s21], [sflag:$0x4] =	stream.indirect_vreg.gather [hbm4b:s4+s3], $0x80, v19, vm0, $0xb8;
	[tilespmem:$0x16000] =	vst v63  }
0x812: {  	s18 =	simm.s32 $0x7300  }
0x813: {  	[tilespmem:s18], [sflag:$0x4] =	stream.indirect_vreg.gather [hbm4b:s4+s3], $0x80, v35, vm0, $0xb8;
	[tilespmem:$0x16000] =	vst v63  }
0x814: {  	s21 =	simm.s32 $0x7380  }
0x815: {  	[tilespmem:s21], [sflag:$0x4] =	stream.indirect_vreg.gather [hbm4b:s4+s3], $0x80, v17, vm0, $0xb8;
	[tilespmem:$0x16000] =	vst v63  }
0x816: {  	v17 =	vld [tilespmem:s31+$0xFFFFFFF0];
	_ =	sdelay $0x4  }
0x817: {  	v18 =	vshrl.u32 v17, $0x3  }
0x818: {  	v18 =	vmul.u32 $0x18, v18  }
0x819: {  	v17 =	vand.u32 $0x7, v17  }
0x81a: {  	v17 =	vor.u32 v17, v18  }
0x81b: {  	v18 =	vperm.xlane v17, v2;
	_ =	sdelay $0x1  }
0x81c: {  	v19 =	vperm.xlane v17, v4;
	v18 =	vadd.s32 v3, v18;
	_ =	sdelay $0x1  }
0x81d: {  	v36 =	vperm.xlane v17, v5;
	v19 =	vadd.s32 v3, v19;
	_ =	sdelay $0x1  }
0x81e: {  	s18 =	simm.s32 $0x7400;
	v37 =	vperm.xlane v17, v0;
	v20 =	vadd.s32 v3, v36  }
0x81f: {  	[tilespmem:s18], [sflag:$0x4] =	stream.indirect_vreg.gather [hbm4b:s4+s3], $0x80, v18, vm0, $0xb8;
	[tilespmem:$0x16000] =	vst v63  }
0x820: {  	s21 =	simm.s32 $0x7480;
	v38 =	vperm.xlane v17, v6;
	v18 =	vadd.s32 v3, v37  }
0x821: {  	[tilespmem:s21], [sflag:$0x4] =	stream.indirect_vreg.gather [hbm4b:s4+s3], $0x80, v19, vm0, $0xb8;
	[tilespmem:$0x16000] =	vst v63  }
0x822: {  	v39 =	vperm.xlane v17, v7;
	s18 =	simm.s32 $0x7500;
	v19 =	vadd.s32 v3, v38  }
0x823: {  	[tilespmem:s18], [sflag:$0x4] =	stream.indirect_vreg.gather [hbm4b:s4+s3], $0x80, v20, vm0, $0xb8;
	[tilespmem:$0x16000] =	vst v63  }
0x824: {  	v41 =	vperm.xlane v17, v8;
	v40 =	vadd.s32 v3, v39;
	s21 =	simm.s32 $0x7580  }
0x825: {  	[tilespmem:s21], [sflag:$0x4] =	stream.indirect_vreg.gather [hbm4b:s4+s3], $0x80, v18, vm0, $0xb8;
	[tilespmem:$0x16000] =	vst v63  }
0x826: {  	v42 =	vperm.xlane v17, v1;
	s18 =	simm.s32 $0x7600;
	v18 =	vadd.s32 v3, v41  }
0x827: {  	[tilespmem:s18], [sflag:$0x4] =	stream.indirect_vreg.gather [hbm4b:s4+s3], $0x80, v19, vm0, $0xb8;
	[tilespmem:$0x16000] =	vst v63  }
0x828: {  	v43 =	vperm.xlane v17, v9;
	s21 =	simm.s32 $0x7680;
	v19 =	vadd.s32 v3, v42  }
0x829: {  	[tilespmem:s21], [sflag:$0x4] =	stream.indirect_vreg.gather [hbm4b:s4+s3], $0x80, v40, vm0, $0xb8;
	[tilespmem:$0x16000] =	vst v63  }
0x82a: {  	v45 =	vperm.xlane v17, v10;
	v44 =	vadd.s32 v3, v43;
	s18 =	simm.s32 $0x7700  }
0x82b: {  	[tilespmem:s18], [sflag:$0x4] =	stream.indirect_vreg.gather [hbm4b:s4+s3], $0x80, v18, vm0, $0xb8;
	[tilespmem:$0x16000] =	vst v63  }
0x82c: {  	v46 =	vperm.xlane v17, v11;
	s21 =	simm.s32 $0x7780;
	v18 =	vadd.s32 v3, v45  }
0x82d: {  	[tilespmem:s21], [sflag:$0x4] =	stream.indirect_vreg.gather [hbm4b:s4+s3], $0x80, v19, vm0, $0xb8;
	[tilespmem:$0x16000] =	vst v63  }
0x82e: {  	v47 =	vperm.xlane v17, v12;
	s18 =	simm.s32 $0x7800;
	v19 =	vadd.s32 v3, v46  }
0x82f: {  	[tilespmem:s18], [sflag:$0x4] =	stream.indirect_vreg.gather [hbm4b:s4+s3], $0x80, v44, vm0, $0xb8;
	[tilespmem:$0x16000] =	vst v63  }
0x830: {  	v49 =	vperm.xlane v17, v13;
	v48 =	vadd.s32 v3, v47;
	s21 =	simm.s32 $0x7880  }
0x831: {  	[tilespmem:s21], [sflag:$0x4] =	stream.indirect_vreg.gather [hbm4b:s4+s3], $0x80, v18, vm0, $0xb8;
	[tilespmem:$0x16000] =	vst v63  }
0x832: {  	v50 =	vperm.xlane v17, v14;
	s18 =	simm.s32 $0x7900;
	v18 =	vadd.s32 v3, v49  }
0x833: {  	[tilespmem:s18], [sflag:$0x4] =	stream.indirect_vreg.gather [hbm4b:s4+s3], $0x80, v19, vm0, $0xb8;
	[tilespmem:$0x16000] =	vst v63  }
0x834: {  	v51 =	vperm.xlane v17, v15;
	s21 =	simm.s32 $0x7980;
	v19 =	vadd.s32 v3, v50  }
0x835: {  	[tilespmem:s21], [sflag:$0x4] =	stream.indirect_vreg.gather [hbm4b:s4+s3], $0x80, v48, vm0, $0xb8;
	[tilespmem:$0x16000] =	vst v63  }
0x836: {  	v17 =	vperm.xlane v17, v16;
	v52 =	vadd.s32 v3, v51;
	s18 =	simm.s32 $0x7A00  }
0x837: {  	[tilespmem:s18], [sflag:$0x4] =	stream.indirect_vreg.gather [hbm4b:s4+s3], $0x80, v18, vm0, $0xb8;
	[tilespmem:$0x16000] =	vst v63  }
0x838: {  	v17 =	vadd.s32 v3, v17;
	s21 =	simm.s32 $0x7A80  }
0x839: {  	[tilespmem:s21], [sflag:$0x4] =	stream.indirect_vreg.gather [hbm4b:s4+s3], $0x80, v19, vm0, $0xb8;
	[tilespmem:$0x16000] =	vst v63  }
0x83a: {  	s18 =	simm.s32 $0x7B00  }
0x83b: {  	[tilespmem:s18], [sflag:$0x4] =	stream.indirect_vreg.gather [hbm4b:s4+s3], $0x80, v52, vm0, $0xb8;
	[tilespmem:$0x16000] =	vst v63  }
0x83c: {  	s21 =	simm.s32 $0x7B80  }
0x83d: {  	[tilespmem:s21], [sflag:$0x4] =	stream.indirect_vreg.gather [hbm4b:s4+s3], $0x80, v17, vm0, $0xb8;
	[tilespmem:$0x16000] =	vst v63  }
0x83e: {  	v17 =	vld.msk [tilespmem:s31+$0x0], $0x3;
	_ =	sdelay $0x4  }
0x83f: {  	v18 =	vshrl.u32 v17, $0x3  }
0x840: {  	v18 =	vmul.u32 $0x18, v18  }
0x841: {  	v17 =	vand.u32 $0x7, v17  }
0x842: {  	v17 =	vor.u32 v17, v18  }
0x843: {  	v18 =	vperm.xlane v17, v2;
	_ =	sdelay $0x1  }
0x844: {  	v17 =	vperm.xlane v17, v4;
	v18 =	vadd.s32 v3, v18;
	_ =	sdelay $0x1  }
0x845: {  	v17 =	vadd.s32 v3, v17;
	_ =	sdelay $0x2  }
0x846: {  	[tilespmem:s16], [sflag:$0x4] =	stream.indirect_vreg.gather [hbm4b:s4+s3], $0x80, v18, vm0, $0xb8;
	[tilespmem:$0x16000] =	vst v63  }
0x847: {  	s18 =	simm.s32 $0x7C80  }
0x848: {  	[tilespmem:s18], [sflag:$0x4] =	stream.indirect_vreg.gather [hbm4b:s4+s3], $0x80, v17, vm0, $0xb8;
	[tilespmem:$0x16000] =	vst v63  }
0x849: {  	v17 =	vld [tilespmem:s31+$0xFFFFFFD0];
	_ =	sdelay $0x4  }
0x84a: {  	v18 =	vshrl.u32 v17, $0x3  }
0x84b: {  	v18 =	vmul.u32 $0x18, v18  }
0x84c: {  	v17 =	vand.u32 $0x7, v17  }
0x84d: {  	v17 =	vor.u32 v17, v18  }
0x84e: {  	v18 =	vperm.xlane v17, v2;
	_ =	sdelay $0x1  }
0x84f: {  	v19 =	vperm.xlane v17, v4;
	v18 =	vadd.s32 v3, v18;
	_ =	sdelay $0x1  }
0x850: {  	v53 =	vperm.xlane v17, v5;
	v19 =	vadd.s32 v3, v19;
	_ =	sdelay $0x1  }
0x851: {  	v54 =	vperm.xlane v17, v0;
	v20 =	vadd.s32 v3, v53  }
0x852: {  	[tilespmem:s25], [sflag:$0x4] =	stream.indirect_vreg.gather [hbm4b:s6+s3], $0x80, v18, vm0, $0xb8;
	[tilespmem:$0x16000] =	vst v63  }
0x853: {  	s21 =	simm.s32 $0xD480;
	v55 =	vperm.xlane v17, v6;
	v18 =	vadd.s32 v3, v54  }
0x854: {  	[tilespmem:s21], [sflag:$0x4] =	stream.indirect_vreg.gather [hbm4b:s6+s3], $0x80, v19, vm0, $0xb8;
	[tilespmem:$0x16000] =	vst v63  }
0x855: {  	s18 =	simm.s32 $0xD500;
	v56 =	vperm.xlane v17, v7;
	v19 =	vadd.s32 v3, v55  }
0x856: {  	[tilespmem:s18], [sflag:$0x4] =	stream.indirect_vreg.gather [hbm4b:s6+s3], $0x80, v20, vm0, $0xb8;
	[tilespmem:$0x16000] =	vst v63  }
0x857: {  	v58 =	vperm.xlane v17, v8;
	v57 =	vadd.s32 v3, v56;
	s21 =	simm.s32 $0xD580  }
0x858: {  	[tilespmem:s21], [sflag:$0x4] =	stream.indirect_vreg.gather [hbm4b:s6+s3], $0x80, v18, vm0, $0xb8;
	[tilespmem:$0x16000] =	vst v63  }
0x859: {  	v59 =	vperm.xlane v17, v1;
	s18 =	simm.s32 $0xD600;
	v18 =	vadd.s32 v3, v58  }
0x85a: {  	[tilespmem:s18], [sflag:$0x4] =	stream.indirect_vreg.gather [hbm4b:s6+s3], $0x80, v19, vm0, $0xb8;
	[tilespmem:$0x16000] =	vst v63  }
0x85b: {  	v60 =	vperm.xlane v17, v9;
	s21 =	simm.s32 $0xD680;
	v19 =	vadd.s32 v3, v59  }
0x85c: {  	[tilespmem:s21], [sflag:$0x4] =	stream.indirect_vreg.gather [hbm4b:s6+s3], $0x80, v57, vm0, $0xb8;
	[tilespmem:$0x16000] =	vst v63  }
0x85d: {  	v62 =	vperm.xlane v17, v10;
	v61 =	vadd.s32 v3, v60;
	s18 =	simm.s32 $0xD700  }
0x85e: {  	[tilespmem:s18], [sflag:$0x4] =	stream.indirect_vreg.gather [hbm4b:s6+s3], $0x80, v18, vm0, $0xb8;
	[tilespmem:$0x16000] =	vst v63  }
0x85f: {  	v63 =	vperm.xlane v17, v11;
	s21 =	simm.s32 $0xD780;
	v18 =	vadd.s32 v3, v62  }
0x860: {  	[tilespmem:s21], [sflag:$0x4] =	stream.indirect_vreg.gather [hbm4b:s6+s3], $0x80, v19, vm0, $0xb8;
	[tilespmem:$0x16000] =	vst v63  }
0x861: {  	v24 =	vperm.xlane v17, v12;
	s18 =	simm.s32 $0xD800;
	v19 =	vadd.s32 v3, v63  }
0x862: {  	[tilespmem:s18], [sflag:$0x4] =	stream.indirect_vreg.gather [hbm4b:s6+s3], $0x80, v61, vm0, $0xb8;
	[tilespmem:$0x16000] =	vst v63  }
0x863: {  	v26 =	vperm.xlane v17, v13;
	v25 =	vadd.s32 v3, v24;
	s21 =	simm.s32 $0xD880  }
0x864: {  	[tilespmem:s21], [sflag:$0x4] =	stream.indirect_vreg.gather [hbm4b:s6+s3], $0x80, v18, vm0, $0xb8;
	[tilespmem:$0x16000] =	vst v63  }
0x865: {  	v27 =	vperm.xlane v17, v14;
	s18 =	simm.s32 $0xD900;
	v18 =	vadd.s32 v3, v26  }
0x866: {  	[tilespmem:s18], [sflag:$0x4] =	stream.indirect_vreg.gather [hbm4b:s6+s3], $0x80, v19, vm0, $0xb8;
	[tilespmem:$0x16000] =	vst v63  }
0x867: {  	v28 =	vperm.xlane v17, v15;
	s21 =	simm.s32 $0xD980;
	v19 =	vadd.s32 v3, v27  }
0x868: {  	[tilespmem:s21], [sflag:$0x4] =	stream.indirect_vreg.gather [hbm4b:s6+s3], $0x80, v25, vm0, $0xb8;
	[tilespmem:$0x16000] =	vst v63  }
0x869: {  	v17 =	vperm.xlane v17, v16;
	v29 =	vadd.s32 v3, v28;
	s18 =	simm.s32 $0xDA00  }
0x86a: {  	[tilespmem:s18], [sflag:$0x4] =	stream.indirect_vreg.gather [hbm4b:s6+s3], $0x80, v18, vm0, $0xb8;
	[tilespmem:$0x16000] =	vst v63  }
0x86b: {  	v17 =	vadd.s32 v3, v17;
	s21 =	simm.s32 $0xDA80  }
0x86c: {  	[tilespmem:s21], [sflag:$0x4] =	stream.indirect_vreg.gather [hbm4b:s6+s3], $0x80, v19, vm0, $0xb8;
	[tilespmem:$0x16000] =	vst v63  }
0x86d: {  	s18 =	simm.s32 $0xDB00  }
0x86e: {  	[tilespmem:s18], [sflag:$0x4] =	stream.indirect_vreg.gather [hbm4b:s6+s3], $0x80, v29, vm0, $0xb8;
	[tilespmem:$0x16000] =	vst v63  }
0x86f: {  	s21 =	simm.s32 $0xDB80  }
0x870: {  	[tilespmem:s21], [sflag:$0x4] =	stream.indirect_vreg.gather [hbm4b:s6+s3], $0x80, v17, vm0, $0xb8;
	[tilespmem:$0x16000] =	vst v63  }
0x871: {  	v17 =	vld [tilespmem:s31+$0xFFFFFFE0];
	_ =	sdelay $0x4  }
0x872: {  	v18 =	vshrl.u32 v17, $0x3  }
0x873: {  	v18 =	vmul.u32 $0x18, v18  }
0x874: {  	v17 =	vand.u32 $0x7, v17  }
0x875: {  	v17 =	vor.u32 v17, v18  }
0x876: {  	v18 =	vperm.xlane v17, v2;
	_ =	sdelay $0x1  }
0x877: {  	v19 =	vperm.xlane v17, v4;
	v18 =	vadd.s32 v3, v18;
	_ =	sdelay $0x1  }
0x878: {  	v30 =	vperm.xlane v17, v5;
	v19 =	vadd.s32 v3, v19;
	_ =	sdelay $0x1  }
0x879: {  	s18 =	simm.s32 $0xDC00;
	v31 =	vperm.xlane v17, v0;
	v20 =	vadd.s32 v3, v30  }
0x87a: {  	[tilespmem:s18], [sflag:$0x4] =	stream.indirect_vreg.gather [hbm4b:s6+s3], $0x80, v18, vm0, $0xb8;
	[tilespmem:$0x16000] =	vst v63  }
0x87b: {  	s21 =	simm.s32 $0xDC80;
	v32 =	vperm.xlane v17, v6;
	v18 =	vadd.s32 v3, v31  }
0x87c: {  	[tilespmem:s21], [sflag:$0x4] =	stream.indirect_vreg.gather [hbm4b:s6+s3], $0x80, v19, vm0, $0xb8;
	[tilespmem:$0x16000] =	vst v63  }
0x87d: {  	v33 =	vperm.xlane v17, v7;
	s18 =	simm.s32 $0xDD00;
	v19 =	vadd.s32 v3, v32  }
0x87e: {  	[tilespmem:s18], [sflag:$0x4] =	stream.indirect_vreg.gather [hbm4b:s6+s3], $0x80, v20, vm0, $0xb8;
	[tilespmem:$0x16000] =	vst v63  }
0x87f: {  	v35 =	vperm.xlane v17, v8;
	v34 =	vadd.s32 v3, v33;
	s21 =	simm.s32 $0xDD80  }
0x880: {  	[tilespmem:s21], [sflag:$0x4] =	stream.indirect_vreg.gather [hbm4b:s6+s3], $0x80, v18, vm0, $0xb8;
	[tilespmem:$0x16000] =	vst v63  }
0x881: {  	v36 =	vperm.xlane v17, v1;
	s18 =	simm.s32 $0xDE00;
	v18 =	vadd.s32 v3, v35  }
0x882: {  	[tilespmem:s18], [sflag:$0x4] =	stream.indirect_vreg.gather [hbm4b:s6+s3], $0x80, v19, vm0, $0xb8;
	[tilespmem:$0x16000] =	vst v63  }
0x883: {  	v37 =	vperm.xlane v17, v9;
	s21 =	simm.s32 $0xDE80;
	v19 =	vadd.s32 v3, v36  }
0x884: {  	[tilespmem:s21], [sflag:$0x4] =	stream.indirect_vreg.gather [hbm4b:s6+s3], $0x80, v34, vm0, $0xb8;
	[tilespmem:$0x16000] =	vst v63  }
0x885: {  	v39 =	vperm.xlane v17, v10;
	v38 =	vadd.s32 v3, v37;
	s18 =	simm.s32 $0xDF00  }
0x886: {  	[tilespmem:s18], [sflag:$0x4] =	stream.indirect_vreg.gather [hbm4b:s6+s3], $0x80, v18, vm0, $0xb8;
	[tilespmem:$0x16000] =	vst v63  }
0x887: {  	v40 =	vperm.xlane v17, v11;
	s21 =	simm.s32 $0xDF80;
	v18 =	vadd.s32 v3, v39  }
0x888: {  	[tilespmem:s21], [sflag:$0x4] =	stream.indirect_vreg.gather [hbm4b:s6+s3], $0x80, v19, vm0, $0xb8;
	[tilespmem:$0x16000] =	vst v63  }
0x889: {  	v41 =	vperm.xlane v17, v12;
	s18 =	simm.s32 $0xE000;
	v19 =	vadd.s32 v3, v40  }
0x88a: {  	[tilespmem:s18], [sflag:$0x4] =	stream.indirect_vreg.gather [hbm4b:s6+s3], $0x80, v38, vm0, $0xb8;
	[tilespmem:$0x16000] =	vst v63  }
0x88b: {  	v43 =	vperm.xlane v17, v13;
	v42 =	vadd.s32 v3, v41;
	s21 =	simm.s32 $0xE080  }
0x88c: {  	[tilespmem:s21], [sflag:$0x4] =	stream.indirect_vreg.gather [hbm4b:s6+s3], $0x80, v18, vm0, $0xb8;
	[tilespmem:$0x16000] =	vst v63  }
0x88d: {  	v44 =	vperm.xlane v17, v14;
	s18 =	simm.s32 $0xE100;
	v18 =	vadd.s32 v3, v43  }
0x88e: {  	[tilespmem:s18], [sflag:$0x4] =	stream.indirect_vreg.gather [hbm4b:s6+s3], $0x80, v19, vm0, $0xb8;
	[tilespmem:$0x16000] =	vst v63  }
0x88f: {  	v45 =	vperm.xlane v17, v15;
	s21 =	simm.s32 $0xE180;
	v19 =	vadd.s32 v3, v44  }
0x890: {  	[tilespmem:s21], [sflag:$0x4] =	stream.indirect_vreg.gather [hbm4b:s6+s3], $0x80, v42, vm0, $0xb8;
	[tilespmem:$0x16000] =	vst v63  }
0x891: {  	v17 =	vperm.xlane v17, v16;
	v46 =	vadd.s32 v3, v45;
	s18 =	simm.s32 $0xE200  }
0x892: {  	[tilespmem:s18], [sflag:$0x4] =	stream.indirect_vreg.gather [hbm4b:s6+s3], $0x80, v18, vm0, $0xb8;
	[tilespmem:$0x16000] =	vst v63  }
0x893: {  	v17 =	vadd.s32 v3, v17;
	s21 =	simm.s32 $0xE280  }
0x894: {  	[tilespmem:s21], [sflag:$0x4] =	stream.indirect_vreg.gather [hbm4b:s6+s3], $0x80, v19, vm0, $0xb8;
	[tilespmem:$0x16000] =	vst v63  }
0x895: {  	s18 =	simm.s32 $0xE300  }
0x896: {  	[tilespmem:s18], [sflag:$0x4] =	stream.indirect_vreg.gather [hbm4b:s6+s3], $0x80, v46, vm0, $0xb8;
	[tilespmem:$0x16000] =	vst v63  }
0x897: {  	s21 =	simm.s32 $0xE380  }
0x898: {  	[tilespmem:s21], [sflag:$0x4] =	stream.indirect_vreg.gather [hbm4b:s6+s3], $0x80, v17, vm0, $0xb8;
	[tilespmem:$0x16000] =	vst v63  }
0x899: {  	v17 =	vld [tilespmem:s31+$0xFFFFFFF0];
	_ =	sdelay $0x4  }
0x89a: {  	v18 =	vshrl.u32 v17, $0x3  }
0x89b: {  	v18 =	vmul.u32 $0x18, v18  }
0x89c: {  	v17 =	vand.u32 $0x7, v17  }
0x89d: {  	v17 =	vor.u32 v17, v18  }
0x89e: {  	v18 =	vperm.xlane v17, v2;
	_ =	sdelay $0x1  }
0x89f: {  	v19 =	vperm.xlane v17, v4;
	v18 =	vadd.s32 v3, v18;
	_ =	sdelay $0x1  }
0x8a0: {  	v47 =	vperm.xlane v17, v5;
	v19 =	vadd.s32 v3, v19;
	_ =	sdelay $0x1  }
0x8a1: {  	s18 =	simm.s32 $0xE400;
	v48 =	vperm.xlane v17, v0;
	v20 =	vadd.s32 v3, v47  }
0x8a2: {  	[tilespmem:s18], [sflag:$0x4] =	stream.indirect_vreg.gather [hbm4b:s6+s3], $0x80, v18, vm0, $0xb8;
	[tilespmem:$0x16000] =	vst v63  }
0x8a3: {  	s21 =	simm.s32 $0xE480;
	v49 =	vperm.xlane v17, v6;
	v18 =	vadd.s32 v3, v48  }
0x8a4: {  	[tilespmem:s21], [sflag:$0x4] =	stream.indirect_vreg.gather [hbm4b:s6+s3], $0x80, v19, vm0, $0xb8;
	[tilespmem:$0x16000] =	vst v63  }
0x8a5: {  	v50 =	vperm.xlane v17, v7;
	s18 =	simm.s32 $0xE500;
	v19 =	vadd.s32 v3, v49  }
0x8a6: {  	[tilespmem:s18], [sflag:$0x4] =	stream.indirect_vreg.gather [hbm4b:s6+s3], $0x80, v20, vm0, $0xb8;
	[tilespmem:$0x16000] =	vst v63  }
0x8a7: {  	v52 =	vperm.xlane v17, v8;
	v51 =	vadd.s32 v3, v50;
	s21 =	simm.s32 $0xE580  }
0x8a8: {  	[tilespmem:s21], [sflag:$0x4] =	stream.indirect_vreg.gather [hbm4b:s6+s3], $0x80, v18, vm0, $0xb8;
	[tilespmem:$0x16000] =	vst v63  }
0x8a9: {  	v53 =	vperm.xlane v17, v1;
	s18 =	simm.s32 $0xE600;
	v18 =	vadd.s32 v3, v52  }
0x8aa: {  	[tilespmem:s18], [sflag:$0x4] =	stream.indirect_vreg.gather [hbm4b:s6+s3], $0x80, v19, vm0, $0xb8;
	[tilespmem:$0x16000] =	vst v63  }
0x8ab: {  	v54 =	vperm.xlane v17, v9;
	s21 =	simm.s32 $0xE680;
	v19 =	vadd.s32 v3, v53  }
0x8ac: {  	[tilespmem:s21], [sflag:$0x4] =	stream.indirect_vreg.gather [hbm4b:s6+s3], $0x80, v51, vm0, $0xb8;
	[tilespmem:$0x16000] =	vst v63  }
0x8ad: {  	v56 =	vperm.xlane v17, v10;
	v55 =	vadd.s32 v3, v54;
	s18 =	simm.s32 $0xE700  }
0x8ae: {  	[tilespmem:s18], [sflag:$0x4] =	stream.indirect_vreg.gather [hbm4b:s6+s3], $0x80, v18, vm0, $0xb8;
	[tilespmem:$0x16000] =	vst v63  }
0x8af: {  	v57 =	vperm.xlane v17, v11;
	s21 =	simm.s32 $0xE780;
	v18 =	vadd.s32 v3, v56  }
0x8b0: {  	[tilespmem:s21], [sflag:$0x4] =	stream.indirect_vreg.gather [hbm4b:s6+s3], $0x80, v19, vm0, $0xb8;
	[tilespmem:$0x16000] =	vst v63  }
0x8b1: {  	v58 =	vperm.xlane v17, v12;
	s18 =	simm.s32 $0xE800;
	v19 =	vadd.s32 v3, v57  }
0x8b2: {  	[tilespmem:s18], [sflag:$0x4] =	stream.indirect_vreg.gather [hbm4b:s6+s3], $0x80, v55, vm0, $0xb8;
	[tilespmem:$0x16000] =	vst v63  }
0x8b3: {  	v60 =	vperm.xlane v17, v13;
	v59 =	vadd.s32 v3, v58;
	s21 =	simm.s32 $0xE880  }
0x8b4: {  	[tilespmem:s21], [sflag:$0x4] =	stream.indirect_vreg.gather [hbm4b:s6+s3], $0x80, v18, vm0, $0xb8;
	[tilespmem:$0x16000] =	vst v63  }
0x8b5: {  	v61 =	vperm.xlane v17, v14;
	s18 =	simm.s32 $0xE900;
	v18 =	vadd.s32 v3, v60  }
0x8b6: {  	[tilespmem:s18], [sflag:$0x4] =	stream.indirect_vreg.gather [hbm4b:s6+s3], $0x80, v19, vm0, $0xb8;
	[tilespmem:$0x16000] =	vst v63  }
0x8b7: {  	v62 =	vperm.xlane v17, v15;
	s21 =	simm.s32 $0xE980;
	v19 =	vadd.s32 v3, v61  }
0x8b8: {  	[tilespmem:s21], [sflag:$0x4] =	stream.indirect_vreg.gather [hbm4b:s6+s3], $0x80, v59, vm0, $0xb8;
	[tilespmem:$0x16000] =	vst v63  }
0x8b9: {  	v17 =	vperm.xlane v17, v16;
	v63 =	vadd.s32 v3, v62;
	s18 =	simm.s32 $0xEA00  }
0x8ba: {  	[tilespmem:s18], [sflag:$0x4] =	stream.indirect_vreg.gather [hbm4b:s6+s3], $0x80, v18, vm0, $0xb8;
	[tilespmem:$0x16000] =	vst v63  }
0x8bb: {  	v17 =	vadd.s32 v3, v17;
	s21 =	simm.s32 $0xEA80  }
0x8bc: {  	[tilespmem:s21], [sflag:$0x4] =	stream.indirect_vreg.gather [hbm4b:s6+s3], $0x80, v19, vm0, $0xb8;
	[tilespmem:$0x16000] =	vst v63  }
0x8bd: {  	s18 =	simm.s32 $0xEB00  }
0x8be: {  	[tilespmem:s18], [sflag:$0x4] =	stream.indirect_vreg.gather [hbm4b:s6+s3], $0x80, v63, vm0, $0xb8;
	[tilespmem:$0x16000] =	vst v63  }
0x8bf: {  	s21 =	simm.s32 $0xEB80  }
0x8c0: {  	[tilespmem:s21], [sflag:$0x4] =	stream.indirect_vreg.gather [hbm4b:s6+s3], $0x80, v17, vm0, $0xb8;
	[tilespmem:$0x16000] =	vst v63  }
0x8c1: {  	v17 =	vld.msk [tilespmem:s31+$0x0], $0x3;
	_ =	sdelay $0x4  }
0x8c2: {  	v18 =	vshrl.u32 v17, $0x3  }
0x8c3: {  	v18 =	vmul.u32 $0x18, v18  }
0x8c4: {  	v17 =	vand.u32 $0x7, v17  }
0x8c5: {  	v17 =	vor.u32 v17, v18  }
0x8c6: {  	v18 =	vperm.xlane v17, v2;
	_ =	sdelay $0x1  }
0x8c7: {  	v18 =	vadd.s32 v3, v18  }
0x8c8: {  	v17 =	vperm.xlane v17, v4;
	_ =	sdelay $0x1  }
0x8c9: {  	v17 =	vadd.s32 v3, v17;
	_ =	sdelay $0x1  }
0x8ca: {  	[tilespmem:s17], [sflag:$0x4] =	stream.indirect_vreg.gather [hbm4b:s6+s3], $0x80, v18, vm0, $0xb8;
	[tilespmem:$0x16000] =	vst v63  }
.Ltmp6:
0x8cb: {  	_ = 	snop;
	(pc) =	sbr.rel .LBB2_2-.Ltmp6, $4  }
0x8cc: {  	s29 =	sadd.s32 $0x2A00, s29;
	s18 =	simm.s32 $0xEC80  }
0x8cd: {  	[tilespmem:s18], [sflag:$0x4] =	stream.indirect_vreg.gather [hbm4b:s6+s3], $0x80, v17, vm0, $0xb8;
	[tilespmem:$0x16000] =	vst v63  }
0x8ce: {  	s0 =	sadd.s32 $0xE00, s0;
	s21 =	sadd.s32 $0xFFFFFFD0, s31;
	s31 =	sadd.s32 $0x200, s31  }
0x8cf: {  	[tilespmem:s8], [sflag:$0x4] =	stream.indirect.gather [hbm4b:s2+s30], $0x80, s21, s30, $0xb8;
	[tilespmem:$0x16000] =	vst v63  }
.LBB2_11:
0x8d0: {  	_ =	sfence.sel $0x180000  }
0x8d1: {  	[bflag:$0x0] =	sbarrier.arrive $0xFFFF  }
0x8d2: {  	_ =	strace $0x90000047  }
0x8d3: {  	s0 =	stileid.u32;
	[bflag:$0x2] =	sbarrier.arrive $0xFFFF  }
0x8d4: {  	p0 =	sne.s32 s0, $0x0;
	s0 =	rddreg [dreg:$0x2]  }
0x8d5: {  	s0 =	sadd.s32 @!p0 $0x100000, s0  }
0x8d6: {  	[sflag:s0] =	ssyncadd.tile.s32 @!p0 $0x1;
	_ =	shalt  }
.Lfunc_end2:
_tile_overlayer_lowered:
.L_overlay_start_2:
0x8d7: {  	(tag) =	ssettag $0x2  }
0x8d8: {  	s0 =	rddreg [dreg:$0x0];
	s2 =	stileid.u32  }
0x8d9: {  	s1 =	rddreg [dreg:$0x1];
	p0 =	sne.s32 s2, $0x0  }
0x8da: {  	s3 =	rddreg [dreg:$0x2];
	[bflag:$0x3] =	sbarrier.arrive $0xFFFF;
	s2 =	simm.s32 @!p0 $0x1C05  }
0x8db: {  	[timem:s3], [sflag:s2] =	dma.local @!p0 [hbm:s0], s1  }
0x8dc: {  	s0 =	simm.s32 @!p0 $0x5  }
0x8dd: {  	_ =	swait.ge @!p0 [sflag:s0], s1  }
0x8de: {  	s1 =	ssub.s32 @!p0 $0x0, s1;
	[sflag:s0] =	ssyncset.done @!p0 $0x0  }
0x8df: {  	[sflag:s0] =	ssyncadd.s32 @!p0 s1  }
0x8e0: {  	[bflag:$0x3] =	sbarrier.arrive $0xFFFF  }
0x8e1: {  	_ =	shalt  }

// kernel: sparse-core-data-format-call.cloned.1.call-start
scs
called_computation_lowered:
.L_overlay_start_0:
0x0: {  	s2 =	sld [smem:$0x3FD9]  }
0x1: {  	s3 =	sld [smem:$0x3FFE];
	_ =	sdelay $0x1  }
0x2: {  	s1 =	srdreg.scid  }
0x3: {  	s0 =	sand.u32 $0x1, s1  }
0x4: {  	s18 =	sshll.u32 s0, $0xA;
	s2 =	sadd.s32 s3, s2  }
0x5: {  	s2 =	sadd.s32 s2, s18  }
0x6: {  	[smem:$0x3FC6] =	sst s2  }
0x7: {  	_ = 	snop  }
0x8: {  	s2 =	sld [smem:$0x3FD0];
	(tm) =	ssettm $0x1  }
0x9: {  	s19 =	sld [smem:$0x3FFB];
	_ =	sdelay $0x3  }
0xa: {  	_ =	strace s19  }
0xb: {  	s3 =	sld [smem:$0x3FFC];
	_ =	sdelay $0x3  }
0xc: {  	_ =	strace s3  }
0xd: {  	s3 =	sld [smem:$0x3FFD];
	_ =	sdelay $0x3  }
0xe: {  	_ =	strace s3  }
0xf: {  	_ =	strace $0x8FFFFFFF  }
0x10: {  	s20 =	sld [smem:$0x3FDB];
	_ =	sdelay $0x1  }
0x11: {  	s4 =	simm.s32 $_scs_section_size  }
0x12: {  	s5 =	simm.s32 $_size__tile_overlayer_lowered;
	s6 =	simm.s32 $_tile_overlayer_lowered  }
0x13: {  	s23 =	simm.s32 $0x1BFF;
	s22 =	sshll.u32 s6, $0x1;
	s3 =	sadd.s32 s4, s20  }
0x14: {  	s7 =	simm.s32 $0x0;
	s21 =	sshll.u32 s5, $0x1;
	s5 =	sadd.s32 s22, s3  }
0x15: {  	[timem:s7], [sflag:s23] =	dma.local [hbm:s5], s21  }
0x16: {  	_ =	swait.ge [sflag:s23], s21  }
0x17: {  	s4 =	ssub.s32 $0x0, s21;
	[sflag:s23] =	ssyncset.done $0x0  }
0x18: {  	[sflag:s23] =	ssyncadd.s32 s4;
	_ =	sdelay $0x1  }
0x19: {  	s24 =	simm.s32 $0x1B8B  }
0x1a: {  	_ =	swait.ge [sflag:s24], $0x1  }
0x1b: {  	[sflag:s24] =	ssyncset.done $0x0  }
0x1c: {  	s26 =	simm.s32 $0x1B8E;
	s25 =	sld [smem:$0x3FFE];
	[sflag:s24] =	ssyncadd.s32 $0xFFFFFFFF  }
0x1d: {  	s27 =	simm.s32 $execute0_lowered;
	[smem:$0x3FD2] =	sst s26  }
0x1e: {  	s5 =	sshll.u32 s27, $0x1;
	_ =	strace $0x80000049;
	[dreg:$0x1] =	wrdreg $0xFFFFFFFF  }
0x1f: {  	s28 =	simm.s32 $_size_execute0_lowered;
	s3 =	sadd.s32 s3, s5;
	[dreg:$0x0] =	wrdreg $0x0  }
0x20: {  	s5 =	sshll.u32 s28, $0x1;
	[dreg:$0x2] =	wrdreg s3  }
0x21: {  	[dreg:$0x3] =	wrdreg s5  }
0x22: {  	[dreg:$0x4] =	wrdreg $0xC0  }
0x23: {  	_ =	task [dreg:s7], $0x5FFFF  }
0x24: {  	[dreg:$0x1] =	wrdreg $0xFFFFFFFF  }
0x25: {  	[dreg:$0x0] =	wrdreg $0x60  }
0x26: {  	[dreg:$0x2] =	wrdreg s25  }
0x27: {  	[dreg:$0x3] =	wrdreg s2  }
0x28: {  	[dreg:$0x4] =	wrdreg $0x9  }
0x29: {  	_ =	task.clear_ibuf [dreg:s7], $0x5FFFF;
	_ =	strace $0x90000049  }
0x2a: {  	s29 =	simm.s32 $0x9;
	_ =	strace $0x8000004B  }
0x2b: {  	_ =	swait.ge [sflag:s29], $0x1  }
0x2c: {  	[sflag:s29] =	ssyncadd.s32 $0xFFFFFFFF  }
0x2d: {  	_ =	strace $0x9000004B  }
0x2e: {  	_ =	sfence  }
0x2f: {  	s30 =	sld [smem:$0x0];
	_ =	sdelay $0x2  }
0x30: {  	s31 =	sshll.u32 s1, $0xD;
	s1 =	sshrl.u32 s1, $0x2  }
0x31: {  	s3 =	sand.u32 $0x4000, s31;
	s1 =	sadd.s32 s1, s30  }
0x32: {  	s0 =	sor.u32 s3, s0;
	s1 =	sshll.u32 s1, $0x11  }
0x33: {  	s0 =	sor.u32 s1, s0  }
0x34: {  	s0 =	sadd.s32 $0x8F2B, s0  }
0x35: {  	[sflag:s0] =	ssyncadd.remote.s32 $0x1  }
0x36: {  	_ =	sfence.sel $0xFFFF  }
0x37: {  	[dreg:$0x0] =	wrdreg $0xFFFFFFFF;
	(pc) =	sbr.abs _section_cstart, $3  }
0x38: {  	[dreg:$0x1] =	wrdreg $0xFFFFFFFF  }
0x39: {  	_ =	task.clear_ibuf [dreg:s7], $0x2FFFF;
	_ =	strace $0x9FFFFFFF  }
0x3a: {  	(tm) =	ssettm $0x7FFFFFFF  }
0x3b: {  	_ =	shalt  }
tec
execute0_lowered:
.L_overlay_start_1:
0x0: {  	(tag) =	ssettag $0x1  }
0x1: {  	s0 =	stileid.u32  }
0x2: {  	s1 =	srdreg.scid;
	s7 =	rddreg [dreg:$0x0]  }
0x3: {  	s8 =	simm.s32 $0x2;
	s17 =	simm.s32 $0x0;
	s2 =	sshll.u32 s0, $0x7  }
0x4: {  	s9 =	simm.s32 $0x2000;
	s3 =	sshll.u32 s1, $0x4;
	s1 =	sand.u32 $0x380, s2  }
0x5: {  	s19 =	simm.s32 $0x0;
	s30 =	sand.u32 $0x10, s3;
	s31 =	ssub.s32 $0x400, s1  }
0x6: {  	s18 =	simm.s32 $0x0;
	s2 =	sor.u32 s0, s30;
	s4 =	sand.u32 $0x380, s31  }
0x7: {  	s2 =	sshrl.u32 s2, $0x3;
	p0 =	sne.s32 s4, $0x0;
	s4 =	simm.s32 $0x1  }
0x8: {  	s3 =	sshrl.u32 s31, $0xA;
	s5 =	ssub.s32 $0x35, s2;
	s4 =	simm.s32 @!p0 $0x0  }
0x9: {  	s10 =	simm.s32 $0x0;
	s5 =	sshrl.u32 s5, $0x2;
	s3 =	sadd.s32 s4, s3  }
0xa: {  	s11 =	simm.s32 $0x0;
	s12 =	simm.s32 $0x0;
	s6 =	smul.u32 s3, s5  }
.Ltmp0:
0xb: {  	s13 =	simm.s32 $0x0;
	s4 =	rddreg [dreg:$0x1];
	(pc) =	sbr.rel .LBB1_1-.Ltmp0, $4  }
0xc: {  	s16 =	simm.s32 $0x0;
	s7 =	sadd.s32 $0x498A00, s7;
	s3 =	rddreg [dreg:$0x2]  }
0xd: {  	_ =	strace $0x8000004A;
	s5 =	simm.s32 $0x1;
	s6 =	smul.u32 $0x3, s6  }
0xe: {  	s15 =	smov.u32 s1;
	s14 =	smov.u32 s2;
	[sflag:s5] =	ssyncpa.u1 $0x0  }
0xf: {  	p0 =	por $0x0, $0x0;
	[sflag:s8] =	ssyncpa.u1 $0x0;
	s8 =	sadd.s32 $0x1, s6  }
.LBB1_4:
0x10: {  	s25 =	sshll.u32 s10, $0xA;
	s24 =	sshra.s32 s24, $0x2;
	s26 =	sshll.u32 s12, $0x3  }
0x11: {  	p1 =	sgt.s32 s11, $0x31;
	s27 =	smov.u32 s11;
	s28 =	sshra.s32 s11, $0x1F  }
0x12: {  	p2 =	sgt.s32 s12, $0x380;
	s31 =	sshra.s32 s12, $0x1F;
	s25 =	sand.u32 $0xFFFFE000, s25  }
0x13: {  	s26 =	sand.u32 $0xFFFFFC00, s26;
	s27 =	simm.s32 @!p1 $0x31;
	s28 =	sand.u32 s28, s11  }
0x14: {  	[tilespmem:s22+$0x2040 ss:$0x81] =	vst.msk $0xffff, v4;
	s23 =	sadd.s32 s24, s23;
	s29 =	sadd.s32 s26, s25;
	s25 =	ssub.s32 s27, s28  }
0x15: {  	[tilespmem:s22+$0x2850 ss:$0x81] =	vst.msk $0xffff, v3;
	s27 =	smov.u32 s12;
	s28 =	smov.u32 s10;
	s26 =	sand.u32 s31, s12  }
0x16: {  	[tilespmem:s22+$0x3060 ss:$0x81] =	vst.msk $0xffff, v2;
	s24 =	sshrl.u32 s29, $0xA;
	s30 =	sadd.s32 $0xFFFFFFCF, s25;
	s27 =	simm.s32 @!p2 $0x380  }
0x17: {  	v5 =	vld [tilespmem:s21+$0xFFFFFFD0];
	[tilespmem:s22+$0x0 ss:$0x81] =	vst.msk $0xffff, v1;
	p2 =	sgt.s32 s10, $0xB0;
	s29 =	sshra.s32 s10, $0x1F;
	s22 =	ssub.s32 $0x32, s25  }
0x18: {  	v58 =	vld [tilespmem:s21+$0xFFFFFFE0];
	p1 =	sgt.s32 s30, $0x0;
	s28 =	simm.s32 @!p2 $0xB0;
	s29 =	sand.u32 s29, s10  }
0x19: {  	v59 =	vld [tilespmem:s21+$0xFFFFFFF0];
	s26 =	ssub.s32 s27, s26;
	s27 =	smulhi.u32 $0xD79436, s24;
	s28 =	ssub.s32 s28, s29  }
0x1a: {  	v60 =	vld [tilespmem:s21+$0x0];
	s30 =	sadd.s32 $0xFFFFFC80, s26;
	s25 =	ssub.s32 $0x400, s26;
	s22 =	simm.s32 @p1 $0x0  }
0x1b: {  	v61 =	vld [tilespmem:s21+$0x10];
	[tilespmem:s23+$0x3870 ss:$0x81] =	vst.msk $0xffff, v0;
	s29 =	sand.u32 $0x78, s12;
	p2 =	sgt.s32 s30, $0x7F;
	s31 =	sadd.s32 $0xFFFFFF50, s28  }
0x1c: {  	v62 =	vld [tilespmem:s21+$0x20];
	[tilespmem:s23+$0x810 ss:$0x81] =	vst.msk $0xffff, v5;
	s27 =	smul.u32 $0x130, s27;
	s30 =	sshll.u32 s10, $0x7;
	s28 =	ssub.s32 $0x130, s28  }
0x1d: {  	v63 =	vld [tilespmem:s21+$0xFFFFFFC0];
	[tilespmem:s23+$0x1020 ss:$0x81] =	vst.msk $0xffff, v58;
	s25 =	simm.s32 @p2 $0x0;
	p1 =	sgt.s32 s31, $0x7F;
	s31 =	smul.u32 $0x9800, s11  }
0x1e: {  	[tilespmem:s23+$0x1830 ss:$0x81] =	vst.msk $0xffff, v59;
	s21 =	sand.u32 $0x380, s30;
	s22 =	smul.u32 s25, s22;
	s28 =	simm.s32 @p1 $0x0  }
0x1f: {  	[tilespmem:s23+$0x2040 ss:$0x81] =	vst.msk $0xffff, v60;
	s21 =	sor.u32 s29, s21;
	s24 =	ssub.s32 s24, s27;
	s29 =	sand.u32 $0x7, s12  }
0x20: {  	[tilespmem:s23+$0x2850 ss:$0x81] =	vst.msk $0xffff, v61;
	s21 =	sshrl.u32 s21, $0x3;
	s25 =	sadd.s32 s4, s31;
	s22 =	smul.u32 s28, s22  }
0x21: {  	[tilespmem:s23+$0x3060 ss:$0x81] =	vst.msk $0xffff, v62;
	s24 =	sshll.u32 s24, $0x7;
	s30 =	sshll.u32 s29, $0x12;
	s21 =	sadd.s32 s21, s25  }
0x22: {  	[tilespmem:s23+$0x0 ss:$0x81] =	vst.msk $0xffff, v63;
	s31 =	sor.u32 $0x400, s30;
	s21 =	sadd.s32 s24, s21;
	s22 =	sand.u32 $0x3FFFFFFF, s22  }
0x23: {  	[hbm4b:s21+s31] =	stream.strided.scatter [tilespmem:s20], [sflag:$0x2], s22, s9, s31, $0x20;
	[tilespmem:$0x10100] =	vst v63  }
.LBB1_5:
0x24: {  	p1 =	slt.u32 s16, $0x2  }
0x25: {  	p2 =	sgt.s32 @!p1 s19, $0x31  }
0x26: {  	s20 =	smov.u32 s19;
	s21 =	sshra.s32 @!p1 s19, $0x1F;
	p2 =	por !p2, p1  }
0x27: {  	s19 =	sand.u32 @!p1 s21, s19;
	s20 =	simm.s32 @p2 $0x31  }
0x28: {  	p3 =	sgt.s32 @!p1 s18, $0x380;
	s19 =	ssub.s32 @!p1 s20, s19  }
0x29: {  	p3 =	por !p3, p1;
	s21 =	sshra.s32 @!p1 s18, $0x1F;
	s20 =	sadd.s32 @!p1 $0xFFFFFFCF, s19  }
0x2a: {  	s19 =	ssub.s32 @!p1 $0x32, s19;
	p2 =	sgt.s32 @!p1 s20, $0x0;
	s20 =	smov.u32 s18  }
0x2b: {  	s18 =	sand.u32 @!p1 s21, s18;
	s20 =	simm.s32 @p3 $0x380;
	p3 =	sgt.s32 @!p1 s17, $0xB0  }
0x2c: {  	s21 =	smov.u32 s17;
	p2 =	por !p2, p1;
	p3 =	por !p3, p1  }
0x2d: {  	s18 =	ssub.s32 @!p1 s20, s18;
	s20 =	sshra.s32 @!p1 s17, $0x1F;
	s19 =	simm.s32 @!p2 $0x0  }
0x2e: {  	s21 =	simm.s32 @p3 $0xB0;
	s17 =	sand.u32 @!p1 s20, s17;
	s20 =	sadd.s32 @!p1 $0xFFFFFC80, s18  }
0x2f: {  	s18 =	ssub.s32 @!p1 $0x400, s18;
	s17 =	ssub.s32 @!p1 s21, s17;
	p2 =	sgt.s32 @!p1 s20, $0x7F  }
0x30: {  	s21 =	smov.u32 s14;
	s20 =	sadd.s32 @!p1 $0xFFFFFF50, s17;
	p2 =	por !p2, p1  }
0x31: {  	s17 =	ssub.s32 @!p1 $0x130, s17;
	p3 =	sgt.s32 @!p1 s20, $0x7F;
	s18 =	simm.s32 @!p2 $0x0  }
0x32: {  	s20 =	sadd.s32 $0x80, s13;
	p2 =	por !p3, p1;
	s18 =	smul.u32 @!p1 s18, s19  }
0x33: {  	s19 =	sadd.s32 $0x4, s14;
	s17 =	simm.s32 @!p2 $0x0;
	p2 =	sgt.s32 s20, $0x12B  }
0x34: {  	s22 =	smov.u32 s15;
	s21 =	smov.u32 @p2 s19  }
0x35: {  	s17 =	smul.u32 @!p1 s17, s18;
	s18 =	sadd.s32 $0x400, s15;
	p3 =	sgt.s32 s21, $0x31  }
0x36: {  	p0 =	por !p0, !p0;
	s23 =	simm.s32 @!p1 $0x2;
	s22 =	smov.u32 @p3 s18  }
0x37: {  	s20 =	simm.s32 @p2 $0x0;
	s19 =	smov.u32 s11;
	p2 =	sgt.s32 s22, $0x3FF  }
0x38: {  	s11 =	smov.u32 s14;
	s22 =	smov.u32 @p2 s1;
	p2 =	sne.s32 s16, s8  }
.Ltmp1:
0x39: {  	s17 =	sand.u32 @!p1 $0x3FFFFFFF, s17;
	s21 =	smov.u32 @p3 s2;
	(pc) =	sbr.rel @!p2 .LBB1_6-.Ltmp1, $4  }
0x3a: {  	s18 =	smov.u32 s12;
	s12 =	smov.u32 s15;
	_ =	swait.ge @!p1 [sflag:s23], s17  }
0x3b: {  	s24 =	ssub.s32 @!p1 $0x0, s17;
	s17 =	smov.u32 s10;
	s10 =	smov.u32 s13  }
0x3c: {  	s13 =	smov.u32 s20;
	s14 =	smov.u32 s21;
	[sflag:s23] =	ssyncset.done @!p1 $0x0  }
0x3d: {  	s16 =	sadd.s32 $0x1, s16;
	[sflag:s23] =	ssyncadd.s32 @!p1 s24;
	s15 =	smov.u32 s22  }
.LBB1_1:
0x3e: {  	p1 =	sge.u32 s16, s6  }
0x3f: {  	s20 =	sshrl.u32 @!p1 s14, $0x3  }
0x40: {  	s21 =	sshll.u32 @!p1 s13, $0x3;
	s20 =	smul.u32 @!p1 $0xC00, s20  }
0x41: {  	s22 =	sshll.u32 @!p1 s14, $0x7;
	s21 =	sand.u32 @!p1 $0xFFFFFC00, s21  }
0x42: {  	s20 =	sadd.s32 @!p1 s20, s21;
	s21 =	sand.u32 @!p1 $0x380, s22  }
0x43: {  	s20 =	sor.u32 @!p1 s21, s20  }
0x44: {  	s21 =	sand.u32 @!p1 $0x7F, s13;
	s22 =	smulhi.u32 @!p1 $0xAAAAAAAB, s20  }
0x45: {  	s20 =	sor.u32 @!p1 s21, s20  }
0x46: {  	s21 =	smulhi.u32 @!p1 $0xAAAAAAAB, s20;
	s22 =	sshrl.u32 @!p1 s22, $0x8  }
0x47: {  	s23 =	smulhi.u32 @!p1 $0x4924925, s22;
	_ =	sdelay $0x1  }
0x48: {  	s21 =	sshrl.u32 @!p1 s21, $0x8;
	s23 =	smul.u32 @!p1 $0x38, s23  }
0x49: {  	s31 =	sadd.s32 $0xFFFFFFFF, s16;
	s21 =	smul.u32 @!p1 $0x180, s21  }
0x4a: {  	s24 =	sxor.u32 @!p1 $0xFFFFFFFF, s16;
	s22 =	ssub.s32 @!p1 s22, s23;
	s23 =	smul.u32 @!p1 $0xA80, s15  }
0x4b: {  	s24 =	sshll.u32 @!p1 s24, $0xE;
	s20 =	ssub.s32 @!p1 s20, s21;
	s21 =	smul.u32 @!p1 $0x30, s22  }
0x4c: {  	s22 =	sand.u32 @!p1 $0x4000, s24;
	s24 =	sand.u32 @!p1 $0x7, s20;
	s23 =	sadd.s32 @!p1 s7, s23  }
0x4d: {  	s20 =	sshrl.u32 @!p1 s20, $0x3;
	s21 =	sadd.s32 @!p1 s21, s23;
	s23 =	sshll.u32 @!p1 s24, $0x12  }
0x4e: {  	s20 =	sadd.s32 @!p1 s20, s21;
	s21 =	sor.u32 @!p1 $0x80, s23;
	s23 =	simm.s32 @!p1 $0x5400  }
0x4f: {  	[tilespmem:s22], [sflag:$0x1] =	stream.strided.gather @!p1 [hbm4b:s20+s21], $0x4000, s23, s21, $0x38;
	[tilespmem:$0x10100] =	vst v63  }
0x50: {  	p1 =	sge.u32 s31, s6  }
.Ltmp2:
0x51: {  	_ = 	snop;
	(pc) =	sbr.rel @p1 .LBB1_5-.Ltmp2, $1  }
0x52: {  	_ =	sdelay $0x3  }
0x53: {  	s20 =	simm.s32 $0x1  }
0x54: {  	_ =	swait.ge [sflag:s5], $0x4000;
	s20 =	simm.s32 @!p0 $0x0  }
0x55: {  	[sflag:s5] =	ssyncset.done $0x0;
	s21 =	sshll.u32 s20, $0xE  }
0x56: {  	[sflag:s5] =	ssyncadd.s32 $0xFFFFC000;
	s21 =	sor.u32 $0x40, s21  }
0x57: {  	s20 =	smul.u32 $0x10200, s20;
	v0 =	vld [tilespmem:s21+$0x30]  }
0x58: {  	v1 =	vld [tilespmem:s21+$0xFFFFFFD0]  }
0x59: {  	s20 =	sshrl.u32 s20, $0x2;
	v5 =	vld [tilespmem:s21+$0xFFFFFFE0]  }
0x5a: {  	v6 =	vld [tilespmem:s21+$0xFFFFFFF0];
	s23 =	sor.u32 $0x8000, s20  }
0x5b: {  	s31 =	sand.u32 $0x1, s16;
	v4 =	vld [tilespmem:s21+$0x0];
	s22 =	sadd.s32 $0x0, s23  }
0x5c: {  	v3 =	vld [tilespmem:s21+$0x10];
	s20 =	smul.u32 $0x10200, s31;
	[tilespmem:s22+$0x3870 ss:$0x81] =	vst.msk $0xffff, v0  }
0x5d: {  	v2 =	vld [tilespmem:s21+$0x20];
	[tilespmem:s22+$0x810 ss:$0x81] =	vst.msk $0xffff, v1  }
0x5e: {  	s20 =	sshrl.u32 s20, $0x2;
	v1 =	vld [tilespmem:s21+$0xFFFFFFC0];
	[tilespmem:s22+$0x1020 ss:$0x81] =	vst.msk $0xffff, v5;
	s21 =	sadd.s32 $0x80, s21  }
0x5f: {  	s24 =	simm.s32 $0x4;
	s25 =	simm.s32 $0x8;
	s20 =	sor.u32 $0x8000, s20;
	[tilespmem:s22+$0x1830 ss:$0x81] =	vst.msk $0xffff, v6;
	v0 =	vld [tilespmem:s21+$0x30]  }
.LBB1_3:
0x60: {  	p1 =	sne.s32 s25, $0x1FC;
	v5 =	vld [tilespmem:s21+$0xFFFFFFD0];
	[tilespmem:s22+$0x2040 ss:$0x81] =	vst.msk $0xffff, v4  }
0x61: {  	v6 =	vld [tilespmem:s21+$0xFFFFFFE0];
	[tilespmem:s22+$0x2850 ss:$0x81] =	vst.msk $0xffff, v3  }
0x62: {  	s26 =	sshra.s32 s24, $0x2;
	s24 =	smov.u32 s25;
	v7 =	vld [tilespmem:s21+$0xFFFFFFF0];
	[tilespmem:s22+$0x3060 ss:$0x81] =	vst.msk $0xffff, v2  }
.Ltmp3:
0x63: {  	v4 =	vld [tilespmem:s21+$0x0];
	[tilespmem:s22+$0x0 ss:$0x81] =	vst.msk $0xffff, v1;
	s22 =	sadd.s32 s26, s23;
	(pc) =	sbr.rel @p1 .LBB1_3-.Ltmp3, $4  }
0x64: {  	v3 =	vld [tilespmem:s21+$0x10];
	[tilespmem:s22+$0x3870 ss:$0x81] =	vst.msk $0xffff, v0  }
0x65: {  	[tilespmem:s22+$0x810 ss:$0x81] =	vst.msk $0xffff, v5;
	v2 =	vld [tilespmem:s21+$0x20]  }
0x66: {  	v1 =	vld [tilespmem:s21+$0xFFFFFFC0];
	[tilespmem:s22+$0x1020 ss:$0x81] =	vst.msk $0xffff, v6;
	s21 =	sadd.s32 $0x80, s21  }
0x67: {  	s25 =	sadd.s32 $0x4, s25;
	v0 =	vld [tilespmem:s21+$0x30];
	[tilespmem:s22+$0x1830 ss:$0x81] =	vst.msk $0xffff, v7  }
.Ltmp4:
0x68: {  	_ = 	snop;
	(pc) =	sbr.rel .LBB1_4-.Ltmp4, $1  }
0x69: {  	_ =	sdelay $0x3  }
.LBB1_6:
0x6a: {  	_ =	sfence.sel $0x180000  }
0x6b: {  	s1 =	simm.s32 $0x1;
	[bflag:$0x0] =	sbarrier.arrive $0xFFFF  }
0x6c: {  	s31 =	simm.s32 $0x2;
	[sflag:s1] =	ssyncpa.u1 $0x1  }
0x6d: {  	[sflag:s31] =	ssyncpa.u1 $0x1  }
0x6e: {  	p0 =	sne.s32 s0, $0x0;
	_ =	strace $0x9000004A  }
0x6f: {  	s0 =	sadd.s32 @!p0 $0x100000, s3;
	[bflag:$0x2] =	sbarrier.arrive $0xFFFF  }
0x70: {  	[sflag:s0] =	ssyncadd.tile.s32 @!p0 $0x1;
	_ =	shalt  }
.Lfunc_end1:
_tile_overlayer_lowered:
.L_overlay_start_2:
0x71: {  	(tag) =	ssettag $0x2  }
0x72: {  	s0 =	rddreg [dreg:$0x0];
	s2 =	stileid.u32  }
0x73: {  	s1 =	rddreg [dreg:$0x1];
	p0 =	sne.s32 s2, $0x0  }
0x74: {  	s3 =	rddreg [dreg:$0x2];
	[bflag:$0x3] =	sbarrier.arrive $0xFFFF;
	s2 =	simm.s32 @!p0 $0x1C01  }
0x75: {  	[timem:s3], [sflag:s2] =	dma.local @!p0 [hbm:s0], s1  }
0x76: {  	s0 =	simm.s32 @!p0 $0x1  }
0x77: {  	_ =	swait.ge @!p0 [sflag:s0], s1  }
0x78: {  	s1 =	ssub.s32 @!p0 $0x0, s1;
	[sflag:s0] =	ssyncset.done @!p0 $0x0  }
0x79: {  	[sflag:s0] =	ssyncadd.s32 @!p0 s1  }
0x7a: {  	[bflag:$0x3] =	sbarrier.arrive $0xFFFF  }
0x7b: {  	_ =	shalt  }

</sc_bundles>
